<compile_context>
chip_gen: v7x
topology: tpu7x:2x2x1
jax: 0.10.2.dev20260603
libtpu: 0.0.44.dev20260713+nightly
codegen_flags: <defaults>
</compile_context>

<pallas_src>
import functools

import jax
import jax.numpy as jnp
from jax import lax
from jax.experimental import pallas as pl
from jax.experimental.pallas import tpu as pltpu
from jax.experimental.pallas import tpu_sc as plsc

N = 8192
D = 1024
NC, NS, L = 2, 16, 16
E = N // NS
STEPS = E // L
NW = NC * NS
RPW = N // NW
CH = 32
NCH = RPW // CH
B = 256
NPASS = 4



def _body(qt_hbm, scores_hbm, out_hbm,
          s_t, key_t, val_t, comp_t, dest_t2, grid_t, hist, run_hist,
          tmpa, tmpb, tmpc, idx_t, buf0, buf1, buf2,
          sem0, sem1, sem2, sem3, sem4, sem5,
          sh_keyA, sh_keyB, sh_valA, sh_valB, sh_grid):
  cid = lax.axis_index("c")
  sid = lax.axis_index("s")
  iota = lax.iota(jnp.int32, L)

  def ranks(scomp, tmp):
    sd = lax.shift_right_logical(scomp, 4)
    lanes = jnp.bitwise_and(scomp, 15)
    tmp[...] = sd
    prev = plsc.load_gather(tmp, [jnp.maximum(iota - 1, 0)])
    nxt = plsc.load_gather(tmp, [jnp.minimum(iota + 1, L - 1)])
    m_first = jnp.logical_or(iota == 0, sd != prev)
    m_last = jnp.logical_or(iota == L - 1, sd != nxt)
    pos_first = plsc.cummax(jnp.where(m_first, iota, 0))
    rank = iota - pos_first
    return sd, lanes, rank, m_last

  pltpu.sync_copy(scores_hbm.at[pl.ds(sid * E, E)], s_t)

  def init_body(s, carry):
    x = s_t[pl.ds(s * L, L)]
    b = lax.bitcast_convert_type(x, jnp.int32)
    key = jnp.where(b < 0, b,
                    jnp.bitwise_and(jnp.bitwise_not(b), jnp.int32(0x7FFFFFFF)))
    key_t[pl.ds(s * L, L)] = key
    val_t[pl.ds(s * L, L)] = iota + sid * E + s * L
    return carry

  lax.fori_loop(0, STEPS, init_body, jnp.int32(0))

  buffers = [(sh_keyB, sh_valB), (sh_keyA, sh_valA),
             (sh_keyB, sh_valB), (sh_keyA, sh_valA)]
  for p in range(1):
    shift = 8 * p
    if p > 0:
      src_k, src_v = buffers[p - 1]
      pltpu.sync_copy(src_k.at[pl.ds(sid * E, E)], key_t)
      pltpu.sync_copy(src_v.at[pl.ds(sid * E, E)], val_t)
    dst_k, dst_v = buffers[p]

    for v in range(B // L):
      hist[pl.ds(v * L, L)] = jnp.zeros((L,), jnp.int32)

    def count_body(s2, carry):
      for u in range(2):
        s = s2 * 2 + u
        kk = key_t[pl.ds(s * L, L)]
        dig = jnp.bitwise_and(lax.shift_right_logical(kk, shift),
                              jnp.int32(B - 1))
        comp = dig * 16 + iota
        scomp, _ = plsc.sort_key_val(comp, comp)
        comp_t[pl.ds(s * L, L)] = scomp
        sd, _, rank, m_last = ranks(scomp, tmpa if u == 0 else tmpc)
        plsc.addupdate_scatter(hist, [sd], rank + 1, mask=m_last)
      return carry

    lax.fori_loop(0, STEPS // 2, count_body, jnp.int32(0))

    pltpu.sync_copy(hist, sh_grid.at[pl.ds(sid * B, B)])
    plsc.subcore_barrier()
    pltpu.sync_copy(sh_grid, grid_t)

    def base_body(r, carry):
      Ts, Es = carry
      w = jnp.where(r < sid, jnp.int32(1), jnp.int32(0))
      newT, newE = [], []
      for v in range(B // L):
        row = grid_t[pl.ds(r * B + v * L, L)]
        newT.append(Ts[v] + row)
        newE.append(Es[v] + row * w)
      return tuple(newT), tuple(newE)

    zeros = tuple(jnp.zeros((L,), jnp.int32) for _ in range(B // L))
    Ts, Es = lax.fori_loop(0, NS, base_body, (zeros, zeros))
    Ts, Es = lax.fori_loop(0, NS, base_body, (zeros, zeros))
    carry_s = jnp.int32(0)
    for v in range(B // L):
      c = plsc.cumsum(Ts[v])
      run_hist[pl.ds(v * L, L)] = c - Ts[v] + carry_s + Es[v]
      carry_s = carry_s + jnp.sum(Ts[v])

    for s in range(STEPS):
      scomp = comp_t[pl.ds(s * L, L)]
      sd, lanes, rank, m_last = ranks(scomp, tmpa if s % 2 == 0 else tmpc)
      before = plsc.load_gather(run_hist, [sd])
      dest_sorted = before + rank
      plsc.addupdate_scatter(run_hist, [sd], rank + 1, mask=m_last)
      plsc.store_scatter(tmpb, [lanes], dest_sorted)
      dest_t2[s // 8, pl.ds((s % 8) * L, L)] = tmpb[...]

    for j in range(E // 128):
      if p < NPASS - 1:
        pltpu.sync_copy(key_t.at[pl.ds(j * 128, 128)], dst_k.at[dest_t2.at[j]])
      pltpu.sync_copy(val_t.at[pl.ds(j * 128, 128)], dst_v.at[dest_t2.at[j]])
    plsc.subcore_barrier()

  _EXP_SORT_ONLY = True
  if _EXP_SORT_ONLY:
    return
  wid = sid * NC + cid
  obase = wid * RPW
  pltpu.sync_copy(sh_valA.at[pl.ds(obase, RPW)], idx_t)
  bufs = (buf0, buf1, buf2)
  gsems = (sem0, sem1, sem2)
  osems = (sem3, sem4, sem5)
  gd = [None] * NCH
  od = [None] * NCH
  for c in range(NCH):
    b = c % 3
    if c >= 3:
      od[c - 3].wait()
    gd[c] = pltpu.async_copy(qt_hbm.at[idx_t.at[pl.ds(c * CH, CH)]],
                             bufs[b], gsems[b])
    if c >= 1:
      gd[c - 1].wait()
      od[c - 1] = pltpu.async_copy(
          bufs[(c - 1) % 3], out_hbm.at[pl.ds(obase + (c - 1) * CH, CH)],
          osems[(c - 1) % 3])
  gd[NCH - 1].wait()
  od[NCH - 1] = pltpu.async_copy(
      bufs[(NCH - 1) % 3], out_hbm.at[pl.ds(obase + (NCH - 1) * CH, CH)],
      osems[(NCH - 1) % 3])
  for c in range(NCH - 3, NCH):
    od[c].wait()


_SCRATCH = [
        pltpu.VMEM((E,), jnp.float32),
        pltpu.VMEM((E,), jnp.int32),
        pltpu.VMEM((E,), jnp.int32),
        pltpu.VMEM((E,), jnp.int32),
        pltpu.VMEM((E // 128, 128), jnp.int32),
        pltpu.VMEM((NS * B,), jnp.int32),
        pltpu.VMEM((B,), jnp.int32),
        pltpu.VMEM((B,), jnp.int32),
        pltpu.VMEM((L,), jnp.int32),
        pltpu.VMEM((L,), jnp.int32),
        pltpu.VMEM((L,), jnp.int32),
        pltpu.VMEM((RPW,), jnp.int32),
        pltpu.VMEM((CH, D), jnp.float32),
        pltpu.VMEM((CH, D), jnp.float32),
        pltpu.VMEM((CH, D), jnp.float32),
        pltpu.SemaphoreType.DMA,
        pltpu.SemaphoreType.DMA,
        pltpu.SemaphoreType.DMA,
        pltpu.SemaphoreType.DMA,
        pltpu.SemaphoreType.DMA,
        pltpu.SemaphoreType.DMA,
        pltpu.VMEM_SHARED((N,), jnp.int32),
        pltpu.VMEM_SHARED((N,), jnp.int32),
        pltpu.VMEM_SHARED((N,), jnp.int32),
        pltpu.VMEM_SHARED((N,), jnp.int32),
        pltpu.VMEM_SHARED((NS * B,), jnp.int32),
]

_sort_gather = None


def _build():
  global _sort_gather
  if _sort_gather is None:
    mesh = plsc.VectorSubcoreMesh(core_axis_name="c", subcore_axis_name="s",
                                  num_cores=NC, num_subcores=NS)
    _sort_gather = functools.partial(
        pl.kernel,
        out_type=jax.ShapeDtypeStruct((N, D), jnp.float32),
        mesh=mesh,
        scratch_types=_SCRATCH,
        compiler_params=pltpu.CompilerParams(needs_layout_passes=False),
    )(_body)
  return _sort_gather


def kernel(query_tokens, rag_scores):
  return _build()(query_tokens, rag_scores)

# --- scband reference (transcript-rebuilt; emitter-appended) ---
"""Pipeline reference for scband-query-reconstructor-87411174408612 (READ-ONLY COPY).

The authoritative reference and input builder live on the scoring server;
editing this copy changes nothing except your own understanding.
"""

import jax, jax.numpy as jnp
import numpy as np


def setup_inputs(seed: int = 0) -> dict:
    key = jax.random.key(seed)
    k1, k2 = jax.random.split(key)
    query_tokens = jax.random.normal(k1, (8192, 1024), dtype=jnp.float32)
    rag_scores = jax.random.normal(k2, (8192,), dtype=jnp.float32)
    return {"query_tokens": query_tokens, "rag_scores": rag_scores}


def reference(query_tokens, rag_scores):
    # torch.argsort(rag_scores, descending=True)
    sorted_indices = jnp.argsort(-rag_scores)
    # query_tokens[sorted_indices] -> row gather
    reordered_query = jnp.take(query_tokens, sorted_indices, axis=0)
    return reordered_query

if __name__ == "__main__":
    import jax
    _d = setup_inputs()
    print(jax.jit(kernel)(*tuple(_d.values())))

</pallas_src>

<mosaic_0001>
#map = affine_map<(d0, d1) -> (0, 0)>
#map1 = affine_map<(d0, d1) -> (0)>
module attributes {stable_mosaic.version = 14 : i64} {
  func.func @_body(%arg0: i32, %arg1: i32, %arg2: memref<8192x1024xf32, #tpu.memory_space<hbm>>, %arg3: memref<8192xf32, #tpu.memory_space<hbm>>, %arg4: memref<8192x1024xf32, #tpu.memory_space<hbm>>, %arg5: memref<512xf32, #tpu.memory_space<vmem>>, %arg6: memref<512xi32, #tpu.memory_space<vmem>>, %arg7: memref<512xi32, #tpu.memory_space<vmem>>, %arg8: memref<512xi32, #tpu.memory_space<vmem>>, %arg9: memref<4x128xi32, #tpu.memory_space<vmem>>, %arg10: memref<4096xi32, #tpu.memory_space<vmem>>, %arg11: memref<256xi32, #tpu.memory_space<vmem>>, %arg12: memref<256xi32, #tpu.memory_space<vmem>>, %arg13: memref<16xi32, #tpu.memory_space<vmem>>, %arg14: memref<16xi32, #tpu.memory_space<vmem>>, %arg15: memref<16xi32, #tpu.memory_space<vmem>>, %arg16: memref<256xi32, #tpu.memory_space<vmem>>, %arg17: memref<32x1024xf32, #tpu.memory_space<vmem>>, %arg18: memref<32x1024xf32, #tpu.memory_space<vmem>>, %arg19: memref<32x1024xf32, #tpu.memory_space<vmem>>, %arg20: memref<!tpu.dma_semaphore, #tpu.memory_space<semaphore_mem>>, %arg21: memref<!tpu.dma_semaphore, #tpu.memory_space<semaphore_mem>>, %arg22: memref<!tpu.dma_semaphore, #tpu.memory_space<semaphore_mem>>, %arg23: memref<!tpu.dma_semaphore, #tpu.memory_space<semaphore_mem>>, %arg24: memref<!tpu.dma_semaphore, #tpu.memory_space<semaphore_mem>>, %arg25: memref<!tpu.dma_semaphore, #tpu.memory_space<semaphore_mem>>, %arg26: memref<8192xi32, #tpu.memory_space<vmem_shared>>, %arg27: memref<8192xi32, #tpu.memory_space<vmem_shared>>, %arg28: memref<8192xi32, #tpu.memory_space<vmem_shared>>, %arg29: memref<8192xi32, #tpu.memory_space<vmem_shared>>, %arg30: memref<4096xi32, #tpu.memory_space<vmem_shared>>) attributes {dimension_semantics = [#tpu.dimension_semantics<core_parallel>, #tpu.dimension_semantics<subcore_parallel>], iteration_bounds = array<i64: 2, 16>, scalar_prefetch = 0 : i64, scratch_operands = 26 : i64, tpu.core_type = #tpu.core_type<sc_vector_subcore>, window_params = [{transform_indices = #map}, {transform_indices = #map1}, {transform_indices = #map}]} {
    %iota3A = tpu.iota {dimensions = array<i32: 0>} : vector<16xi32>
    %mul3A = arith.constant 512 : i32
    %mul3A_0 = arith.muli %arg1, %mul3A : i32
    "tpu.region"() ({
      %run_scoped3A_2130 = tpu.sem_alloc : memref<!tpu.dma_semaphore, #tpu.memory_space<semaphore_mem>>
      %dma_start3A = tpu.memref_slice %arg3[%mul3A_0] : memref<8192xf32, #tpu.memory_space<hbm>> -> memref<512xf32, #tpu.memory_space<hbm>>
      %dma_start3A_2131 = tpu.memref_slice %arg3[%mul3A_0] : memref<8192xf32, #tpu.memory_space<hbm>> -> memref<512xf32, #tpu.memory_space<hbm>>
      tpu.enqueue_dma source(%dma_start3A_2131 : memref<512xf32, #tpu.memory_space<hbm>>) target(%arg5 : memref<512xf32, #tpu.memory_space<vmem>>) target_semaphore(%run_scoped3A_2130 : memref<!tpu.dma_semaphore, #tpu.memory_space<semaphore_mem>>)
      %dma_wait3A = tpu.memref_slice %arg3[%mul3A_0] : memref<8192xf32, #tpu.memory_space<hbm>> -> memref<512xf32, #tpu.memory_space<hbm>>
      %dma_wait3A_2132 = tpu.memref_slice %arg3[%mul3A_0] : memref<8192xf32, #tpu.memory_space<hbm>> -> memref<512xf32, #tpu.memory_space<hbm>>
      tpu.wait_dma2 semaphore(%run_scoped3A_2130 : memref<!tpu.dma_semaphore, #tpu.memory_space<semaphore_mem>>) src(%dma_wait3A_2132 : memref<512xf32, #tpu.memory_space<hbm>>) dst(%arg5 : memref<512xf32, #tpu.memory_space<vmem>>)
      tpu.yield
    }) : () -> ()
    %scan3A = arith.constant 0 : i32
    %scan3A_1 = arith.constant 0 : i32
    %scan3A_2 = arith.constant 32 : i32
    %scan3A_3 = arith.addi %scan3A_1, %scan3A_2 : i32
    %scan3A_4 = arith.constant 1 : i32
    scf.for %scan3A_2130 = %scan3A_1 to %scan3A_3 step %scan3A_4  : i32 {
      %mul3A_2131 = arith.constant 16 : i32
      %mul3A_2132 = arith.muli %scan3A_2130, %mul3A_2131 : i32
      %get3A_2133 = arith.index_cast %mul3A_2132 : i32 to index
      %get3A_2134 = tpu.vector_load %arg5[%get3A_2133] {strides = array<i32>} : memref<512xf32, #tpu.memory_space<vmem>>, vector<16xf32>,
      %bitcast_convert_type3A = tpu.bitcast %get3A_2134 : vector<16xf32> -> vector<16xi32>
      %lt3A = arith.constant 0 : i32
      %lt3A_2135 = vector.broadcast %lt3A : i32 to vector<16xi32>
      %lt3A_2136 = arith.cmpi slt, %bitcast_convert_type3A, %lt3A_2135 : vector<16xi32>
      %not3A = arith.constant dense<-1> : vector<16xi32>
      %not3A_2137 = arith.xori %bitcast_convert_type3A, %not3A : vector<16xi32>
      %and3A_2138 = arith.constant 2147483647 : i32
      %and3A_2139 = vector.broadcast %and3A_2138 : i32 to vector<16xi32>
      %and3A_2140 = arith.andi %not3A_2137, %and3A_2139 : vector<16xi32>
      %select_n3A_2141 = arith.select %lt3A_2136, %bitcast_convert_type3A, %and3A_2140 : vector<16xi1>, vector<16xi32>
      %mul3A_2142 = arith.constant 16 : i32
      %mul3A_2143 = arith.muli %scan3A_2130, %mul3A_2142 : i32
      %swap3A_2144 = arith.index_cast %mul3A_2143 : i32 to index
      %swap3A_2145 = tpu.vector_load %arg6[%swap3A_2144] {strides = array<i32>} : memref<512xi32, #tpu.memory_space<vmem>>, vector<16xi32>,
      tpu.vector_store %arg6[%swap3A_2144], %select_n3A_2141 {strides = array<i32>} : memref<512xi32, #tpu.memory_space<vmem>>, vector<16xi32>,
      %mul3A_2146 = arith.constant 512 : i32
      %mul3A_2147 = arith.muli %arg1, %mul3A_2146 : i32
      %add3A_2148 = vector.broadcast %mul3A_2147 : i32 to vector<16xi32>
      %add3A_2149 = arith.addi %iota3A, %add3A_2148 : vector<16xi32>
      %mul3A_2150 = arith.constant 16 : i32
      %mul3A_2151 = arith.muli %scan3A_2130, %mul3A_2150 : i32
      %add3A_2152 = vector.broadcast %mul3A_2151 : i32 to vector<16xi32>
      %add3A_2153 = arith.addi %add3A_2149, %add3A_2152 : vector<16xi32>
      %mul3A_2154 = arith.constant 16 : i32
      %mul3A_2155 = arith.muli %scan3A_2130, %mul3A_2154 : i32
      %swap3A_2156 = arith.index_cast %mul3A_2155 : i32 to index
      %swap3A_2157 = tpu.vector_load %arg7[%swap3A_2156] {strides = array<i32>} : memref<512xi32, #tpu.memory_space<vmem>>, vector<16xi32>,
      tpu.vector_store %arg7[%swap3A_2156], %add3A_2153 {strides = array<i32>} : memref<512xi32, #tpu.memory_space<vmem>>, vector<16xi32>,
    }
    %scan3A_5 = arith.constant 32 : i32
    %broadcast_in_dim3A = arith.constant 0 : i32
    %broadcast_in_dim3A_6 = vector.broadcast %broadcast_in_dim3A : i32 to vector<16xi32>
    %swap3A = arith.constant 0 : index
    %swap3A_7 = tpu.vector_load %arg11[%swap3A] {strides = array<i32>} : memref<256xi32, #tpu.memory_space<vmem>>, vector<16xi32>,
    tpu.vector_store %arg11[%swap3A], %broadcast_in_dim3A_6 {strides = array<i32>} : memref<256xi32, #tpu.memory_space<vmem>>, vector<16xi32>,
    %broadcast_in_dim3A_8 = arith.constant 0 : i32
    %broadcast_in_dim3A_9 = vector.broadcast %broadcast_in_dim3A_8 : i32 to vector<16xi32>
    %swap3A_10 = arith.constant 16 : index
    %swap3A_11 = tpu.vector_load %arg11[%swap3A_10] {strides = array<i32>} : memref<256xi32, #tpu.memory_space<vmem>>, vector<16xi32>,
    tpu.vector_store %arg11[%swap3A_10], %broadcast_in_dim3A_9 {strides = array<i32>} : memref<256xi32, #tpu.memory_space<vmem>>, vector<16xi32>,
    %broadcast_in_dim3A_12 = arith.constant 0 : i32
    %broadcast_in_dim3A_13 = vector.broadcast %broadcast_in_dim3A_12 : i32 to vector<16xi32>
    %swap3A_14 = arith.constant 32 : index
    %swap3A_15 = tpu.vector_load %arg11[%swap3A_14] {strides = array<i32>} : memref<256xi32, #tpu.memory_space<vmem>>, vector<16xi32>,
    tpu.vector_store %arg11[%swap3A_14], %broadcast_in_dim3A_13 {strides = array<i32>} : memref<256xi32, #tpu.memory_space<vmem>>, vector<16xi32>,
    %broadcast_in_dim3A_16 = arith.constant 0 : i32
    %broadcast_in_dim3A_17 = vector.broadcast %broadcast_in_dim3A_16 : i32 to vector<16xi32>
    %swap3A_18 = arith.constant 48 : index
    %swap3A_19 = tpu.vector_load %arg11[%swap3A_18] {strides = array<i32>} : memref<256xi32, #tpu.memory_space<vmem>>, vector<16xi32>,
    tpu.vector_store %arg11[%swap3A_18], %broadcast_in_dim3A_17 {strides = array<i32>} : memref<256xi32, #tpu.memory_space<vmem>>, vector<16xi32>,
    %broadcast_in_dim3A_20 = arith.constant 0 : i32
    %broadcast_in_dim3A_21 = vector.broadcast %broadcast_in_dim3A_20 : i32 to vector<16xi32>
    %swap3A_22 = arith.constant 64 : index
    %swap3A_23 = tpu.vector_load %arg11[%swap3A_22] {strides = array<i32>} : memref<256xi32, #tpu.memory_space<vmem>>, vector<16xi32>,
    tpu.vector_store %arg11[%swap3A_22], %broadcast_in_dim3A_21 {strides = array<i32>} : memref<256xi32, #tpu.memory_space<vmem>>, vector<16xi32>,
    %broadcast_in_dim3A_24 = arith.constant 0 : i32
    %broadcast_in_dim3A_25 = vector.broadcast %broadcast_in_dim3A_24 : i32 to vector<16xi32>
    %swap3A_26 = arith.constant 80 : index
    %swap3A_27 = tpu.vector_load %arg11[%swap3A_26] {strides = array<i32>} : memref<256xi32, #tpu.memory_space<vmem>>, vector<16xi32>,
    tpu.vector_store %arg11[%swap3A_26], %broadcast_in_dim3A_25 {strides = array<i32>} : memref<256xi32, #tpu.memory_space<vmem>>, vector<16xi32>,
    %broadcast_in_dim3A_28 = arith.constant 0 : i32
    %broadcast_in_dim3A_29 = vector.broadcast %broadcast_in_dim3A_28 : i32 to vector<16xi32>
    %swap3A_30 = arith.constant 96 : index
    %swap3A_31 = tpu.vector_load %arg11[%swap3A_30] {strides = array<i32>} : memref<256xi32, #tpu.memory_space<vmem>>, vector<16xi32>,
    tpu.vector_store %arg11[%swap3A_30], %broadcast_in_dim3A_29 {strides = array<i32>} : memref<256xi32, #tpu.memory_space<vmem>>, vector<16xi32>,
    %broadcast_in_dim3A_32 = arith.constant 0 : i32
    %broadcast_in_dim3A_33 = vector.broadcast %broadcast_in_dim3A_32 : i32 to vector<16xi32>
    %swap3A_34 = arith.constant 112 : index
    %swap3A_35 = tpu.vector_load %arg11[%swap3A_34] {strides = array<i32>} : memref<256xi32, #tpu.memory_space<vmem>>, vector<16xi32>,
    tpu.vector_store %arg11[%swap3A_34], %broadcast_in_dim3A_33 {strides = array<i32>} : memref<256xi32, #tpu.memory_space<vmem>>, vector<16xi32>,
    %broadcast_in_dim3A_36 = arith.constant 0 : i32
    %broadcast_in_dim3A_37 = vector.broadcast %broadcast_in_dim3A_36 : i32 to vector<16xi32>
    %swap3A_38 = arith.constant 128 : index
    %swap3A_39 = tpu.vector_load %arg11[%swap3A_38] {strides = array<i32>} : memref<256xi32, #tpu.memory_space<vmem>>, vector<16xi32>,
    tpu.vector_store %arg11[%swap3A_38], %broadcast_in_dim3A_37 {strides = array<i32>} : memref<256xi32, #tpu.memory_space<vmem>>, vector<16xi32>,
    %broadcast_in_dim3A_40 = arith.constant 0 : i32
    %broadcast_in_dim3A_41 = vector.broadcast %broadcast_in_dim3A_40 : i32 to vector<16xi32>
    %swap3A_42 = arith.constant 144 : index
    %swap3A_43 = tpu.vector_load %arg11[%swap3A_42] {strides = array<i32>} : memref<256xi32, #tpu.memory_space<vmem>>, vector<16xi32>,
    tpu.vector_store %arg11[%swap3A_42], %broadcast_in_dim3A_41 {strides = array<i32>} : memref<256xi32, #tpu.memory_space<vmem>>, vector<16xi32>,
    %broadcast_in_dim3A_44 = arith.constant 0 : i32
    %broadcast_in_dim3A_45 = vector.broadcast %broadcast_in_dim3A_44 : i32 to vector<16xi32>
    %swap3A_46 = arith.constant 160 : index
    %swap3A_47 = tpu.vector_load %arg11[%swap3A_46] {strides = array<i32>} : memref<256xi32, #tpu.memory_space<vmem>>, vector<16xi32>,
    tpu.vector_store %arg11[%swap3A_46], %broadcast_in_dim3A_45 {strides = array<i32>} : memref<256xi32, #tpu.memory_space<vmem>>, vector<16xi32>,
    %broadcast_in_dim3A_48 = arith.constant 0 : i32
    %broadcast_in_dim3A_49 = vector.broadcast %broadcast_in_dim3A_48 : i32 to vector<16xi32>
    %swap3A_50 = arith.constant 176 : index
    %swap3A_51 = tpu.vector_load %arg11[%swap3A_50] {strides = array<i32>} : memref<256xi32, #tpu.memory_space<vmem>>, vector<16xi32>,
    tpu.vector_store %arg11[%swap3A_50], %broadcast_in_dim3A_49 {strides = array<i32>} : memref<256xi32, #tpu.memory_space<vmem>>, vector<16xi32>,
    %broadcast_in_dim3A_52 = arith.constant 0 : i32
    %broadcast_in_dim3A_53 = vector.broadcast %broadcast_in_dim3A_52 : i32 to vector<16xi32>
    %swap3A_54 = arith.constant 192 : index
    %swap3A_55 = tpu.vector_load %arg11[%swap3A_54] {strides = array<i32>} : memref<256xi32, #tpu.memory_space<vmem>>, vector<16xi32>,
    tpu.vector_store %arg11[%swap3A_54], %broadcast_in_dim3A_53 {strides = array<i32>} : memref<256xi32, #tpu.memory_space<vmem>>, vector<16xi32>,
    %broadcast_in_dim3A_56 = arith.constant 0 : i32
    %broadcast_in_dim3A_57 = vector.broadcast %broadcast_in_dim3A_56 : i32 to vector<16xi32>
    %swap3A_58 = arith.constant 208 : index
    %swap3A_59 = tpu.vector_load %arg11[%swap3A_58] {strides = array<i32>} : memref<256xi32, #tpu.memory_space<vmem>>, vector<16xi32>,
    tpu.vector_store %arg11[%swap3A_58], %broadcast_in_dim3A_57 {strides = array<i32>} : memref<256xi32, #tpu.memory_space<vmem>>, vector<16xi32>,
    %broadcast_in_dim3A_60 = arith.constant 0 : i32
    %broadcast_in_dim3A_61 = vector.broadcast %broadcast_in_dim3A_60 : i32 to vector<16xi32>
    %swap3A_62 = arith.constant 224 : index
    %swap3A_63 = tpu.vector_load %arg11[%swap3A_62] {strides = array<i32>} : memref<256xi32, #tpu.memory_space<vmem>>, vector<16xi32>,
    tpu.vector_store %arg11[%swap3A_62], %broadcast_in_dim3A_61 {strides = array<i32>} : memref<256xi32, #tpu.memory_space<vmem>>, vector<16xi32>,
    %broadcast_in_dim3A_64 = arith.constant 0 : i32
    %broadcast_in_dim3A_65 = vector.broadcast %broadcast_in_dim3A_64 : i32 to vector<16xi32>
    %swap3A_66 = arith.constant 240 : index
    %swap3A_67 = tpu.vector_load %arg11[%swap3A_66] {strides = array<i32>} : memref<256xi32, #tpu.memory_space<vmem>>, vector<16xi32>,
    tpu.vector_store %arg11[%swap3A_66], %broadcast_in_dim3A_65 {strides = array<i32>} : memref<256xi32, #tpu.memory_space<vmem>>, vector<16xi32>,
    %scan3A_68 = arith.constant 0 : i32
    %scan3A_69 = arith.constant 0 : i32
    %scan3A_70 = arith.constant 16 : i32
    %scan3A_71 = arith.addi %scan3A_69, %scan3A_70 : i32
    %scan3A_72 = arith.constant 1 : i32
    scf.for %scan3A_2130 = %scan3A_69 to %scan3A_71 step %scan3A_72  : i32 {
      %mul3A_2131 = arith.constant 2 : i32
      %mul3A_2132 = arith.muli %scan3A_2130, %mul3A_2131 : i32
      %add3A_2133 = arith.constant 0 : i32
      %add3A_2134 = arith.addi %mul3A_2132, %add3A_2133 : i32
      %mul3A_2135 = arith.constant 16 : i32
      %mul3A_2136 = arith.muli %add3A_2134, %mul3A_2135 : i32
      %get3A_2137 = arith.index_cast %mul3A_2136 : i32 to index
      %get3A_2138 = tpu.vector_load %arg6[%get3A_2137] {strides = array<i32>} : memref<512xi32, #tpu.memory_space<vmem>>, vector<16xi32>,
      %shift_right_logical3A_2139 = arith.constant 0 : i32
      %shift_right_logical3A_2140 = vector.broadcast %shift_right_logical3A_2139 : i32 to vector<16xi32>
      %shift_right_logical3A_2141 = arith.shrui %get3A_2138, %shift_right_logical3A_2140 : vector<16xi32>
      %and3A_2142 = arith.constant 255 : i32
      %and3A_2143 = vector.broadcast %and3A_2142 : i32 to vector<16xi32>
      %and3A_2144 = arith.andi %shift_right_logical3A_2141, %and3A_2143 : vector<16xi32>
      %mul3A_2145 = arith.constant 16 : i32
      %mul3A_2146 = vector.broadcast %mul3A_2145 : i32 to vector<16xi32>
      %mul3A_2147 = arith.muli %and3A_2144, %mul3A_2146 : vector<16xi32>
      %add3A_2148 = arith.addi %mul3A_2147, %iota3A : vector<16xi32>
      %masked_sort3A = arith.constant dense<true> : vector<16xi1>
      %masked_sort3A_2149 = arith.constant -2147483648 : i32
      %masked_sort3A_2150 = vector.broadcast %masked_sort3A_2149 : i32 to vector<16xi32>
      %masked_sort3A_2151 = arith.xori %add3A_2148, %masked_sort3A_2150 : vector<16xi32>
      %masked_sort3A_2152, %masked_sort3A_2153, %masked_sort3A_2154 = tpu.sort %masked_sort3A_2151, %add3A_2148 masked %masked_sort3A : (vector<16xi32>, vector<16xi32>, vector<16xi1>) -> (vector<16xi1>, vector<16xi32>, vector<16xi32>)
      %masked_sort3A_2155 = arith.xori %masked_sort3A_2153, %masked_sort3A_2150 : vector<16xi32>
      %mul3A_2156 = arith.constant 16 : i32
      %mul3A_2157 = arith.muli %add3A_2134, %mul3A_2156 : i32
      %swap3A_2158 = arith.index_cast %mul3A_2157 : i32 to index
      %swap3A_2159 = tpu.vector_load %arg8[%swap3A_2158] {strides = array<i32>} : memref<512xi32, #tpu.memory_space<vmem>>, vector<16xi32>,
      tpu.vector_store %arg8[%swap3A_2158], %masked_sort3A_2155 {strides = array<i32>} : memref<512xi32, #tpu.memory_space<vmem>>, vector<16xi32>,
      %shift_right_logical3A_2160 = arith.constant 4 : i32
      %shift_right_logical3A_2161 = vector.broadcast %shift_right_logical3A_2160 : i32 to vector<16xi32>
      %shift_right_logical3A_2162 = arith.shrui %masked_sort3A_2155, %shift_right_logical3A_2161 : vector<16xi32>
      %and3A_2163 = arith.constant 15 : i32
      %and3A_2164 = vector.broadcast %and3A_2163 : i32 to vector<16xi32>
      %and3A_2165 = arith.andi %masked_sort3A_2155, %and3A_2164 : vector<16xi32>
      %swap3A_2166 = arith.constant 0 : index
      %swap3A_2167 = tpu.vector_load %arg13[%swap3A_2166] {strides = array<i32>} : memref<16xi32, #tpu.memory_space<vmem>>, vector<16xi32>,
      tpu.vector_store %arg13[%swap3A_2166], %shift_right_logical3A_2162 {strides = array<i32>} : memref<16xi32, #tpu.memory_space<vmem>>, vector<16xi32>,
      %sub3A_2168 = arith.constant 1 : i32
      %sub3A_2169 = vector.broadcast %sub3A_2168 : i32 to vector<16xi32>
      %sub3A_2170 = arith.subi %iota3A, %sub3A_2169 : vector<16xi32>
      %max3A_2171 = arith.constant 0 : i32
      %max3A_2172 = vector.broadcast %max3A_2171 : i32 to vector<16xi32>
      %max3A_2173 = arith.maxsi %sub3A_2170, %max3A_2172 : vector<16xi32>
      %gather3A_2174 = tpu.vector_load_idx %arg13[%max3A_2173] : memref<16xi32, #tpu.memory_space<vmem>>[vector<16xi32>], vector<16xi32>,
      %add3A_2175 = arith.constant 1 : i32
      %add3A_2176 = vector.broadcast %add3A_2175 : i32 to vector<16xi32>
      %add3A_2177 = arith.addi %iota3A, %add3A_2176 : vector<16xi32>
      %min3A_2178 = arith.constant 15 : i32
      %min3A_2179 = vector.broadcast %min3A_2178 : i32 to vector<16xi32>
      %min3A_2180 = arith.minsi %add3A_2177, %min3A_2179 : vector<16xi32>
      %gather3A_2181 = tpu.vector_load_idx %arg13[%min3A_2180] : memref<16xi32, #tpu.memory_space<vmem>>[vector<16xi32>], vector<16xi32>,
      %eq3A_2182 = arith.constant 0 : i32
      %eq3A_2183 = vector.broadcast %eq3A_2182 : i32 to vector<16xi32>
      %eq3A_2184 = arith.cmpi eq, %iota3A, %eq3A_2183 : vector<16xi32>
      %ne3A_2185 = arith.cmpi ne, %shift_right_logical3A_2162, %gather3A_2174 : vector<16xi32>
      %or3A_2186 = arith.ori %eq3A_2184, %ne3A_2185 : vector<16xi1>
      %eq3A_2187 = arith.constant 15 : i32
      %eq3A_2188 = vector.broadcast %eq3A_2187 : i32 to vector<16xi32>
      %eq3A_2189 = arith.cmpi eq, %iota3A, %eq3A_2188 : vector<16xi32>
      %ne3A_2190 = arith.cmpi ne, %shift_right_logical3A_2162, %gather3A_2181 : vector<16xi32>
      %or3A_2191 = arith.ori %eq3A_2189, %ne3A_2190 : vector<16xi1>
      %jit3A_2192 = arith.constant 0 : i32
      %broadcast_in_dim3A_2193 = vector.broadcast %jit3A_2192 : i32 to vector<16xi32>
      %select_n3A_2194 = arith.select %or3A_2186, %iota3A, %broadcast_in_dim3A_2193 : vector<16xi1>, vector<16xi32>
      %broadcast_in_dim3A_2195 = arith.constant true
      %broadcast_in_dim3A_2196 = vector.broadcast %broadcast_in_dim3A_2195 : i1 to vector<16xi1>
      %masked_cummax3A_2197 = arith.constant -2147483648 : i32
      %masked_cummax3A_2198 = vector.broadcast %masked_cummax3A_2197 : i32 to vector<16xi32>
      %masked_cummax3A_2199 = arith.xori %select_n3A_2194, %masked_cummax3A_2198 : vector<16xi32>
      %masked_cummax3A_2200 = tpu.scan <max>, %masked_cummax3A_2199 masked %broadcast_in_dim3A_2196 : vector<16xi32>, vector<16xi1> -> vector<16xi32>
      %masked_cummax3A_2201 = arith.xori %masked_cummax3A_2200, %masked_cummax3A_2198 : vector<16xi32>
      %sub3A_2202 = arith.subi %iota3A, %masked_cummax3A_2201 : vector<16xi32>
      %add3A_2203 = arith.constant 1 : i32
      %add3A_2204 = vector.broadcast %add3A_2203 : i32 to vector<16xi32>
      %add3A_2205 = arith.addi %sub3A_2202, %add3A_2204 : vector<16xi32>
      tpu.vector_store_idx %arg11[%shift_right_logical3A_2162], %add3A_2205 masked %or3A_2191 {add = true} : memref<256xi32, #tpu.memory_space<vmem>>[vector<16xi32>], vector<16xi32>, vector<16xi1>
      %mul3A_2206 = arith.constant 2 : i32
      %mul3A_2207 = arith.muli %scan3A_2130, %mul3A_2206 : i32
      %add3A_2208 = arith.constant 1 : i32
      %add3A_2209 = arith.addi %mul3A_2207, %add3A_2208 : i32
      %mul3A_2210 = arith.constant 16 : i32
      %mul3A_2211 = arith.muli %add3A_2209, %mul3A_2210 : i32
      %get3A_2212 = arith.index_cast %mul3A_2211 : i32 to index
      %get3A_2213 = tpu.vector_load %arg6[%get3A_2212] {strides = array<i32>} : memref<512xi32, #tpu.memory_space<vmem>>, vector<16xi32>,
      %shift_right_logical3A_2214 = arith.constant 0 : i32
      %shift_right_logical3A_2215 = vector.broadcast %shift_right_logical3A_2214 : i32 to vector<16xi32>
      %shift_right_logical3A_2216 = arith.shrui %get3A_2213, %shift_right_logical3A_2215 : vector<16xi32>
      %and3A_2217 = arith.constant 255 : i32
      %and3A_2218 = vector.broadcast %and3A_2217 : i32 to vector<16xi32>
      %and3A_2219 = arith.andi %shift_right_logical3A_2216, %and3A_2218 : vector<16xi32>
      %mul3A_2220 = arith.constant 16 : i32
      %mul3A_2221 = vector.broadcast %mul3A_2220 : i32 to vector<16xi32>
      %mul3A_2222 = arith.muli %and3A_2219, %mul3A_2221 : vector<16xi32>
      %add3A_2223 = arith.addi %mul3A_2222, %iota3A : vector<16xi32>
      %masked_sort3A_2224 = arith.constant dense<true> : vector<16xi1>
      %masked_sort3A_2225 = arith.constant -2147483648 : i32
      %masked_sort3A_2226 = vector.broadcast %masked_sort3A_2225 : i32 to vector<16xi32>
      %masked_sort3A_2227 = arith.xori %add3A_2223, %masked_sort3A_2226 : vector<16xi32>
      %masked_sort3A_2228, %masked_sort3A_2229, %masked_sort3A_2230 = tpu.sort %masked_sort3A_2227, %add3A_2223 masked %masked_sort3A_2224 : (vector<16xi32>, vector<16xi32>, vector<16xi1>) -> (vector<16xi1>, vector<16xi32>, vector<16xi32>)
      %masked_sort3A_2231 = arith.xori %masked_sort3A_2229, %masked_sort3A_2226 : vector<16xi32>
      %mul3A_2232 = arith.constant 16 : i32
      %mul3A_2233 = arith.muli %add3A_2209, %mul3A_2232 : i32
      %swap3A_2234 = arith.index_cast %mul3A_2233 : i32 to index
      %swap3A_2235 = tpu.vector_load %arg8[%swap3A_2234] {strides = array<i32>} : memref<512xi32, #tpu.memory_space<vmem>>, vector<16xi32>,
      tpu.vector_store %arg8[%swap3A_2234], %masked_sort3A_2231 {strides = array<i32>} : memref<512xi32, #tpu.memory_space<vmem>>, vector<16xi32>,
      %shift_right_logical3A_2236 = arith.constant 4 : i32
      %shift_right_logical3A_2237 = vector.broadcast %shift_right_logical3A_2236 : i32 to vector<16xi32>
      %shift_right_logical3A_2238 = arith.shrui %masked_sort3A_2231, %shift_right_logical3A_2237 : vector<16xi32>
      %and3A_2239 = arith.constant 15 : i32
      %and3A_2240 = vector.broadcast %and3A_2239 : i32 to vector<16xi32>
      %and3A_2241 = arith.andi %masked_sort3A_2231, %and3A_2240 : vector<16xi32>
      %swap3A_2242 = arith.constant 0 : index
      %swap3A_2243 = tpu.vector_load %arg15[%swap3A_2242] {strides = array<i32>} : memref<16xi32, #tpu.memory_space<vmem>>, vector<16xi32>,
      tpu.vector_store %arg15[%swap3A_2242], %shift_right_logical3A_2238 {strides = array<i32>} : memref<16xi32, #tpu.memory_space<vmem>>, vector<16xi32>,
      %sub3A_2244 = arith.constant 1 : i32
      %sub3A_2245 = vector.broadcast %sub3A_2244 : i32 to vector<16xi32>
      %sub3A_2246 = arith.subi %iota3A, %sub3A_2245 : vector<16xi32>
      %max3A_2247 = arith.constant 0 : i32
      %max3A_2248 = vector.broadcast %max3A_2247 : i32 to vector<16xi32>
      %max3A_2249 = arith.maxsi %sub3A_2246, %max3A_2248 : vector<16xi32>
      %gather3A_2250 = tpu.vector_load_idx %arg15[%max3A_2249] : memref<16xi32, #tpu.memory_space<vmem>>[vector<16xi32>], vector<16xi32>,
      %add3A_2251 = arith.constant 1 : i32
      %add3A_2252 = vector.broadcast %add3A_2251 : i32 to vector<16xi32>
      %add3A_2253 = arith.addi %iota3A, %add3A_2252 : vector<16xi32>
      %min3A_2254 = arith.constant 15 : i32
      %min3A_2255 = vector.broadcast %min3A_2254 : i32 to vector<16xi32>
      %min3A_2256 = arith.minsi %add3A_2253, %min3A_2255 : vector<16xi32>
      %gather3A_2257 = tpu.vector_load_idx %arg15[%min3A_2256] : memref<16xi32, #tpu.memory_space<vmem>>[vector<16xi32>], vector<16xi32>,
      %eq3A_2258 = arith.constant 0 : i32
      %eq3A_2259 = vector.broadcast %eq3A_2258 : i32 to vector<16xi32>
      %eq3A_2260 = arith.cmpi eq, %iota3A, %eq3A_2259 : vector<16xi32>
      %ne3A_2261 = arith.cmpi ne, %shift_right_logical3A_2238, %gather3A_2250 : vector<16xi32>
      %or3A_2262 = arith.ori %eq3A_2260, %ne3A_2261 : vector<16xi1>
      %eq3A_2263 = arith.constant 15 : i32
      %eq3A_2264 = vector.broadcast %eq3A_2263 : i32 to vector<16xi32>
      %eq3A_2265 = arith.cmpi eq, %iota3A, %eq3A_2264 : vector<16xi32>
      %ne3A_2266 = arith.cmpi ne, %shift_right_logical3A_2238, %gather3A_2257 : vector<16xi32>
      %or3A_2267 = arith.ori %eq3A_2265, %ne3A_2266 : vector<16xi1>
      %jit3A_2268 = arith.constant 0 : i32
      %broadcast_in_dim3A_2269 = vector.broadcast %jit3A_2268 : i32 to vector<16xi32>
      %select_n3A_2270 = arith.select %or3A_2262, %iota3A, %broadcast_in_dim3A_2269 : vector<16xi1>, vector<16xi32>
      %broadcast_in_dim3A_2271 = arith.constant true
      %broadcast_in_dim3A_2272 = vector.broadcast %broadcast_in_dim3A_2271 : i1 to vector<16xi1>
      %masked_cummax3A_2273 = arith.constant -2147483648 : i32
      %masked_cummax3A_2274 = vector.broadcast %masked_cummax3A_2273 : i32 to vector<16xi32>
      %masked_cummax3A_2275 = arith.xori %select_n3A_2270, %masked_cummax3A_2274 : vector<16xi32>
      %masked_cummax3A_2276 = tpu.scan <max>, %masked_cummax3A_2275 masked %broadcast_in_dim3A_2272 : vector<16xi32>, vector<16xi1> -> vector<16xi32>
      %masked_cummax3A_2277 = arith.xori %masked_cummax3A_2276, %masked_cummax3A_2274 : vector<16xi32>
      %sub3A_2278 = arith.subi %iota3A, %masked_cummax3A_2277 : vector<16xi32>
      %add3A_2279 = arith.constant 1 : i32
      %add3A_2280 = vector.broadcast %add3A_2279 : i32 to vector<16xi32>
      %add3A_2281 = arith.addi %sub3A_2278, %add3A_2280 : vector<16xi32>
      tpu.vector_store_idx %arg11[%shift_right_logical3A_2238], %add3A_2281 masked %or3A_2267 {add = true} : memref<256xi32, #tpu.memory_space<vmem>>[vector<16xi32>], vector<16xi32>, vector<16xi1>
    }
    %scan3A_73 = arith.constant 16 : i32
    %mul3A_74 = arith.constant 256 : i32
    %mul3A_75 = arith.muli %arg1, %mul3A_74 : i32
    "tpu.region"() ({
      %run_scoped3A_2130 = tpu.sem_alloc : memref<!tpu.dma_semaphore, #tpu.memory_space<semaphore_mem>>
      %dma_start3A = tpu.memref_slice %arg30[%mul3A_75] : memref<4096xi32, #tpu.memory_space<vmem_shared>> -> memref<256xi32, #tpu.memory_space<vmem_shared>>
      %dma_start3A_2131 = tpu.memref_slice %arg30[%mul3A_75] : memref<4096xi32, #tpu.memory_space<vmem_shared>> -> memref<256xi32, #tpu.memory_space<vmem_shared>>
      tpu.enqueue_dma source(%arg11 : memref<256xi32, #tpu.memory_space<vmem>>) target(%dma_start3A_2131 : memref<256xi32, #tpu.memory_space<vmem_shared>>) target_semaphore(%run_scoped3A_2130 : memref<!tpu.dma_semaphore, #tpu.memory_space<semaphore_mem>>)
      %dma_wait3A = tpu.memref_slice %arg30[%mul3A_75] : memref<4096xi32, #tpu.memory_space<vmem_shared>> -> memref<256xi32, #tpu.memory_space<vmem_shared>>
      %dma_wait3A_2132 = tpu.memref_slice %arg30[%mul3A_75] : memref<4096xi32, #tpu.memory_space<vmem_shared>> -> memref<256xi32, #tpu.memory_space<vmem_shared>>
      tpu.wait_dma2 semaphore(%run_scoped3A_2130 : memref<!tpu.dma_semaphore, #tpu.memory_space<semaphore_mem>>) src(%arg11 : memref<256xi32, #tpu.memory_space<vmem>>) dst(%dma_wait3A_2132 : memref<256xi32, #tpu.memory_space<vmem_shared>>)
      tpu.yield
    }) : () -> ()
    %barrier3A = arith.constant 0 : index
    tpu.barrier barrier_id(%barrier3A)
    "tpu.region"() ({
      %run_scoped3A_2130 = tpu.sem_alloc : memref<!tpu.dma_semaphore, #tpu.memory_space<semaphore_mem>>
      tpu.enqueue_dma source(%arg30 : memref<4096xi32, #tpu.memory_space<vmem_shared>>) target(%arg10 : memref<4096xi32, #tpu.memory_space<vmem>>) target_semaphore(%run_scoped3A_2130 : memref<!tpu.dma_semaphore, #tpu.memory_space<semaphore_mem>>)
      tpu.wait_dma2 semaphore(%run_scoped3A_2130 : memref<!tpu.dma_semaphore, #tpu.memory_space<semaphore_mem>>) src(%arg30 : memref<4096xi32, #tpu.memory_space<vmem_shared>>) dst(%arg10 : memref<4096xi32, #tpu.memory_space<vmem>>)
      tpu.yield
    }) : () -> ()
    %broadcast_in_dim3A_76 = arith.constant 0 : i32
    %broadcast_in_dim3A_77 = vector.broadcast %broadcast_in_dim3A_76 : i32 to vector<16xi32>
    %broadcast_in_dim3A_78 = arith.constant 0 : i32
    %broadcast_in_dim3A_79 = vector.broadcast %broadcast_in_dim3A_78 : i32 to vector<16xi32>
    %broadcast_in_dim3A_80 = arith.constant 0 : i32
    %broadcast_in_dim3A_81 = vector.broadcast %broadcast_in_dim3A_80 : i32 to vector<16xi32>
    %broadcast_in_dim3A_82 = arith.constant 0 : i32
    %broadcast_in_dim3A_83 = vector.broadcast %broadcast_in_dim3A_82 : i32 to vector<16xi32>
    %broadcast_in_dim3A_84 = arith.constant 0 : i32
    %broadcast_in_dim3A_85 = vector.broadcast %broadcast_in_dim3A_84 : i32 to vector<16xi32>
    %broadcast_in_dim3A_86 = arith.constant 0 : i32
    %broadcast_in_dim3A_87 = vector.broadcast %broadcast_in_dim3A_86 : i32 to vector<16xi32>
    %broadcast_in_dim3A_88 = arith.constant 0 : i32
    %broadcast_in_dim3A_89 = vector.broadcast %broadcast_in_dim3A_88 : i32 to vector<16xi32>
    %broadcast_in_dim3A_90 = arith.constant 0 : i32
    %broadcast_in_dim3A_91 = vector.broadcast %broadcast_in_dim3A_90 : i32 to vector<16xi32>
    %broadcast_in_dim3A_92 = arith.constant 0 : i32
    %broadcast_in_dim3A_93 = vector.broadcast %broadcast_in_dim3A_92 : i32 to vector<16xi32>
    %broadcast_in_dim3A_94 = arith.constant 0 : i32
    %broadcast_in_dim3A_95 = vector.broadcast %broadcast_in_dim3A_94 : i32 to vector<16xi32>
    %broadcast_in_dim3A_96 = arith.constant 0 : i32
    %broadcast_in_dim3A_97 = vector.broadcast %broadcast_in_dim3A_96 : i32 to vector<16xi32>
    %broadcast_in_dim3A_98 = arith.constant 0 : i32
    %broadcast_in_dim3A_99 = vector.broadcast %broadcast_in_dim3A_98 : i32 to vector<16xi32>
    %broadcast_in_dim3A_100 = arith.constant 0 : i32
    %broadcast_in_dim3A_101 = vector.broadcast %broadcast_in_dim3A_100 : i32 to vector<16xi32>
    %broadcast_in_dim3A_102 = arith.constant 0 : i32
    %broadcast_in_dim3A_103 = vector.broadcast %broadcast_in_dim3A_102 : i32 to vector<16xi32>
    %broadcast_in_dim3A_104 = arith.constant 0 : i32
    %broadcast_in_dim3A_105 = vector.broadcast %broadcast_in_dim3A_104 : i32 to vector<16xi32>
    %broadcast_in_dim3A_106 = arith.constant 0 : i32
    %broadcast_in_dim3A_107 = vector.broadcast %broadcast_in_dim3A_106 : i32 to vector<16xi32>
    %scan3A_108 = arith.constant 0 : i32
    %scan3A_109 = arith.constant 16 : i32
    %scan3A_110 = arith.addi %scan3A_108, %scan3A_109 : i32
    %scan3A_111 = arith.constant 1 : i32
    %scan3A_112:32 = scf.for %scan3A_2130 = %scan3A_108 to %scan3A_110 step %scan3A_111 iter_args(%scan3A_2131 = %broadcast_in_dim3A_77, %scan3A_2132 = %broadcast_in_dim3A_79, %scan3A_2133 = %broadcast_in_dim3A_81, %scan3A_2134 = %broadcast_in_dim3A_83, %scan3A_2135 = %broadcast_in_dim3A_85, %scan3A_2136 = %broadcast_in_dim3A_87, %scan3A_2137 = %broadcast_in_dim3A_89, %scan3A_2138 = %broadcast_in_dim3A_91, %scan3A_2139 = %broadcast_in_dim3A_93, %scan3A_2140 = %broadcast_in_dim3A_95, %scan3A_2141 = %broadcast_in_dim3A_97, %scan3A_2142 = %broadcast_in_dim3A_99, %scan3A_2143 = %broadcast_in_dim3A_101, %scan3A_2144 = %broadcast_in_dim3A_103, %scan3A_2145 = %broadcast_in_dim3A_105, %scan3A_2146 = %broadcast_in_dim3A_107, %scan3A_2147 = %broadcast_in_dim3A_77, %scan3A_2148 = %broadcast_in_dim3A_79, %scan3A_2149 = %broadcast_in_dim3A_81, %scan3A_2150 = %broadcast_in_dim3A_83, %scan3A_2151 = %broadcast_in_dim3A_85, %scan3A_2152 = %broadcast_in_dim3A_87, %scan3A_2153 = %broadcast_in_dim3A_89, %scan3A_2154 = %broadcast_in_dim3A_91, %scan3A_2155 = %broadcast_in_dim3A_93, %scan3A_2156 = %broadcast_in_dim3A_95, %scan3A_2157 = %broadcast_in_dim3A_97, %scan3A_2158 = %broadcast_in_dim3A_99, %scan3A_2159 = %broadcast_in_dim3A_101, %scan3A_2160 = %broadcast_in_dim3A_103, %scan3A_2161 = %broadcast_in_dim3A_105, %scan3A_2162 = %broadcast_in_dim3A_107) -> (vector<16xi32>, vector<16xi32>, vector<16xi32>, vector<16xi32>, vector<16xi32>, vector<16xi32>, vector<16xi32>, vector<16xi32>, vector<16xi32>, vector<16xi32>, vector<16xi32>, vector<16xi32>, vector<16xi32>, vector<16xi32>, vector<16xi32>, vector<16xi32>, vector<16xi32>, vector<16xi32>, vector<16xi32>, vector<16xi32>, vector<16xi32>, vector<16xi32>, vector<16xi32>, vector<16xi32>, vector<16xi32>, vector<16xi32>, vector<16xi32>, vector<16xi32>, vector<16xi32>, vector<16xi32>, vector<16xi32>, vector<16xi32>)  : i32 {
      %lt3A = arith.cmpi slt, %scan3A_2130, %arg1 : i32
      %jit3A_2163 = arith.constant 1 : i32
      %jit3A_2164 = arith.constant 0 : i32
      %select_n3A_2165 = arith.select %lt3A, %jit3A_2163, %jit3A_2164 : i32
      %mul3A_2166 = arith.constant 256 : i32
      %mul3A_2167 = arith.muli %scan3A_2130, %mul3A_2166 : i32
      %add3A_2168 = arith.constant 0 : i32
      %add3A_2169 = arith.addi %mul3A_2167, %add3A_2168 : i32
      %get3A_2170 = arith.index_cast %add3A_2169 : i32 to index
      %get3A_2171 = tpu.vector_load %arg10[%get3A_2170] {strides = array<i32>} : memref<4096xi32, #tpu.memory_space<vmem>>, vector<16xi32>,
      %add3A_2172 = arith.addi %scan3A_2131, %get3A_2171 : vector<16xi32>
      %mul3A_2173 = vector.broadcast %select_n3A_2165 : i32 to vector<16xi32>
      %mul3A_2174 = arith.muli %get3A_2171, %mul3A_2173 : vector<16xi32>
      %add3A_2175 = arith.addi %scan3A_2147, %mul3A_2174 : vector<16xi32>
      %mul3A_2176 = arith.constant 256 : i32
      %mul3A_2177 = arith.muli %scan3A_2130, %mul3A_2176 : i32
      %add3A_2178 = arith.constant 16 : i32
      %add3A_2179 = arith.addi %mul3A_2177, %add3A_2178 : i32
      %get3A_2180 = arith.index_cast %add3A_2179 : i32 to index
      %get3A_2181 = tpu.vector_load %arg10[%get3A_2180] {strides = array<i32>} : memref<4096xi32, #tpu.memory_space<vmem>>, vector<16xi32>,
      %add3A_2182 = arith.addi %scan3A_2132, %get3A_2181 : vector<16xi32>
      %mul3A_2183 = vector.broadcast %select_n3A_2165 : i32 to vector<16xi32>
      %mul3A_2184 = arith.muli %get3A_2181, %mul3A_2183 : vector<16xi32>
      %add3A_2185 = arith.addi %scan3A_2148, %mul3A_2184 : vector<16xi32>
      %mul3A_2186 = arith.constant 256 : i32
      %mul3A_2187 = arith.muli %scan3A_2130, %mul3A_2186 : i32
      %add3A_2188 = arith.constant 32 : i32
      %add3A_2189 = arith.addi %mul3A_2187, %add3A_2188 : i32
      %get3A_2190 = arith.index_cast %add3A_2189 : i32 to index
      %get3A_2191 = tpu.vector_load %arg10[%get3A_2190] {strides = array<i32>} : memref<4096xi32, #tpu.memory_space<vmem>>, vector<16xi32>,
      %add3A_2192 = arith.addi %scan3A_2133, %get3A_2191 : vector<16xi32>
      %mul3A_2193 = vector.broadcast %select_n3A_2165 : i32 to vector<16xi32>
      %mul3A_2194 = arith.muli %get3A_2191, %mul3A_2193 : vector<16xi32>
      %add3A_2195 = arith.addi %scan3A_2149, %mul3A_2194 : vector<16xi32>
      %mul3A_2196 = arith.constant 256 : i32
      %mul3A_2197 = arith.muli %scan3A_2130, %mul3A_2196 : i32
      %add3A_2198 = arith.constant 48 : i32
      %add3A_2199 = arith.addi %mul3A_2197, %add3A_2198 : i32
      %get3A_2200 = arith.index_cast %add3A_2199 : i32 to index
      %get3A_2201 = tpu.vector_load %arg10[%get3A_2200] {strides = array<i32>} : memref<4096xi32, #tpu.memory_space<vmem>>, vector<16xi32>,
      %add3A_2202 = arith.addi %scan3A_2134, %get3A_2201 : vector<16xi32>
      %mul3A_2203 = vector.broadcast %select_n3A_2165 : i32 to vector<16xi32>
      %mul3A_2204 = arith.muli %get3A_2201, %mul3A_2203 : vector<16xi32>
      %add3A_2205 = arith.addi %scan3A_2150, %mul3A_2204 : vector<16xi32>
      %mul3A_2206 = arith.constant 256 : i32
      %mul3A_2207 = arith.muli %scan3A_2130, %mul3A_2206 : i32
      %add3A_2208 = arith.constant 64 : i32
      %add3A_2209 = arith.addi %mul3A_2207, %add3A_2208 : i32
      %get3A_2210 = arith.index_cast %add3A_2209 : i32 to index
      %get3A_2211 = tpu.vector_load %arg10[%get3A_2210] {strides = array<i32>} : memref<4096xi32, #tpu.memory_space<vmem>>, vector<16xi32>,
      %add3A_2212 = arith.addi %scan3A_2135, %get3A_2211 : vector<16xi32>
      %mul3A_2213 = vector.broadcast %select_n3A_2165 : i32 to vector<16xi32>
      %mul3A_2214 = arith.muli %get3A_2211, %mul3A_2213 : vector<16xi32>
      %add3A_2215 = arith.addi %scan3A_2151, %mul3A_2214 : vector<16xi32>
      %mul3A_2216 = arith.constant 256 : i32
      %mul3A_2217 = arith.muli %scan3A_2130, %mul3A_2216 : i32
      %add3A_2218 = arith.constant 80 : i32
      %add3A_2219 = arith.addi %mul3A_2217, %add3A_2218 : i32
      %get3A_2220 = arith.index_cast %add3A_2219 : i32 to index
      %get3A_2221 = tpu.vector_load %arg10[%get3A_2220] {strides = array<i32>} : memref<4096xi32, #tpu.memory_space<vmem>>, vector<16xi32>,
      %add3A_2222 = arith.addi %scan3A_2136, %get3A_2221 : vector<16xi32>
      %mul3A_2223 = vector.broadcast %select_n3A_2165 : i32 to vector<16xi32>
      %mul3A_2224 = arith.muli %get3A_2221, %mul3A_2223 : vector<16xi32>
      %add3A_2225 = arith.addi %scan3A_2152, %mul3A_2224 : vector<16xi32>
      %mul3A_2226 = arith.constant 256 : i32
      %mul3A_2227 = arith.muli %scan3A_2130, %mul3A_2226 : i32
      %add3A_2228 = arith.constant 96 : i32
      %add3A_2229 = arith.addi %mul3A_2227, %add3A_2228 : i32
      %get3A_2230 = arith.index_cast %add3A_2229 : i32 to index
      %get3A_2231 = tpu.vector_load %arg10[%get3A_2230] {strides = array<i32>} : memref<4096xi32, #tpu.memory_space<vmem>>, vector<16xi32>,
      %add3A_2232 = arith.addi %scan3A_2137, %get3A_2231 : vector<16xi32>
      %mul3A_2233 = vector.broadcast %select_n3A_2165 : i32 to vector<16xi32>
      %mul3A_2234 = arith.muli %get3A_2231, %mul3A_2233 : vector<16xi32>
      %add3A_2235 = arith.addi %scan3A_2153, %mul3A_2234 : vector<16xi32>
      %mul3A_2236 = arith.constant 256 : i32
      %mul3A_2237 = arith.muli %scan3A_2130, %mul3A_2236 : i32
      %add3A_2238 = arith.constant 112 : i32
      %add3A_2239 = arith.addi %mul3A_2237, %add3A_2238 : i32
      %get3A_2240 = arith.index_cast %add3A_2239 : i32 to index
      %get3A_2241 = tpu.vector_load %arg10[%get3A_2240] {strides = array<i32>} : memref<4096xi32, #tpu.memory_space<vmem>>, vector<16xi32>,
      %add3A_2242 = arith.addi %scan3A_2138, %get3A_2241 : vector<16xi32>
      %mul3A_2243 = vector.broadcast %select_n3A_2165 : i32 to vector<16xi32>
      %mul3A_2244 = arith.muli %get3A_2241, %mul3A_2243 : vector<16xi32>
      %add3A_2245 = arith.addi %scan3A_2154, %mul3A_2244 : vector<16xi32>
      %mul3A_2246 = arith.constant 256 : i32
      %mul3A_2247 = arith.muli %scan3A_2130, %mul3A_2246 : i32
      %add3A_2248 = arith.constant 128 : i32
      %add3A_2249 = arith.addi %mul3A_2247, %add3A_2248 : i32
      %get3A_2250 = arith.index_cast %add3A_2249 : i32 to index
      %get3A_2251 = tpu.vector_load %arg10[%get3A_2250] {strides = array<i32>} : memref<4096xi32, #tpu.memory_space<vmem>>, vector<16xi32>,
      %add3A_2252 = arith.addi %scan3A_2139, %get3A_2251 : vector<16xi32>
      %mul3A_2253 = vector.broadcast %select_n3A_2165 : i32 to vector<16xi32>
      %mul3A_2254 = arith.muli %get3A_2251, %mul3A_2253 : vector<16xi32>
      %add3A_2255 = arith.addi %scan3A_2155, %mul3A_2254 : vector<16xi32>
      %mul3A_2256 = arith.constant 256 : i32
      %mul3A_2257 = arith.muli %scan3A_2130, %mul3A_2256 : i32
      %add3A_2258 = arith.constant 144 : i32
      %add3A_2259 = arith.addi %mul3A_2257, %add3A_2258 : i32
      %get3A_2260 = arith.index_cast %add3A_2259 : i32 to index
      %get3A_2261 = tpu.vector_load %arg10[%get3A_2260] {strides = array<i32>} : memref<4096xi32, #tpu.memory_space<vmem>>, vector<16xi32>,
      %add3A_2262 = arith.addi %scan3A_2140, %get3A_2261 : vector<16xi32>
      %mul3A_2263 = vector.broadcast %select_n3A_2165 : i32 to vector<16xi32>
      %mul3A_2264 = arith.muli %get3A_2261, %mul3A_2263 : vector<16xi32>
      %add3A_2265 = arith.addi %scan3A_2156, %mul3A_2264 : vector<16xi32>
      %mul3A_2266 = arith.constant 256 : i32
      %mul3A_2267 = arith.muli %scan3A_2130, %mul3A_2266 : i32
      %add3A_2268 = arith.constant 160 : i32
      %add3A_2269 = arith.addi %mul3A_2267, %add3A_2268 : i32
      %get3A_2270 = arith.index_cast %add3A_2269 : i32 to index
      %get3A_2271 = tpu.vector_load %arg10[%get3A_2270] {strides = array<i32>} : memref<4096xi32, #tpu.memory_space<vmem>>, vector<16xi32>,
      %add3A_2272 = arith.addi %scan3A_2141, %get3A_2271 : vector<16xi32>
      %mul3A_2273 = vector.broadcast %select_n3A_2165 : i32 to vector<16xi32>
      %mul3A_2274 = arith.muli %get3A_2271, %mul3A_2273 : vector<16xi32>
      %add3A_2275 = arith.addi %scan3A_2157, %mul3A_2274 : vector<16xi32>
      %mul3A_2276 = arith.constant 256 : i32
      %mul3A_2277 = arith.muli %scan3A_2130, %mul3A_2276 : i32
      %add3A_2278 = arith.constant 176 : i32
      %add3A_2279 = arith.addi %mul3A_2277, %add3A_2278 : i32
      %get3A_2280 = arith.index_cast %add3A_2279 : i32 to index
      %get3A_2281 = tpu.vector_load %arg10[%get3A_2280] {strides = array<i32>} : memref<4096xi32, #tpu.memory_space<vmem>>, vector<16xi32>,
      %add3A_2282 = arith.addi %scan3A_2142, %get3A_2281 : vector<16xi32>
      %mul3A_2283 = vector.broadcast %select_n3A_2165 : i32 to vector<16xi32>
      %mul3A_2284 = arith.muli %get3A_2281, %mul3A_2283 : vector<16xi32>
      %add3A_2285 = arith.addi %scan3A_2158, %mul3A_2284 : vector<16xi32>
      %mul3A_2286 = arith.constant 256 : i32
      %mul3A_2287 = arith.muli %scan3A_2130, %mul3A_2286 : i32
      %add3A_2288 = arith.constant 192 : i32
      %add3A_2289 = arith.addi %mul3A_2287, %add3A_2288 : i32
      %get3A_2290 = arith.index_cast %add3A_2289 : i32 to index
      %get3A_2291 = tpu.vector_load %arg10[%get3A_2290] {strides = array<i32>} : memref<4096xi32, #tpu.memory_space<vmem>>, vector<16xi32>,
      %add3A_2292 = arith.addi %scan3A_2143, %get3A_2291 : vector<16xi32>
      %mul3A_2293 = vector.broadcast %select_n3A_2165 : i32 to vector<16xi32>
      %mul3A_2294 = arith.muli %get3A_2291, %mul3A_2293 : vector<16xi32>
      %add3A_2295 = arith.addi %scan3A_2159, %mul3A_2294 : vector<16xi32>
      %mul3A_2296 = arith.constant 256 : i32
      %mul3A_2297 = arith.muli %scan3A_2130, %mul3A_2296 : i32
      %add3A_2298 = arith.constant 208 : i32
      %add3A_2299 = arith.addi %mul3A_2297, %add3A_2298 : i32
      %get3A_2300 = arith.index_cast %add3A_2299 : i32 to index
      %get3A_2301 = tpu.vector_load %arg10[%get3A_2300] {strides = array<i32>} : memref<4096xi32, #tpu.memory_space<vmem>>, vector<16xi32>,
      %add3A_2302 = arith.addi %scan3A_2144, %get3A_2301 : vector<16xi32>
      %mul3A_2303 = vector.broadcast %select_n3A_2165 : i32 to vector<16xi32>
      %mul3A_2304 = arith.muli %get3A_2301, %mul3A_2303 : vector<16xi32>
      %add3A_2305 = arith.addi %scan3A_2160, %mul3A_2304 : vector<16xi32>
      %mul3A_2306 = arith.constant 256 : i32
      %mul3A_2307 = arith.muli %scan3A_2130, %mul3A_2306 : i32
      %add3A_2308 = arith.constant 224 : i32
      %add3A_2309 = arith.addi %mul3A_2307, %add3A_2308 : i32
      %get3A_2310 = arith.index_cast %add3A_2309 : i32 to index
      %get3A_2311 = tpu.vector_load %arg10[%get3A_2310] {strides = array<i32>} : memref<4096xi32, #tpu.memory_space<vmem>>, vector<16xi32>,
      %add3A_2312 = arith.addi %scan3A_2145, %get3A_2311 : vector<16xi32>
      %mul3A_2313 = vector.broadcast %select_n3A_2165 : i32 to vector<16xi32>
      %mul3A_2314 = arith.muli %get3A_2311, %mul3A_2313 : vector<16xi32>
      %add3A_2315 = arith.addi %scan3A_2161, %mul3A_2314 : vector<16xi32>
      %mul3A_2316 = arith.constant 256 : i32
      %mul3A_2317 = arith.muli %scan3A_2130, %mul3A_2316 : i32
      %add3A_2318 = arith.constant 240 : i32
      %add3A_2319 = arith.addi %mul3A_2317, %add3A_2318 : i32
      %get3A_2320 = arith.index_cast %add3A_2319 : i32 to index
      %get3A_2321 = tpu.vector_load %arg10[%get3A_2320] {strides = array<i32>} : memref<4096xi32, #tpu.memory_space<vmem>>, vector<16xi32>,
      %add3A_2322 = arith.addi %scan3A_2146, %get3A_2321 : vector<16xi32>
      %mul3A_2323 = vector.broadcast %select_n3A_2165 : i32 to vector<16xi32>
      %mul3A_2324 = arith.muli %get3A_2321, %mul3A_2323 : vector<16xi32>
      %add3A_2325 = arith.addi %scan3A_2162, %mul3A_2324 : vector<16xi32>
      scf.yield %add3A_2172, %add3A_2182, %add3A_2192, %add3A_2202, %add3A_2212, %add3A_2222, %add3A_2232, %add3A_2242, %add3A_2252, %add3A_2262, %add3A_2272, %add3A_2282, %add3A_2292, %add3A_2302, %add3A_2312, %add3A_2322, %add3A_2175, %add3A_2185, %add3A_2195, %add3A_2205, %add3A_2215, %add3A_2225, %add3A_2235, %add3A_2245, %add3A_2255, %add3A_2265, %add3A_2275, %add3A_2285, %add3A_2295, %add3A_2305, %add3A_2315, %add3A_2325 : vector<16xi32>, vector<16xi32>, vector<16xi32>, vector<16xi32>, vector<16xi32>, vector<16xi32>, vector<16xi32>, vector<16xi32>, vector<16xi32>, vector<16xi32>, vector<16xi32>, vector<16xi32>, vector<16xi32>, vector<16xi32>, vector<16xi32>, vector<16xi32>, vector<16xi32>, vector<16xi32>, vector<16xi32>, vector<16xi32>, vector<16xi32>, vector<16xi32>, vector<16xi32>, vector<16xi32>, vector<16xi32>, vector<16xi32>, vector<16xi32>, vector<16xi32>, vector<16xi32>, vector<16xi32>, vector<16xi32>, vector<16xi32>
    }
    %scan3A_113 = arith.constant 16 : i32
    %scan3A_114 = arith.constant 0 : i32
    %scan3A_115 = arith.constant 16 : i32
    %scan3A_116 = arith.addi %scan3A_114, %scan3A_115 : i32
    %scan3A_117 = arith.constant 1 : i32
    %scan3A_118:32 = scf.for %scan3A_2130 = %scan3A_114 to %scan3A_116 step %scan3A_117 iter_args(%scan3A_2131 = %broadcast_in_dim3A_77, %scan3A_2132 = %broadcast_in_dim3A_79, %scan3A_2133 = %broadcast_in_dim3A_81, %scan3A_2134 = %broadcast_in_dim3A_83, %scan3A_2135 = %broadcast_in_dim3A_85, %scan3A_2136 = %broadcast_in_dim3A_87, %scan3A_2137 = %broadcast_in_dim3A_89, %scan3A_2138 = %broadcast_in_dim3A_91, %scan3A_2139 = %broadcast_in_dim3A_93, %scan3A_2140 = %broadcast_in_dim3A_95, %scan3A_2141 = %broadcast_in_dim3A_97, %scan3A_2142 = %broadcast_in_dim3A_99, %scan3A_2143 = %broadcast_in_dim3A_101, %scan3A_2144 = %broadcast_in_dim3A_103, %scan3A_2145 = %broadcast_in_dim3A_105, %scan3A_2146 = %broadcast_in_dim3A_107, %scan3A_2147 = %broadcast_in_dim3A_77, %scan3A_2148 = %broadcast_in_dim3A_79, %scan3A_2149 = %broadcast_in_dim3A_81, %scan3A_2150 = %broadcast_in_dim3A_83, %scan3A_2151 = %broadcast_in_dim3A_85, %scan3A_2152 = %broadcast_in_dim3A_87, %scan3A_2153 = %broadcast_in_dim3A_89, %scan3A_2154 = %broadcast_in_dim3A_91, %scan3A_2155 = %broadcast_in_dim3A_93, %scan3A_2156 = %broadcast_in_dim3A_95, %scan3A_2157 = %broadcast_in_dim3A_97, %scan3A_2158 = %broadcast_in_dim3A_99, %scan3A_2159 = %broadcast_in_dim3A_101, %scan3A_2160 = %broadcast_in_dim3A_103, %scan3A_2161 = %broadcast_in_dim3A_105, %scan3A_2162 = %broadcast_in_dim3A_107) -> (vector<16xi32>, vector<16xi32>, vector<16xi32>, vector<16xi32>, vector<16xi32>, vector<16xi32>, vector<16xi32>, vector<16xi32>, vector<16xi32>, vector<16xi32>, vector<16xi32>, vector<16xi32>, vector<16xi32>, vector<16xi32>, vector<16xi32>, vector<16xi32>, vector<16xi32>, vector<16xi32>, vector<16xi32>, vector<16xi32>, vector<16xi32>, vector<16xi32>, vector<16xi32>, vector<16xi32>, vector<16xi32>, vector<16xi32>, vector<16xi32>, vector<16xi32>, vector<16xi32>, vector<16xi32>, vector<16xi32>, vector<16xi32>)  : i32 {
      %lt3A = arith.cmpi slt, %scan3A_2130, %arg1 : i32
      %jit3A_2163 = arith.constant 1 : i32
      %jit3A_2164 = arith.constant 0 : i32
      %select_n3A_2165 = arith.select %lt3A, %jit3A_2163, %jit3A_2164 : i32
      %mul3A_2166 = arith.constant 256 : i32
      %mul3A_2167 = arith.muli %scan3A_2130, %mul3A_2166 : i32
      %add3A_2168 = arith.constant 0 : i32
      %add3A_2169 = arith.addi %mul3A_2167, %add3A_2168 : i32
      %get3A_2170 = arith.index_cast %add3A_2169 : i32 to index
      %get3A_2171 = tpu.vector_load %arg10[%get3A_2170] {strides = array<i32>} : memref<4096xi32, #tpu.memory_space<vmem>>, vector<16xi32>,
      %add3A_2172 = arith.addi %scan3A_2131, %get3A_2171 : vector<16xi32>
      %mul3A_2173 = vector.broadcast %select_n3A_2165 : i32 to vector<16xi32>
      %mul3A_2174 = arith.muli %get3A_2171, %mul3A_2173 : vector<16xi32>
      %add3A_2175 = arith.addi %scan3A_2147, %mul3A_2174 : vector<16xi32>
      %mul3A_2176 = arith.constant 256 : i32
      %mul3A_2177 = arith.muli %scan3A_2130, %mul3A_2176 : i32
      %add3A_2178 = arith.constant 16 : i32
      %add3A_2179 = arith.addi %mul3A_2177, %add3A_2178 : i32
      %get3A_2180 = arith.index_cast %add3A_2179 : i32 to index
      %get3A_2181 = tpu.vector_load %arg10[%get3A_2180] {strides = array<i32>} : memref<4096xi32, #tpu.memory_space<vmem>>, vector<16xi32>,
      %add3A_2182 = arith.addi %scan3A_2132, %get3A_2181 : vector<16xi32>
      %mul3A_2183 = vector.broadcast %select_n3A_2165 : i32 to vector<16xi32>
      %mul3A_2184 = arith.muli %get3A_2181, %mul3A_2183 : vector<16xi32>
      %add3A_2185 = arith.addi %scan3A_2148, %mul3A_2184 : vector<16xi32>
      %mul3A_2186 = arith.constant 256 : i32
      %mul3A_2187 = arith.muli %scan3A_2130, %mul3A_2186 : i32
      %add3A_2188 = arith.constant 32 : i32
      %add3A_2189 = arith.addi %mul3A_2187, %add3A_2188 : i32
      %get3A_2190 = arith.index_cast %add3A_2189 : i32 to index
      %get3A_2191 = tpu.vector_load %arg10[%get3A_2190] {strides = array<i32>} : memref<4096xi32, #tpu.memory_space<vmem>>, vector<16xi32>,
      %add3A_2192 = arith.addi %scan3A_2133, %get3A_2191 : vector<16xi32>
      %mul3A_2193 = vector.broadcast %select_n3A_2165 : i32 to vector<16xi32>
      %mul3A_2194 = arith.muli %get3A_2191, %mul3A_2193 : vector<16xi32>
      %add3A_2195 = arith.addi %scan3A_2149, %mul3A_2194 : vector<16xi32>
      %mul3A_2196 = arith.constant 256 : i32
      %mul3A_2197 = arith.muli %scan3A_2130, %mul3A_2196 : i32
      %add3A_2198 = arith.constant 48 : i32
      %add3A_2199 = arith.addi %mul3A_2197, %add3A_2198 : i32
      %get3A_2200 = arith.index_cast %add3A_2199 : i32 to index
      %get3A_2201 = tpu.vector_load %arg10[%get3A_2200] {strides = array<i32>} : memref<4096xi32, #tpu.memory_space<vmem>>, vector<16xi32>,
      %add3A_2202 = arith.addi %scan3A_2134, %get3A_2201 : vector<16xi32>
      %mul3A_2203 = vector.broadcast %select_n3A_2165 : i32 to vector<16xi32>
      %mul3A_2204 = arith.muli %get3A_2201, %mul3A_2203 : vector<16xi32>
      %add3A_2205 = arith.addi %scan3A_2150, %mul3A_2204 : vector<16xi32>
      %mul3A_2206 = arith.constant 256 : i32
      %mul3A_2207 = arith.muli %scan3A_2130, %mul3A_2206 : i32
      %add3A_2208 = arith.constant 64 : i32
      %add3A_2209 = arith.addi %mul3A_2207, %add3A_2208 : i32
      %get3A_2210 = arith.index_cast %add3A_2209 : i32 to index
      %get3A_2211 = tpu.vector_load %arg10[%get3A_2210] {strides = array<i32>} : memref<4096xi32, #tpu.memory_space<vmem>>, vector<16xi32>,
      %add3A_2212 = arith.addi %scan3A_2135, %get3A_2211 : vector<16xi32>
      %mul3A_2213 = vector.broadcast %select_n3A_2165 : i32 to vector<16xi32>
      %mul3A_2214 = arith.muli %get3A_2211, %mul3A_2213 : vector<16xi32>
      %add3A_2215 = arith.addi %scan3A_2151, %mul3A_2214 : vector<16xi32>
      %mul3A_2216 = arith.constant 256 : i32
      %mul3A_2217 = arith.muli %scan3A_2130, %mul3A_2216 : i32
      %add3A_2218 = arith.constant 80 : i32
      %add3A_2219 = arith.addi %mul3A_2217, %add3A_2218 : i32
      %get3A_2220 = arith.index_cast %add3A_2219 : i32 to index
      %get3A_2221 = tpu.vector_load %arg10[%get3A_2220] {strides = array<i32>} : memref<4096xi32, #tpu.memory_space<vmem>>, vector<16xi32>,
      %add3A_2222 = arith.addi %scan3A_2136, %get3A_2221 : vector<16xi32>
      %mul3A_2223 = vector.broadcast %select_n3A_2165 : i32 to vector<16xi32>
      %mul3A_2224 = arith.muli %get3A_2221, %mul3A_2223 : vector<16xi32>
      %add3A_2225 = arith.addi %scan3A_2152, %mul3A_2224 : vector<16xi32>
      %mul3A_2226 = arith.constant 256 : i32
      %mul3A_2227 = arith.muli %scan3A_2130, %mul3A_2226 : i32
      %add3A_2228 = arith.constant 96 : i32
      %add3A_2229 = arith.addi %mul3A_2227, %add3A_2228 : i32
      %get3A_2230 = arith.index_cast %add3A_2229 : i32 to index
      %get3A_2231 = tpu.vector_load %arg10[%get3A_2230] {strides = array<i32>} : memref<4096xi32, #tpu.memory_space<vmem>>, vector<16xi32>,
      %add3A_2232 = arith.addi %scan3A_2137, %get3A_2231 : vector<16xi32>
      %mul3A_2233 = vector.broadcast %select_n3A_2165 : i32 to vector<16xi32>
      %mul3A_2234 = arith.muli %get3A_2231, %mul3A_2233 : vector<16xi32>
      %add3A_2235 = arith.addi %scan3A_2153, %mul3A_2234 : vector<16xi32>
      %mul3A_2236 = arith.constant 256 : i32
      %mul3A_2237 = arith.muli %scan3A_2130, %mul3A_2236 : i32
      %add3A_2238 = arith.constant 112 : i32
      %add3A_2239 = arith.addi %mul3A_2237, %add3A_2238 : i32
      %get3A_2240 = arith.index_cast %add3A_2239 : i32 to index
      %get3A_2241 = tpu.vector_load %arg10[%get3A_2240] {strides = array<i32>} : memref<4096xi32, #tpu.memory_space<vmem>>, vector<16xi32>,
      %add3A_2242 = arith.addi %scan3A_2138, %get3A_2241 : vector<16xi32>
      %mul3A_2243 = vector.broadcast %select_n3A_2165 : i32 to vector<16xi32>
      %mul3A_2244 = arith.muli %get3A_2241, %mul3A_2243 : vector<16xi32>
      %add3A_2245 = arith.addi %scan3A_2154, %mul3A_2244 : vector<16xi32>
      %mul3A_2246 = arith.constant 256 : i32
      %mul3A_2247 = arith.muli %scan3A_2130, %mul3A_2246 : i32
      %add3A_2248 = arith.constant 128 : i32
      %add3A_2249 = arith.addi %mul3A_2247, %add3A_2248 : i32
      %get3A_2250 = arith.index_cast %add3A_2249 : i32 to index
      %get3A_2251 = tpu.vector_load %arg10[%get3A_2250] {strides = array<i32>} : memref<4096xi32, #tpu.memory_space<vmem>>, vector<16xi32>,
      %add3A_2252 = arith.addi %scan3A_2139, %get3A_2251 : vector<16xi32>
      %mul3A_2253 = vector.broadcast %select_n3A_2165 : i32 to vector<16xi32>
      %mul3A_2254 = arith.muli %get3A_2251, %mul3A_2253 : vector<16xi32>
      %add3A_2255 = arith.addi %scan3A_2155, %mul3A_2254 : vector<16xi32>
      %mul3A_2256 = arith.constant 256 : i32
      %mul3A_2257 = arith.muli %scan3A_2130, %mul3A_2256 : i32
      %add3A_2258 = arith.constant 144 : i32
      %add3A_2259 = arith.addi %mul3A_2257, %add3A_2258 : i32
      %get3A_2260 = arith.index_cast %add3A_2259 : i32 to index
      %get3A_2261 = tpu.vector_load %arg10[%get3A_2260] {strides = array<i32>} : memref<4096xi32, #tpu.memory_space<vmem>>, vector<16xi32>,
      %add3A_2262 = arith.addi %scan3A_2140, %get3A_2261 : vector<16xi32>
      %mul3A_2263 = vector.broadcast %select_n3A_2165 : i32 to vector<16xi32>
      %mul3A_2264 = arith.muli %get3A_2261, %mul3A_2263 : vector<16xi32>
      %add3A_2265 = arith.addi %scan3A_2156, %mul3A_2264 : vector<16xi32>
      %mul3A_2266 = arith.constant 256 : i32
      %mul3A_2267 = arith.muli %scan3A_2130, %mul3A_2266 : i32
      %add3A_2268 = arith.constant 160 : i32
      %add3A_2269 = arith.addi %mul3A_2267, %add3A_2268 : i32
      %get3A_2270 = arith.index_cast %add3A_2269 : i32 to index
      %get3A_2271 = tpu.vector_load %arg10[%get3A_2270] {strides = array<i32>} : memref<4096xi32, #tpu.memory_space<vmem>>, vector<16xi32>,
      %add3A_2272 = arith.addi %scan3A_2141, %get3A_2271 : vector<16xi32>
      %mul3A_2273 = vector.broadcast %select_n3A_2165 : i32 to vector<16xi32>
      %mul3A_2274 = arith.muli %get3A_2271, %mul3A_2273 : vector<16xi32>
      %add3A_2275 = arith.addi %scan3A_2157, %mul3A_2274 : vector<16xi32>
      %mul3A_2276 = arith.constant 256 : i32
      %mul3A_2277 = arith.muli %scan3A_2130, %mul3A_2276 : i32
      %add3A_2278 = arith.constant 176 : i32
      %add3A_2279 = arith.addi %mul3A_2277, %add3A_2278 : i32
      %get3A_2280 = arith.index_cast %add3A_2279 : i32 to index
      %get3A_2281 = tpu.vector_load %arg10[%get3A_2280] {strides = array<i32>} : memref<4096xi32, #tpu.memory_space<vmem>>, vector<16xi32>,
      %add3A_2282 = arith.addi %scan3A_2142, %get3A_2281 : vector<16xi32>
      %mul3A_2283 = vector.broadcast %select_n3A_2165 : i32 to vector<16xi32>
      %mul3A_2284 = arith.muli %get3A_2281, %mul3A_2283 : vector<16xi32>
      %add3A_2285 = arith.addi %scan3A_2158, %mul3A_2284 : vector<16xi32>
      %mul3A_2286 = arith.constant 256 : i32
      %mul3A_2287 = arith.muli %scan3A_2130, %mul3A_2286 : i32
      %add3A_2288 = arith.constant 192 : i32
      %add3A_2289 = arith.addi %mul3A_2287, %add3A_2288 : i32
      %get3A_2290 = arith.index_cast %add3A_2289 : i32 to index
      %get3A_2291 = tpu.vector_load %arg10[%get3A_2290] {strides = array<i32>} : memref<4096xi32, #tpu.memory_space<vmem>>, vector<16xi32>,
      %add3A_2292 = arith.addi %scan3A_2143, %get3A_2291 : vector<16xi32>
      %mul3A_2293 = vector.broadcast %select_n3A_2165 : i32 to vector<16xi32>
      %mul3A_2294 = arith.muli %get3A_2291, %mul3A_2293 : vector<16xi32>
      %add3A_2295 = arith.addi %scan3A_2159, %mul3A_2294 : vector<16xi32>
      %mul3A_2296 = arith.constant 256 : i32
      %mul3A_2297 = arith.muli %scan3A_2130, %mul3A_2296 : i32
      %add3A_2298 = arith.constant 208 : i32
      %add3A_2299 = arith.addi %mul3A_2297, %add3A_2298 : i32
      %get3A_2300 = arith.index_cast %add3A_2299 : i32 to index
      %get3A_2301 = tpu.vector_load %arg10[%get3A_2300] {strides = array<i32>} : memref<4096xi32, #tpu.memory_space<vmem>>, vector<16xi32>,
      %add3A_2302 = arith.addi %scan3A_2144, %get3A_2301 : vector<16xi32>
      %mul3A_2303 = vector.broadcast %select_n3A_2165 : i32 to vector<16xi32>
      %mul3A_2304 = arith.muli %get3A_2301, %mul3A_2303 : vector<16xi32>
      %add3A_2305 = arith.addi %scan3A_2160, %mul3A_2304 : vector<16xi32>
      %mul3A_2306 = arith.constant 256 : i32
      %mul3A_2307 = arith.muli %scan3A_2130, %mul3A_2306 : i32
      %add3A_2308 = arith.constant 224 : i32
      %add3A_2309 = arith.addi %mul3A_2307, %add3A_2308 : i32
      %get3A_2310 = arith.index_cast %add3A_2309 : i32 to index
      %get3A_2311 = tpu.vector_load %arg10[%get3A_2310] {strides = array<i32>} : memref<4096xi32, #tpu.memory_space<vmem>>, vector<16xi32>,
      %add3A_2312 = arith.addi %scan3A_2145, %get3A_2311 : vector<16xi32>
      %mul3A_2313 = vector.broadcast %select_n3A_2165 : i32 to vector<16xi32>
      %mul3A_2314 = arith.muli %get3A_2311, %mul3A_2313 : vector<16xi32>
      %add3A_2315 = arith.addi %scan3A_2161, %mul3A_2314 : vector<16xi32>
      %mul3A_2316 = arith.constant 256 : i32
      %mul3A_2317 = arith.muli %scan3A_2130, %mul3A_2316 : i32
      %add3A_2318 = arith.constant 240 : i32
      %add3A_2319 = arith.addi %mul3A_2317, %add3A_2318 : i32
      %get3A_2320 = arith.index_cast %add3A_2319 : i32 to index
      %get3A_2321 = tpu.vector_load %arg10[%get3A_2320] {strides = array<i32>} : memref<4096xi32, #tpu.memory_space<vmem>>, vector<16xi32>,
      %add3A_2322 = arith.addi %scan3A_2146, %get3A_2321 : vector<16xi32>
      %mul3A_2323 = vector.broadcast %select_n3A_2165 : i32 to vector<16xi32>
      %mul3A_2324 = arith.muli %get3A_2321, %mul3A_2323 : vector<16xi32>
      %add3A_2325 = arith.addi %scan3A_2162, %mul3A_2324 : vector<16xi32>
      scf.yield %add3A_2172, %add3A_2182, %add3A_2192, %add3A_2202, %add3A_2212, %add3A_2222, %add3A_2232, %add3A_2242, %add3A_2252, %add3A_2262, %add3A_2272, %add3A_2282, %add3A_2292, %add3A_2302, %add3A_2312, %add3A_2322, %add3A_2175, %add3A_2185, %add3A_2195, %add3A_2205, %add3A_2215, %add3A_2225, %add3A_2235, %add3A_2245, %add3A_2255, %add3A_2265, %add3A_2275, %add3A_2285, %add3A_2295, %add3A_2305, %add3A_2315, %add3A_2325 : vector<16xi32>, vector<16xi32>, vector<16xi32>, vector<16xi32>, vector<16xi32>, vector<16xi32>, vector<16xi32>, vector<16xi32>, vector<16xi32>, vector<16xi32>, vector<16xi32>, vector<16xi32>, vector<16xi32>, vector<16xi32>, vector<16xi32>, vector<16xi32>, vector<16xi32>, vector<16xi32>, vector<16xi32>, vector<16xi32>, vector<16xi32>, vector<16xi32>, vector<16xi32>, vector<16xi32>, vector<16xi32>, vector<16xi32>, vector<16xi32>, vector<16xi32>, vector<16xi32>, vector<16xi32>, vector<16xi32>, vector<16xi32>
    }
    %scan3A_119 = arith.constant 16 : i32
    %broadcast_in_dim3A_120 = arith.constant true
    %broadcast_in_dim3A_121 = vector.broadcast %broadcast_in_dim3A_120 : i1 to vector<16xi1>
    %masked_cumsum3A = tpu.scan <sum>, %scan3A_118#0 masked %broadcast_in_dim3A_121 : vector<16xi32>, vector<16xi1> -> vector<16xi32>
    %sub3A = arith.subi %masked_cumsum3A, %scan3A_118#0 : vector<16xi32>
    %add3A = arith.constant 0 : i32
    %add3A_122 = vector.broadcast %add3A : i32 to vector<16xi32>
    %add3A_123 = arith.addi %sub3A, %add3A_122 : vector<16xi32>
    %add3A_124 = arith.addi %add3A_123, %scan3A_118#16 : vector<16xi32>
    %swap3A_125 = arith.constant 0 : index
    %swap3A_126 = tpu.vector_load %arg12[%swap3A_125] {strides = array<i32>} : memref<256xi32, #tpu.memory_space<vmem>>, vector<16xi32>,
    tpu.vector_store %arg12[%swap3A_125], %add3A_124 {strides = array<i32>} : memref<256xi32, #tpu.memory_space<vmem>>, vector<16xi32>,
    %reduce_sum3A = arith.constant true
    %reduce_sum3A_127 = vector.broadcast %reduce_sum3A : i1 to vector<16xi1>
    %reduce_sum3A_128 = tpu.scan <sum>, %scan3A_118#0 masked %reduce_sum3A_127 : vector<16xi32>, vector<16xi1> -> vector<16xi32>
    %reduce_sum3A_129 = vector.extract %reduce_sum3A_128[15] : i32 from vector<16xi32>
    %add3A_130 = arith.constant 0 : i32
    %add3A_131 = arith.addi %add3A_130, %reduce_sum3A_129 : i32
    %broadcast_in_dim3A_132 = arith.constant true
    %broadcast_in_dim3A_133 = vector.broadcast %broadcast_in_dim3A_132 : i1 to vector<16xi1>
    %masked_cumsum3A_134 = tpu.scan <sum>, %scan3A_118#1 masked %broadcast_in_dim3A_133 : vector<16xi32>, vector<16xi1> -> vector<16xi32>
    %sub3A_135 = arith.subi %masked_cumsum3A_134, %scan3A_118#1 : vector<16xi32>
    %add3A_136 = vector.broadcast %add3A_131 : i32 to vector<16xi32>
    %add3A_137 = arith.addi %sub3A_135, %add3A_136 : vector<16xi32>
    %add3A_138 = arith.addi %add3A_137, %scan3A_118#17 : vector<16xi32>
    %swap3A_139 = arith.constant 16 : index
    %swap3A_140 = tpu.vector_load %arg12[%swap3A_139] {strides = array<i32>} : memref<256xi32, #tpu.memory_space<vmem>>, vector<16xi32>,
    tpu.vector_store %arg12[%swap3A_139], %add3A_138 {strides = array<i32>} : memref<256xi32, #tpu.memory_space<vmem>>, vector<16xi32>,
    %reduce_sum3A_141 = arith.constant true
    %reduce_sum3A_142 = vector.broadcast %reduce_sum3A_141 : i1 to vector<16xi1>
    %reduce_sum3A_143 = tpu.scan <sum>, %scan3A_118#1 masked %reduce_sum3A_142 : vector<16xi32>, vector<16xi1> -> vector<16xi32>
    %reduce_sum3A_144 = vector.extract %reduce_sum3A_143[15] : i32 from vector<16xi32>
    %add3A_145 = arith.addi %add3A_131, %reduce_sum3A_144 : i32
    %broadcast_in_dim3A_146 = arith.constant true
    %broadcast_in_dim3A_147 = vector.broadcast %broadcast_in_dim3A_146 : i1 to vector<16xi1>
    %masked_cumsum3A_148 = tpu.scan <sum>, %scan3A_118#2 masked %broadcast_in_dim3A_147 : vector<16xi32>, vector<16xi1> -> vector<16xi32>
    %sub3A_149 = arith.subi %masked_cumsum3A_148, %scan3A_118#2 : vector<16xi32>
    %add3A_150 = vector.broadcast %add3A_145 : i32 to vector<16xi32>
    %add3A_151 = arith.addi %sub3A_149, %add3A_150 : vector<16xi32>
    %add3A_152 = arith.addi %add3A_151, %scan3A_118#18 : vector<16xi32>
    %swap3A_153 = arith.constant 32 : index
    %swap3A_154 = tpu.vector_load %arg12[%swap3A_153] {strides = array<i32>} : memref<256xi32, #tpu.memory_space<vmem>>, vector<16xi32>,
    tpu.vector_store %arg12[%swap3A_153], %add3A_152 {strides = array<i32>} : memref<256xi32, #tpu.memory_space<vmem>>, vector<16xi32>,
    %reduce_sum3A_155 = arith.constant true
    %reduce_sum3A_156 = vector.broadcast %reduce_sum3A_155 : i1 to vector<16xi1>
    %reduce_sum3A_157 = tpu.scan <sum>, %scan3A_118#2 masked %reduce_sum3A_156 : vector<16xi32>, vector<16xi1> -> vector<16xi32>
    %reduce_sum3A_158 = vector.extract %reduce_sum3A_157[15] : i32 from vector<16xi32>
    %add3A_159 = arith.addi %add3A_145, %reduce_sum3A_158 : i32
    %broadcast_in_dim3A_160 = arith.constant true
    %broadcast_in_dim3A_161 = vector.broadcast %broadcast_in_dim3A_160 : i1 to vector<16xi1>
    %masked_cumsum3A_162 = tpu.scan <sum>, %scan3A_118#3 masked %broadcast_in_dim3A_161 : vector<16xi32>, vector<16xi1> -> vector<16xi32>
    %sub3A_163 = arith.subi %masked_cumsum3A_162, %scan3A_118#3 : vector<16xi32>
    %add3A_164 = vector.broadcast %add3A_159 : i32 to vector<16xi32>
    %add3A_165 = arith.addi %sub3A_163, %add3A_164 : vector<16xi32>
    %add3A_166 = arith.addi %add3A_165, %scan3A_118#19 : vector<16xi32>
    %swap3A_167 = arith.constant 48 : index
    %swap3A_168 = tpu.vector_load %arg12[%swap3A_167] {strides = array<i32>} : memref<256xi32, #tpu.memory_space<vmem>>, vector<16xi32>,
    tpu.vector_store %arg12[%swap3A_167], %add3A_166 {strides = array<i32>} : memref<256xi32, #tpu.memory_space<vmem>>, vector<16xi32>,
    %reduce_sum3A_169 = arith.constant true
    %reduce_sum3A_170 = vector.broadcast %reduce_sum3A_169 : i1 to vector<16xi1>
    %reduce_sum3A_171 = tpu.scan <sum>, %scan3A_118#3 masked %reduce_sum3A_170 : vector<16xi32>, vector<16xi1> -> vector<16xi32>
    %reduce_sum3A_172 = vector.extract %reduce_sum3A_171[15] : i32 from vector<16xi32>
    %add3A_173 = arith.addi %add3A_159, %reduce_sum3A_172 : i32
    %broadcast_in_dim3A_174 = arith.constant true
    %broadcast_in_dim3A_175 = vector.broadcast %broadcast_in_dim3A_174 : i1 to vector<16xi1>
    %masked_cumsum3A_176 = tpu.scan <sum>, %scan3A_118#4 masked %broadcast_in_dim3A_175 : vector<16xi32>, vector<16xi1> -> vector<16xi32>
    %sub3A_177 = arith.subi %masked_cumsum3A_176, %scan3A_118#4 : vector<16xi32>
    %add3A_178 = vector.broadcast %add3A_173 : i32 to vector<16xi32>
    %add3A_179 = arith.addi %sub3A_177, %add3A_178 : vector<16xi32>
    %add3A_180 = arith.addi %add3A_179, %scan3A_118#20 : vector<16xi32>
    %swap3A_181 = arith.constant 64 : index
    %swap3A_182 = tpu.vector_load %arg12[%swap3A_181] {strides = array<i32>} : memref<256xi32, #tpu.memory_space<vmem>>, vector<16xi32>,
    tpu.vector_store %arg12[%swap3A_181], %add3A_180 {strides = array<i32>} : memref<256xi32, #tpu.memory_space<vmem>>, vector<16xi32>,
    %reduce_sum3A_183 = arith.constant true
    %reduce_sum3A_184 = vector.broadcast %reduce_sum3A_183 : i1 to vector<16xi1>
    %reduce_sum3A_185 = tpu.scan <sum>, %scan3A_118#4 masked %reduce_sum3A_184 : vector<16xi32>, vector<16xi1> -> vector<16xi32>
    %reduce_sum3A_186 = vector.extract %reduce_sum3A_185[15] : i32 from vector<16xi32>
    %add3A_187 = arith.addi %add3A_173, %reduce_sum3A_186 : i32
    %broadcast_in_dim3A_188 = arith.constant true
    %broadcast_in_dim3A_189 = vector.broadcast %broadcast_in_dim3A_188 : i1 to vector<16xi1>
    %masked_cumsum3A_190 = tpu.scan <sum>, %scan3A_118#5 masked %broadcast_in_dim3A_189 : vector<16xi32>, vector<16xi1> -> vector<16xi32>
    %sub3A_191 = arith.subi %masked_cumsum3A_190, %scan3A_118#5 : vector<16xi32>
    %add3A_192 = vector.broadcast %add3A_187 : i32 to vector<16xi32>
    %add3A_193 = arith.addi %sub3A_191, %add3A_192 : vector<16xi32>
    %add3A_194 = arith.addi %add3A_193, %scan3A_118#21 : vector<16xi32>
    %swap3A_195 = arith.constant 80 : index
    %swap3A_196 = tpu.vector_load %arg12[%swap3A_195] {strides = array<i32>} : memref<256xi32, #tpu.memory_space<vmem>>, vector<16xi32>,
    tpu.vector_store %arg12[%swap3A_195], %add3A_194 {strides = array<i32>} : memref<256xi32, #tpu.memory_space<vmem>>, vector<16xi32>,
    %reduce_sum3A_197 = arith.constant true
    %reduce_sum3A_198 = vector.broadcast %reduce_sum3A_197 : i1 to vector<16xi1>
    %reduce_sum3A_199 = tpu.scan <sum>, %scan3A_118#5 masked %reduce_sum3A_198 : vector<16xi32>, vector<16xi1> -> vector<16xi32>
    %reduce_sum3A_200 = vector.extract %reduce_sum3A_199[15] : i32 from vector<16xi32>
    %add3A_201 = arith.addi %add3A_187, %reduce_sum3A_200 : i32
    %broadcast_in_dim3A_202 = arith.constant true
    %broadcast_in_dim3A_203 = vector.broadcast %broadcast_in_dim3A_202 : i1 to vector<16xi1>
    %masked_cumsum3A_204 = tpu.scan <sum>, %scan3A_118#6 masked %broadcast_in_dim3A_203 : vector<16xi32>, vector<16xi1> -> vector<16xi32>
    %sub3A_205 = arith.subi %masked_cumsum3A_204, %scan3A_118#6 : vector<16xi32>
    %add3A_206 = vector.broadcast %add3A_201 : i32 to vector<16xi32>
    %add3A_207 = arith.addi %sub3A_205, %add3A_206 : vector<16xi32>
    %add3A_208 = arith.addi %add3A_207, %scan3A_118#22 : vector<16xi32>
    %swap3A_209 = arith.constant 96 : index
    %swap3A_210 = tpu.vector_load %arg12[%swap3A_209] {strides = array<i32>} : memref<256xi32, #tpu.memory_space<vmem>>, vector<16xi32>,
    tpu.vector_store %arg12[%swap3A_209], %add3A_208 {strides = array<i32>} : memref<256xi32, #tpu.memory_space<vmem>>, vector<16xi32>,
    %reduce_sum3A_211 = arith.constant true
    %reduce_sum3A_212 = vector.broadcast %reduce_sum3A_211 : i1 to vector<16xi1>
    %reduce_sum3A_213 = tpu.scan <sum>, %scan3A_118#6 masked %reduce_sum3A_212 : vector<16xi32>, vector<16xi1> -> vector<16xi32>
    %reduce_sum3A_214 = vector.extract %reduce_sum3A_213[15] : i32 from vector<16xi32>
    %add3A_215 = arith.addi %add3A_201, %reduce_sum3A_214 : i32
    %broadcast_in_dim3A_216 = arith.constant true
    %broadcast_in_dim3A_217 = vector.broadcast %broadcast_in_dim3A_216 : i1 to vector<16xi1>
    %masked_cumsum3A_218 = tpu.scan <sum>, %scan3A_118#7 masked %broadcast_in_dim3A_217 : vector<16xi32>, vector<16xi1> -> vector<16xi32>
    %sub3A_219 = arith.subi %masked_cumsum3A_218, %scan3A_118#7 : vector<16xi32>
    %add3A_220 = vector.broadcast %add3A_215 : i32 to vector<16xi32>
    %add3A_221 = arith.addi %sub3A_219, %add3A_220 : vector<16xi32>
    %add3A_222 = arith.addi %add3A_221, %scan3A_118#23 : vector<16xi32>
    %swap3A_223 = arith.constant 112 : index
    %swap3A_224 = tpu.vector_load %arg12[%swap3A_223] {strides = array<i32>} : memref<256xi32, #tpu.memory_space<vmem>>, vector<16xi32>,
    tpu.vector_store %arg12[%swap3A_223], %add3A_222 {strides = array<i32>} : memref<256xi32, #tpu.memory_space<vmem>>, vector<16xi32>,
    %reduce_sum3A_225 = arith.constant true
    %reduce_sum3A_226 = vector.broadcast %reduce_sum3A_225 : i1 to vector<16xi1>
    %reduce_sum3A_227 = tpu.scan <sum>, %scan3A_118#7 masked %reduce_sum3A_226 : vector<16xi32>, vector<16xi1> -> vector<16xi32>
    %reduce_sum3A_228 = vector.extract %reduce_sum3A_227[15] : i32 from vector<16xi32>
    %add3A_229 = arith.addi %add3A_215, %reduce_sum3A_228 : i32
    %broadcast_in_dim3A_230 = arith.constant true
    %broadcast_in_dim3A_231 = vector.broadcast %broadcast_in_dim3A_230 : i1 to vector<16xi1>
    %masked_cumsum3A_232 = tpu.scan <sum>, %scan3A_118#8 masked %broadcast_in_dim3A_231 : vector<16xi32>, vector<16xi1> -> vector<16xi32>
    %sub3A_233 = arith.subi %masked_cumsum3A_232, %scan3A_118#8 : vector<16xi32>
    %add3A_234 = vector.broadcast %add3A_229 : i32 to vector<16xi32>
    %add3A_235 = arith.addi %sub3A_233, %add3A_234 : vector<16xi32>
    %add3A_236 = arith.addi %add3A_235, %scan3A_118#24 : vector<16xi32>
    %swap3A_237 = arith.constant 128 : index
    %swap3A_238 = tpu.vector_load %arg12[%swap3A_237] {strides = array<i32>} : memref<256xi32, #tpu.memory_space<vmem>>, vector<16xi32>,
    tpu.vector_store %arg12[%swap3A_237], %add3A_236 {strides = array<i32>} : memref<256xi32, #tpu.memory_space<vmem>>, vector<16xi32>,
    %reduce_sum3A_239 = arith.constant true
    %reduce_sum3A_240 = vector.broadcast %reduce_sum3A_239 : i1 to vector<16xi1>
    %reduce_sum3A_241 = tpu.scan <sum>, %scan3A_118#8 masked %reduce_sum3A_240 : vector<16xi32>, vector<16xi1> -> vector<16xi32>
    %reduce_sum3A_242 = vector.extract %reduce_sum3A_241[15] : i32 from vector<16xi32>
    %add3A_243 = arith.addi %add3A_229, %reduce_sum3A_242 : i32
    %broadcast_in_dim3A_244 = arith.constant true
    %broadcast_in_dim3A_245 = vector.broadcast %broadcast_in_dim3A_244 : i1 to vector<16xi1>
    %masked_cumsum3A_246 = tpu.scan <sum>, %scan3A_118#9 masked %broadcast_in_dim3A_245 : vector<16xi32>, vector<16xi1> -> vector<16xi32>
    %sub3A_247 = arith.subi %masked_cumsum3A_246, %scan3A_118#9 : vector<16xi32>
    %add3A_248 = vector.broadcast %add3A_243 : i32 to vector<16xi32>
    %add3A_249 = arith.addi %sub3A_247, %add3A_248 : vector<16xi32>
    %add3A_250 = arith.addi %add3A_249, %scan3A_118#25 : vector<16xi32>
    %swap3A_251 = arith.constant 144 : index
    %swap3A_252 = tpu.vector_load %arg12[%swap3A_251] {strides = array<i32>} : memref<256xi32, #tpu.memory_space<vmem>>, vector<16xi32>,
    tpu.vector_store %arg12[%swap3A_251], %add3A_250 {strides = array<i32>} : memref<256xi32, #tpu.memory_space<vmem>>, vector<16xi32>,
    %reduce_sum3A_253 = arith.constant true
    %reduce_sum3A_254 = vector.broadcast %reduce_sum3A_253 : i1 to vector<16xi1>
    %reduce_sum3A_255 = tpu.scan <sum>, %scan3A_118#9 masked %reduce_sum3A_254 : vector<16xi32>, vector<16xi1> -> vector<16xi32>
    %reduce_sum3A_256 = vector.extract %reduce_sum3A_255[15] : i32 from vector<16xi32>
    %add3A_257 = arith.addi %add3A_243, %reduce_sum3A_256 : i32
    %broadcast_in_dim3A_258 = arith.constant true
    %broadcast_in_dim3A_259 = vector.broadcast %broadcast_in_dim3A_258 : i1 to vector<16xi1>
    %masked_cumsum3A_260 = tpu.scan <sum>, %scan3A_118#10 masked %broadcast_in_dim3A_259 : vector<16xi32>, vector<16xi1> -> vector<16xi32>
    %sub3A_261 = arith.subi %masked_cumsum3A_260, %scan3A_118#10 : vector<16xi32>
    %add3A_262 = vector.broadcast %add3A_257 : i32 to vector<16xi32>
    %add3A_263 = arith.addi %sub3A_261, %add3A_262 : vector<16xi32>
    %add3A_264 = arith.addi %add3A_263, %scan3A_118#26 : vector<16xi32>
    %swap3A_265 = arith.constant 160 : index
    %swap3A_266 = tpu.vector_load %arg12[%swap3A_265] {strides = array<i32>} : memref<256xi32, #tpu.memory_space<vmem>>, vector<16xi32>,
    tpu.vector_store %arg12[%swap3A_265], %add3A_264 {strides = array<i32>} : memref<256xi32, #tpu.memory_space<vmem>>, vector<16xi32>,
    %reduce_sum3A_267 = arith.constant true
    %reduce_sum3A_268 = vector.broadcast %reduce_sum3A_267 : i1 to vector<16xi1>
    %reduce_sum3A_269 = tpu.scan <sum>, %scan3A_118#10 masked %reduce_sum3A_268 : vector<16xi32>, vector<16xi1> -> vector<16xi32>
    %reduce_sum3A_270 = vector.extract %reduce_sum3A_269[15] : i32 from vector<16xi32>
    %add3A_271 = arith.addi %add3A_257, %reduce_sum3A_270 : i32
    %broadcast_in_dim3A_272 = arith.constant true
    %broadcast_in_dim3A_273 = vector.broadcast %broadcast_in_dim3A_272 : i1 to vector<16xi1>
    %masked_cumsum3A_274 = tpu.scan <sum>, %scan3A_118#11 masked %broadcast_in_dim3A_273 : vector<16xi32>, vector<16xi1> -> vector<16xi32>
    %sub3A_275 = arith.subi %masked_cumsum3A_274, %scan3A_118#11 : vector<16xi32>
    %add3A_276 = vector.broadcast %add3A_271 : i32 to vector<16xi32>
    %add3A_277 = arith.addi %sub3A_275, %add3A_276 : vector<16xi32>
    %add3A_278 = arith.addi %add3A_277, %scan3A_118#27 : vector<16xi32>
    %swap3A_279 = arith.constant 176 : index
    %swap3A_280 = tpu.vector_load %arg12[%swap3A_279] {strides = array<i32>} : memref<256xi32, #tpu.memory_space<vmem>>, vector<16xi32>,
    tpu.vector_store %arg12[%swap3A_279], %add3A_278 {strides = array<i32>} : memref<256xi32, #tpu.memory_space<vmem>>, vector<16xi32>,
    %reduce_sum3A_281 = arith.constant true
    %reduce_sum3A_282 = vector.broadcast %reduce_sum3A_281 : i1 to vector<16xi1>
    %reduce_sum3A_283 = tpu.scan <sum>, %scan3A_118#11 masked %reduce_sum3A_282 : vector<16xi32>, vector<16xi1> -> vector<16xi32>
    %reduce_sum3A_284 = vector.extract %reduce_sum3A_283[15] : i32 from vector<16xi32>
    %add3A_285 = arith.addi %add3A_271, %reduce_sum3A_284 : i32
    %broadcast_in_dim3A_286 = arith.constant true
    %broadcast_in_dim3A_287 = vector.broadcast %broadcast_in_dim3A_286 : i1 to vector<16xi1>
    %masked_cumsum3A_288 = tpu.scan <sum>, %scan3A_118#12 masked %broadcast_in_dim3A_287 : vector<16xi32>, vector<16xi1> -> vector<16xi32>
    %sub3A_289 = arith.subi %masked_cumsum3A_288, %scan3A_118#12 : vector<16xi32>
    %add3A_290 = vector.broadcast %add3A_285 : i32 to vector<16xi32>
    %add3A_291 = arith.addi %sub3A_289, %add3A_290 : vector<16xi32>
    %add3A_292 = arith.addi %add3A_291, %scan3A_118#28 : vector<16xi32>
    %swap3A_293 = arith.constant 192 : index
    %swap3A_294 = tpu.vector_load %arg12[%swap3A_293] {strides = array<i32>} : memref<256xi32, #tpu.memory_space<vmem>>, vector<16xi32>,
    tpu.vector_store %arg12[%swap3A_293], %add3A_292 {strides = array<i32>} : memref<256xi32, #tpu.memory_space<vmem>>, vector<16xi32>,
    %reduce_sum3A_295 = arith.constant true
    %reduce_sum3A_296 = vector.broadcast %reduce_sum3A_295 : i1 to vector<16xi1>
    %reduce_sum3A_297 = tpu.scan <sum>, %scan3A_118#12 masked %reduce_sum3A_296 : vector<16xi32>, vector<16xi1> -> vector<16xi32>
    %reduce_sum3A_298 = vector.extract %reduce_sum3A_297[15] : i32 from vector<16xi32>
    %add3A_299 = arith.addi %add3A_285, %reduce_sum3A_298 : i32
    %broadcast_in_dim3A_300 = arith.constant true
    %broadcast_in_dim3A_301 = vector.broadcast %broadcast_in_dim3A_300 : i1 to vector<16xi1>
    %masked_cumsum3A_302 = tpu.scan <sum>, %scan3A_118#13 masked %broadcast_in_dim3A_301 : vector<16xi32>, vector<16xi1> -> vector<16xi32>
    %sub3A_303 = arith.subi %masked_cumsum3A_302, %scan3A_118#13 : vector<16xi32>
    %add3A_304 = vector.broadcast %add3A_299 : i32 to vector<16xi32>
    %add3A_305 = arith.addi %sub3A_303, %add3A_304 : vector<16xi32>
    %add3A_306 = arith.addi %add3A_305, %scan3A_118#29 : vector<16xi32>
    %swap3A_307 = arith.constant 208 : index
    %swap3A_308 = tpu.vector_load %arg12[%swap3A_307] {strides = array<i32>} : memref<256xi32, #tpu.memory_space<vmem>>, vector<16xi32>,
    tpu.vector_store %arg12[%swap3A_307], %add3A_306 {strides = array<i32>} : memref<256xi32, #tpu.memory_space<vmem>>, vector<16xi32>,
    %reduce_sum3A_309 = arith.constant true
    %reduce_sum3A_310 = vector.broadcast %reduce_sum3A_309 : i1 to vector<16xi1>
    %reduce_sum3A_311 = tpu.scan <sum>, %scan3A_118#13 masked %reduce_sum3A_310 : vector<16xi32>, vector<16xi1> -> vector<16xi32>
    %reduce_sum3A_312 = vector.extract %reduce_sum3A_311[15] : i32 from vector<16xi32>
    %add3A_313 = arith.addi %add3A_299, %reduce_sum3A_312 : i32
    %broadcast_in_dim3A_314 = arith.constant true
    %broadcast_in_dim3A_315 = vector.broadcast %broadcast_in_dim3A_314 : i1 to vector<16xi1>
    %masked_cumsum3A_316 = tpu.scan <sum>, %scan3A_118#14 masked %broadcast_in_dim3A_315 : vector<16xi32>, vector<16xi1> -> vector<16xi32>
    %sub3A_317 = arith.subi %masked_cumsum3A_316, %scan3A_118#14 : vector<16xi32>
    %add3A_318 = vector.broadcast %add3A_313 : i32 to vector<16xi32>
    %add3A_319 = arith.addi %sub3A_317, %add3A_318 : vector<16xi32>
    %add3A_320 = arith.addi %add3A_319, %scan3A_118#30 : vector<16xi32>
    %swap3A_321 = arith.constant 224 : index
    %swap3A_322 = tpu.vector_load %arg12[%swap3A_321] {strides = array<i32>} : memref<256xi32, #tpu.memory_space<vmem>>, vector<16xi32>,
    tpu.vector_store %arg12[%swap3A_321], %add3A_320 {strides = array<i32>} : memref<256xi32, #tpu.memory_space<vmem>>, vector<16xi32>,
    %reduce_sum3A_323 = arith.constant true
    %reduce_sum3A_324 = vector.broadcast %reduce_sum3A_323 : i1 to vector<16xi1>
    %reduce_sum3A_325 = tpu.scan <sum>, %scan3A_118#14 masked %reduce_sum3A_324 : vector<16xi32>, vector<16xi1> -> vector<16xi32>
    %reduce_sum3A_326 = vector.extract %reduce_sum3A_325[15] : i32 from vector<16xi32>
    %add3A_327 = arith.addi %add3A_313, %reduce_sum3A_326 : i32
    %broadcast_in_dim3A_328 = arith.constant true
    %broadcast_in_dim3A_329 = vector.broadcast %broadcast_in_dim3A_328 : i1 to vector<16xi1>
    %masked_cumsum3A_330 = tpu.scan <sum>, %scan3A_118#15 masked %broadcast_in_dim3A_329 : vector<16xi32>, vector<16xi1> -> vector<16xi32>
    %sub3A_331 = arith.subi %masked_cumsum3A_330, %scan3A_118#15 : vector<16xi32>
    %add3A_332 = vector.broadcast %add3A_327 : i32 to vector<16xi32>
    %add3A_333 = arith.addi %sub3A_331, %add3A_332 : vector<16xi32>
    %add3A_334 = arith.addi %add3A_333, %scan3A_118#31 : vector<16xi32>
    %swap3A_335 = arith.constant 240 : index
    %swap3A_336 = tpu.vector_load %arg12[%swap3A_335] {strides = array<i32>} : memref<256xi32, #tpu.memory_space<vmem>>, vector<16xi32>,
    tpu.vector_store %arg12[%swap3A_335], %add3A_334 {strides = array<i32>} : memref<256xi32, #tpu.memory_space<vmem>>, vector<16xi32>,
    %reduce_sum3A_337 = arith.constant true
    %reduce_sum3A_338 = vector.broadcast %reduce_sum3A_337 : i1 to vector<16xi1>
    %reduce_sum3A_339 = tpu.scan <sum>, %scan3A_118#15 masked %reduce_sum3A_338 : vector<16xi32>, vector<16xi1> -> vector<16xi32>
    %reduce_sum3A_340 = vector.extract %reduce_sum3A_339[15] : i32 from vector<16xi32>
    %add3A_341 = arith.addi %add3A_327, %reduce_sum3A_340 : i32
    %get3A = arith.constant 0 : index
    %get3A_342 = tpu.vector_load %arg8[%get3A] {strides = array<i32>} : memref<512xi32, #tpu.memory_space<vmem>>, vector<16xi32>,
    %shift_right_logical3A = arith.constant 4 : i32
    %shift_right_logical3A_343 = vector.broadcast %shift_right_logical3A : i32 to vector<16xi32>
    %shift_right_logical3A_344 = arith.shrui %get3A_342, %shift_right_logical3A_343 : vector<16xi32>
    %and3A = arith.constant 15 : i32
    %and3A_345 = vector.broadcast %and3A : i32 to vector<16xi32>
    %and3A_346 = arith.andi %get3A_342, %and3A_345 : vector<16xi32>
    %swap3A_347 = arith.constant 0 : index
    %swap3A_348 = tpu.vector_load %arg13[%swap3A_347] {strides = array<i32>} : memref<16xi32, #tpu.memory_space<vmem>>, vector<16xi32>,
    tpu.vector_store %arg13[%swap3A_347], %shift_right_logical3A_344 {strides = array<i32>} : memref<16xi32, #tpu.memory_space<vmem>>, vector<16xi32>,
    %sub3A_349 = arith.constant 1 : i32
    %sub3A_350 = vector.broadcast %sub3A_349 : i32 to vector<16xi32>
    %sub3A_351 = arith.subi %iota3A, %sub3A_350 : vector<16xi32>
    %max3A = arith.constant 0 : i32
    %max3A_352 = vector.broadcast %max3A : i32 to vector<16xi32>
    %max3A_353 = arith.maxsi %sub3A_351, %max3A_352 : vector<16xi32>
    %gather3A = tpu.vector_load_idx %arg13[%max3A_353] : memref<16xi32, #tpu.memory_space<vmem>>[vector<16xi32>], vector<16xi32>,
    %add3A_354 = arith.constant 1 : i32
    %add3A_355 = vector.broadcast %add3A_354 : i32 to vector<16xi32>
    %add3A_356 = arith.addi %iota3A, %add3A_355 : vector<16xi32>
    %min3A = arith.constant 15 : i32
    %min3A_357 = vector.broadcast %min3A : i32 to vector<16xi32>
    %min3A_358 = arith.minsi %add3A_356, %min3A_357 : vector<16xi32>
    %gather3A_359 = tpu.vector_load_idx %arg13[%min3A_358] : memref<16xi32, #tpu.memory_space<vmem>>[vector<16xi32>], vector<16xi32>,
    %eq3A = arith.constant 0 : i32
    %eq3A_360 = vector.broadcast %eq3A : i32 to vector<16xi32>
    %eq3A_361 = arith.cmpi eq, %iota3A, %eq3A_360 : vector<16xi32>
    %ne3A = arith.cmpi ne, %shift_right_logical3A_344, %gather3A : vector<16xi32>
    %or3A = arith.ori %eq3A_361, %ne3A : vector<16xi1>
    %eq3A_362 = arith.constant 15 : i32
    %eq3A_363 = vector.broadcast %eq3A_362 : i32 to vector<16xi32>
    %eq3A_364 = arith.cmpi eq, %iota3A, %eq3A_363 : vector<16xi32>
    %ne3A_365 = arith.cmpi ne, %shift_right_logical3A_344, %gather3A_359 : vector<16xi32>
    %or3A_366 = arith.ori %eq3A_364, %ne3A_365 : vector<16xi1>
    %jit3A = arith.constant 0 : i32
    %broadcast_in_dim3A_367 = vector.broadcast %jit3A : i32 to vector<16xi32>
    %select_n3A = arith.select %or3A, %iota3A, %broadcast_in_dim3A_367 : vector<16xi1>, vector<16xi32>
    %broadcast_in_dim3A_368 = arith.constant true
    %broadcast_in_dim3A_369 = vector.broadcast %broadcast_in_dim3A_368 : i1 to vector<16xi1>
    %masked_cummax3A = arith.constant -2147483648 : i32
    %masked_cummax3A_370 = vector.broadcast %masked_cummax3A : i32 to vector<16xi32>
    %masked_cummax3A_371 = arith.xori %select_n3A, %masked_cummax3A_370 : vector<16xi32>
    %masked_cummax3A_372 = tpu.scan <max>, %masked_cummax3A_371 masked %broadcast_in_dim3A_369 : vector<16xi32>, vector<16xi1> -> vector<16xi32>
    %masked_cummax3A_373 = arith.xori %masked_cummax3A_372, %masked_cummax3A_370 : vector<16xi32>
    %sub3A_374 = arith.subi %iota3A, %masked_cummax3A_373 : vector<16xi32>
    %gather3A_375 = tpu.vector_load_idx %arg12[%shift_right_logical3A_344] : memref<256xi32, #tpu.memory_space<vmem>>[vector<16xi32>], vector<16xi32>,
    %add3A_376 = arith.addi %gather3A_375, %sub3A_374 : vector<16xi32>
    %add3A_377 = arith.constant 1 : i32
    %add3A_378 = vector.broadcast %add3A_377 : i32 to vector<16xi32>
    %add3A_379 = arith.addi %sub3A_374, %add3A_378 : vector<16xi32>
    tpu.vector_store_idx %arg12[%shift_right_logical3A_344], %add3A_379 masked %or3A_366 {add = true} : memref<256xi32, #tpu.memory_space<vmem>>[vector<16xi32>], vector<16xi32>, vector<16xi1>
    tpu.vector_store_idx %arg14[%and3A_346], %add3A_376 : memref<16xi32, #tpu.memory_space<vmem>>[vector<16xi32>], vector<16xi32>,
    %get3A_380 = arith.constant 0 : index
    %get3A_381 = tpu.vector_load %arg14[%get3A_380] {strides = array<i32>} : memref<16xi32, #tpu.memory_space<vmem>>, vector<16xi32>,
    %swap3A_382 = arith.constant 0 : i32
    %swap3A_383 = arith.index_cast %swap3A_382 : i32 to index
    %swap3A_384 = arith.constant 0 : index
    %swap3A_385 = tpu.vector_load %arg9[%swap3A_383, %swap3A_384] {strides = array<i32>} : memref<4x128xi32, #tpu.memory_space<vmem>>, vector<16xi32>,
    tpu.vector_store %arg9[%swap3A_383, %swap3A_384], %get3A_381 {strides = array<i32>} : memref<4x128xi32, #tpu.memory_space<vmem>>, vector<16xi32>,
    %get3A_386 = arith.constant 16 : index
    %get3A_387 = tpu.vector_load %arg8[%get3A_386] {strides = array<i32>} : memref<512xi32, #tpu.memory_space<vmem>>, vector<16xi32>,
    %shift_right_logical3A_388 = arith.constant 4 : i32
    %shift_right_logical3A_389 = vector.broadcast %shift_right_logical3A_388 : i32 to vector<16xi32>
    %shift_right_logical3A_390 = arith.shrui %get3A_387, %shift_right_logical3A_389 : vector<16xi32>
    %and3A_391 = arith.constant 15 : i32
    %and3A_392 = vector.broadcast %and3A_391 : i32 to vector<16xi32>
    %and3A_393 = arith.andi %get3A_387, %and3A_392 : vector<16xi32>
    %swap3A_394 = arith.constant 0 : index
    %swap3A_395 = tpu.vector_load %arg15[%swap3A_394] {strides = array<i32>} : memref<16xi32, #tpu.memory_space<vmem>>, vector<16xi32>,
    tpu.vector_store %arg15[%swap3A_394], %shift_right_logical3A_390 {strides = array<i32>} : memref<16xi32, #tpu.memory_space<vmem>>, vector<16xi32>,
    %sub3A_396 = arith.constant 1 : i32
    %sub3A_397 = vector.broadcast %sub3A_396 : i32 to vector<16xi32>
    %sub3A_398 = arith.subi %iota3A, %sub3A_397 : vector<16xi32>
    %max3A_399 = arith.constant 0 : i32
    %max3A_400 = vector.broadcast %max3A_399 : i32 to vector<16xi32>
    %max3A_401 = arith.maxsi %sub3A_398, %max3A_400 : vector<16xi32>
    %gather3A_402 = tpu.vector_load_idx %arg15[%max3A_401] : memref<16xi32, #tpu.memory_space<vmem>>[vector<16xi32>], vector<16xi32>,
    %add3A_403 = arith.constant 1 : i32
    %add3A_404 = vector.broadcast %add3A_403 : i32 to vector<16xi32>
    %add3A_405 = arith.addi %iota3A, %add3A_404 : vector<16xi32>
    %min3A_406 = arith.constant 15 : i32
    %min3A_407 = vector.broadcast %min3A_406 : i32 to vector<16xi32>
    %min3A_408 = arith.minsi %add3A_405, %min3A_407 : vector<16xi32>
    %gather3A_409 = tpu.vector_load_idx %arg15[%min3A_408] : memref<16xi32, #tpu.memory_space<vmem>>[vector<16xi32>], vector<16xi32>,
    %eq3A_410 = arith.constant 0 : i32
    %eq3A_411 = vector.broadcast %eq3A_410 : i32 to vector<16xi32>
    %eq3A_412 = arith.cmpi eq, %iota3A, %eq3A_411 : vector<16xi32>
    %ne3A_413 = arith.cmpi ne, %shift_right_logical3A_390, %gather3A_402 : vector<16xi32>
    %or3A_414 = arith.ori %eq3A_412, %ne3A_413 : vector<16xi1>
    %eq3A_415 = arith.constant 15 : i32
    %eq3A_416 = vector.broadcast %eq3A_415 : i32 to vector<16xi32>
    %eq3A_417 = arith.cmpi eq, %iota3A, %eq3A_416 : vector<16xi32>
    %ne3A_418 = arith.cmpi ne, %shift_right_logical3A_390, %gather3A_409 : vector<16xi32>
    %or3A_419 = arith.ori %eq3A_417, %ne3A_418 : vector<16xi1>
    %jit3A_420 = arith.constant 0 : i32
    %broadcast_in_dim3A_421 = vector.broadcast %jit3A_420 : i32 to vector<16xi32>
    %select_n3A_422 = arith.select %or3A_414, %iota3A, %broadcast_in_dim3A_421 : vector<16xi1>, vector<16xi32>
    %broadcast_in_dim3A_423 = arith.constant true
    %broadcast_in_dim3A_424 = vector.broadcast %broadcast_in_dim3A_423 : i1 to vector<16xi1>
    %masked_cummax3A_425 = arith.constant -2147483648 : i32
    %masked_cummax3A_426 = vector.broadcast %masked_cummax3A_425 : i32 to vector<16xi32>
    %masked_cummax3A_427 = arith.xori %select_n3A_422, %masked_cummax3A_426 : vector<16xi32>
    %masked_cummax3A_428 = tpu.scan <max>, %masked_cummax3A_427 masked %broadcast_in_dim3A_424 : vector<16xi32>, vector<16xi1> -> vector<16xi32>
    %masked_cummax3A_429 = arith.xori %masked_cummax3A_428, %masked_cummax3A_426 : vector<16xi32>
    %sub3A_430 = arith.subi %iota3A, %masked_cummax3A_429 : vector<16xi32>
    %gather3A_431 = tpu.vector_load_idx %arg12[%shift_right_logical3A_390] : memref<256xi32, #tpu.memory_space<vmem>>[vector<16xi32>], vector<16xi32>,
    %add3A_432 = arith.addi %gather3A_431, %sub3A_430 : vector<16xi32>
    %add3A_433 = arith.constant 1 : i32
    %add3A_434 = vector.broadcast %add3A_433 : i32 to vector<16xi32>
    %add3A_435 = arith.addi %sub3A_430, %add3A_434 : vector<16xi32>
    tpu.vector_store_idx %arg12[%shift_right_logical3A_390], %add3A_435 masked %or3A_419 {add = true} : memref<256xi32, #tpu.memory_space<vmem>>[vector<16xi32>], vector<16xi32>, vector<16xi1>
    tpu.vector_store_idx %arg14[%and3A_393], %add3A_432 : memref<16xi32, #tpu.memory_space<vmem>>[vector<16xi32>], vector<16xi32>,
    %get3A_436 = arith.constant 0 : index
    %get3A_437 = tpu.vector_load %arg14[%get3A_436] {strides = array<i32>} : memref<16xi32, #tpu.memory_space<vmem>>, vector<16xi32>,
    %swap3A_438 = arith.constant 0 : i32
    %swap3A_439 = arith.index_cast %swap3A_438 : i32 to index
    %swap3A_440 = arith.constant 16 : index
    %swap3A_441 = tpu.vector_load %arg9[%swap3A_439, %swap3A_440] {strides = array<i32>} : memref<4x128xi32, #tpu.memory_space<vmem>>, vector<16xi32>,
    tpu.vector_store %arg9[%swap3A_439, %swap3A_440], %get3A_437 {strides = array<i32>} : memref<4x128xi32, #tpu.memory_space<vmem>>, vector<16xi32>,
    %get3A_442 = arith.constant 32 : index
    %get3A_443 = tpu.vector_load %arg8[%get3A_442] {strides = array<i32>} : memref<512xi32, #tpu.memory_space<vmem>>, vector<16xi32>,
    %shift_right_logical3A_444 = arith.constant 4 : i32
    %shift_right_logical3A_445 = vector.broadcast %shift_right_logical3A_444 : i32 to vector<16xi32>
    %shift_right_logical3A_446 = arith.shrui %get3A_443, %shift_right_logical3A_445 : vector<16xi32>
    %and3A_447 = arith.constant 15 : i32
    %and3A_448 = vector.broadcast %and3A_447 : i32 to vector<16xi32>
    %and3A_449 = arith.andi %get3A_443, %and3A_448 : vector<16xi32>
    %swap3A_450 = arith.constant 0 : index
    %swap3A_451 = tpu.vector_load %arg13[%swap3A_450] {strides = array<i32>} : memref<16xi32, #tpu.memory_space<vmem>>, vector<16xi32>,
    tpu.vector_store %arg13[%swap3A_450], %shift_right_logical3A_446 {strides = array<i32>} : memref<16xi32, #tpu.memory_space<vmem>>, vector<16xi32>,
    %sub3A_452 = arith.constant 1 : i32
    %sub3A_453 = vector.broadcast %sub3A_452 : i32 to vector<16xi32>
    %sub3A_454 = arith.subi %iota3A, %sub3A_453 : vector<16xi32>
    %max3A_455 = arith.constant 0 : i32
    %max3A_456 = vector.broadcast %max3A_455 : i32 to vector<16xi32>
    %max3A_457 = arith.maxsi %sub3A_454, %max3A_456 : vector<16xi32>
    %gather3A_458 = tpu.vector_load_idx %arg13[%max3A_457] : memref<16xi32, #tpu.memory_space<vmem>>[vector<16xi32>], vector<16xi32>,
    %add3A_459 = arith.constant 1 : i32
    %add3A_460 = vector.broadcast %add3A_459 : i32 to vector<16xi32>
    %add3A_461 = arith.addi %iota3A, %add3A_460 : vector<16xi32>
    %min3A_462 = arith.constant 15 : i32
    %min3A_463 = vector.broadcast %min3A_462 : i32 to vector<16xi32>
    %min3A_464 = arith.minsi %add3A_461, %min3A_463 : vector<16xi32>
    %gather3A_465 = tpu.vector_load_idx %arg13[%min3A_464] : memref<16xi32, #tpu.memory_space<vmem>>[vector<16xi32>], vector<16xi32>,
    %eq3A_466 = arith.constant 0 : i32
    %eq3A_467 = vector.broadcast %eq3A_466 : i32 to vector<16xi32>
    %eq3A_468 = arith.cmpi eq, %iota3A, %eq3A_467 : vector<16xi32>
    %ne3A_469 = arith.cmpi ne, %shift_right_logical3A_446, %gather3A_458 : vector<16xi32>
    %or3A_470 = arith.ori %eq3A_468, %ne3A_469 : vector<16xi1>
    %eq3A_471 = arith.constant 15 : i32
    %eq3A_472 = vector.broadcast %eq3A_471 : i32 to vector<16xi32>
    %eq3A_473 = arith.cmpi eq, %iota3A, %eq3A_472 : vector<16xi32>
    %ne3A_474 = arith.cmpi ne, %shift_right_logical3A_446, %gather3A_465 : vector<16xi32>
    %or3A_475 = arith.ori %eq3A_473, %ne3A_474 : vector<16xi1>
    %jit3A_476 = arith.constant 0 : i32
    %broadcast_in_dim3A_477 = vector.broadcast %jit3A_476 : i32 to vector<16xi32>
    %select_n3A_478 = arith.select %or3A_470, %iota3A, %broadcast_in_dim3A_477 : vector<16xi1>, vector<16xi32>
    %broadcast_in_dim3A_479 = arith.constant true
    %broadcast_in_dim3A_480 = vector.broadcast %broadcast_in_dim3A_479 : i1 to vector<16xi1>
    %masked_cummax3A_481 = arith.constant -2147483648 : i32
    %masked_cummax3A_482 = vector.broadcast %masked_cummax3A_481 : i32 to vector<16xi32>
    %masked_cummax3A_483 = arith.xori %select_n3A_478, %masked_cummax3A_482 : vector<16xi32>
    %masked_cummax3A_484 = tpu.scan <max>, %masked_cummax3A_483 masked %broadcast_in_dim3A_480 : vector<16xi32>, vector<16xi1> -> vector<16xi32>
    %masked_cummax3A_485 = arith.xori %masked_cummax3A_484, %masked_cummax3A_482 : vector<16xi32>
    %sub3A_486 = arith.subi %iota3A, %masked_cummax3A_485 : vector<16xi32>
    %gather3A_487 = tpu.vector_load_idx %arg12[%shift_right_logical3A_446] : memref<256xi32, #tpu.memory_space<vmem>>[vector<16xi32>], vector<16xi32>,
    %add3A_488 = arith.addi %gather3A_487, %sub3A_486 : vector<16xi32>
    %add3A_489 = arith.constant 1 : i32
    %add3A_490 = vector.broadcast %add3A_489 : i32 to vector<16xi32>
    %add3A_491 = arith.addi %sub3A_486, %add3A_490 : vector<16xi32>
    tpu.vector_store_idx %arg12[%shift_right_logical3A_446], %add3A_491 masked %or3A_475 {add = true} : memref<256xi32, #tpu.memory_space<vmem>>[vector<16xi32>], vector<16xi32>, vector<16xi1>
    tpu.vector_store_idx %arg14[%and3A_449], %add3A_488 : memref<16xi32, #tpu.memory_space<vmem>>[vector<16xi32>], vector<16xi32>,
    %get3A_492 = arith.constant 0 : index
    %get3A_493 = tpu.vector_load %arg14[%get3A_492] {strides = array<i32>} : memref<16xi32, #tpu.memory_space<vmem>>, vector<16xi32>,
    %swap3A_494 = arith.constant 0 : i32
    %swap3A_495 = arith.index_cast %swap3A_494 : i32 to index
    %swap3A_496 = arith.constant 32 : index
    %swap3A_497 = tpu.vector_load %arg9[%swap3A_495, %swap3A_496] {strides = array<i32>} : memref<4x128xi32, #tpu.memory_space<vmem>>, vector<16xi32>,
    tpu.vector_store %arg9[%swap3A_495, %swap3A_496], %get3A_493 {strides = array<i32>} : memref<4x128xi32, #tpu.memory_space<vmem>>, vector<16xi32>,
    %get3A_498 = arith.constant 48 : index
    %get3A_499 = tpu.vector_load %arg8[%get3A_498] {strides = array<i32>} : memref<512xi32, #tpu.memory_space<vmem>>, vector<16xi32>,
    %shift_right_logical3A_500 = arith.constant 4 : i32
    %shift_right_logical3A_501 = vector.broadcast %shift_right_logical3A_500 : i32 to vector<16xi32>
    %shift_right_logical3A_502 = arith.shrui %get3A_499, %shift_right_logical3A_501 : vector<16xi32>
    %and3A_503 = arith.constant 15 : i32
    %and3A_504 = vector.broadcast %and3A_503 : i32 to vector<16xi32>
    %and3A_505 = arith.andi %get3A_499, %and3A_504 : vector<16xi32>
    %swap3A_506 = arith.constant 0 : index
    %swap3A_507 = tpu.vector_load %arg15[%swap3A_506] {strides = array<i32>} : memref<16xi32, #tpu.memory_space<vmem>>, vector<16xi32>,
    tpu.vector_store %arg15[%swap3A_506], %shift_right_logical3A_502 {strides = array<i32>} : memref<16xi32, #tpu.memory_space<vmem>>, vector<16xi32>,
    %sub3A_508 = arith.constant 1 : i32
    %sub3A_509 = vector.broadcast %sub3A_508 : i32 to vector<16xi32>
    %sub3A_510 = arith.subi %iota3A, %sub3A_509 : vector<16xi32>
    %max3A_511 = arith.constant 0 : i32
    %max3A_512 = vector.broadcast %max3A_511 : i32 to vector<16xi32>
    %max3A_513 = arith.maxsi %sub3A_510, %max3A_512 : vector<16xi32>
    %gather3A_514 = tpu.vector_load_idx %arg15[%max3A_513] : memref<16xi32, #tpu.memory_space<vmem>>[vector<16xi32>], vector<16xi32>,
    %add3A_515 = arith.constant 1 : i32
    %add3A_516 = vector.broadcast %add3A_515 : i32 to vector<16xi32>
    %add3A_517 = arith.addi %iota3A, %add3A_516 : vector<16xi32>
    %min3A_518 = arith.constant 15 : i32
    %min3A_519 = vector.broadcast %min3A_518 : i32 to vector<16xi32>
    %min3A_520 = arith.minsi %add3A_517, %min3A_519 : vector<16xi32>
    %gather3A_521 = tpu.vector_load_idx %arg15[%min3A_520] : memref<16xi32, #tpu.memory_space<vmem>>[vector<16xi32>], vector<16xi32>,
    %eq3A_522 = arith.constant 0 : i32
    %eq3A_523 = vector.broadcast %eq3A_522 : i32 to vector<16xi32>
    %eq3A_524 = arith.cmpi eq, %iota3A, %eq3A_523 : vector<16xi32>
    %ne3A_525 = arith.cmpi ne, %shift_right_logical3A_502, %gather3A_514 : vector<16xi32>
    %or3A_526 = arith.ori %eq3A_524, %ne3A_525 : vector<16xi1>
    %eq3A_527 = arith.constant 15 : i32
    %eq3A_528 = vector.broadcast %eq3A_527 : i32 to vector<16xi32>
    %eq3A_529 = arith.cmpi eq, %iota3A, %eq3A_528 : vector<16xi32>
    %ne3A_530 = arith.cmpi ne, %shift_right_logical3A_502, %gather3A_521 : vector<16xi32>
    %or3A_531 = arith.ori %eq3A_529, %ne3A_530 : vector<16xi1>
    %jit3A_532 = arith.constant 0 : i32
    %broadcast_in_dim3A_533 = vector.broadcast %jit3A_532 : i32 to vector<16xi32>
    %select_n3A_534 = arith.select %or3A_526, %iota3A, %broadcast_in_dim3A_533 : vector<16xi1>, vector<16xi32>
    %broadcast_in_dim3A_535 = arith.constant true
    %broadcast_in_dim3A_536 = vector.broadcast %broadcast_in_dim3A_535 : i1 to vector<16xi1>
    %masked_cummax3A_537 = arith.constant -2147483648 : i32
    %masked_cummax3A_538 = vector.broadcast %masked_cummax3A_537 : i32 to vector<16xi32>
    %masked_cummax3A_539 = arith.xori %select_n3A_534, %masked_cummax3A_538 : vector<16xi32>
    %masked_cummax3A_540 = tpu.scan <max>, %masked_cummax3A_539 masked %broadcast_in_dim3A_536 : vector<16xi32>, vector<16xi1> -> vector<16xi32>
    %masked_cummax3A_541 = arith.xori %masked_cummax3A_540, %masked_cummax3A_538 : vector<16xi32>
    %sub3A_542 = arith.subi %iota3A, %masked_cummax3A_541 : vector<16xi32>
    %gather3A_543 = tpu.vector_load_idx %arg12[%shift_right_logical3A_502] : memref<256xi32, #tpu.memory_space<vmem>>[vector<16xi32>], vector<16xi32>,
    %add3A_544 = arith.addi %gather3A_543, %sub3A_542 : vector<16xi32>
    %add3A_545 = arith.constant 1 : i32
    %add3A_546 = vector.broadcast %add3A_545 : i32 to vector<16xi32>
    %add3A_547 = arith.addi %sub3A_542, %add3A_546 : vector<16xi32>
    tpu.vector_store_idx %arg12[%shift_right_logical3A_502], %add3A_547 masked %or3A_531 {add = true} : memref<256xi32, #tpu.memory_space<vmem>>[vector<16xi32>], vector<16xi32>, vector<16xi1>
    tpu.vector_store_idx %arg14[%and3A_505], %add3A_544 : memref<16xi32, #tpu.memory_space<vmem>>[vector<16xi32>], vector<16xi32>,
    %get3A_548 = arith.constant 0 : index
    %get3A_549 = tpu.vector_load %arg14[%get3A_548] {strides = array<i32>} : memref<16xi32, #tpu.memory_space<vmem>>, vector<16xi32>,
    %swap3A_550 = arith.constant 0 : i32
    %swap3A_551 = arith.index_cast %swap3A_550 : i32 to index
    %swap3A_552 = arith.constant 48 : index
    %swap3A_553 = tpu.vector_load %arg9[%swap3A_551, %swap3A_552] {strides = array<i32>} : memref<4x128xi32, #tpu.memory_space<vmem>>, vector<16xi32>,
    tpu.vector_store %arg9[%swap3A_551, %swap3A_552], %get3A_549 {strides = array<i32>} : memref<4x128xi32, #tpu.memory_space<vmem>>, vector<16xi32>,
    %get3A_554 = arith.constant 64 : index
    %get3A_555 = tpu.vector_load %arg8[%get3A_554] {strides = array<i32>} : memref<512xi32, #tpu.memory_space<vmem>>, vector<16xi32>,
    %shift_right_logical3A_556 = arith.constant 4 : i32
    %shift_right_logical3A_557 = vector.broadcast %shift_right_logical3A_556 : i32 to vector<16xi32>
    %shift_right_logical3A_558 = arith.shrui %get3A_555, %shift_right_logical3A_557 : vector<16xi32>
    %and3A_559 = arith.constant 15 : i32
    %and3A_560 = vector.broadcast %and3A_559 : i32 to vector<16xi32>
    %and3A_561 = arith.andi %get3A_555, %and3A_560 : vector<16xi32>
    %swap3A_562 = arith.constant 0 : index
    %swap3A_563 = tpu.vector_load %arg13[%swap3A_562] {strides = array<i32>} : memref<16xi32, #tpu.memory_space<vmem>>, vector<16xi32>,
    tpu.vector_store %arg13[%swap3A_562], %shift_right_logical3A_558 {strides = array<i32>} : memref<16xi32, #tpu.memory_space<vmem>>, vector<16xi32>,
    %sub3A_564 = arith.constant 1 : i32
    %sub3A_565 = vector.broadcast %sub3A_564 : i32 to vector<16xi32>
    %sub3A_566 = arith.subi %iota3A, %sub3A_565 : vector<16xi32>
    %max3A_567 = arith.constant 0 : i32
    %max3A_568 = vector.broadcast %max3A_567 : i32 to vector<16xi32>
    %max3A_569 = arith.maxsi %sub3A_566, %max3A_568 : vector<16xi32>
    %gather3A_570 = tpu.vector_load_idx %arg13[%max3A_569] : memref<16xi32, #tpu.memory_space<vmem>>[vector<16xi32>], vector<16xi32>,
    %add3A_571 = arith.constant 1 : i32
    %add3A_572 = vector.broadcast %add3A_571 : i32 to vector<16xi32>
    %add3A_573 = arith.addi %iota3A, %add3A_572 : vector<16xi32>
    %min3A_574 = arith.constant 15 : i32
    %min3A_575 = vector.broadcast %min3A_574 : i32 to vector<16xi32>
    %min3A_576 = arith.minsi %add3A_573, %min3A_575 : vector<16xi32>
    %gather3A_577 = tpu.vector_load_idx %arg13[%min3A_576] : memref<16xi32, #tpu.memory_space<vmem>>[vector<16xi32>], vector<16xi32>,
    %eq3A_578 = arith.constant 0 : i32
    %eq3A_579 = vector.broadcast %eq3A_578 : i32 to vector<16xi32>
    %eq3A_580 = arith.cmpi eq, %iota3A, %eq3A_579 : vector<16xi32>
    %ne3A_581 = arith.cmpi ne, %shift_right_logical3A_558, %gather3A_570 : vector<16xi32>
    %or3A_582 = arith.ori %eq3A_580, %ne3A_581 : vector<16xi1>
    %eq3A_583 = arith.constant 15 : i32
    %eq3A_584 = vector.broadcast %eq3A_583 : i32 to vector<16xi32>
    %eq3A_585 = arith.cmpi eq, %iota3A, %eq3A_584 : vector<16xi32>
    %ne3A_586 = arith.cmpi ne, %shift_right_logical3A_558, %gather3A_577 : vector<16xi32>
    %or3A_587 = arith.ori %eq3A_585, %ne3A_586 : vector<16xi1>
    %jit3A_588 = arith.constant 0 : i32
    %broadcast_in_dim3A_589 = vector.broadcast %jit3A_588 : i32 to vector<16xi32>
    %select_n3A_590 = arith.select %or3A_582, %iota3A, %broadcast_in_dim3A_589 : vector<16xi1>, vector<16xi32>
    %broadcast_in_dim3A_591 = arith.constant true
    %broadcast_in_dim3A_592 = vector.broadcast %broadcast_in_dim3A_591 : i1 to vector<16xi1>
    %masked_cummax3A_593 = arith.constant -2147483648 : i32
    %masked_cummax3A_594 = vector.broadcast %masked_cummax3A_593 : i32 to vector<16xi32>
    %masked_cummax3A_595 = arith.xori %select_n3A_590, %masked_cummax3A_594 : vector<16xi32>
    %masked_cummax3A_596 = tpu.scan <max>, %masked_cummax3A_595 masked %broadcast_in_dim3A_592 : vector<16xi32>, vector<16xi1> -> vector<16xi32>
    %masked_cummax3A_597 = arith.xori %masked_cummax3A_596, %masked_cummax3A_594 : vector<16xi32>
    %sub3A_598 = arith.subi %iota3A, %masked_cummax3A_597 : vector<16xi32>
    %gather3A_599 = tpu.vector_load_idx %arg12[%shift_right_logical3A_558] : memref<256xi32, #tpu.memory_space<vmem>>[vector<16xi32>], vector<16xi32>,
    %add3A_600 = arith.addi %gather3A_599, %sub3A_598 : vector<16xi32>
    %add3A_601 = arith.constant 1 : i32
    %add3A_602 = vector.broadcast %add3A_601 : i32 to vector<16xi32>
    %add3A_603 = arith.addi %sub3A_598, %add3A_602 : vector<16xi32>
    tpu.vector_store_idx %arg12[%shift_right_logical3A_558], %add3A_603 masked %or3A_587 {add = true} : memref<256xi32, #tpu.memory_space<vmem>>[vector<16xi32>], vector<16xi32>, vector<16xi1>
    tpu.vector_store_idx %arg14[%and3A_561], %add3A_600 : memref<16xi32, #tpu.memory_space<vmem>>[vector<16xi32>], vector<16xi32>,
    %get3A_604 = arith.constant 0 : index
    %get3A_605 = tpu.vector_load %arg14[%get3A_604] {strides = array<i32>} : memref<16xi32, #tpu.memory_space<vmem>>, vector<16xi32>,
    %swap3A_606 = arith.constant 0 : i32
    %swap3A_607 = arith.index_cast %swap3A_606 : i32 to index
    %swap3A_608 = arith.constant 64 : index
    %swap3A_609 = tpu.vector_load %arg9[%swap3A_607, %swap3A_608] {strides = array<i32>} : memref<4x128xi32, #tpu.memory_space<vmem>>, vector<16xi32>,
    tpu.vector_store %arg9[%swap3A_607, %swap3A_608], %get3A_605 {strides = array<i32>} : memref<4x128xi32, #tpu.memory_space<vmem>>, vector<16xi32>,
    %get3A_610 = arith.constant 80 : index
    %get3A_611 = tpu.vector_load %arg8[%get3A_610] {strides = array<i32>} : memref<512xi32, #tpu.memory_space<vmem>>, vector<16xi32>,
    %shift_right_logical3A_612 = arith.constant 4 : i32
    %shift_right_logical3A_613 = vector.broadcast %shift_right_logical3A_612 : i32 to vector<16xi32>
    %shift_right_logical3A_614 = arith.shrui %get3A_611, %shift_right_logical3A_613 : vector<16xi32>
    %and3A_615 = arith.constant 15 : i32
    %and3A_616 = vector.broadcast %and3A_615 : i32 to vector<16xi32>
    %and3A_617 = arith.andi %get3A_611, %and3A_616 : vector<16xi32>
    %swap3A_618 = arith.constant 0 : index
    %swap3A_619 = tpu.vector_load %arg15[%swap3A_618] {strides = array<i32>} : memref<16xi32, #tpu.memory_space<vmem>>, vector<16xi32>,
    tpu.vector_store %arg15[%swap3A_618], %shift_right_logical3A_614 {strides = array<i32>} : memref<16xi32, #tpu.memory_space<vmem>>, vector<16xi32>,
    %sub3A_620 = arith.constant 1 : i32
    %sub3A_621 = vector.broadcast %sub3A_620 : i32 to vector<16xi32>
    %sub3A_622 = arith.subi %iota3A, %sub3A_621 : vector<16xi32>
    %max3A_623 = arith.constant 0 : i32
    %max3A_624 = vector.broadcast %max3A_623 : i32 to vector<16xi32>
    %max3A_625 = arith.maxsi %sub3A_622, %max3A_624 : vector<16xi32>
    %gather3A_626 = tpu.vector_load_idx %arg15[%max3A_625] : memref<16xi32, #tpu.memory_space<vmem>>[vector<16xi32>], vector<16xi32>,
    %add3A_627 = arith.constant 1 : i32
    %add3A_628 = vector.broadcast %add3A_627 : i32 to vector<16xi32>
    %add3A_629 = arith.addi %iota3A, %add3A_628 : vector<16xi32>
    %min3A_630 = arith.constant 15 : i32
    %min3A_631 = vector.broadcast %min3A_630 : i32 to vector<16xi32>
    %min3A_632 = arith.minsi %add3A_629, %min3A_631 : vector<16xi32>
    %gather3A_633 = tpu.vector_load_idx %arg15[%min3A_632] : memref<16xi32, #tpu.memory_space<vmem>>[vector<16xi32>], vector<16xi32>,
    %eq3A_634 = arith.constant 0 : i32
    %eq3A_635 = vector.broadcast %eq3A_634 : i32 to vector<16xi32>
    %eq3A_636 = arith.cmpi eq, %iota3A, %eq3A_635 : vector<16xi32>
    %ne3A_637 = arith.cmpi ne, %shift_right_logical3A_614, %gather3A_626 : vector<16xi32>
    %or3A_638 = arith.ori %eq3A_636, %ne3A_637 : vector<16xi1>
    %eq3A_639 = arith.constant 15 : i32
    %eq3A_640 = vector.broadcast %eq3A_639 : i32 to vector<16xi32>
    %eq3A_641 = arith.cmpi eq, %iota3A, %eq3A_640 : vector<16xi32>
    %ne3A_642 = arith.cmpi ne, %shift_right_logical3A_614, %gather3A_633 : vector<16xi32>
    %or3A_643 = arith.ori %eq3A_641, %ne3A_642 : vector<16xi1>
    %jit3A_644 = arith.constant 0 : i32
    %broadcast_in_dim3A_645 = vector.broadcast %jit3A_644 : i32 to vector<16xi32>
    %select_n3A_646 = arith.select %or3A_638, %iota3A, %broadcast_in_dim3A_645 : vector<16xi1>, vector<16xi32>
    %broadcast_in_dim3A_647 = arith.constant true
    %broadcast_in_dim3A_648 = vector.broadcast %broadcast_in_dim3A_647 : i1 to vector<16xi1>
    %masked_cummax3A_649 = arith.constant -2147483648 : i32
    %masked_cummax3A_650 = vector.broadcast %masked_cummax3A_649 : i32 to vector<16xi32>
    %masked_cummax3A_651 = arith.xori %select_n3A_646, %masked_cummax3A_650 : vector<16xi32>
    %masked_cummax3A_652 = tpu.scan <max>, %masked_cummax3A_651 masked %broadcast_in_dim3A_648 : vector<16xi32>, vector<16xi1> -> vector<16xi32>
    %masked_cummax3A_653 = arith.xori %masked_cummax3A_652, %masked_cummax3A_650 : vector<16xi32>
    %sub3A_654 = arith.subi %iota3A, %masked_cummax3A_653 : vector<16xi32>
    %gather3A_655 = tpu.vector_load_idx %arg12[%shift_right_logical3A_614] : memref<256xi32, #tpu.memory_space<vmem>>[vector<16xi32>], vector<16xi32>,
    %add3A_656 = arith.addi %gather3A_655, %sub3A_654 : vector<16xi32>
    %add3A_657 = arith.constant 1 : i32
    %add3A_658 = vector.broadcast %add3A_657 : i32 to vector<16xi32>
    %add3A_659 = arith.addi %sub3A_654, %add3A_658 : vector<16xi32>
    tpu.vector_store_idx %arg12[%shift_right_logical3A_614], %add3A_659 masked %or3A_643 {add = true} : memref<256xi32, #tpu.memory_space<vmem>>[vector<16xi32>], vector<16xi32>, vector<16xi1>
    tpu.vector_store_idx %arg14[%and3A_617], %add3A_656 : memref<16xi32, #tpu.memory_space<vmem>>[vector<16xi32>], vector<16xi32>,
    %get3A_660 = arith.constant 0 : index
    %get3A_661 = tpu.vector_load %arg14[%get3A_660] {strides = array<i32>} : memref<16xi32, #tpu.memory_space<vmem>>, vector<16xi32>,
    %swap3A_662 = arith.constant 0 : i32
    %swap3A_663 = arith.index_cast %swap3A_662 : i32 to index
    %swap3A_664 = arith.constant 80 : index
    %swap3A_665 = tpu.vector_load %arg9[%swap3A_663, %swap3A_664] {strides = array<i32>} : memref<4x128xi32, #tpu.memory_space<vmem>>, vector<16xi32>,
    tpu.vector_store %arg9[%swap3A_663, %swap3A_664], %get3A_661 {strides = array<i32>} : memref<4x128xi32, #tpu.memory_space<vmem>>, vector<16xi32>,
    %get3A_666 = arith.constant 96 : index
    %get3A_667 = tpu.vector_load %arg8[%get3A_666] {strides = array<i32>} : memref<512xi32, #tpu.memory_space<vmem>>, vector<16xi32>,
    %shift_right_logical3A_668 = arith.constant 4 : i32
    %shift_right_logical3A_669 = vector.broadcast %shift_right_logical3A_668 : i32 to vector<16xi32>
    %shift_right_logical3A_670 = arith.shrui %get3A_667, %shift_right_logical3A_669 : vector<16xi32>
    %and3A_671 = arith.constant 15 : i32
    %and3A_672 = vector.broadcast %and3A_671 : i32 to vector<16xi32>
    %and3A_673 = arith.andi %get3A_667, %and3A_672 : vector<16xi32>
    %swap3A_674 = arith.constant 0 : index
    %swap3A_675 = tpu.vector_load %arg13[%swap3A_674] {strides = array<i32>} : memref<16xi32, #tpu.memory_space<vmem>>, vector<16xi32>,
    tpu.vector_store %arg13[%swap3A_674], %shift_right_logical3A_670 {strides = array<i32>} : memref<16xi32, #tpu.memory_space<vmem>>, vector<16xi32>,
    %sub3A_676 = arith.constant 1 : i32
    %sub3A_677 = vector.broadcast %sub3A_676 : i32 to vector<16xi32>
    %sub3A_678 = arith.subi %iota3A, %sub3A_677 : vector<16xi32>
    %max3A_679 = arith.constant 0 : i32
    %max3A_680 = vector.broadcast %max3A_679 : i32 to vector<16xi32>
    %max3A_681 = arith.maxsi %sub3A_678, %max3A_680 : vector<16xi32>
    %gather3A_682 = tpu.vector_load_idx %arg13[%max3A_681] : memref<16xi32, #tpu.memory_space<vmem>>[vector<16xi32>], vector<16xi32>,
    %add3A_683 = arith.constant 1 : i32
    %add3A_684 = vector.broadcast %add3A_683 : i32 to vector<16xi32>
    %add3A_685 = arith.addi %iota3A, %add3A_684 : vector<16xi32>
    %min3A_686 = arith.constant 15 : i32
    %min3A_687 = vector.broadcast %min3A_686 : i32 to vector<16xi32>
    %min3A_688 = arith.minsi %add3A_685, %min3A_687 : vector<16xi32>
    %gather3A_689 = tpu.vector_load_idx %arg13[%min3A_688] : memref<16xi32, #tpu.memory_space<vmem>>[vector<16xi32>], vector<16xi32>,
    %eq3A_690 = arith.constant 0 : i32
    %eq3A_691 = vector.broadcast %eq3A_690 : i32 to vector<16xi32>
    %eq3A_692 = arith.cmpi eq, %iota3A, %eq3A_691 : vector<16xi32>
    %ne3A_693 = arith.cmpi ne, %shift_right_logical3A_670, %gather3A_682 : vector<16xi32>
    %or3A_694 = arith.ori %eq3A_692, %ne3A_693 : vector<16xi1>
    %eq3A_695 = arith.constant 15 : i32
    %eq3A_696 = vector.broadcast %eq3A_695 : i32 to vector<16xi32>
    %eq3A_697 = arith.cmpi eq, %iota3A, %eq3A_696 : vector<16xi32>
    %ne3A_698 = arith.cmpi ne, %shift_right_logical3A_670, %gather3A_689 : vector<16xi32>
    %or3A_699 = arith.ori %eq3A_697, %ne3A_698 : vector<16xi1>
    %jit3A_700 = arith.constant 0 : i32
    %broadcast_in_dim3A_701 = vector.broadcast %jit3A_700 : i32 to vector<16xi32>
    %select_n3A_702 = arith.select %or3A_694, %iota3A, %broadcast_in_dim3A_701 : vector<16xi1>, vector<16xi32>
    %broadcast_in_dim3A_703 = arith.constant true
    %broadcast_in_dim3A_704 = vector.broadcast %broadcast_in_dim3A_703 : i1 to vector<16xi1>
    %masked_cummax3A_705 = arith.constant -2147483648 : i32
    %masked_cummax3A_706 = vector.broadcast %masked_cummax3A_705 : i32 to vector<16xi32>
    %masked_cummax3A_707 = arith.xori %select_n3A_702, %masked_cummax3A_706 : vector<16xi32>
    %masked_cummax3A_708 = tpu.scan <max>, %masked_cummax3A_707 masked %broadcast_in_dim3A_704 : vector<16xi32>, vector<16xi1> -> vector<16xi32>
    %masked_cummax3A_709 = arith.xori %masked_cummax3A_708, %masked_cummax3A_706 : vector<16xi32>
    %sub3A_710 = arith.subi %iota3A, %masked_cummax3A_709 : vector<16xi32>
    %gather3A_711 = tpu.vector_load_idx %arg12[%shift_right_logical3A_670] : memref<256xi32, #tpu.memory_space<vmem>>[vector<16xi32>], vector<16xi32>,
    %add3A_712 = arith.addi %gather3A_711, %sub3A_710 : vector<16xi32>
    %add3A_713 = arith.constant 1 : i32
    %add3A_714 = vector.broadcast %add3A_713 : i32 to vector<16xi32>
    %add3A_715 = arith.addi %sub3A_710, %add3A_714 : vector<16xi32>
    tpu.vector_store_idx %arg12[%shift_right_logical3A_670], %add3A_715 masked %or3A_699 {add = true} : memref<256xi32, #tpu.memory_space<vmem>>[vector<16xi32>], vector<16xi32>, vector<16xi1>
    tpu.vector_store_idx %arg14[%and3A_673], %add3A_712 : memref<16xi32, #tpu.memory_space<vmem>>[vector<16xi32>], vector<16xi32>,
    %get3A_716 = arith.constant 0 : index
    %get3A_717 = tpu.vector_load %arg14[%get3A_716] {strides = array<i32>} : memref<16xi32, #tpu.memory_space<vmem>>, vector<16xi32>,
    %swap3A_718 = arith.constant 0 : i32
    %swap3A_719 = arith.index_cast %swap3A_718 : i32 to index
    %swap3A_720 = arith.constant 96 : index
    %swap3A_721 = tpu.vector_load %arg9[%swap3A_719, %swap3A_720] {strides = array<i32>} : memref<4x128xi32, #tpu.memory_space<vmem>>, vector<16xi32>,
    tpu.vector_store %arg9[%swap3A_719, %swap3A_720], %get3A_717 {strides = array<i32>} : memref<4x128xi32, #tpu.memory_space<vmem>>, vector<16xi32>,
    %get3A_722 = arith.constant 112 : index
    %get3A_723 = tpu.vector_load %arg8[%get3A_722] {strides = array<i32>} : memref<512xi32, #tpu.memory_space<vmem>>, vector<16xi32>,
    %shift_right_logical3A_724 = arith.constant 4 : i32
    %shift_right_logical3A_725 = vector.broadcast %shift_right_logical3A_724 : i32 to vector<16xi32>
    %shift_right_logical3A_726 = arith.shrui %get3A_723, %shift_right_logical3A_725 : vector<16xi32>
    %and3A_727 = arith.constant 15 : i32
    %and3A_728 = vector.broadcast %and3A_727 : i32 to vector<16xi32>
    %and3A_729 = arith.andi %get3A_723, %and3A_728 : vector<16xi32>
    %swap3A_730 = arith.constant 0 : index
    %swap3A_731 = tpu.vector_load %arg15[%swap3A_730] {strides = array<i32>} : memref<16xi32, #tpu.memory_space<vmem>>, vector<16xi32>,
    tpu.vector_store %arg15[%swap3A_730], %shift_right_logical3A_726 {strides = array<i32>} : memref<16xi32, #tpu.memory_space<vmem>>, vector<16xi32>,
    %sub3A_732 = arith.constant 1 : i32
    %sub3A_733 = vector.broadcast %sub3A_732 : i32 to vector<16xi32>
    %sub3A_734 = arith.subi %iota3A, %sub3A_733 : vector<16xi32>
    %max3A_735 = arith.constant 0 : i32
    %max3A_736 = vector.broadcast %max3A_735 : i32 to vector<16xi32>
    %max3A_737 = arith.maxsi %sub3A_734, %max3A_736 : vector<16xi32>
    %gather3A_738 = tpu.vector_load_idx %arg15[%max3A_737] : memref<16xi32, #tpu.memory_space<vmem>>[vector<16xi32>], vector<16xi32>,
    %add3A_739 = arith.constant 1 : i32
    %add3A_740 = vector.broadcast %add3A_739 : i32 to vector<16xi32>
    %add3A_741 = arith.addi %iota3A, %add3A_740 : vector<16xi32>
    %min3A_742 = arith.constant 15 : i32
    %min3A_743 = vector.broadcast %min3A_742 : i32 to vector<16xi32>
    %min3A_744 = arith.minsi %add3A_741, %min3A_743 : vector<16xi32>
    %gather3A_745 = tpu.vector_load_idx %arg15[%min3A_744] : memref<16xi32, #tpu.memory_space<vmem>>[vector<16xi32>], vector<16xi32>,
    %eq3A_746 = arith.constant 0 : i32
    %eq3A_747 = vector.broadcast %eq3A_746 : i32 to vector<16xi32>
    %eq3A_748 = arith.cmpi eq, %iota3A, %eq3A_747 : vector<16xi32>
    %ne3A_749 = arith.cmpi ne, %shift_right_logical3A_726, %gather3A_738 : vector<16xi32>
    %or3A_750 = arith.ori %eq3A_748, %ne3A_749 : vector<16xi1>
    %eq3A_751 = arith.constant 15 : i32
    %eq3A_752 = vector.broadcast %eq3A_751 : i32 to vector<16xi32>
    %eq3A_753 = arith.cmpi eq, %iota3A, %eq3A_752 : vector<16xi32>
    %ne3A_754 = arith.cmpi ne, %shift_right_logical3A_726, %gather3A_745 : vector<16xi32>
    %or3A_755 = arith.ori %eq3A_753, %ne3A_754 : vector<16xi1>
    %jit3A_756 = arith.constant 0 : i32
    %broadcast_in_dim3A_757 = vector.broadcast %jit3A_756 : i32 to vector<16xi32>
    %select_n3A_758 = arith.select %or3A_750, %iota3A, %broadcast_in_dim3A_757 : vector<16xi1>, vector<16xi32>
    %broadcast_in_dim3A_759 = arith.constant true
    %broadcast_in_dim3A_760 = vector.broadcast %broadcast_in_dim3A_759 : i1 to vector<16xi1>
    %masked_cummax3A_761 = arith.constant -2147483648 : i32
    %masked_cummax3A_762 = vector.broadcast %masked_cummax3A_761 : i32 to vector<16xi32>
    %masked_cummax3A_763 = arith.xori %select_n3A_758, %masked_cummax3A_762 : vector<16xi32>
    %masked_cummax3A_764 = tpu.scan <max>, %masked_cummax3A_763 masked %broadcast_in_dim3A_760 : vector<16xi32>, vector<16xi1> -> vector<16xi32>
    %masked_cummax3A_765 = arith.xori %masked_cummax3A_764, %masked_cummax3A_762 : vector<16xi32>
    %sub3A_766 = arith.subi %iota3A, %masked_cummax3A_765 : vector<16xi32>
    %gather3A_767 = tpu.vector_load_idx %arg12[%shift_right_logical3A_726] : memref<256xi32, #tpu.memory_space<vmem>>[vector<16xi32>], vector<16xi32>,
    %add3A_768 = arith.addi %gather3A_767, %sub3A_766 : vector<16xi32>
    %add3A_769 = arith.constant 1 : i32
    %add3A_770 = vector.broadcast %add3A_769 : i32 to vector<16xi32>
    %add3A_771 = arith.addi %sub3A_766, %add3A_770 : vector<16xi32>
    tpu.vector_store_idx %arg12[%shift_right_logical3A_726], %add3A_771 masked %or3A_755 {add = true} : memref<256xi32, #tpu.memory_space<vmem>>[vector<16xi32>], vector<16xi32>, vector<16xi1>
    tpu.vector_store_idx %arg14[%and3A_729], %add3A_768 : memref<16xi32, #tpu.memory_space<vmem>>[vector<16xi32>], vector<16xi32>,
    %get3A_772 = arith.constant 0 : index
    %get3A_773 = tpu.vector_load %arg14[%get3A_772] {strides = array<i32>} : memref<16xi32, #tpu.memory_space<vmem>>, vector<16xi32>,
    %swap3A_774 = arith.constant 0 : i32
    %swap3A_775 = arith.index_cast %swap3A_774 : i32 to index
    %swap3A_776 = arith.constant 112 : index
    %swap3A_777 = tpu.vector_load %arg9[%swap3A_775, %swap3A_776] {strides = array<i32>} : memref<4x128xi32, #tpu.memory_space<vmem>>, vector<16xi32>,
    tpu.vector_store %arg9[%swap3A_775, %swap3A_776], %get3A_773 {strides = array<i32>} : memref<4x128xi32, #tpu.memory_space<vmem>>, vector<16xi32>,
    %get3A_778 = arith.constant 128 : index
    %get3A_779 = tpu.vector_load %arg8[%get3A_778] {strides = array<i32>} : memref<512xi32, #tpu.memory_space<vmem>>, vector<16xi32>,
    %shift_right_logical3A_780 = arith.constant 4 : i32
    %shift_right_logical3A_781 = vector.broadcast %shift_right_logical3A_780 : i32 to vector<16xi32>
    %shift_right_logical3A_782 = arith.shrui %get3A_779, %shift_right_logical3A_781 : vector<16xi32>
    %and3A_783 = arith.constant 15 : i32
    %and3A_784 = vector.broadcast %and3A_783 : i32 to vector<16xi32>
    %and3A_785 = arith.andi %get3A_779, %and3A_784 : vector<16xi32>
    %swap3A_786 = arith.constant 0 : index
    %swap3A_787 = tpu.vector_load %arg13[%swap3A_786] {strides = array<i32>} : memref<16xi32, #tpu.memory_space<vmem>>, vector<16xi32>,
    tpu.vector_store %arg13[%swap3A_786], %shift_right_logical3A_782 {strides = array<i32>} : memref<16xi32, #tpu.memory_space<vmem>>, vector<16xi32>,
    %sub3A_788 = arith.constant 1 : i32
    %sub3A_789 = vector.broadcast %sub3A_788 : i32 to vector<16xi32>
    %sub3A_790 = arith.subi %iota3A, %sub3A_789 : vector<16xi32>
    %max3A_791 = arith.constant 0 : i32
    %max3A_792 = vector.broadcast %max3A_791 : i32 to vector<16xi32>
    %max3A_793 = arith.maxsi %sub3A_790, %max3A_792 : vector<16xi32>
    %gather3A_794 = tpu.vector_load_idx %arg13[%max3A_793] : memref<16xi32, #tpu.memory_space<vmem>>[vector<16xi32>], vector<16xi32>,
    %add3A_795 = arith.constant 1 : i32
    %add3A_796 = vector.broadcast %add3A_795 : i32 to vector<16xi32>
    %add3A_797 = arith.addi %iota3A, %add3A_796 : vector<16xi32>
    %min3A_798 = arith.constant 15 : i32
    %min3A_799 = vector.broadcast %min3A_798 : i32 to vector<16xi32>
    %min3A_800 = arith.minsi %add3A_797, %min3A_799 : vector<16xi32>
    %gather3A_801 = tpu.vector_load_idx %arg13[%min3A_800] : memref<16xi32, #tpu.memory_space<vmem>>[vector<16xi32>], vector<16xi32>,
    %eq3A_802 = arith.constant 0 : i32
    %eq3A_803 = vector.broadcast %eq3A_802 : i32 to vector<16xi32>
    %eq3A_804 = arith.cmpi eq, %iota3A, %eq3A_803 : vector<16xi32>
    %ne3A_805 = arith.cmpi ne, %shift_right_logical3A_782, %gather3A_794 : vector<16xi32>
    %or3A_806 = arith.ori %eq3A_804, %ne3A_805 : vector<16xi1>
    %eq3A_807 = arith.constant 15 : i32
    %eq3A_808 = vector.broadcast %eq3A_807 : i32 to vector<16xi32>
    %eq3A_809 = arith.cmpi eq, %iota3A, %eq3A_808 : vector<16xi32>
    %ne3A_810 = arith.cmpi ne, %shift_right_logical3A_782, %gather3A_801 : vector<16xi32>
    %or3A_811 = arith.ori %eq3A_809, %ne3A_810 : vector<16xi1>
    %jit3A_812 = arith.constant 0 : i32
    %broadcast_in_dim3A_813 = vector.broadcast %jit3A_812 : i32 to vector<16xi32>
    %select_n3A_814 = arith.select %or3A_806, %iota3A, %broadcast_in_dim3A_813 : vector<16xi1>, vector<16xi32>
    %broadcast_in_dim3A_815 = arith.constant true
    %broadcast_in_dim3A_816 = vector.broadcast %broadcast_in_dim3A_815 : i1 to vector<16xi1>
    %masked_cummax3A_817 = arith.constant -2147483648 : i32
    %masked_cummax3A_818 = vector.broadcast %masked_cummax3A_817 : i32 to vector<16xi32>
    %masked_cummax3A_819 = arith.xori %select_n3A_814, %masked_cummax3A_818 : vector<16xi32>
    %masked_cummax3A_820 = tpu.scan <max>, %masked_cummax3A_819 masked %broadcast_in_dim3A_816 : vector<16xi32>, vector<16xi1> -> vector<16xi32>
    %masked_cummax3A_821 = arith.xori %masked_cummax3A_820, %masked_cummax3A_818 : vector<16xi32>
    %sub3A_822 = arith.subi %iota3A, %masked_cummax3A_821 : vector<16xi32>
    %gather3A_823 = tpu.vector_load_idx %arg12[%shift_right_logical3A_782] : memref<256xi32, #tpu.memory_space<vmem>>[vector<16xi32>], vector<16xi32>,
    %add3A_824 = arith.addi %gather3A_823, %sub3A_822 : vector<16xi32>
    %add3A_825 = arith.constant 1 : i32
    %add3A_826 = vector.broadcast %add3A_825 : i32 to vector<16xi32>
    %add3A_827 = arith.addi %sub3A_822, %add3A_826 : vector<16xi32>
    tpu.vector_store_idx %arg12[%shift_right_logical3A_782], %add3A_827 masked %or3A_811 {add = true} : memref<256xi32, #tpu.memory_space<vmem>>[vector<16xi32>], vector<16xi32>, vector<16xi1>
    tpu.vector_store_idx %arg14[%and3A_785], %add3A_824 : memref<16xi32, #tpu.memory_space<vmem>>[vector<16xi32>], vector<16xi32>,
    %get3A_828 = arith.constant 0 : index
    %get3A_829 = tpu.vector_load %arg14[%get3A_828] {strides = array<i32>} : memref<16xi32, #tpu.memory_space<vmem>>, vector<16xi32>,
    %swap3A_830 = arith.constant 1 : i32
    %swap3A_831 = arith.index_cast %swap3A_830 : i32 to index
    %swap3A_832 = arith.constant 0 : index
    %swap3A_833 = tpu.vector_load %arg9[%swap3A_831, %swap3A_832] {strides = array<i32>} : memref<4x128xi32, #tpu.memory_space<vmem>>, vector<16xi32>,
    tpu.vector_store %arg9[%swap3A_831, %swap3A_832], %get3A_829 {strides = array<i32>} : memref<4x128xi32, #tpu.memory_space<vmem>>, vector<16xi32>,
    %get3A_834 = arith.constant 144 : index
    %get3A_835 = tpu.vector_load %arg8[%get3A_834] {strides = array<i32>} : memref<512xi32, #tpu.memory_space<vmem>>, vector<16xi32>,
    %shift_right_logical3A_836 = arith.constant 4 : i32
    %shift_right_logical3A_837 = vector.broadcast %shift_right_logical3A_836 : i32 to vector<16xi32>
    %shift_right_logical3A_838 = arith.shrui %get3A_835, %shift_right_logical3A_837 : vector<16xi32>
    %and3A_839 = arith.constant 15 : i32
    %and3A_840 = vector.broadcast %and3A_839 : i32 to vector<16xi32>
    %and3A_841 = arith.andi %get3A_835, %and3A_840 : vector<16xi32>
    %swap3A_842 = arith.constant 0 : index
    %swap3A_843 = tpu.vector_load %arg15[%swap3A_842] {strides = array<i32>} : memref<16xi32, #tpu.memory_space<vmem>>, vector<16xi32>,
    tpu.vector_store %arg15[%swap3A_842], %shift_right_logical3A_838 {strides = array<i32>} : memref<16xi32, #tpu.memory_space<vmem>>, vector<16xi32>,
    %sub3A_844 = arith.constant 1 : i32
    %sub3A_845 = vector.broadcast %sub3A_844 : i32 to vector<16xi32>
    %sub3A_846 = arith.subi %iota3A, %sub3A_845 : vector<16xi32>
    %max3A_847 = arith.constant 0 : i32
    %max3A_848 = vector.broadcast %max3A_847 : i32 to vector<16xi32>
    %max3A_849 = arith.maxsi %sub3A_846, %max3A_848 : vector<16xi32>
    %gather3A_850 = tpu.vector_load_idx %arg15[%max3A_849] : memref<16xi32, #tpu.memory_space<vmem>>[vector<16xi32>], vector<16xi32>,
    %add3A_851 = arith.constant 1 : i32
    %add3A_852 = vector.broadcast %add3A_851 : i32 to vector<16xi32>
    %add3A_853 = arith.addi %iota3A, %add3A_852 : vector<16xi32>
    %min3A_854 = arith.constant 15 : i32
    %min3A_855 = vector.broadcast %min3A_854 : i32 to vector<16xi32>
    %min3A_856 = arith.minsi %add3A_853, %min3A_855 : vector<16xi32>
    %gather3A_857 = tpu.vector_load_idx %arg15[%min3A_856] : memref<16xi32, #tpu.memory_space<vmem>>[vector<16xi32>], vector<16xi32>,
    %eq3A_858 = arith.constant 0 : i32
    %eq3A_859 = vector.broadcast %eq3A_858 : i32 to vector<16xi32>
    %eq3A_860 = arith.cmpi eq, %iota3A, %eq3A_859 : vector<16xi32>
    %ne3A_861 = arith.cmpi ne, %shift_right_logical3A_838, %gather3A_850 : vector<16xi32>
    %or3A_862 = arith.ori %eq3A_860, %ne3A_861 : vector<16xi1>
    %eq3A_863 = arith.constant 15 : i32
    %eq3A_864 = vector.broadcast %eq3A_863 : i32 to vector<16xi32>
    %eq3A_865 = arith.cmpi eq, %iota3A, %eq3A_864 : vector<16xi32>
    %ne3A_866 = arith.cmpi ne, %shift_right_logical3A_838, %gather3A_857 : vector<16xi32>
    %or3A_867 = arith.ori %eq3A_865, %ne3A_866 : vector<16xi1>
    %jit3A_868 = arith.constant 0 : i32
    %broadcast_in_dim3A_869 = vector.broadcast %jit3A_868 : i32 to vector<16xi32>
    %select_n3A_870 = arith.select %or3A_862, %iota3A, %broadcast_in_dim3A_869 : vector<16xi1>, vector<16xi32>
    %broadcast_in_dim3A_871 = arith.constant true
    %broadcast_in_dim3A_872 = vector.broadcast %broadcast_in_dim3A_871 : i1 to vector<16xi1>
    %masked_cummax3A_873 = arith.constant -2147483648 : i32
    %masked_cummax3A_874 = vector.broadcast %masked_cummax3A_873 : i32 to vector<16xi32>
    %masked_cummax3A_875 = arith.xori %select_n3A_870, %masked_cummax3A_874 : vector<16xi32>
    %masked_cummax3A_876 = tpu.scan <max>, %masked_cummax3A_875 masked %broadcast_in_dim3A_872 : vector<16xi32>, vector<16xi1> -> vector<16xi32>
    %masked_cummax3A_877 = arith.xori %masked_cummax3A_876, %masked_cummax3A_874 : vector<16xi32>
    %sub3A_878 = arith.subi %iota3A, %masked_cummax3A_877 : vector<16xi32>
    %gather3A_879 = tpu.vector_load_idx %arg12[%shift_right_logical3A_838] : memref<256xi32, #tpu.memory_space<vmem>>[vector<16xi32>], vector<16xi32>,
    %add3A_880 = arith.addi %gather3A_879, %sub3A_878 : vector<16xi32>
    %add3A_881 = arith.constant 1 : i32
    %add3A_882 = vector.broadcast %add3A_881 : i32 to vector<16xi32>
    %add3A_883 = arith.addi %sub3A_878, %add3A_882 : vector<16xi32>
    tpu.vector_store_idx %arg12[%shift_right_logical3A_838], %add3A_883 masked %or3A_867 {add = true} : memref<256xi32, #tpu.memory_space<vmem>>[vector<16xi32>], vector<16xi32>, vector<16xi1>
    tpu.vector_store_idx %arg14[%and3A_841], %add3A_880 : memref<16xi32, #tpu.memory_space<vmem>>[vector<16xi32>], vector<16xi32>,
    %get3A_884 = arith.constant 0 : index
    %get3A_885 = tpu.vector_load %arg14[%get3A_884] {strides = array<i32>} : memref<16xi32, #tpu.memory_space<vmem>>, vector<16xi32>,
    %swap3A_886 = arith.constant 1 : i32
    %swap3A_887 = arith.index_cast %swap3A_886 : i32 to index
    %swap3A_888 = arith.constant 16 : index
    %swap3A_889 = tpu.vector_load %arg9[%swap3A_887, %swap3A_888] {strides = array<i32>} : memref<4x128xi32, #tpu.memory_space<vmem>>, vector<16xi32>,
    tpu.vector_store %arg9[%swap3A_887, %swap3A_888], %get3A_885 {strides = array<i32>} : memref<4x128xi32, #tpu.memory_space<vmem>>, vector<16xi32>,
    %get3A_890 = arith.constant 160 : index
    %get3A_891 = tpu.vector_load %arg8[%get3A_890] {strides = array<i32>} : memref<512xi32, #tpu.memory_space<vmem>>, vector<16xi32>,
    %shift_right_logical3A_892 = arith.constant 4 : i32
    %shift_right_logical3A_893 = vector.broadcast %shift_right_logical3A_892 : i32 to vector<16xi32>
    %shift_right_logical3A_894 = arith.shrui %get3A_891, %shift_right_logical3A_893 : vector<16xi32>
    %and3A_895 = arith.constant 15 : i32
    %and3A_896 = vector.broadcast %and3A_895 : i32 to vector<16xi32>
    %and3A_897 = arith.andi %get3A_891, %and3A_896 : vector<16xi32>
    %swap3A_898 = arith.constant 0 : index
    %swap3A_899 = tpu.vector_load %arg13[%swap3A_898] {strides = array<i32>} : memref<16xi32, #tpu.memory_space<vmem>>, vector<16xi32>,
    tpu.vector_store %arg13[%swap3A_898], %shift_right_logical3A_894 {strides = array<i32>} : memref<16xi32, #tpu.memory_space<vmem>>, vector<16xi32>,
    %sub3A_900 = arith.constant 1 : i32
    %sub3A_901 = vector.broadcast %sub3A_900 : i32 to vector<16xi32>
    %sub3A_902 = arith.subi %iota3A, %sub3A_901 : vector<16xi32>
    %max3A_903 = arith.constant 0 : i32
    %max3A_904 = vector.broadcast %max3A_903 : i32 to vector<16xi32>
    %max3A_905 = arith.maxsi %sub3A_902, %max3A_904 : vector<16xi32>
    %gather3A_906 = tpu.vector_load_idx %arg13[%max3A_905] : memref<16xi32, #tpu.memory_space<vmem>>[vector<16xi32>], vector<16xi32>,
    %add3A_907 = arith.constant 1 : i32
    %add3A_908 = vector.broadcast %add3A_907 : i32 to vector<16xi32>
    %add3A_909 = arith.addi %iota3A, %add3A_908 : vector<16xi32>
    %min3A_910 = arith.constant 15 : i32
    %min3A_911 = vector.broadcast %min3A_910 : i32 to vector<16xi32>
    %min3A_912 = arith.minsi %add3A_909, %min3A_911 : vector<16xi32>
    %gather3A_913 = tpu.vector_load_idx %arg13[%min3A_912] : memref<16xi32, #tpu.memory_space<vmem>>[vector<16xi32>], vector<16xi32>,
    %eq3A_914 = arith.constant 0 : i32
    %eq3A_915 = vector.broadcast %eq3A_914 : i32 to vector<16xi32>
    %eq3A_916 = arith.cmpi eq, %iota3A, %eq3A_915 : vector<16xi32>
    %ne3A_917 = arith.cmpi ne, %shift_right_logical3A_894, %gather3A_906 : vector<16xi32>
    %or3A_918 = arith.ori %eq3A_916, %ne3A_917 : vector<16xi1>
    %eq3A_919 = arith.constant 15 : i32
    %eq3A_920 = vector.broadcast %eq3A_919 : i32 to vector<16xi32>
    %eq3A_921 = arith.cmpi eq, %iota3A, %eq3A_920 : vector<16xi32>
    %ne3A_922 = arith.cmpi ne, %shift_right_logical3A_894, %gather3A_913 : vector<16xi32>
    %or3A_923 = arith.ori %eq3A_921, %ne3A_922 : vector<16xi1>
    %jit3A_924 = arith.constant 0 : i32
    %broadcast_in_dim3A_925 = vector.broadcast %jit3A_924 : i32 to vector<16xi32>
    %select_n3A_926 = arith.select %or3A_918, %iota3A, %broadcast_in_dim3A_925 : vector<16xi1>, vector<16xi32>
    %broadcast_in_dim3A_927 = arith.constant true
    %broadcast_in_dim3A_928 = vector.broadcast %broadcast_in_dim3A_927 : i1 to vector<16xi1>
    %masked_cummax3A_929 = arith.constant -2147483648 : i32
    %masked_cummax3A_930 = vector.broadcast %masked_cummax3A_929 : i32 to vector<16xi32>
    %masked_cummax3A_931 = arith.xori %select_n3A_926, %masked_cummax3A_930 : vector<16xi32>
    %masked_cummax3A_932 = tpu.scan <max>, %masked_cummax3A_931 masked %broadcast_in_dim3A_928 : vector<16xi32>, vector<16xi1> -> vector<16xi32>
    %masked_cummax3A_933 = arith.xori %masked_cummax3A_932, %masked_cummax3A_930 : vector<16xi32>
    %sub3A_934 = arith.subi %iota3A, %masked_cummax3A_933 : vector<16xi32>
    %gather3A_935 = tpu.vector_load_idx %arg12[%shift_right_logical3A_894] : memref<256xi32, #tpu.memory_space<vmem>>[vector<16xi32>], vector<16xi32>,
    %add3A_936 = arith.addi %gather3A_935, %sub3A_934 : vector<16xi32>
    %add3A_937 = arith.constant 1 : i32
    %add3A_938 = vector.broadcast %add3A_937 : i32 to vector<16xi32>
    %add3A_939 = arith.addi %sub3A_934, %add3A_938 : vector<16xi32>
    tpu.vector_store_idx %arg12[%shift_right_logical3A_894], %add3A_939 masked %or3A_923 {add = true} : memref<256xi32, #tpu.memory_space<vmem>>[vector<16xi32>], vector<16xi32>, vector<16xi1>
    tpu.vector_store_idx %arg14[%and3A_897], %add3A_936 : memref<16xi32, #tpu.memory_space<vmem>>[vector<16xi32>], vector<16xi32>,
    %get3A_940 = arith.constant 0 : index
    %get3A_941 = tpu.vector_load %arg14[%get3A_940] {strides = array<i32>} : memref<16xi32, #tpu.memory_space<vmem>>, vector<16xi32>,
    %swap3A_942 = arith.constant 1 : i32
    %swap3A_943 = arith.index_cast %swap3A_942 : i32 to index
    %swap3A_944 = arith.constant 32 : index
    %swap3A_945 = tpu.vector_load %arg9[%swap3A_943, %swap3A_944] {strides = array<i32>} : memref<4x128xi32, #tpu.memory_space<vmem>>, vector<16xi32>,
    tpu.vector_store %arg9[%swap3A_943, %swap3A_944], %get3A_941 {strides = array<i32>} : memref<4x128xi32, #tpu.memory_space<vmem>>, vector<16xi32>,
    %get3A_946 = arith.constant 176 : index
    %get3A_947 = tpu.vector_load %arg8[%get3A_946] {strides = array<i32>} : memref<512xi32, #tpu.memory_space<vmem>>, vector<16xi32>,
    %shift_right_logical3A_948 = arith.constant 4 : i32
    %shift_right_logical3A_949 = vector.broadcast %shift_right_logical3A_948 : i32 to vector<16xi32>
    %shift_right_logical3A_950 = arith.shrui %get3A_947, %shift_right_logical3A_949 : vector<16xi32>
    %and3A_951 = arith.constant 15 : i32
    %and3A_952 = vector.broadcast %and3A_951 : i32 to vector<16xi32>
    %and3A_953 = arith.andi %get3A_947, %and3A_952 : vector<16xi32>
    %swap3A_954 = arith.constant 0 : index
    %swap3A_955 = tpu.vector_load %arg15[%swap3A_954] {strides = array<i32>} : memref<16xi32, #tpu.memory_space<vmem>>, vector<16xi32>,
    tpu.vector_store %arg15[%swap3A_954], %shift_right_logical3A_950 {strides = array<i32>} : memref<16xi32, #tpu.memory_space<vmem>>, vector<16xi32>,
    %sub3A_956 = arith.constant 1 : i32
    %sub3A_957 = vector.broadcast %sub3A_956 : i32 to vector<16xi32>
    %sub3A_958 = arith.subi %iota3A, %sub3A_957 : vector<16xi32>
    %max3A_959 = arith.constant 0 : i32
    %max3A_960 = vector.broadcast %max3A_959 : i32 to vector<16xi32>
    %max3A_961 = arith.maxsi %sub3A_958, %max3A_960 : vector<16xi32>
    %gather3A_962 = tpu.vector_load_idx %arg15[%max3A_961] : memref<16xi32, #tpu.memory_space<vmem>>[vector<16xi32>], vector<16xi32>,
    %add3A_963 = arith.constant 1 : i32
    %add3A_964 = vector.broadcast %add3A_963 : i32 to vector<16xi32>
    %add3A_965 = arith.addi %iota3A, %add3A_964 : vector<16xi32>
    %min3A_966 = arith.constant 15 : i32
    %min3A_967 = vector.broadcast %min3A_966 : i32 to vector<16xi32>
    %min3A_968 = arith.minsi %add3A_965, %min3A_967 : vector<16xi32>
    %gather3A_969 = tpu.vector_load_idx %arg15[%min3A_968] : memref<16xi32, #tpu.memory_space<vmem>>[vector<16xi32>], vector<16xi32>,
    %eq3A_970 = arith.constant 0 : i32
    %eq3A_971 = vector.broadcast %eq3A_970 : i32 to vector<16xi32>
    %eq3A_972 = arith.cmpi eq, %iota3A, %eq3A_971 : vector<16xi32>
    %ne3A_973 = arith.cmpi ne, %shift_right_logical3A_950, %gather3A_962 : vector<16xi32>
    %or3A_974 = arith.ori %eq3A_972, %ne3A_973 : vector<16xi1>
    %eq3A_975 = arith.constant 15 : i32
    %eq3A_976 = vector.broadcast %eq3A_975 : i32 to vector<16xi32>
    %eq3A_977 = arith.cmpi eq, %iota3A, %eq3A_976 : vector<16xi32>
    %ne3A_978 = arith.cmpi ne, %shift_right_logical3A_950, %gather3A_969 : vector<16xi32>
    %or3A_979 = arith.ori %eq3A_977, %ne3A_978 : vector<16xi1>
    %jit3A_980 = arith.constant 0 : i32
    %broadcast_in_dim3A_981 = vector.broadcast %jit3A_980 : i32 to vector<16xi32>
    %select_n3A_982 = arith.select %or3A_974, %iota3A, %broadcast_in_dim3A_981 : vector<16xi1>, vector<16xi32>
    %broadcast_in_dim3A_983 = arith.constant true
    %broadcast_in_dim3A_984 = vector.broadcast %broadcast_in_dim3A_983 : i1 to vector<16xi1>
    %masked_cummax3A_985 = arith.constant -2147483648 : i32
    %masked_cummax3A_986 = vector.broadcast %masked_cummax3A_985 : i32 to vector<16xi32>
    %masked_cummax3A_987 = arith.xori %select_n3A_982, %masked_cummax3A_986 : vector<16xi32>
    %masked_cummax3A_988 = tpu.scan <max>, %masked_cummax3A_987 masked %broadcast_in_dim3A_984 : vector<16xi32>, vector<16xi1> -> vector<16xi32>
    %masked_cummax3A_989 = arith.xori %masked_cummax3A_988, %masked_cummax3A_986 : vector<16xi32>
    %sub3A_990 = arith.subi %iota3A, %masked_cummax3A_989 : vector<16xi32>
    %gather3A_991 = tpu.vector_load_idx %arg12[%shift_right_logical3A_950] : memref<256xi32, #tpu.memory_space<vmem>>[vector<16xi32>], vector<16xi32>,
    %add3A_992 = arith.addi %gather3A_991, %sub3A_990 : vector<16xi32>
    %add3A_993 = arith.constant 1 : i32
    %add3A_994 = vector.broadcast %add3A_993 : i32 to vector<16xi32>
    %add3A_995 = arith.addi %sub3A_990, %add3A_994 : vector<16xi32>
    tpu.vector_store_idx %arg12[%shift_right_logical3A_950], %add3A_995 masked %or3A_979 {add = true} : memref<256xi32, #tpu.memory_space<vmem>>[vector<16xi32>], vector<16xi32>, vector<16xi1>
    tpu.vector_store_idx %arg14[%and3A_953], %add3A_992 : memref<16xi32, #tpu.memory_space<vmem>>[vector<16xi32>], vector<16xi32>,
    %get3A_996 = arith.constant 0 : index
    %get3A_997 = tpu.vector_load %arg14[%get3A_996] {strides = array<i32>} : memref<16xi32, #tpu.memory_space<vmem>>, vector<16xi32>,
    %swap3A_998 = arith.constant 1 : i32
    %swap3A_999 = arith.index_cast %swap3A_998 : i32 to index
    %swap3A_1000 = arith.constant 48 : index
    %swap3A_1001 = tpu.vector_load %arg9[%swap3A_999, %swap3A_1000] {strides = array<i32>} : memref<4x128xi32, #tpu.memory_space<vmem>>, vector<16xi32>,
    tpu.vector_store %arg9[%swap3A_999, %swap3A_1000], %get3A_997 {strides = array<i32>} : memref<4x128xi32, #tpu.memory_space<vmem>>, vector<16xi32>,
    %get3A_1002 = arith.constant 192 : index
    %get3A_1003 = tpu.vector_load %arg8[%get3A_1002] {strides = array<i32>} : memref<512xi32, #tpu.memory_space<vmem>>, vector<16xi32>,
    %shift_right_logical3A_1004 = arith.constant 4 : i32
    %shift_right_logical3A_1005 = vector.broadcast %shift_right_logical3A_1004 : i32 to vector<16xi32>
    %shift_right_logical3A_1006 = arith.shrui %get3A_1003, %shift_right_logical3A_1005 : vector<16xi32>
    %and3A_1007 = arith.constant 15 : i32
    %and3A_1008 = vector.broadcast %and3A_1007 : i32 to vector<16xi32>
    %and3A_1009 = arith.andi %get3A_1003, %and3A_1008 : vector<16xi32>
    %swap3A_1010 = arith.constant 0 : index
    %swap3A_1011 = tpu.vector_load %arg13[%swap3A_1010] {strides = array<i32>} : memref<16xi32, #tpu.memory_space<vmem>>, vector<16xi32>,
    tpu.vector_store %arg13[%swap3A_1010], %shift_right_logical3A_1006 {strides = array<i32>} : memref<16xi32, #tpu.memory_space<vmem>>, vector<16xi32>,
    %sub3A_1012 = arith.constant 1 : i32
    %sub3A_1013 = vector.broadcast %sub3A_1012 : i32 to vector<16xi32>
    %sub3A_1014 = arith.subi %iota3A, %sub3A_1013 : vector<16xi32>
    %max3A_1015 = arith.constant 0 : i32
    %max3A_1016 = vector.broadcast %max3A_1015 : i32 to vector<16xi32>
    %max3A_1017 = arith.maxsi %sub3A_1014, %max3A_1016 : vector<16xi32>
    %gather3A_1018 = tpu.vector_load_idx %arg13[%max3A_1017] : memref<16xi32, #tpu.memory_space<vmem>>[vector<16xi32>], vector<16xi32>,
    %add3A_1019 = arith.constant 1 : i32
    %add3A_1020 = vector.broadcast %add3A_1019 : i32 to vector<16xi32>
    %add3A_1021 = arith.addi %iota3A, %add3A_1020 : vector<16xi32>
    %min3A_1022 = arith.constant 15 : i32
    %min3A_1023 = vector.broadcast %min3A_1022 : i32 to vector<16xi32>
    %min3A_1024 = arith.minsi %add3A_1021, %min3A_1023 : vector<16xi32>
    %gather3A_1025 = tpu.vector_load_idx %arg13[%min3A_1024] : memref<16xi32, #tpu.memory_space<vmem>>[vector<16xi32>], vector<16xi32>,
    %eq3A_1026 = arith.constant 0 : i32
    %eq3A_1027 = vector.broadcast %eq3A_1026 : i32 to vector<16xi32>
    %eq3A_1028 = arith.cmpi eq, %iota3A, %eq3A_1027 : vector<16xi32>
    %ne3A_1029 = arith.cmpi ne, %shift_right_logical3A_1006, %gather3A_1018 : vector<16xi32>
    %or3A_1030 = arith.ori %eq3A_1028, %ne3A_1029 : vector<16xi1>
    %eq3A_1031 = arith.constant 15 : i32
    %eq3A_1032 = vector.broadcast %eq3A_1031 : i32 to vector<16xi32>
    %eq3A_1033 = arith.cmpi eq, %iota3A, %eq3A_1032 : vector<16xi32>
    %ne3A_1034 = arith.cmpi ne, %shift_right_logical3A_1006, %gather3A_1025 : vector<16xi32>
    %or3A_1035 = arith.ori %eq3A_1033, %ne3A_1034 : vector<16xi1>
    %jit3A_1036 = arith.constant 0 : i32
    %broadcast_in_dim3A_1037 = vector.broadcast %jit3A_1036 : i32 to vector<16xi32>
    %select_n3A_1038 = arith.select %or3A_1030, %iota3A, %broadcast_in_dim3A_1037 : vector<16xi1>, vector<16xi32>
    %broadcast_in_dim3A_1039 = arith.constant true
    %broadcast_in_dim3A_1040 = vector.broadcast %broadcast_in_dim3A_1039 : i1 to vector<16xi1>
    %masked_cummax3A_1041 = arith.constant -2147483648 : i32
    %masked_cummax3A_1042 = vector.broadcast %masked_cummax3A_1041 : i32 to vector<16xi32>
    %masked_cummax3A_1043 = arith.xori %select_n3A_1038, %masked_cummax3A_1042 : vector<16xi32>
    %masked_cummax3A_1044 = tpu.scan <max>, %masked_cummax3A_1043 masked %broadcast_in_dim3A_1040 : vector<16xi32>, vector<16xi1> -> vector<16xi32>
    %masked_cummax3A_1045 = arith.xori %masked_cummax3A_1044, %masked_cummax3A_1042 : vector<16xi32>
    %sub3A_1046 = arith.subi %iota3A, %masked_cummax3A_1045 : vector<16xi32>
    %gather3A_1047 = tpu.vector_load_idx %arg12[%shift_right_logical3A_1006] : memref<256xi32, #tpu.memory_space<vmem>>[vector<16xi32>], vector<16xi32>,
    %add3A_1048 = arith.addi %gather3A_1047, %sub3A_1046 : vector<16xi32>
    %add3A_1049 = arith.constant 1 : i32
    %add3A_1050 = vector.broadcast %add3A_1049 : i32 to vector<16xi32>
    %add3A_1051 = arith.addi %sub3A_1046, %add3A_1050 : vector<16xi32>
    tpu.vector_store_idx %arg12[%shift_right_logical3A_1006], %add3A_1051 masked %or3A_1035 {add = true} : memref<256xi32, #tpu.memory_space<vmem>>[vector<16xi32>], vector<16xi32>, vector<16xi1>
    tpu.vector_store_idx %arg14[%and3A_1009], %add3A_1048 : memref<16xi32, #tpu.memory_space<vmem>>[vector<16xi32>], vector<16xi32>,
    %get3A_1052 = arith.constant 0 : index
    %get3A_1053 = tpu.vector_load %arg14[%get3A_1052] {strides = array<i32>} : memref<16xi32, #tpu.memory_space<vmem>>, vector<16xi32>,
    %swap3A_1054 = arith.constant 1 : i32
    %swap3A_1055 = arith.index_cast %swap3A_1054 : i32 to index
    %swap3A_1056 = arith.constant 64 : index
    %swap3A_1057 = tpu.vector_load %arg9[%swap3A_1055, %swap3A_1056] {strides = array<i32>} : memref<4x128xi32, #tpu.memory_space<vmem>>, vector<16xi32>,
    tpu.vector_store %arg9[%swap3A_1055, %swap3A_1056], %get3A_1053 {strides = array<i32>} : memref<4x128xi32, #tpu.memory_space<vmem>>, vector<16xi32>,
    %get3A_1058 = arith.constant 208 : index
    %get3A_1059 = tpu.vector_load %arg8[%get3A_1058] {strides = array<i32>} : memref<512xi32, #tpu.memory_space<vmem>>, vector<16xi32>,
    %shift_right_logical3A_1060 = arith.constant 4 : i32
    %shift_right_logical3A_1061 = vector.broadcast %shift_right_logical3A_1060 : i32 to vector<16xi32>
    %shift_right_logical3A_1062 = arith.shrui %get3A_1059, %shift_right_logical3A_1061 : vector<16xi32>
    %and3A_1063 = arith.constant 15 : i32
    %and3A_1064 = vector.broadcast %and3A_1063 : i32 to vector<16xi32>
    %and3A_1065 = arith.andi %get3A_1059, %and3A_1064 : vector<16xi32>
    %swap3A_1066 = arith.constant 0 : index
    %swap3A_1067 = tpu.vector_load %arg15[%swap3A_1066] {strides = array<i32>} : memref<16xi32, #tpu.memory_space<vmem>>, vector<16xi32>,
    tpu.vector_store %arg15[%swap3A_1066], %shift_right_logical3A_1062 {strides = array<i32>} : memref<16xi32, #tpu.memory_space<vmem>>, vector<16xi32>,
    %sub3A_1068 = arith.constant 1 : i32
    %sub3A_1069 = vector.broadcast %sub3A_1068 : i32 to vector<16xi32>
    %sub3A_1070 = arith.subi %iota3A, %sub3A_1069 : vector<16xi32>
    %max3A_1071 = arith.constant 0 : i32
    %max3A_1072 = vector.broadcast %max3A_1071 : i32 to vector<16xi32>
    %max3A_1073 = arith.maxsi %sub3A_1070, %max3A_1072 : vector<16xi32>
    %gather3A_1074 = tpu.vector_load_idx %arg15[%max3A_1073] : memref<16xi32, #tpu.memory_space<vmem>>[vector<16xi32>], vector<16xi32>,
    %add3A_1075 = arith.constant 1 : i32
    %add3A_1076 = vector.broadcast %add3A_1075 : i32 to vector<16xi32>
    %add3A_1077 = arith.addi %iota3A, %add3A_1076 : vector<16xi32>
    %min3A_1078 = arith.constant 15 : i32
    %min3A_1079 = vector.broadcast %min3A_1078 : i32 to vector<16xi32>
    %min3A_1080 = arith.minsi %add3A_1077, %min3A_1079 : vector<16xi32>
    %gather3A_1081 = tpu.vector_load_idx %arg15[%min3A_1080] : memref<16xi32, #tpu.memory_space<vmem>>[vector<16xi32>], vector<16xi32>,
    %eq3A_1082 = arith.constant 0 : i32
    %eq3A_1083 = vector.broadcast %eq3A_1082 : i32 to vector<16xi32>
    %eq3A_1084 = arith.cmpi eq, %iota3A, %eq3A_1083 : vector<16xi32>
    %ne3A_1085 = arith.cmpi ne, %shift_right_logical3A_1062, %gather3A_1074 : vector<16xi32>
    %or3A_1086 = arith.ori %eq3A_1084, %ne3A_1085 : vector<16xi1>
    %eq3A_1087 = arith.constant 15 : i32
    %eq3A_1088 = vector.broadcast %eq3A_1087 : i32 to vector<16xi32>
    %eq3A_1089 = arith.cmpi eq, %iota3A, %eq3A_1088 : vector<16xi32>
    %ne3A_1090 = arith.cmpi ne, %shift_right_logical3A_1062, %gather3A_1081 : vector<16xi32>
    %or3A_1091 = arith.ori %eq3A_1089, %ne3A_1090 : vector<16xi1>
    %jit3A_1092 = arith.constant 0 : i32
    %broadcast_in_dim3A_1093 = vector.broadcast %jit3A_1092 : i32 to vector<16xi32>
    %select_n3A_1094 = arith.select %or3A_1086, %iota3A, %broadcast_in_dim3A_1093 : vector<16xi1>, vector<16xi32>
    %broadcast_in_dim3A_1095 = arith.constant true
    %broadcast_in_dim3A_1096 = vector.broadcast %broadcast_in_dim3A_1095 : i1 to vector<16xi1>
    %masked_cummax3A_1097 = arith.constant -2147483648 : i32
    %masked_cummax3A_1098 = vector.broadcast %masked_cummax3A_1097 : i32 to vector<16xi32>
    %masked_cummax3A_1099 = arith.xori %select_n3A_1094, %masked_cummax3A_1098 : vector<16xi32>
    %masked_cummax3A_1100 = tpu.scan <max>, %masked_cummax3A_1099 masked %broadcast_in_dim3A_1096 : vector<16xi32>, vector<16xi1> -> vector<16xi32>
    %masked_cummax3A_1101 = arith.xori %masked_cummax3A_1100, %masked_cummax3A_1098 : vector<16xi32>
    %sub3A_1102 = arith.subi %iota3A, %masked_cummax3A_1101 : vector<16xi32>
    %gather3A_1103 = tpu.vector_load_idx %arg12[%shift_right_logical3A_1062] : memref<256xi32, #tpu.memory_space<vmem>>[vector<16xi32>], vector<16xi32>,
    %add3A_1104 = arith.addi %gather3A_1103, %sub3A_1102 : vector<16xi32>
    %add3A_1105 = arith.constant 1 : i32
    %add3A_1106 = vector.broadcast %add3A_1105 : i32 to vector<16xi32>
    %add3A_1107 = arith.addi %sub3A_1102, %add3A_1106 : vector<16xi32>
    tpu.vector_store_idx %arg12[%shift_right_logical3A_1062], %add3A_1107 masked %or3A_1091 {add = true} : memref<256xi32, #tpu.memory_space<vmem>>[vector<16xi32>], vector<16xi32>, vector<16xi1>
    tpu.vector_store_idx %arg14[%and3A_1065], %add3A_1104 : memref<16xi32, #tpu.memory_space<vmem>>[vector<16xi32>], vector<16xi32>,
    %get3A_1108 = arith.constant 0 : index
    %get3A_1109 = tpu.vector_load %arg14[%get3A_1108] {strides = array<i32>} : memref<16xi32, #tpu.memory_space<vmem>>, vector<16xi32>,
    %swap3A_1110 = arith.constant 1 : i32
    %swap3A_1111 = arith.index_cast %swap3A_1110 : i32 to index
    %swap3A_1112 = arith.constant 80 : index
    %swap3A_1113 = tpu.vector_load %arg9[%swap3A_1111, %swap3A_1112] {strides = array<i32>} : memref<4x128xi32, #tpu.memory_space<vmem>>, vector<16xi32>,
    tpu.vector_store %arg9[%swap3A_1111, %swap3A_1112], %get3A_1109 {strides = array<i32>} : memref<4x128xi32, #tpu.memory_space<vmem>>, vector<16xi32>,
    %get3A_1114 = arith.constant 224 : index
    %get3A_1115 = tpu.vector_load %arg8[%get3A_1114] {strides = array<i32>} : memref<512xi32, #tpu.memory_space<vmem>>, vector<16xi32>,
    %shift_right_logical3A_1116 = arith.constant 4 : i32
    %shift_right_logical3A_1117 = vector.broadcast %shift_right_logical3A_1116 : i32 to vector<16xi32>
    %shift_right_logical3A_1118 = arith.shrui %get3A_1115, %shift_right_logical3A_1117 : vector<16xi32>
    %and3A_1119 = arith.constant 15 : i32
    %and3A_1120 = vector.broadcast %and3A_1119 : i32 to vector<16xi32>
    %and3A_1121 = arith.andi %get3A_1115, %and3A_1120 : vector<16xi32>
    %swap3A_1122 = arith.constant 0 : index
    %swap3A_1123 = tpu.vector_load %arg13[%swap3A_1122] {strides = array<i32>} : memref<16xi32, #tpu.memory_space<vmem>>, vector<16xi32>,
    tpu.vector_store %arg13[%swap3A_1122], %shift_right_logical3A_1118 {strides = array<i32>} : memref<16xi32, #tpu.memory_space<vmem>>, vector<16xi32>,
    %sub3A_1124 = arith.constant 1 : i32
    %sub3A_1125 = vector.broadcast %sub3A_1124 : i32 to vector<16xi32>
    %sub3A_1126 = arith.subi %iota3A, %sub3A_1125 : vector<16xi32>
    %max3A_1127 = arith.constant 0 : i32
    %max3A_1128 = vector.broadcast %max3A_1127 : i32 to vector<16xi32>
    %max3A_1129 = arith.maxsi %sub3A_1126, %max3A_1128 : vector<16xi32>
    %gather3A_1130 = tpu.vector_load_idx %arg13[%max3A_1129] : memref<16xi32, #tpu.memory_space<vmem>>[vector<16xi32>], vector<16xi32>,
    %add3A_1131 = arith.constant 1 : i32
    %add3A_1132 = vector.broadcast %add3A_1131 : i32 to vector<16xi32>
    %add3A_1133 = arith.addi %iota3A, %add3A_1132 : vector<16xi32>
    %min3A_1134 = arith.constant 15 : i32
    %min3A_1135 = vector.broadcast %min3A_1134 : i32 to vector<16xi32>
    %min3A_1136 = arith.minsi %add3A_1133, %min3A_1135 : vector<16xi32>
    %gather3A_1137 = tpu.vector_load_idx %arg13[%min3A_1136] : memref<16xi32, #tpu.memory_space<vmem>>[vector<16xi32>], vector<16xi32>,
    %eq3A_1138 = arith.constant 0 : i32
    %eq3A_1139 = vector.broadcast %eq3A_1138 : i32 to vector<16xi32>
    %eq3A_1140 = arith.cmpi eq, %iota3A, %eq3A_1139 : vector<16xi32>
    %ne3A_1141 = arith.cmpi ne, %shift_right_logical3A_1118, %gather3A_1130 : vector<16xi32>
    %or3A_1142 = arith.ori %eq3A_1140, %ne3A_1141 : vector<16xi1>
    %eq3A_1143 = arith.constant 15 : i32
    %eq3A_1144 = vector.broadcast %eq3A_1143 : i32 to vector<16xi32>
    %eq3A_1145 = arith.cmpi eq, %iota3A, %eq3A_1144 : vector<16xi32>
    %ne3A_1146 = arith.cmpi ne, %shift_right_logical3A_1118, %gather3A_1137 : vector<16xi32>
    %or3A_1147 = arith.ori %eq3A_1145, %ne3A_1146 : vector<16xi1>
    %jit3A_1148 = arith.constant 0 : i32
    %broadcast_in_dim3A_1149 = vector.broadcast %jit3A_1148 : i32 to vector<16xi32>
    %select_n3A_1150 = arith.select %or3A_1142, %iota3A, %broadcast_in_dim3A_1149 : vector<16xi1>, vector<16xi32>
    %broadcast_in_dim3A_1151 = arith.constant true
    %broadcast_in_dim3A_1152 = vector.broadcast %broadcast_in_dim3A_1151 : i1 to vector<16xi1>
    %masked_cummax3A_1153 = arith.constant -2147483648 : i32
    %masked_cummax3A_1154 = vector.broadcast %masked_cummax3A_1153 : i32 to vector<16xi32>
    %masked_cummax3A_1155 = arith.xori %select_n3A_1150, %masked_cummax3A_1154 : vector<16xi32>
    %masked_cummax3A_1156 = tpu.scan <max>, %masked_cummax3A_1155 masked %broadcast_in_dim3A_1152 : vector<16xi32>, vector<16xi1> -> vector<16xi32>
    %masked_cummax3A_1157 = arith.xori %masked_cummax3A_1156, %masked_cummax3A_1154 : vector<16xi32>
    %sub3A_1158 = arith.subi %iota3A, %masked_cummax3A_1157 : vector<16xi32>
    %gather3A_1159 = tpu.vector_load_idx %arg12[%shift_right_logical3A_1118] : memref<256xi32, #tpu.memory_space<vmem>>[vector<16xi32>], vector<16xi32>,
    %add3A_1160 = arith.addi %gather3A_1159, %sub3A_1158 : vector<16xi32>
    %add3A_1161 = arith.constant 1 : i32
    %add3A_1162 = vector.broadcast %add3A_1161 : i32 to vector<16xi32>
    %add3A_1163 = arith.addi %sub3A_1158, %add3A_1162 : vector<16xi32>
    tpu.vector_store_idx %arg12[%shift_right_logical3A_1118], %add3A_1163 masked %or3A_1147 {add = true} : memref<256xi32, #tpu.memory_space<vmem>>[vector<16xi32>], vector<16xi32>, vector<16xi1>
    tpu.vector_store_idx %arg14[%and3A_1121], %add3A_1160 : memref<16xi32, #tpu.memory_space<vmem>>[vector<16xi32>], vector<16xi32>,
    %get3A_1164 = arith.constant 0 : index
    %get3A_1165 = tpu.vector_load %arg14[%get3A_1164] {strides = array<i32>} : memref<16xi32, #tpu.memory_space<vmem>>, vector<16xi32>,
    %swap3A_1166 = arith.constant 1 : i32
    %swap3A_1167 = arith.index_cast %swap3A_1166 : i32 to index
    %swap3A_1168 = arith.constant 96 : index
    %swap3A_1169 = tpu.vector_load %arg9[%swap3A_1167, %swap3A_1168] {strides = array<i32>} : memref<4x128xi32, #tpu.memory_space<vmem>>, vector<16xi32>,
    tpu.vector_store %arg9[%swap3A_1167, %swap3A_1168], %get3A_1165 {strides = array<i32>} : memref<4x128xi32, #tpu.memory_space<vmem>>, vector<16xi32>,
    %get3A_1170 = arith.constant 240 : index
    %get3A_1171 = tpu.vector_load %arg8[%get3A_1170] {strides = array<i32>} : memref<512xi32, #tpu.memory_space<vmem>>, vector<16xi32>,
    %shift_right_logical3A_1172 = arith.constant 4 : i32
    %shift_right_logical3A_1173 = vector.broadcast %shift_right_logical3A_1172 : i32 to vector<16xi32>
    %shift_right_logical3A_1174 = arith.shrui %get3A_1171, %shift_right_logical3A_1173 : vector<16xi32>
    %and3A_1175 = arith.constant 15 : i32
    %and3A_1176 = vector.broadcast %and3A_1175 : i32 to vector<16xi32>
    %and3A_1177 = arith.andi %get3A_1171, %and3A_1176 : vector<16xi32>
    %swap3A_1178 = arith.constant 0 : index
    %swap3A_1179 = tpu.vector_load %arg15[%swap3A_1178] {strides = array<i32>} : memref<16xi32, #tpu.memory_space<vmem>>, vector<16xi32>,
    tpu.vector_store %arg15[%swap3A_1178], %shift_right_logical3A_1174 {strides = array<i32>} : memref<16xi32, #tpu.memory_space<vmem>>, vector<16xi32>,
    %sub3A_1180 = arith.constant 1 : i32
    %sub3A_1181 = vector.broadcast %sub3A_1180 : i32 to vector<16xi32>
    %sub3A_1182 = arith.subi %iota3A, %sub3A_1181 : vector<16xi32>
    %max3A_1183 = arith.constant 0 : i32
    %max3A_1184 = vector.broadcast %max3A_1183 : i32 to vector<16xi32>
    %max3A_1185 = arith.maxsi %sub3A_1182, %max3A_1184 : vector<16xi32>
    %gather3A_1186 = tpu.vector_load_idx %arg15[%max3A_1185] : memref<16xi32, #tpu.memory_space<vmem>>[vector<16xi32>], vector<16xi32>,
    %add3A_1187 = arith.constant 1 : i32
    %add3A_1188 = vector.broadcast %add3A_1187 : i32 to vector<16xi32>
    %add3A_1189 = arith.addi %iota3A, %add3A_1188 : vector<16xi32>
    %min3A_1190 = arith.constant 15 : i32
    %min3A_1191 = vector.broadcast %min3A_1190 : i32 to vector<16xi32>
    %min3A_1192 = arith.minsi %add3A_1189, %min3A_1191 : vector<16xi32>
    %gather3A_1193 = tpu.vector_load_idx %arg15[%min3A_1192] : memref<16xi32, #tpu.memory_space<vmem>>[vector<16xi32>], vector<16xi32>,
    %eq3A_1194 = arith.constant 0 : i32
    %eq3A_1195 = vector.broadcast %eq3A_1194 : i32 to vector<16xi32>
    %eq3A_1196 = arith.cmpi eq, %iota3A, %eq3A_1195 : vector<16xi32>
    %ne3A_1197 = arith.cmpi ne, %shift_right_logical3A_1174, %gather3A_1186 : vector<16xi32>
    %or3A_1198 = arith.ori %eq3A_1196, %ne3A_1197 : vector<16xi1>
    %eq3A_1199 = arith.constant 15 : i32
    %eq3A_1200 = vector.broadcast %eq3A_1199 : i32 to vector<16xi32>
    %eq3A_1201 = arith.cmpi eq, %iota3A, %eq3A_1200 : vector<16xi32>
    %ne3A_1202 = arith.cmpi ne, %shift_right_logical3A_1174, %gather3A_1193 : vector<16xi32>
    %or3A_1203 = arith.ori %eq3A_1201, %ne3A_1202 : vector<16xi1>
    %jit3A_1204 = arith.constant 0 : i32
    %broadcast_in_dim3A_1205 = vector.broadcast %jit3A_1204 : i32 to vector<16xi32>
    %select_n3A_1206 = arith.select %or3A_1198, %iota3A, %broadcast_in_dim3A_1205 : vector<16xi1>, vector<16xi32>
    %broadcast_in_dim3A_1207 = arith.constant true
    %broadcast_in_dim3A_1208 = vector.broadcast %broadcast_in_dim3A_1207 : i1 to vector<16xi1>
    %masked_cummax3A_1209 = arith.constant -2147483648 : i32
    %masked_cummax3A_1210 = vector.broadcast %masked_cummax3A_1209 : i32 to vector<16xi32>
    %masked_cummax3A_1211 = arith.xori %select_n3A_1206, %masked_cummax3A_1210 : vector<16xi32>
    %masked_cummax3A_1212 = tpu.scan <max>, %masked_cummax3A_1211 masked %broadcast_in_dim3A_1208 : vector<16xi32>, vector<16xi1> -> vector<16xi32>
    %masked_cummax3A_1213 = arith.xori %masked_cummax3A_1212, %masked_cummax3A_1210 : vector<16xi32>
    %sub3A_1214 = arith.subi %iota3A, %masked_cummax3A_1213 : vector<16xi32>
    %gather3A_1215 = tpu.vector_load_idx %arg12[%shift_right_logical3A_1174] : memref<256xi32, #tpu.memory_space<vmem>>[vector<16xi32>], vector<16xi32>,
    %add3A_1216 = arith.addi %gather3A_1215, %sub3A_1214 : vector<16xi32>
    %add3A_1217 = arith.constant 1 : i32
    %add3A_1218 = vector.broadcast %add3A_1217 : i32 to vector<16xi32>
    %add3A_1219 = arith.addi %sub3A_1214, %add3A_1218 : vector<16xi32>
    tpu.vector_store_idx %arg12[%shift_right_logical3A_1174], %add3A_1219 masked %or3A_1203 {add = true} : memref<256xi32, #tpu.memory_space<vmem>>[vector<16xi32>], vector<16xi32>, vector<16xi1>
    tpu.vector_store_idx %arg14[%and3A_1177], %add3A_1216 : memref<16xi32, #tpu.memory_space<vmem>>[vector<16xi32>], vector<16xi32>,
    %get3A_1220 = arith.constant 0 : index
    %get3A_1221 = tpu.vector_load %arg14[%get3A_1220] {strides = array<i32>} : memref<16xi32, #tpu.memory_space<vmem>>, vector<16xi32>,
    %swap3A_1222 = arith.constant 1 : i32
    %swap3A_1223 = arith.index_cast %swap3A_1222 : i32 to index
    %swap3A_1224 = arith.constant 112 : index
    %swap3A_1225 = tpu.vector_load %arg9[%swap3A_1223, %swap3A_1224] {strides = array<i32>} : memref<4x128xi32, #tpu.memory_space<vmem>>, vector<16xi32>,
    tpu.vector_store %arg9[%swap3A_1223, %swap3A_1224], %get3A_1221 {strides = array<i32>} : memref<4x128xi32, #tpu.memory_space<vmem>>, vector<16xi32>,
    %get3A_1226 = arith.constant 256 : index
    %get3A_1227 = tpu.vector_load %arg8[%get3A_1226] {strides = array<i32>} : memref<512xi32, #tpu.memory_space<vmem>>, vector<16xi32>,
    %shift_right_logical3A_1228 = arith.constant 4 : i32
    %shift_right_logical3A_1229 = vector.broadcast %shift_right_logical3A_1228 : i32 to vector<16xi32>
    %shift_right_logical3A_1230 = arith.shrui %get3A_1227, %shift_right_logical3A_1229 : vector<16xi32>
    %and3A_1231 = arith.constant 15 : i32
    %and3A_1232 = vector.broadcast %and3A_1231 : i32 to vector<16xi32>
    %and3A_1233 = arith.andi %get3A_1227, %and3A_1232 : vector<16xi32>
    %swap3A_1234 = arith.constant 0 : index
    %swap3A_1235 = tpu.vector_load %arg13[%swap3A_1234] {strides = array<i32>} : memref<16xi32, #tpu.memory_space<vmem>>, vector<16xi32>,
    tpu.vector_store %arg13[%swap3A_1234], %shift_right_logical3A_1230 {strides = array<i32>} : memref<16xi32, #tpu.memory_space<vmem>>, vector<16xi32>,
    %sub3A_1236 = arith.constant 1 : i32
    %sub3A_1237 = vector.broadcast %sub3A_1236 : i32 to vector<16xi32>
    %sub3A_1238 = arith.subi %iota3A, %sub3A_1237 : vector<16xi32>
    %max3A_1239 = arith.constant 0 : i32
    %max3A_1240 = vector.broadcast %max3A_1239 : i32 to vector<16xi32>
    %max3A_1241 = arith.maxsi %sub3A_1238, %max3A_1240 : vector<16xi32>
    %gather3A_1242 = tpu.vector_load_idx %arg13[%max3A_1241] : memref<16xi32, #tpu.memory_space<vmem>>[vector<16xi32>], vector<16xi32>,
    %add3A_1243 = arith.constant 1 : i32
    %add3A_1244 = vector.broadcast %add3A_1243 : i32 to vector<16xi32>
    %add3A_1245 = arith.addi %iota3A, %add3A_1244 : vector<16xi32>
    %min3A_1246 = arith.constant 15 : i32
    %min3A_1247 = vector.broadcast %min3A_1246 : i32 to vector<16xi32>
    %min3A_1248 = arith.minsi %add3A_1245, %min3A_1247 : vector<16xi32>
    %gather3A_1249 = tpu.vector_load_idx %arg13[%min3A_1248] : memref<16xi32, #tpu.memory_space<vmem>>[vector<16xi32>], vector<16xi32>,
    %eq3A_1250 = arith.constant 0 : i32
    %eq3A_1251 = vector.broadcast %eq3A_1250 : i32 to vector<16xi32>
    %eq3A_1252 = arith.cmpi eq, %iota3A, %eq3A_1251 : vector<16xi32>
    %ne3A_1253 = arith.cmpi ne, %shift_right_logical3A_1230, %gather3A_1242 : vector<16xi32>
    %or3A_1254 = arith.ori %eq3A_1252, %ne3A_1253 : vector<16xi1>
    %eq3A_1255 = arith.constant 15 : i32
    %eq3A_1256 = vector.broadcast %eq3A_1255 : i32 to vector<16xi32>
    %eq3A_1257 = arith.cmpi eq, %iota3A, %eq3A_1256 : vector<16xi32>
    %ne3A_1258 = arith.cmpi ne, %shift_right_logical3A_1230, %gather3A_1249 : vector<16xi32>
    %or3A_1259 = arith.ori %eq3A_1257, %ne3A_1258 : vector<16xi1>
    %jit3A_1260 = arith.constant 0 : i32
    %broadcast_in_dim3A_1261 = vector.broadcast %jit3A_1260 : i32 to vector<16xi32>
    %select_n3A_1262 = arith.select %or3A_1254, %iota3A, %broadcast_in_dim3A_1261 : vector<16xi1>, vector<16xi32>
    %broadcast_in_dim3A_1263 = arith.constant true
    %broadcast_in_dim3A_1264 = vector.broadcast %broadcast_in_dim3A_1263 : i1 to vector<16xi1>
    %masked_cummax3A_1265 = arith.constant -2147483648 : i32
    %masked_cummax3A_1266 = vector.broadcast %masked_cummax3A_1265 : i32 to vector<16xi32>
    %masked_cummax3A_1267 = arith.xori %select_n3A_1262, %masked_cummax3A_1266 : vector<16xi32>
    %masked_cummax3A_1268 = tpu.scan <max>, %masked_cummax3A_1267 masked %broadcast_in_dim3A_1264 : vector<16xi32>, vector<16xi1> -> vector<16xi32>
    %masked_cummax3A_1269 = arith.xori %masked_cummax3A_1268, %masked_cummax3A_1266 : vector<16xi32>
    %sub3A_1270 = arith.subi %iota3A, %masked_cummax3A_1269 : vector<16xi32>
    %gather3A_1271 = tpu.vector_load_idx %arg12[%shift_right_logical3A_1230] : memref<256xi32, #tpu.memory_space<vmem>>[vector<16xi32>], vector<16xi32>,
    %add3A_1272 = arith.addi %gather3A_1271, %sub3A_1270 : vector<16xi32>
    %add3A_1273 = arith.constant 1 : i32
    %add3A_1274 = vector.broadcast %add3A_1273 : i32 to vector<16xi32>
    %add3A_1275 = arith.addi %sub3A_1270, %add3A_1274 : vector<16xi32>
    tpu.vector_store_idx %arg12[%shift_right_logical3A_1230], %add3A_1275 masked %or3A_1259 {add = true} : memref<256xi32, #tpu.memory_space<vmem>>[vector<16xi32>], vector<16xi32>, vector<16xi1>
    tpu.vector_store_idx %arg14[%and3A_1233], %add3A_1272 : memref<16xi32, #tpu.memory_space<vmem>>[vector<16xi32>], vector<16xi32>,
    %get3A_1276 = arith.constant 0 : index
    %get3A_1277 = tpu.vector_load %arg14[%get3A_1276] {strides = array<i32>} : memref<16xi32, #tpu.memory_space<vmem>>, vector<16xi32>,
    %swap3A_1278 = arith.constant 2 : i32
    %swap3A_1279 = arith.index_cast %swap3A_1278 : i32 to index
    %swap3A_1280 = arith.constant 0 : index
    %swap3A_1281 = tpu.vector_load %arg9[%swap3A_1279, %swap3A_1280] {strides = array<i32>} : memref<4x128xi32, #tpu.memory_space<vmem>>, vector<16xi32>,
    tpu.vector_store %arg9[%swap3A_1279, %swap3A_1280], %get3A_1277 {strides = array<i32>} : memref<4x128xi32, #tpu.memory_space<vmem>>, vector<16xi32>,
    %get3A_1282 = arith.constant 272 : index
    %get3A_1283 = tpu.vector_load %arg8[%get3A_1282] {strides = array<i32>} : memref<512xi32, #tpu.memory_space<vmem>>, vector<16xi32>,
    %shift_right_logical3A_1284 = arith.constant 4 : i32
    %shift_right_logical3A_1285 = vector.broadcast %shift_right_logical3A_1284 : i32 to vector<16xi32>
    %shift_right_logical3A_1286 = arith.shrui %get3A_1283, %shift_right_logical3A_1285 : vector<16xi32>
    %and3A_1287 = arith.constant 15 : i32
    %and3A_1288 = vector.broadcast %and3A_1287 : i32 to vector<16xi32>
    %and3A_1289 = arith.andi %get3A_1283, %and3A_1288 : vector<16xi32>
    %swap3A_1290 = arith.constant 0 : index
    %swap3A_1291 = tpu.vector_load %arg15[%swap3A_1290] {strides = array<i32>} : memref<16xi32, #tpu.memory_space<vmem>>, vector<16xi32>,
    tpu.vector_store %arg15[%swap3A_1290], %shift_right_logical3A_1286 {strides = array<i32>} : memref<16xi32, #tpu.memory_space<vmem>>, vector<16xi32>,
    %sub3A_1292 = arith.constant 1 : i32
    %sub3A_1293 = vector.broadcast %sub3A_1292 : i32 to vector<16xi32>
    %sub3A_1294 = arith.subi %iota3A, %sub3A_1293 : vector<16xi32>
    %max3A_1295 = arith.constant 0 : i32
    %max3A_1296 = vector.broadcast %max3A_1295 : i32 to vector<16xi32>
    %max3A_1297 = arith.maxsi %sub3A_1294, %max3A_1296 : vector<16xi32>
    %gather3A_1298 = tpu.vector_load_idx %arg15[%max3A_1297] : memref<16xi32, #tpu.memory_space<vmem>>[vector<16xi32>], vector<16xi32>,
    %add3A_1299 = arith.constant 1 : i32
    %add3A_1300 = vector.broadcast %add3A_1299 : i32 to vector<16xi32>
    %add3A_1301 = arith.addi %iota3A, %add3A_1300 : vector<16xi32>
    %min3A_1302 = arith.constant 15 : i32
    %min3A_1303 = vector.broadcast %min3A_1302 : i32 to vector<16xi32>
    %min3A_1304 = arith.minsi %add3A_1301, %min3A_1303 : vector<16xi32>
    %gather3A_1305 = tpu.vector_load_idx %arg15[%min3A_1304] : memref<16xi32, #tpu.memory_space<vmem>>[vector<16xi32>], vector<16xi32>,
    %eq3A_1306 = arith.constant 0 : i32
    %eq3A_1307 = vector.broadcast %eq3A_1306 : i32 to vector<16xi32>
    %eq3A_1308 = arith.cmpi eq, %iota3A, %eq3A_1307 : vector<16xi32>
    %ne3A_1309 = arith.cmpi ne, %shift_right_logical3A_1286, %gather3A_1298 : vector<16xi32>
    %or3A_1310 = arith.ori %eq3A_1308, %ne3A_1309 : vector<16xi1>
    %eq3A_1311 = arith.constant 15 : i32
    %eq3A_1312 = vector.broadcast %eq3A_1311 : i32 to vector<16xi32>
    %eq3A_1313 = arith.cmpi eq, %iota3A, %eq3A_1312 : vector<16xi32>
    %ne3A_1314 = arith.cmpi ne, %shift_right_logical3A_1286, %gather3A_1305 : vector<16xi32>
    %or3A_1315 = arith.ori %eq3A_1313, %ne3A_1314 : vector<16xi1>
    %jit3A_1316 = arith.constant 0 : i32
    %broadcast_in_dim3A_1317 = vector.broadcast %jit3A_1316 : i32 to vector<16xi32>
    %select_n3A_1318 = arith.select %or3A_1310, %iota3A, %broadcast_in_dim3A_1317 : vector<16xi1>, vector<16xi32>
    %broadcast_in_dim3A_1319 = arith.constant true
    %broadcast_in_dim3A_1320 = vector.broadcast %broadcast_in_dim3A_1319 : i1 to vector<16xi1>
    %masked_cummax3A_1321 = arith.constant -2147483648 : i32
    %masked_cummax3A_1322 = vector.broadcast %masked_cummax3A_1321 : i32 to vector<16xi32>
    %masked_cummax3A_1323 = arith.xori %select_n3A_1318, %masked_cummax3A_1322 : vector<16xi32>
    %masked_cummax3A_1324 = tpu.scan <max>, %masked_cummax3A_1323 masked %broadcast_in_dim3A_1320 : vector<16xi32>, vector<16xi1> -> vector<16xi32>
    %masked_cummax3A_1325 = arith.xori %masked_cummax3A_1324, %masked_cummax3A_1322 : vector<16xi32>
    %sub3A_1326 = arith.subi %iota3A, %masked_cummax3A_1325 : vector<16xi32>
    %gather3A_1327 = tpu.vector_load_idx %arg12[%shift_right_logical3A_1286] : memref<256xi32, #tpu.memory_space<vmem>>[vector<16xi32>], vector<16xi32>,
    %add3A_1328 = arith.addi %gather3A_1327, %sub3A_1326 : vector<16xi32>
    %add3A_1329 = arith.constant 1 : i32
    %add3A_1330 = vector.broadcast %add3A_1329 : i32 to vector<16xi32>
    %add3A_1331 = arith.addi %sub3A_1326, %add3A_1330 : vector<16xi32>
    tpu.vector_store_idx %arg12[%shift_right_logical3A_1286], %add3A_1331 masked %or3A_1315 {add = true} : memref<256xi32, #tpu.memory_space<vmem>>[vector<16xi32>], vector<16xi32>, vector<16xi1>
    tpu.vector_store_idx %arg14[%and3A_1289], %add3A_1328 : memref<16xi32, #tpu.memory_space<vmem>>[vector<16xi32>], vector<16xi32>,
    %get3A_1332 = arith.constant 0 : index
    %get3A_1333 = tpu.vector_load %arg14[%get3A_1332] {strides = array<i32>} : memref<16xi32, #tpu.memory_space<vmem>>, vector<16xi32>,
    %swap3A_1334 = arith.constant 2 : i32
    %swap3A_1335 = arith.index_cast %swap3A_1334 : i32 to index
    %swap3A_1336 = arith.constant 16 : index
    %swap3A_1337 = tpu.vector_load %arg9[%swap3A_1335, %swap3A_1336] {strides = array<i32>} : memref<4x128xi32, #tpu.memory_space<vmem>>, vector<16xi32>,
    tpu.vector_store %arg9[%swap3A_1335, %swap3A_1336], %get3A_1333 {strides = array<i32>} : memref<4x128xi32, #tpu.memory_space<vmem>>, vector<16xi32>,
    %get3A_1338 = arith.constant 288 : index
    %get3A_1339 = tpu.vector_load %arg8[%get3A_1338] {strides = array<i32>} : memref<512xi32, #tpu.memory_space<vmem>>, vector<16xi32>,
    %shift_right_logical3A_1340 = arith.constant 4 : i32
    %shift_right_logical3A_1341 = vector.broadcast %shift_right_logical3A_1340 : i32 to vector<16xi32>
    %shift_right_logical3A_1342 = arith.shrui %get3A_1339, %shift_right_logical3A_1341 : vector<16xi32>
    %and3A_1343 = arith.constant 15 : i32
    %and3A_1344 = vector.broadcast %and3A_1343 : i32 to vector<16xi32>
    %and3A_1345 = arith.andi %get3A_1339, %and3A_1344 : vector<16xi32>
    %swap3A_1346 = arith.constant 0 : index
    %swap3A_1347 = tpu.vector_load %arg13[%swap3A_1346] {strides = array<i32>} : memref<16xi32, #tpu.memory_space<vmem>>, vector<16xi32>,
    tpu.vector_store %arg13[%swap3A_1346], %shift_right_logical3A_1342 {strides = array<i32>} : memref<16xi32, #tpu.memory_space<vmem>>, vector<16xi32>,
    %sub3A_1348 = arith.constant 1 : i32
    %sub3A_1349 = vector.broadcast %sub3A_1348 : i32 to vector<16xi32>
    %sub3A_1350 = arith.subi %iota3A, %sub3A_1349 : vector<16xi32>
    %max3A_1351 = arith.constant 0 : i32
    %max3A_1352 = vector.broadcast %max3A_1351 : i32 to vector<16xi32>
    %max3A_1353 = arith.maxsi %sub3A_1350, %max3A_1352 : vector<16xi32>
    %gather3A_1354 = tpu.vector_load_idx %arg13[%max3A_1353] : memref<16xi32, #tpu.memory_space<vmem>>[vector<16xi32>], vector<16xi32>,
    %add3A_1355 = arith.constant 1 : i32
    %add3A_1356 = vector.broadcast %add3A_1355 : i32 to vector<16xi32>
    %add3A_1357 = arith.addi %iota3A, %add3A_1356 : vector<16xi32>
    %min3A_1358 = arith.constant 15 : i32
    %min3A_1359 = vector.broadcast %min3A_1358 : i32 to vector<16xi32>
    %min3A_1360 = arith.minsi %add3A_1357, %min3A_1359 : vector<16xi32>
    %gather3A_1361 = tpu.vector_load_idx %arg13[%min3A_1360] : memref<16xi32, #tpu.memory_space<vmem>>[vector<16xi32>], vector<16xi32>,
    %eq3A_1362 = arith.constant 0 : i32
    %eq3A_1363 = vector.broadcast %eq3A_1362 : i32 to vector<16xi32>
    %eq3A_1364 = arith.cmpi eq, %iota3A, %eq3A_1363 : vector<16xi32>
    %ne3A_1365 = arith.cmpi ne, %shift_right_logical3A_1342, %gather3A_1354 : vector<16xi32>
    %or3A_1366 = arith.ori %eq3A_1364, %ne3A_1365 : vector<16xi1>
    %eq3A_1367 = arith.constant 15 : i32
    %eq3A_1368 = vector.broadcast %eq3A_1367 : i32 to vector<16xi32>
    %eq3A_1369 = arith.cmpi eq, %iota3A, %eq3A_1368 : vector<16xi32>
    %ne3A_1370 = arith.cmpi ne, %shift_right_logical3A_1342, %gather3A_1361 : vector<16xi32>
    %or3A_1371 = arith.ori %eq3A_1369, %ne3A_1370 : vector<16xi1>
    %jit3A_1372 = arith.constant 0 : i32
    %broadcast_in_dim3A_1373 = vector.broadcast %jit3A_1372 : i32 to vector<16xi32>
    %select_n3A_1374 = arith.select %or3A_1366, %iota3A, %broadcast_in_dim3A_1373 : vector<16xi1>, vector<16xi32>
    %broadcast_in_dim3A_1375 = arith.constant true
    %broadcast_in_dim3A_1376 = vector.broadcast %broadcast_in_dim3A_1375 : i1 to vector<16xi1>
    %masked_cummax3A_1377 = arith.constant -2147483648 : i32
    %masked_cummax3A_1378 = vector.broadcast %masked_cummax3A_1377 : i32 to vector<16xi32>
    %masked_cummax3A_1379 = arith.xori %select_n3A_1374, %masked_cummax3A_1378 : vector<16xi32>
    %masked_cummax3A_1380 = tpu.scan <max>, %masked_cummax3A_1379 masked %broadcast_in_dim3A_1376 : vector<16xi32>, vector<16xi1> -> vector<16xi32>
    %masked_cummax3A_1381 = arith.xori %masked_cummax3A_1380, %masked_cummax3A_1378 : vector<16xi32>
    %sub3A_1382 = arith.subi %iota3A, %masked_cummax3A_1381 : vector<16xi32>
    %gather3A_1383 = tpu.vector_load_idx %arg12[%shift_right_logical3A_1342] : memref<256xi32, #tpu.memory_space<vmem>>[vector<16xi32>], vector<16xi32>,
    %add3A_1384 = arith.addi %gather3A_1383, %sub3A_1382 : vector<16xi32>
    %add3A_1385 = arith.constant 1 : i32
    %add3A_1386 = vector.broadcast %add3A_1385 : i32 to vector<16xi32>
    %add3A_1387 = arith.addi %sub3A_1382, %add3A_1386 : vector<16xi32>
    tpu.vector_store_idx %arg12[%shift_right_logical3A_1342], %add3A_1387 masked %or3A_1371 {add = true} : memref<256xi32, #tpu.memory_space<vmem>>[vector<16xi32>], vector<16xi32>, vector<16xi1>
    tpu.vector_store_idx %arg14[%and3A_1345], %add3A_1384 : memref<16xi32, #tpu.memory_space<vmem>>[vector<16xi32>], vector<16xi32>,
    %get3A_1388 = arith.constant 0 : index
    %get3A_1389 = tpu.vector_load %arg14[%get3A_1388] {strides = array<i32>} : memref<16xi32, #tpu.memory_space<vmem>>, vector<16xi32>,
    %swap3A_1390 = arith.constant 2 : i32
    %swap3A_1391 = arith.index_cast %swap3A_1390 : i32 to index
    %swap3A_1392 = arith.constant 32 : index
    %swap3A_1393 = tpu.vector_load %arg9[%swap3A_1391, %swap3A_1392] {strides = array<i32>} : memref<4x128xi32, #tpu.memory_space<vmem>>, vector<16xi32>,
    tpu.vector_store %arg9[%swap3A_1391, %swap3A_1392], %get3A_1389 {strides = array<i32>} : memref<4x128xi32, #tpu.memory_space<vmem>>, vector<16xi32>,
    %get3A_1394 = arith.constant 304 : index
    %get3A_1395 = tpu.vector_load %arg8[%get3A_1394] {strides = array<i32>} : memref<512xi32, #tpu.memory_space<vmem>>, vector<16xi32>,
    %shift_right_logical3A_1396 = arith.constant 4 : i32
    %shift_right_logical3A_1397 = vector.broadcast %shift_right_logical3A_1396 : i32 to vector<16xi32>
    %shift_right_logical3A_1398 = arith.shrui %get3A_1395, %shift_right_logical3A_1397 : vector<16xi32>
    %and3A_1399 = arith.constant 15 : i32
    %and3A_1400 = vector.broadcast %and3A_1399 : i32 to vector<16xi32>
    %and3A_1401 = arith.andi %get3A_1395, %and3A_1400 : vector<16xi32>
    %swap3A_1402 = arith.constant 0 : index
    %swap3A_1403 = tpu.vector_load %arg15[%swap3A_1402] {strides = array<i32>} : memref<16xi32, #tpu.memory_space<vmem>>, vector<16xi32>,
    tpu.vector_store %arg15[%swap3A_1402], %shift_right_logical3A_1398 {strides = array<i32>} : memref<16xi32, #tpu.memory_space<vmem>>, vector<16xi32>,
    %sub3A_1404 = arith.constant 1 : i32
    %sub3A_1405 = vector.broadcast %sub3A_1404 : i32 to vector<16xi32>
    %sub3A_1406 = arith.subi %iota3A, %sub3A_1405 : vector<16xi32>
    %max3A_1407 = arith.constant 0 : i32
    %max3A_1408 = vector.broadcast %max3A_1407 : i32 to vector<16xi32>
    %max3A_1409 = arith.maxsi %sub3A_1406, %max3A_1408 : vector<16xi32>
    %gather3A_1410 = tpu.vector_load_idx %arg15[%max3A_1409] : memref<16xi32, #tpu.memory_space<vmem>>[vector<16xi32>], vector<16xi32>,
    %add3A_1411 = arith.constant 1 : i32
    %add3A_1412 = vector.broadcast %add3A_1411 : i32 to vector<16xi32>
    %add3A_1413 = arith.addi %iota3A, %add3A_1412 : vector<16xi32>
    %min3A_1414 = arith.constant 15 : i32
    %min3A_1415 = vector.broadcast %min3A_1414 : i32 to vector<16xi32>
    %min3A_1416 = arith.minsi %add3A_1413, %min3A_1415 : vector<16xi32>
    %gather3A_1417 = tpu.vector_load_idx %arg15[%min3A_1416] : memref<16xi32, #tpu.memory_space<vmem>>[vector<16xi32>], vector<16xi32>,
    %eq3A_1418 = arith.constant 0 : i32
    %eq3A_1419 = vector.broadcast %eq3A_1418 : i32 to vector<16xi32>
    %eq3A_1420 = arith.cmpi eq, %iota3A, %eq3A_1419 : vector<16xi32>
    %ne3A_1421 = arith.cmpi ne, %shift_right_logical3A_1398, %gather3A_1410 : vector<16xi32>
    %or3A_1422 = arith.ori %eq3A_1420, %ne3A_1421 : vector<16xi1>
    %eq3A_1423 = arith.constant 15 : i32
    %eq3A_1424 = vector.broadcast %eq3A_1423 : i32 to vector<16xi32>
    %eq3A_1425 = arith.cmpi eq, %iota3A, %eq3A_1424 : vector<16xi32>
    %ne3A_1426 = arith.cmpi ne, %shift_right_logical3A_1398, %gather3A_1417 : vector<16xi32>
    %or3A_1427 = arith.ori %eq3A_1425, %ne3A_1426 : vector<16xi1>
    %jit3A_1428 = arith.constant 0 : i32
    %broadcast_in_dim3A_1429 = vector.broadcast %jit3A_1428 : i32 to vector<16xi32>
    %select_n3A_1430 = arith.select %or3A_1422, %iota3A, %broadcast_in_dim3A_1429 : vector<16xi1>, vector<16xi32>
    %broadcast_in_dim3A_1431 = arith.constant true
    %broadcast_in_dim3A_1432 = vector.broadcast %broadcast_in_dim3A_1431 : i1 to vector<16xi1>
    %masked_cummax3A_1433 = arith.constant -2147483648 : i32
    %masked_cummax3A_1434 = vector.broadcast %masked_cummax3A_1433 : i32 to vector<16xi32>
    %masked_cummax3A_1435 = arith.xori %select_n3A_1430, %masked_cummax3A_1434 : vector<16xi32>
    %masked_cummax3A_1436 = tpu.scan <max>, %masked_cummax3A_1435 masked %broadcast_in_dim3A_1432 : vector<16xi32>, vector<16xi1> -> vector<16xi32>
    %masked_cummax3A_1437 = arith.xori %masked_cummax3A_1436, %masked_cummax3A_1434 : vector<16xi32>
    %sub3A_1438 = arith.subi %iota3A, %masked_cummax3A_1437 : vector<16xi32>
    %gather3A_1439 = tpu.vector_load_idx %arg12[%shift_right_logical3A_1398] : memref<256xi32, #tpu.memory_space<vmem>>[vector<16xi32>], vector<16xi32>,
    %add3A_1440 = arith.addi %gather3A_1439, %sub3A_1438 : vector<16xi32>
    %add3A_1441 = arith.constant 1 : i32
    %add3A_1442 = vector.broadcast %add3A_1441 : i32 to vector<16xi32>
    %add3A_1443 = arith.addi %sub3A_1438, %add3A_1442 : vector<16xi32>
    tpu.vector_store_idx %arg12[%shift_right_logical3A_1398], %add3A_1443 masked %or3A_1427 {add = true} : memref<256xi32, #tpu.memory_space<vmem>>[vector<16xi32>], vector<16xi32>, vector<16xi1>
    tpu.vector_store_idx %arg14[%and3A_1401], %add3A_1440 : memref<16xi32, #tpu.memory_space<vmem>>[vector<16xi32>], vector<16xi32>,
    %get3A_1444 = arith.constant 0 : index
    %get3A_1445 = tpu.vector_load %arg14[%get3A_1444] {strides = array<i32>} : memref<16xi32, #tpu.memory_space<vmem>>, vector<16xi32>,
    %swap3A_1446 = arith.constant 2 : i32
    %swap3A_1447 = arith.index_cast %swap3A_1446 : i32 to index
    %swap3A_1448 = arith.constant 48 : index
    %swap3A_1449 = tpu.vector_load %arg9[%swap3A_1447, %swap3A_1448] {strides = array<i32>} : memref<4x128xi32, #tpu.memory_space<vmem>>, vector<16xi32>,
    tpu.vector_store %arg9[%swap3A_1447, %swap3A_1448], %get3A_1445 {strides = array<i32>} : memref<4x128xi32, #tpu.memory_space<vmem>>, vector<16xi32>,
    %get3A_1450 = arith.constant 320 : index
    %get3A_1451 = tpu.vector_load %arg8[%get3A_1450] {strides = array<i32>} : memref<512xi32, #tpu.memory_space<vmem>>, vector<16xi32>,
    %shift_right_logical3A_1452 = arith.constant 4 : i32
    %shift_right_logical3A_1453 = vector.broadcast %shift_right_logical3A_1452 : i32 to vector<16xi32>
    %shift_right_logical3A_1454 = arith.shrui %get3A_1451, %shift_right_logical3A_1453 : vector<16xi32>
    %and3A_1455 = arith.constant 15 : i32
    %and3A_1456 = vector.broadcast %and3A_1455 : i32 to vector<16xi32>
    %and3A_1457 = arith.andi %get3A_1451, %and3A_1456 : vector<16xi32>
    %swap3A_1458 = arith.constant 0 : index
    %swap3A_1459 = tpu.vector_load %arg13[%swap3A_1458] {strides = array<i32>} : memref<16xi32, #tpu.memory_space<vmem>>, vector<16xi32>,
    tpu.vector_store %arg13[%swap3A_1458], %shift_right_logical3A_1454 {strides = array<i32>} : memref<16xi32, #tpu.memory_space<vmem>>, vector<16xi32>,
    %sub3A_1460 = arith.constant 1 : i32
    %sub3A_1461 = vector.broadcast %sub3A_1460 : i32 to vector<16xi32>
    %sub3A_1462 = arith.subi %iota3A, %sub3A_1461 : vector<16xi32>
    %max3A_1463 = arith.constant 0 : i32
    %max3A_1464 = vector.broadcast %max3A_1463 : i32 to vector<16xi32>
    %max3A_1465 = arith.maxsi %sub3A_1462, %max3A_1464 : vector<16xi32>
    %gather3A_1466 = tpu.vector_load_idx %arg13[%max3A_1465] : memref<16xi32, #tpu.memory_space<vmem>>[vector<16xi32>], vector<16xi32>,
    %add3A_1467 = arith.constant 1 : i32
    %add3A_1468 = vector.broadcast %add3A_1467 : i32 to vector<16xi32>
    %add3A_1469 = arith.addi %iota3A, %add3A_1468 : vector<16xi32>
    %min3A_1470 = arith.constant 15 : i32
    %min3A_1471 = vector.broadcast %min3A_1470 : i32 to vector<16xi32>
    %min3A_1472 = arith.minsi %add3A_1469, %min3A_1471 : vector<16xi32>
    %gather3A_1473 = tpu.vector_load_idx %arg13[%min3A_1472] : memref<16xi32, #tpu.memory_space<vmem>>[vector<16xi32>], vector<16xi32>,
    %eq3A_1474 = arith.constant 0 : i32
    %eq3A_1475 = vector.broadcast %eq3A_1474 : i32 to vector<16xi32>
    %eq3A_1476 = arith.cmpi eq, %iota3A, %eq3A_1475 : vector<16xi32>
    %ne3A_1477 = arith.cmpi ne, %shift_right_logical3A_1454, %gather3A_1466 : vector<16xi32>
    %or3A_1478 = arith.ori %eq3A_1476, %ne3A_1477 : vector<16xi1>
    %eq3A_1479 = arith.constant 15 : i32
    %eq3A_1480 = vector.broadcast %eq3A_1479 : i32 to vector<16xi32>
    %eq3A_1481 = arith.cmpi eq, %iota3A, %eq3A_1480 : vector<16xi32>
    %ne3A_1482 = arith.cmpi ne, %shift_right_logical3A_1454, %gather3A_1473 : vector<16xi32>
    %or3A_1483 = arith.ori %eq3A_1481, %ne3A_1482 : vector<16xi1>
    %jit3A_1484 = arith.constant 0 : i32
    %broadcast_in_dim3A_1485 = vector.broadcast %jit3A_1484 : i32 to vector<16xi32>
    %select_n3A_1486 = arith.select %or3A_1478, %iota3A, %broadcast_in_dim3A_1485 : vector<16xi1>, vector<16xi32>
    %broadcast_in_dim3A_1487 = arith.constant true
    %broadcast_in_dim3A_1488 = vector.broadcast %broadcast_in_dim3A_1487 : i1 to vector<16xi1>
    %masked_cummax3A_1489 = arith.constant -2147483648 : i32
    %masked_cummax3A_1490 = vector.broadcast %masked_cummax3A_1489 : i32 to vector<16xi32>
    %masked_cummax3A_1491 = arith.xori %select_n3A_1486, %masked_cummax3A_1490 : vector<16xi32>
    %masked_cummax3A_1492 = tpu.scan <max>, %masked_cummax3A_1491 masked %broadcast_in_dim3A_1488 : vector<16xi32>, vector<16xi1> -> vector<16xi32>
    %masked_cummax3A_1493 = arith.xori %masked_cummax3A_1492, %masked_cummax3A_1490 : vector<16xi32>
    %sub3A_1494 = arith.subi %iota3A, %masked_cummax3A_1493 : vector<16xi32>
    %gather3A_1495 = tpu.vector_load_idx %arg12[%shift_right_logical3A_1454] : memref<256xi32, #tpu.memory_space<vmem>>[vector<16xi32>], vector<16xi32>,
    %add3A_1496 = arith.addi %gather3A_1495, %sub3A_1494 : vector<16xi32>
    %add3A_1497 = arith.constant 1 : i32
    %add3A_1498 = vector.broadcast %add3A_1497 : i32 to vector<16xi32>
    %add3A_1499 = arith.addi %sub3A_1494, %add3A_1498 : vector<16xi32>
    tpu.vector_store_idx %arg12[%shift_right_logical3A_1454], %add3A_1499 masked %or3A_1483 {add = true} : memref<256xi32, #tpu.memory_space<vmem>>[vector<16xi32>], vector<16xi32>, vector<16xi1>
    tpu.vector_store_idx %arg14[%and3A_1457], %add3A_1496 : memref<16xi32, #tpu.memory_space<vmem>>[vector<16xi32>], vector<16xi32>,
    %get3A_1500 = arith.constant 0 : index
    %get3A_1501 = tpu.vector_load %arg14[%get3A_1500] {strides = array<i32>} : memref<16xi32, #tpu.memory_space<vmem>>, vector<16xi32>,
    %swap3A_1502 = arith.constant 2 : i32
    %swap3A_1503 = arith.index_cast %swap3A_1502 : i32 to index
    %swap3A_1504 = arith.constant 64 : index
    %swap3A_1505 = tpu.vector_load %arg9[%swap3A_1503, %swap3A_1504] {strides = array<i32>} : memref<4x128xi32, #tpu.memory_space<vmem>>, vector<16xi32>,
    tpu.vector_store %arg9[%swap3A_1503, %swap3A_1504], %get3A_1501 {strides = array<i32>} : memref<4x128xi32, #tpu.memory_space<vmem>>, vector<16xi32>,
    %get3A_1506 = arith.constant 336 : index
    %get3A_1507 = tpu.vector_load %arg8[%get3A_1506] {strides = array<i32>} : memref<512xi32, #tpu.memory_space<vmem>>, vector<16xi32>,
    %shift_right_logical3A_1508 = arith.constant 4 : i32
    %shift_right_logical3A_1509 = vector.broadcast %shift_right_logical3A_1508 : i32 to vector<16xi32>
    %shift_right_logical3A_1510 = arith.shrui %get3A_1507, %shift_right_logical3A_1509 : vector<16xi32>
    %and3A_1511 = arith.constant 15 : i32
    %and3A_1512 = vector.broadcast %and3A_1511 : i32 to vector<16xi32>
    %and3A_1513 = arith.andi %get3A_1507, %and3A_1512 : vector<16xi32>
    %swap3A_1514 = arith.constant 0 : index
    %swap3A_1515 = tpu.vector_load %arg15[%swap3A_1514] {strides = array<i32>} : memref<16xi32, #tpu.memory_space<vmem>>, vector<16xi32>,
    tpu.vector_store %arg15[%swap3A_1514], %shift_right_logical3A_1510 {strides = array<i32>} : memref<16xi32, #tpu.memory_space<vmem>>, vector<16xi32>,
    %sub3A_1516 = arith.constant 1 : i32
    %sub3A_1517 = vector.broadcast %sub3A_1516 : i32 to vector<16xi32>
    %sub3A_1518 = arith.subi %iota3A, %sub3A_1517 : vector<16xi32>
    %max3A_1519 = arith.constant 0 : i32
    %max3A_1520 = vector.broadcast %max3A_1519 : i32 to vector<16xi32>
    %max3A_1521 = arith.maxsi %sub3A_1518, %max3A_1520 : vector<16xi32>
    %gather3A_1522 = tpu.vector_load_idx %arg15[%max3A_1521] : memref<16xi32, #tpu.memory_space<vmem>>[vector<16xi32>], vector<16xi32>,
    %add3A_1523 = arith.constant 1 : i32
    %add3A_1524 = vector.broadcast %add3A_1523 : i32 to vector<16xi32>
    %add3A_1525 = arith.addi %iota3A, %add3A_1524 : vector<16xi32>
    %min3A_1526 = arith.constant 15 : i32
    %min3A_1527 = vector.broadcast %min3A_1526 : i32 to vector<16xi32>
    %min3A_1528 = arith.minsi %add3A_1525, %min3A_1527 : vector<16xi32>
    %gather3A_1529 = tpu.vector_load_idx %arg15[%min3A_1528] : memref<16xi32, #tpu.memory_space<vmem>>[vector<16xi32>], vector<16xi32>,
    %eq3A_1530 = arith.constant 0 : i32
    %eq3A_1531 = vector.broadcast %eq3A_1530 : i32 to vector<16xi32>
    %eq3A_1532 = arith.cmpi eq, %iota3A, %eq3A_1531 : vector<16xi32>
    %ne3A_1533 = arith.cmpi ne, %shift_right_logical3A_1510, %gather3A_1522 : vector<16xi32>
    %or3A_1534 = arith.ori %eq3A_1532, %ne3A_1533 : vector<16xi1>
    %eq3A_1535 = arith.constant 15 : i32
    %eq3A_1536 = vector.broadcast %eq3A_1535 : i32 to vector<16xi32>
    %eq3A_1537 = arith.cmpi eq, %iota3A, %eq3A_1536 : vector<16xi32>
    %ne3A_1538 = arith.cmpi ne, %shift_right_logical3A_1510, %gather3A_1529 : vector<16xi32>
    %or3A_1539 = arith.ori %eq3A_1537, %ne3A_1538 : vector<16xi1>
    %jit3A_1540 = arith.constant 0 : i32
    %broadcast_in_dim3A_1541 = vector.broadcast %jit3A_1540 : i32 to vector<16xi32>
    %select_n3A_1542 = arith.select %or3A_1534, %iota3A, %broadcast_in_dim3A_1541 : vector<16xi1>, vector<16xi32>
    %broadcast_in_dim3A_1543 = arith.constant true
    %broadcast_in_dim3A_1544 = vector.broadcast %broadcast_in_dim3A_1543 : i1 to vector<16xi1>
    %masked_cummax3A_1545 = arith.constant -2147483648 : i32
    %masked_cummax3A_1546 = vector.broadcast %masked_cummax3A_1545 : i32 to vector<16xi32>
    %masked_cummax3A_1547 = arith.xori %select_n3A_1542, %masked_cummax3A_1546 : vector<16xi32>
    %masked_cummax3A_1548 = tpu.scan <max>, %masked_cummax3A_1547 masked %broadcast_in_dim3A_1544 : vector<16xi32>, vector<16xi1> -> vector<16xi32>
    %masked_cummax3A_1549 = arith.xori %masked_cummax3A_1548, %masked_cummax3A_1546 : vector<16xi32>
    %sub3A_1550 = arith.subi %iota3A, %masked_cummax3A_1549 : vector<16xi32>
    %gather3A_1551 = tpu.vector_load_idx %arg12[%shift_right_logical3A_1510] : memref<256xi32, #tpu.memory_space<vmem>>[vector<16xi32>], vector<16xi32>,
    %add3A_1552 = arith.addi %gather3A_1551, %sub3A_1550 : vector<16xi32>
    %add3A_1553 = arith.constant 1 : i32
    %add3A_1554 = vector.broadcast %add3A_1553 : i32 to vector<16xi32>
    %add3A_1555 = arith.addi %sub3A_1550, %add3A_1554 : vector<16xi32>
    tpu.vector_store_idx %arg12[%shift_right_logical3A_1510], %add3A_1555 masked %or3A_1539 {add = true} : memref<256xi32, #tpu.memory_space<vmem>>[vector<16xi32>], vector<16xi32>, vector<16xi1>
    tpu.vector_store_idx %arg14[%and3A_1513], %add3A_1552 : memref<16xi32, #tpu.memory_space<vmem>>[vector<16xi32>], vector<16xi32>,
    %get3A_1556 = arith.constant 0 : index
    %get3A_1557 = tpu.vector_load %arg14[%get3A_1556] {strides = array<i32>} : memref<16xi32, #tpu.memory_space<vmem>>, vector<16xi32>,
    %swap3A_1558 = arith.constant 2 : i32
    %swap3A_1559 = arith.index_cast %swap3A_1558 : i32 to index
    %swap3A_1560 = arith.constant 80 : index
    %swap3A_1561 = tpu.vector_load %arg9[%swap3A_1559, %swap3A_1560] {strides = array<i32>} : memref<4x128xi32, #tpu.memory_space<vmem>>, vector<16xi32>,
    tpu.vector_store %arg9[%swap3A_1559, %swap3A_1560], %get3A_1557 {strides = array<i32>} : memref<4x128xi32, #tpu.memory_space<vmem>>, vector<16xi32>,
    %get3A_1562 = arith.constant 352 : index
    %get3A_1563 = tpu.vector_load %arg8[%get3A_1562] {strides = array<i32>} : memref<512xi32, #tpu.memory_space<vmem>>, vector<16xi32>,
    %shift_right_logical3A_1564 = arith.constant 4 : i32
    %shift_right_logical3A_1565 = vector.broadcast %shift_right_logical3A_1564 : i32 to vector<16xi32>
    %shift_right_logical3A_1566 = arith.shrui %get3A_1563, %shift_right_logical3A_1565 : vector<16xi32>
    %and3A_1567 = arith.constant 15 : i32
    %and3A_1568 = vector.broadcast %and3A_1567 : i32 to vector<16xi32>
    %and3A_1569 = arith.andi %get3A_1563, %and3A_1568 : vector<16xi32>
    %swap3A_1570 = arith.constant 0 : index
    %swap3A_1571 = tpu.vector_load %arg13[%swap3A_1570] {strides = array<i32>} : memref<16xi32, #tpu.memory_space<vmem>>, vector<16xi32>,
    tpu.vector_store %arg13[%swap3A_1570], %shift_right_logical3A_1566 {strides = array<i32>} : memref<16xi32, #tpu.memory_space<vmem>>, vector<16xi32>,
    %sub3A_1572 = arith.constant 1 : i32
    %sub3A_1573 = vector.broadcast %sub3A_1572 : i32 to vector<16xi32>
    %sub3A_1574 = arith.subi %iota3A, %sub3A_1573 : vector<16xi32>
    %max3A_1575 = arith.constant 0 : i32
    %max3A_1576 = vector.broadcast %max3A_1575 : i32 to vector<16xi32>
    %max3A_1577 = arith.maxsi %sub3A_1574, %max3A_1576 : vector<16xi32>
    %gather3A_1578 = tpu.vector_load_idx %arg13[%max3A_1577] : memref<16xi32, #tpu.memory_space<vmem>>[vector<16xi32>], vector<16xi32>,
    %add3A_1579 = arith.constant 1 : i32
    %add3A_1580 = vector.broadcast %add3A_1579 : i32 to vector<16xi32>
    %add3A_1581 = arith.addi %iota3A, %add3A_1580 : vector<16xi32>
    %min3A_1582 = arith.constant 15 : i32
    %min3A_1583 = vector.broadcast %min3A_1582 : i32 to vector<16xi32>
    %min3A_1584 = arith.minsi %add3A_1581, %min3A_1583 : vector<16xi32>
    %gather3A_1585 = tpu.vector_load_idx %arg13[%min3A_1584] : memref<16xi32, #tpu.memory_space<vmem>>[vector<16xi32>], vector<16xi32>,
    %eq3A_1586 = arith.constant 0 : i32
    %eq3A_1587 = vector.broadcast %eq3A_1586 : i32 to vector<16xi32>
    %eq3A_1588 = arith.cmpi eq, %iota3A, %eq3A_1587 : vector<16xi32>
    %ne3A_1589 = arith.cmpi ne, %shift_right_logical3A_1566, %gather3A_1578 : vector<16xi32>
    %or3A_1590 = arith.ori %eq3A_1588, %ne3A_1589 : vector<16xi1>
    %eq3A_1591 = arith.constant 15 : i32
    %eq3A_1592 = vector.broadcast %eq3A_1591 : i32 to vector<16xi32>
    %eq3A_1593 = arith.cmpi eq, %iota3A, %eq3A_1592 : vector<16xi32>
    %ne3A_1594 = arith.cmpi ne, %shift_right_logical3A_1566, %gather3A_1585 : vector<16xi32>
    %or3A_1595 = arith.ori %eq3A_1593, %ne3A_1594 : vector<16xi1>
    %jit3A_1596 = arith.constant 0 : i32
    %broadcast_in_dim3A_1597 = vector.broadcast %jit3A_1596 : i32 to vector<16xi32>
    %select_n3A_1598 = arith.select %or3A_1590, %iota3A, %broadcast_in_dim3A_1597 : vector<16xi1>, vector<16xi32>
    %broadcast_in_dim3A_1599 = arith.constant true
    %broadcast_in_dim3A_1600 = vector.broadcast %broadcast_in_dim3A_1599 : i1 to vector<16xi1>
    %masked_cummax3A_1601 = arith.constant -2147483648 : i32
    %masked_cummax3A_1602 = vector.broadcast %masked_cummax3A_1601 : i32 to vector<16xi32>
    %masked_cummax3A_1603 = arith.xori %select_n3A_1598, %masked_cummax3A_1602 : vector<16xi32>
    %masked_cummax3A_1604 = tpu.scan <max>, %masked_cummax3A_1603 masked %broadcast_in_dim3A_1600 : vector<16xi32>, vector<16xi1> -> vector<16xi32>
    %masked_cummax3A_1605 = arith.xori %masked_cummax3A_1604, %masked_cummax3A_1602 : vector<16xi32>
    %sub3A_1606 = arith.subi %iota3A, %masked_cummax3A_1605 : vector<16xi32>
    %gather3A_1607 = tpu.vector_load_idx %arg12[%shift_right_logical3A_1566] : memref<256xi32, #tpu.memory_space<vmem>>[vector<16xi32>], vector<16xi32>,
    %add3A_1608 = arith.addi %gather3A_1607, %sub3A_1606 : vector<16xi32>
    %add3A_1609 = arith.constant 1 : i32
    %add3A_1610 = vector.broadcast %add3A_1609 : i32 to vector<16xi32>
    %add3A_1611 = arith.addi %sub3A_1606, %add3A_1610 : vector<16xi32>
    tpu.vector_store_idx %arg12[%shift_right_logical3A_1566], %add3A_1611 masked %or3A_1595 {add = true} : memref<256xi32, #tpu.memory_space<vmem>>[vector<16xi32>], vector<16xi32>, vector<16xi1>
    tpu.vector_store_idx %arg14[%and3A_1569], %add3A_1608 : memref<16xi32, #tpu.memory_space<vmem>>[vector<16xi32>], vector<16xi32>,
    %get3A_1612 = arith.constant 0 : index
    %get3A_1613 = tpu.vector_load %arg14[%get3A_1612] {strides = array<i32>} : memref<16xi32, #tpu.memory_space<vmem>>, vector<16xi32>,
    %swap3A_1614 = arith.constant 2 : i32
    %swap3A_1615 = arith.index_cast %swap3A_1614 : i32 to index
    %swap3A_1616 = arith.constant 96 : index
    %swap3A_1617 = tpu.vector_load %arg9[%swap3A_1615, %swap3A_1616] {strides = array<i32>} : memref<4x128xi32, #tpu.memory_space<vmem>>, vector<16xi32>,
    tpu.vector_store %arg9[%swap3A_1615, %swap3A_1616], %get3A_1613 {strides = array<i32>} : memref<4x128xi32, #tpu.memory_space<vmem>>, vector<16xi32>,
    %get3A_1618 = arith.constant 368 : index
    %get3A_1619 = tpu.vector_load %arg8[%get3A_1618] {strides = array<i32>} : memref<512xi32, #tpu.memory_space<vmem>>, vector<16xi32>,
    %shift_right_logical3A_1620 = arith.constant 4 : i32
    %shift_right_logical3A_1621 = vector.broadcast %shift_right_logical3A_1620 : i32 to vector<16xi32>
    %shift_right_logical3A_1622 = arith.shrui %get3A_1619, %shift_right_logical3A_1621 : vector<16xi32>
    %and3A_1623 = arith.constant 15 : i32
    %and3A_1624 = vector.broadcast %and3A_1623 : i32 to vector<16xi32>
    %and3A_1625 = arith.andi %get3A_1619, %and3A_1624 : vector<16xi32>
    %swap3A_1626 = arith.constant 0 : index
    %swap3A_1627 = tpu.vector_load %arg15[%swap3A_1626] {strides = array<i32>} : memref<16xi32, #tpu.memory_space<vmem>>, vector<16xi32>,
    tpu.vector_store %arg15[%swap3A_1626], %shift_right_logical3A_1622 {strides = array<i32>} : memref<16xi32, #tpu.memory_space<vmem>>, vector<16xi32>,
    %sub3A_1628 = arith.constant 1 : i32
    %sub3A_1629 = vector.broadcast %sub3A_1628 : i32 to vector<16xi32>
    %sub3A_1630 = arith.subi %iota3A, %sub3A_1629 : vector<16xi32>
    %max3A_1631 = arith.constant 0 : i32
    %max3A_1632 = vector.broadcast %max3A_1631 : i32 to vector<16xi32>
    %max3A_1633 = arith.maxsi %sub3A_1630, %max3A_1632 : vector<16xi32>
    %gather3A_1634 = tpu.vector_load_idx %arg15[%max3A_1633] : memref<16xi32, #tpu.memory_space<vmem>>[vector<16xi32>], vector<16xi32>,
    %add3A_1635 = arith.constant 1 : i32
    %add3A_1636 = vector.broadcast %add3A_1635 : i32 to vector<16xi32>
    %add3A_1637 = arith.addi %iota3A, %add3A_1636 : vector<16xi32>
    %min3A_1638 = arith.constant 15 : i32
    %min3A_1639 = vector.broadcast %min3A_1638 : i32 to vector<16xi32>
    %min3A_1640 = arith.minsi %add3A_1637, %min3A_1639 : vector<16xi32>
    %gather3A_1641 = tpu.vector_load_idx %arg15[%min3A_1640] : memref<16xi32, #tpu.memory_space<vmem>>[vector<16xi32>], vector<16xi32>,
    %eq3A_1642 = arith.constant 0 : i32
    %eq3A_1643 = vector.broadcast %eq3A_1642 : i32 to vector<16xi32>
    %eq3A_1644 = arith.cmpi eq, %iota3A, %eq3A_1643 : vector<16xi32>
    %ne3A_1645 = arith.cmpi ne, %shift_right_logical3A_1622, %gather3A_1634 : vector<16xi32>
    %or3A_1646 = arith.ori %eq3A_1644, %ne3A_1645 : vector<16xi1>
    %eq3A_1647 = arith.constant 15 : i32
    %eq3A_1648 = vector.broadcast %eq3A_1647 : i32 to vector<16xi32>
    %eq3A_1649 = arith.cmpi eq, %iota3A, %eq3A_1648 : vector<16xi32>
    %ne3A_1650 = arith.cmpi ne, %shift_right_logical3A_1622, %gather3A_1641 : vector<16xi32>
    %or3A_1651 = arith.ori %eq3A_1649, %ne3A_1650 : vector<16xi1>
    %jit3A_1652 = arith.constant 0 : i32
    %broadcast_in_dim3A_1653 = vector.broadcast %jit3A_1652 : i32 to vector<16xi32>
    %select_n3A_1654 = arith.select %or3A_1646, %iota3A, %broadcast_in_dim3A_1653 : vector<16xi1>, vector<16xi32>
    %broadcast_in_dim3A_1655 = arith.constant true
    %broadcast_in_dim3A_1656 = vector.broadcast %broadcast_in_dim3A_1655 : i1 to vector<16xi1>
    %masked_cummax3A_1657 = arith.constant -2147483648 : i32
    %masked_cummax3A_1658 = vector.broadcast %masked_cummax3A_1657 : i32 to vector<16xi32>
    %masked_cummax3A_1659 = arith.xori %select_n3A_1654, %masked_cummax3A_1658 : vector<16xi32>
    %masked_cummax3A_1660 = tpu.scan <max>, %masked_cummax3A_1659 masked %broadcast_in_dim3A_1656 : vector<16xi32>, vector<16xi1> -> vector<16xi32>
    %masked_cummax3A_1661 = arith.xori %masked_cummax3A_1660, %masked_cummax3A_1658 : vector<16xi32>
    %sub3A_1662 = arith.subi %iota3A, %masked_cummax3A_1661 : vector<16xi32>
    %gather3A_1663 = tpu.vector_load_idx %arg12[%shift_right_logical3A_1622] : memref<256xi32, #tpu.memory_space<vmem>>[vector<16xi32>], vector<16xi32>,
    %add3A_1664 = arith.addi %gather3A_1663, %sub3A_1662 : vector<16xi32>
    %add3A_1665 = arith.constant 1 : i32
    %add3A_1666 = vector.broadcast %add3A_1665 : i32 to vector<16xi32>
    %add3A_1667 = arith.addi %sub3A_1662, %add3A_1666 : vector<16xi32>
    tpu.vector_store_idx %arg12[%shift_right_logical3A_1622], %add3A_1667 masked %or3A_1651 {add = true} : memref<256xi32, #tpu.memory_space<vmem>>[vector<16xi32>], vector<16xi32>, vector<16xi1>
    tpu.vector_store_idx %arg14[%and3A_1625], %add3A_1664 : memref<16xi32, #tpu.memory_space<vmem>>[vector<16xi32>], vector<16xi32>,
    %get3A_1668 = arith.constant 0 : index
    %get3A_1669 = tpu.vector_load %arg14[%get3A_1668] {strides = array<i32>} : memref<16xi32, #tpu.memory_space<vmem>>, vector<16xi32>,
    %swap3A_1670 = arith.constant 2 : i32
    %swap3A_1671 = arith.index_cast %swap3A_1670 : i32 to index
    %swap3A_1672 = arith.constant 112 : index
    %swap3A_1673 = tpu.vector_load %arg9[%swap3A_1671, %swap3A_1672] {strides = array<i32>} : memref<4x128xi32, #tpu.memory_space<vmem>>, vector<16xi32>,
    tpu.vector_store %arg9[%swap3A_1671, %swap3A_1672], %get3A_1669 {strides = array<i32>} : memref<4x128xi32, #tpu.memory_space<vmem>>, vector<16xi32>,
    %get3A_1674 = arith.constant 384 : index
    %get3A_1675 = tpu.vector_load %arg8[%get3A_1674] {strides = array<i32>} : memref<512xi32, #tpu.memory_space<vmem>>, vector<16xi32>,
    %shift_right_logical3A_1676 = arith.constant 4 : i32
    %shift_right_logical3A_1677 = vector.broadcast %shift_right_logical3A_1676 : i32 to vector<16xi32>
    %shift_right_logical3A_1678 = arith.shrui %get3A_1675, %shift_right_logical3A_1677 : vector<16xi32>
    %and3A_1679 = arith.constant 15 : i32
    %and3A_1680 = vector.broadcast %and3A_1679 : i32 to vector<16xi32>
    %and3A_1681 = arith.andi %get3A_1675, %and3A_1680 : vector<16xi32>
    %swap3A_1682 = arith.constant 0 : index
    %swap3A_1683 = tpu.vector_load %arg13[%swap3A_1682] {strides = array<i32>} : memref<16xi32, #tpu.memory_space<vmem>>, vector<16xi32>,
    tpu.vector_store %arg13[%swap3A_1682], %shift_right_logical3A_1678 {strides = array<i32>} : memref<16xi32, #tpu.memory_space<vmem>>, vector<16xi32>,
    %sub3A_1684 = arith.constant 1 : i32
    %sub3A_1685 = vector.broadcast %sub3A_1684 : i32 to vector<16xi32>
    %sub3A_1686 = arith.subi %iota3A, %sub3A_1685 : vector<16xi32>
    %max3A_1687 = arith.constant 0 : i32
    %max3A_1688 = vector.broadcast %max3A_1687 : i32 to vector<16xi32>
    %max3A_1689 = arith.maxsi %sub3A_1686, %max3A_1688 : vector<16xi32>
    %gather3A_1690 = tpu.vector_load_idx %arg13[%max3A_1689] : memref<16xi32, #tpu.memory_space<vmem>>[vector<16xi32>], vector<16xi32>,
    %add3A_1691 = arith.constant 1 : i32
    %add3A_1692 = vector.broadcast %add3A_1691 : i32 to vector<16xi32>
    %add3A_1693 = arith.addi %iota3A, %add3A_1692 : vector<16xi32>
    %min3A_1694 = arith.constant 15 : i32
    %min3A_1695 = vector.broadcast %min3A_1694 : i32 to vector<16xi32>
    %min3A_1696 = arith.minsi %add3A_1693, %min3A_1695 : vector<16xi32>
    %gather3A_1697 = tpu.vector_load_idx %arg13[%min3A_1696] : memref<16xi32, #tpu.memory_space<vmem>>[vector<16xi32>], vector<16xi32>,
    %eq3A_1698 = arith.constant 0 : i32
    %eq3A_1699 = vector.broadcast %eq3A_1698 : i32 to vector<16xi32>
    %eq3A_1700 = arith.cmpi eq, %iota3A, %eq3A_1699 : vector<16xi32>
    %ne3A_1701 = arith.cmpi ne, %shift_right_logical3A_1678, %gather3A_1690 : vector<16xi32>
    %or3A_1702 = arith.ori %eq3A_1700, %ne3A_1701 : vector<16xi1>
    %eq3A_1703 = arith.constant 15 : i32
    %eq3A_1704 = vector.broadcast %eq3A_1703 : i32 to vector<16xi32>
    %eq3A_1705 = arith.cmpi eq, %iota3A, %eq3A_1704 : vector<16xi32>
    %ne3A_1706 = arith.cmpi ne, %shift_right_logical3A_1678, %gather3A_1697 : vector<16xi32>
    %or3A_1707 = arith.ori %eq3A_1705, %ne3A_1706 : vector<16xi1>
    %jit3A_1708 = arith.constant 0 : i32
    %broadcast_in_dim3A_1709 = vector.broadcast %jit3A_1708 : i32 to vector<16xi32>
    %select_n3A_1710 = arith.select %or3A_1702, %iota3A, %broadcast_in_dim3A_1709 : vector<16xi1>, vector<16xi32>
    %broadcast_in_dim3A_1711 = arith.constant true
    %broadcast_in_dim3A_1712 = vector.broadcast %broadcast_in_dim3A_1711 : i1 to vector<16xi1>
    %masked_cummax3A_1713 = arith.constant -2147483648 : i32
    %masked_cummax3A_1714 = vector.broadcast %masked_cummax3A_1713 : i32 to vector<16xi32>
    %masked_cummax3A_1715 = arith.xori %select_n3A_1710, %masked_cummax3A_1714 : vector<16xi32>
    %masked_cummax3A_1716 = tpu.scan <max>, %masked_cummax3A_1715 masked %broadcast_in_dim3A_1712 : vector<16xi32>, vector<16xi1> -> vector<16xi32>
    %masked_cummax3A_1717 = arith.xori %masked_cummax3A_1716, %masked_cummax3A_1714 : vector<16xi32>
    %sub3A_1718 = arith.subi %iota3A, %masked_cummax3A_1717 : vector<16xi32>
    %gather3A_1719 = tpu.vector_load_idx %arg12[%shift_right_logical3A_1678] : memref<256xi32, #tpu.memory_space<vmem>>[vector<16xi32>], vector<16xi32>,
    %add3A_1720 = arith.addi %gather3A_1719, %sub3A_1718 : vector<16xi32>
    %add3A_1721 = arith.constant 1 : i32
    %add3A_1722 = vector.broadcast %add3A_1721 : i32 to vector<16xi32>
    %add3A_1723 = arith.addi %sub3A_1718, %add3A_1722 : vector<16xi32>
    tpu.vector_store_idx %arg12[%shift_right_logical3A_1678], %add3A_1723 masked %or3A_1707 {add = true} : memref<256xi32, #tpu.memory_space<vmem>>[vector<16xi32>], vector<16xi32>, vector<16xi1>
    tpu.vector_store_idx %arg14[%and3A_1681], %add3A_1720 : memref<16xi32, #tpu.memory_space<vmem>>[vector<16xi32>], vector<16xi32>,
    %get3A_1724 = arith.constant 0 : index
    %get3A_1725 = tpu.vector_load %arg14[%get3A_1724] {strides = array<i32>} : memref<16xi32, #tpu.memory_space<vmem>>, vector<16xi32>,
    %swap3A_1726 = arith.constant 3 : i32
    %swap3A_1727 = arith.index_cast %swap3A_1726 : i32 to index
    %swap3A_1728 = arith.constant 0 : index
    %swap3A_1729 = tpu.vector_load %arg9[%swap3A_1727, %swap3A_1728] {strides = array<i32>} : memref<4x128xi32, #tpu.memory_space<vmem>>, vector<16xi32>,
    tpu.vector_store %arg9[%swap3A_1727, %swap3A_1728], %get3A_1725 {strides = array<i32>} : memref<4x128xi32, #tpu.memory_space<vmem>>, vector<16xi32>,
    %get3A_1730 = arith.constant 400 : index
    %get3A_1731 = tpu.vector_load %arg8[%get3A_1730] {strides = array<i32>} : memref<512xi32, #tpu.memory_space<vmem>>, vector<16xi32>,
    %shift_right_logical3A_1732 = arith.constant 4 : i32
    %shift_right_logical3A_1733 = vector.broadcast %shift_right_logical3A_1732 : i32 to vector<16xi32>
    %shift_right_logical3A_1734 = arith.shrui %get3A_1731, %shift_right_logical3A_1733 : vector<16xi32>
    %and3A_1735 = arith.constant 15 : i32
    %and3A_1736 = vector.broadcast %and3A_1735 : i32 to vector<16xi32>
    %and3A_1737 = arith.andi %get3A_1731, %and3A_1736 : vector<16xi32>
    %swap3A_1738 = arith.constant 0 : index
    %swap3A_1739 = tpu.vector_load %arg15[%swap3A_1738] {strides = array<i32>} : memref<16xi32, #tpu.memory_space<vmem>>, vector<16xi32>,
    tpu.vector_store %arg15[%swap3A_1738], %shift_right_logical3A_1734 {strides = array<i32>} : memref<16xi32, #tpu.memory_space<vmem>>, vector<16xi32>,
    %sub3A_1740 = arith.constant 1 : i32
    %sub3A_1741 = vector.broadcast %sub3A_1740 : i32 to vector<16xi32>
    %sub3A_1742 = arith.subi %iota3A, %sub3A_1741 : vector<16xi32>
    %max3A_1743 = arith.constant 0 : i32
    %max3A_1744 = vector.broadcast %max3A_1743 : i32 to vector<16xi32>
    %max3A_1745 = arith.maxsi %sub3A_1742, %max3A_1744 : vector<16xi32>
    %gather3A_1746 = tpu.vector_load_idx %arg15[%max3A_1745] : memref<16xi32, #tpu.memory_space<vmem>>[vector<16xi32>], vector<16xi32>,
    %add3A_1747 = arith.constant 1 : i32
    %add3A_1748 = vector.broadcast %add3A_1747 : i32 to vector<16xi32>
    %add3A_1749 = arith.addi %iota3A, %add3A_1748 : vector<16xi32>
    %min3A_1750 = arith.constant 15 : i32
    %min3A_1751 = vector.broadcast %min3A_1750 : i32 to vector<16xi32>
    %min3A_1752 = arith.minsi %add3A_1749, %min3A_1751 : vector<16xi32>
    %gather3A_1753 = tpu.vector_load_idx %arg15[%min3A_1752] : memref<16xi32, #tpu.memory_space<vmem>>[vector<16xi32>], vector<16xi32>,
    %eq3A_1754 = arith.constant 0 : i32
    %eq3A_1755 = vector.broadcast %eq3A_1754 : i32 to vector<16xi32>
    %eq3A_1756 = arith.cmpi eq, %iota3A, %eq3A_1755 : vector<16xi32>
    %ne3A_1757 = arith.cmpi ne, %shift_right_logical3A_1734, %gather3A_1746 : vector<16xi32>
    %or3A_1758 = arith.ori %eq3A_1756, %ne3A_1757 : vector<16xi1>
    %eq3A_1759 = arith.constant 15 : i32
    %eq3A_1760 = vector.broadcast %eq3A_1759 : i32 to vector<16xi32>
    %eq3A_1761 = arith.cmpi eq, %iota3A, %eq3A_1760 : vector<16xi32>
    %ne3A_1762 = arith.cmpi ne, %shift_right_logical3A_1734, %gather3A_1753 : vector<16xi32>
    %or3A_1763 = arith.ori %eq3A_1761, %ne3A_1762 : vector<16xi1>
    %jit3A_1764 = arith.constant 0 : i32
    %broadcast_in_dim3A_1765 = vector.broadcast %jit3A_1764 : i32 to vector<16xi32>
    %select_n3A_1766 = arith.select %or3A_1758, %iota3A, %broadcast_in_dim3A_1765 : vector<16xi1>, vector<16xi32>
    %broadcast_in_dim3A_1767 = arith.constant true
    %broadcast_in_dim3A_1768 = vector.broadcast %broadcast_in_dim3A_1767 : i1 to vector<16xi1>
    %masked_cummax3A_1769 = arith.constant -2147483648 : i32
    %masked_cummax3A_1770 = vector.broadcast %masked_cummax3A_1769 : i32 to vector<16xi32>
    %masked_cummax3A_1771 = arith.xori %select_n3A_1766, %masked_cummax3A_1770 : vector<16xi32>
    %masked_cummax3A_1772 = tpu.scan <max>, %masked_cummax3A_1771 masked %broadcast_in_dim3A_1768 : vector<16xi32>, vector<16xi1> -> vector<16xi32>
    %masked_cummax3A_1773 = arith.xori %masked_cummax3A_1772, %masked_cummax3A_1770 : vector<16xi32>
    %sub3A_1774 = arith.subi %iota3A, %masked_cummax3A_1773 : vector<16xi32>
    %gather3A_1775 = tpu.vector_load_idx %arg12[%shift_right_logical3A_1734] : memref<256xi32, #tpu.memory_space<vmem>>[vector<16xi32>], vector<16xi32>,
    %add3A_1776 = arith.addi %gather3A_1775, %sub3A_1774 : vector<16xi32>
    %add3A_1777 = arith.constant 1 : i32
    %add3A_1778 = vector.broadcast %add3A_1777 : i32 to vector<16xi32>
    %add3A_1779 = arith.addi %sub3A_1774, %add3A_1778 : vector<16xi32>
    tpu.vector_store_idx %arg12[%shift_right_logical3A_1734], %add3A_1779 masked %or3A_1763 {add = true} : memref<256xi32, #tpu.memory_space<vmem>>[vector<16xi32>], vector<16xi32>, vector<16xi1>
    tpu.vector_store_idx %arg14[%and3A_1737], %add3A_1776 : memref<16xi32, #tpu.memory_space<vmem>>[vector<16xi32>], vector<16xi32>,
    %get3A_1780 = arith.constant 0 : index
    %get3A_1781 = tpu.vector_load %arg14[%get3A_1780] {strides = array<i32>} : memref<16xi32, #tpu.memory_space<vmem>>, vector<16xi32>,
    %swap3A_1782 = arith.constant 3 : i32
    %swap3A_1783 = arith.index_cast %swap3A_1782 : i32 to index
    %swap3A_1784 = arith.constant 16 : index
    %swap3A_1785 = tpu.vector_load %arg9[%swap3A_1783, %swap3A_1784] {strides = array<i32>} : memref<4x128xi32, #tpu.memory_space<vmem>>, vector<16xi32>,
    tpu.vector_store %arg9[%swap3A_1783, %swap3A_1784], %get3A_1781 {strides = array<i32>} : memref<4x128xi32, #tpu.memory_space<vmem>>, vector<16xi32>,
    %get3A_1786 = arith.constant 416 : index
    %get3A_1787 = tpu.vector_load %arg8[%get3A_1786] {strides = array<i32>} : memref<512xi32, #tpu.memory_space<vmem>>, vector<16xi32>,
    %shift_right_logical3A_1788 = arith.constant 4 : i32
    %shift_right_logical3A_1789 = vector.broadcast %shift_right_logical3A_1788 : i32 to vector<16xi32>
    %shift_right_logical3A_1790 = arith.shrui %get3A_1787, %shift_right_logical3A_1789 : vector<16xi32>
    %and3A_1791 = arith.constant 15 : i32
    %and3A_1792 = vector.broadcast %and3A_1791 : i32 to vector<16xi32>
    %and3A_1793 = arith.andi %get3A_1787, %and3A_1792 : vector<16xi32>
    %swap3A_1794 = arith.constant 0 : index
    %swap3A_1795 = tpu.vector_load %arg13[%swap3A_1794] {strides = array<i32>} : memref<16xi32, #tpu.memory_space<vmem>>, vector<16xi32>,
    tpu.vector_store %arg13[%swap3A_1794], %shift_right_logical3A_1790 {strides = array<i32>} : memref<16xi32, #tpu.memory_space<vmem>>, vector<16xi32>,
    %sub3A_1796 = arith.constant 1 : i32
    %sub3A_1797 = vector.broadcast %sub3A_1796 : i32 to vector<16xi32>
    %sub3A_1798 = arith.subi %iota3A, %sub3A_1797 : vector<16xi32>
    %max3A_1799 = arith.constant 0 : i32
    %max3A_1800 = vector.broadcast %max3A_1799 : i32 to vector<16xi32>
    %max3A_1801 = arith.maxsi %sub3A_1798, %max3A_1800 : vector<16xi32>
    %gather3A_1802 = tpu.vector_load_idx %arg13[%max3A_1801] : memref<16xi32, #tpu.memory_space<vmem>>[vector<16xi32>], vector<16xi32>,
    %add3A_1803 = arith.constant 1 : i32
    %add3A_1804 = vector.broadcast %add3A_1803 : i32 to vector<16xi32>
    %add3A_1805 = arith.addi %iota3A, %add3A_1804 : vector<16xi32>
    %min3A_1806 = arith.constant 15 : i32
    %min3A_1807 = vector.broadcast %min3A_1806 : i32 to vector<16xi32>
    %min3A_1808 = arith.minsi %add3A_1805, %min3A_1807 : vector<16xi32>
    %gather3A_1809 = tpu.vector_load_idx %arg13[%min3A_1808] : memref<16xi32, #tpu.memory_space<vmem>>[vector<16xi32>], vector<16xi32>,
    %eq3A_1810 = arith.constant 0 : i32
    %eq3A_1811 = vector.broadcast %eq3A_1810 : i32 to vector<16xi32>
    %eq3A_1812 = arith.cmpi eq, %iota3A, %eq3A_1811 : vector<16xi32>
    %ne3A_1813 = arith.cmpi ne, %shift_right_logical3A_1790, %gather3A_1802 : vector<16xi32>
    %or3A_1814 = arith.ori %eq3A_1812, %ne3A_1813 : vector<16xi1>
    %eq3A_1815 = arith.constant 15 : i32
    %eq3A_1816 = vector.broadcast %eq3A_1815 : i32 to vector<16xi32>
    %eq3A_1817 = arith.cmpi eq, %iota3A, %eq3A_1816 : vector<16xi32>
    %ne3A_1818 = arith.cmpi ne, %shift_right_logical3A_1790, %gather3A_1809 : vector<16xi32>
    %or3A_1819 = arith.ori %eq3A_1817, %ne3A_1818 : vector<16xi1>
    %jit3A_1820 = arith.constant 0 : i32
    %broadcast_in_dim3A_1821 = vector.broadcast %jit3A_1820 : i32 to vector<16xi32>
    %select_n3A_1822 = arith.select %or3A_1814, %iota3A, %broadcast_in_dim3A_1821 : vector<16xi1>, vector<16xi32>
    %broadcast_in_dim3A_1823 = arith.constant true
    %broadcast_in_dim3A_1824 = vector.broadcast %broadcast_in_dim3A_1823 : i1 to vector<16xi1>
    %masked_cummax3A_1825 = arith.constant -2147483648 : i32
    %masked_cummax3A_1826 = vector.broadcast %masked_cummax3A_1825 : i32 to vector<16xi32>
    %masked_cummax3A_1827 = arith.xori %select_n3A_1822, %masked_cummax3A_1826 : vector<16xi32>
    %masked_cummax3A_1828 = tpu.scan <max>, %masked_cummax3A_1827 masked %broadcast_in_dim3A_1824 : vector<16xi32>, vector<16xi1> -> vector<16xi32>
    %masked_cummax3A_1829 = arith.xori %masked_cummax3A_1828, %masked_cummax3A_1826 : vector<16xi32>
    %sub3A_1830 = arith.subi %iota3A, %masked_cummax3A_1829 : vector<16xi32>
    %gather3A_1831 = tpu.vector_load_idx %arg12[%shift_right_logical3A_1790] : memref<256xi32, #tpu.memory_space<vmem>>[vector<16xi32>], vector<16xi32>,
    %add3A_1832 = arith.addi %gather3A_1831, %sub3A_1830 : vector<16xi32>
    %add3A_1833 = arith.constant 1 : i32
    %add3A_1834 = vector.broadcast %add3A_1833 : i32 to vector<16xi32>
    %add3A_1835 = arith.addi %sub3A_1830, %add3A_1834 : vector<16xi32>
    tpu.vector_store_idx %arg12[%shift_right_logical3A_1790], %add3A_1835 masked %or3A_1819 {add = true} : memref<256xi32, #tpu.memory_space<vmem>>[vector<16xi32>], vector<16xi32>, vector<16xi1>
    tpu.vector_store_idx %arg14[%and3A_1793], %add3A_1832 : memref<16xi32, #tpu.memory_space<vmem>>[vector<16xi32>], vector<16xi32>,
    %get3A_1836 = arith.constant 0 : index
    %get3A_1837 = tpu.vector_load %arg14[%get3A_1836] {strides = array<i32>} : memref<16xi32, #tpu.memory_space<vmem>>, vector<16xi32>,
    %swap3A_1838 = arith.constant 3 : i32
    %swap3A_1839 = arith.index_cast %swap3A_1838 : i32 to index
    %swap3A_1840 = arith.constant 32 : index
    %swap3A_1841 = tpu.vector_load %arg9[%swap3A_1839, %swap3A_1840] {strides = array<i32>} : memref<4x128xi32, #tpu.memory_space<vmem>>, vector<16xi32>,
    tpu.vector_store %arg9[%swap3A_1839, %swap3A_1840], %get3A_1837 {strides = array<i32>} : memref<4x128xi32, #tpu.memory_space<vmem>>, vector<16xi32>,
    %get3A_1842 = arith.constant 432 : index
    %get3A_1843 = tpu.vector_load %arg8[%get3A_1842] {strides = array<i32>} : memref<512xi32, #tpu.memory_space<vmem>>, vector<16xi32>,
    %shift_right_logical3A_1844 = arith.constant 4 : i32
    %shift_right_logical3A_1845 = vector.broadcast %shift_right_logical3A_1844 : i32 to vector<16xi32>
    %shift_right_logical3A_1846 = arith.shrui %get3A_1843, %shift_right_logical3A_1845 : vector<16xi32>
    %and3A_1847 = arith.constant 15 : i32
    %and3A_1848 = vector.broadcast %and3A_1847 : i32 to vector<16xi32>
    %and3A_1849 = arith.andi %get3A_1843, %and3A_1848 : vector<16xi32>
    %swap3A_1850 = arith.constant 0 : index
    %swap3A_1851 = tpu.vector_load %arg15[%swap3A_1850] {strides = array<i32>} : memref<16xi32, #tpu.memory_space<vmem>>, vector<16xi32>,
    tpu.vector_store %arg15[%swap3A_1850], %shift_right_logical3A_1846 {strides = array<i32>} : memref<16xi32, #tpu.memory_space<vmem>>, vector<16xi32>,
    %sub3A_1852 = arith.constant 1 : i32
    %sub3A_1853 = vector.broadcast %sub3A_1852 : i32 to vector<16xi32>
    %sub3A_1854 = arith.subi %iota3A, %sub3A_1853 : vector<16xi32>
    %max3A_1855 = arith.constant 0 : i32
    %max3A_1856 = vector.broadcast %max3A_1855 : i32 to vector<16xi32>
    %max3A_1857 = arith.maxsi %sub3A_1854, %max3A_1856 : vector<16xi32>
    %gather3A_1858 = tpu.vector_load_idx %arg15[%max3A_1857] : memref<16xi32, #tpu.memory_space<vmem>>[vector<16xi32>], vector<16xi32>,
    %add3A_1859 = arith.constant 1 : i32
    %add3A_1860 = vector.broadcast %add3A_1859 : i32 to vector<16xi32>
    %add3A_1861 = arith.addi %iota3A, %add3A_1860 : vector<16xi32>
    %min3A_1862 = arith.constant 15 : i32
    %min3A_1863 = vector.broadcast %min3A_1862 : i32 to vector<16xi32>
    %min3A_1864 = arith.minsi %add3A_1861, %min3A_1863 : vector<16xi32>
    %gather3A_1865 = tpu.vector_load_idx %arg15[%min3A_1864] : memref<16xi32, #tpu.memory_space<vmem>>[vector<16xi32>], vector<16xi32>,
    %eq3A_1866 = arith.constant 0 : i32
    %eq3A_1867 = vector.broadcast %eq3A_1866 : i32 to vector<16xi32>
    %eq3A_1868 = arith.cmpi eq, %iota3A, %eq3A_1867 : vector<16xi32>
    %ne3A_1869 = arith.cmpi ne, %shift_right_logical3A_1846, %gather3A_1858 : vector<16xi32>
    %or3A_1870 = arith.ori %eq3A_1868, %ne3A_1869 : vector<16xi1>
    %eq3A_1871 = arith.constant 15 : i32
    %eq3A_1872 = vector.broadcast %eq3A_1871 : i32 to vector<16xi32>
    %eq3A_1873 = arith.cmpi eq, %iota3A, %eq3A_1872 : vector<16xi32>
    %ne3A_1874 = arith.cmpi ne, %shift_right_logical3A_1846, %gather3A_1865 : vector<16xi32>
    %or3A_1875 = arith.ori %eq3A_1873, %ne3A_1874 : vector<16xi1>
    %jit3A_1876 = arith.constant 0 : i32
    %broadcast_in_dim3A_1877 = vector.broadcast %jit3A_1876 : i32 to vector<16xi32>
    %select_n3A_1878 = arith.select %or3A_1870, %iota3A, %broadcast_in_dim3A_1877 : vector<16xi1>, vector<16xi32>
    %broadcast_in_dim3A_1879 = arith.constant true
    %broadcast_in_dim3A_1880 = vector.broadcast %broadcast_in_dim3A_1879 : i1 to vector<16xi1>
    %masked_cummax3A_1881 = arith.constant -2147483648 : i32
    %masked_cummax3A_1882 = vector.broadcast %masked_cummax3A_1881 : i32 to vector<16xi32>
    %masked_cummax3A_1883 = arith.xori %select_n3A_1878, %masked_cummax3A_1882 : vector<16xi32>
    %masked_cummax3A_1884 = tpu.scan <max>, %masked_cummax3A_1883 masked %broadcast_in_dim3A_1880 : vector<16xi32>, vector<16xi1> -> vector<16xi32>
    %masked_cummax3A_1885 = arith.xori %masked_cummax3A_1884, %masked_cummax3A_1882 : vector<16xi32>
    %sub3A_1886 = arith.subi %iota3A, %masked_cummax3A_1885 : vector<16xi32>
    %gather3A_1887 = tpu.vector_load_idx %arg12[%shift_right_logical3A_1846] : memref<256xi32, #tpu.memory_space<vmem>>[vector<16xi32>], vector<16xi32>,
    %add3A_1888 = arith.addi %gather3A_1887, %sub3A_1886 : vector<16xi32>
    %add3A_1889 = arith.constant 1 : i32
    %add3A_1890 = vector.broadcast %add3A_1889 : i32 to vector<16xi32>
    %add3A_1891 = arith.addi %sub3A_1886, %add3A_1890 : vector<16xi32>
    tpu.vector_store_idx %arg12[%shift_right_logical3A_1846], %add3A_1891 masked %or3A_1875 {add = true} : memref<256xi32, #tpu.memory_space<vmem>>[vector<16xi32>], vector<16xi32>, vector<16xi1>
    tpu.vector_store_idx %arg14[%and3A_1849], %add3A_1888 : memref<16xi32, #tpu.memory_space<vmem>>[vector<16xi32>], vector<16xi32>,
    %get3A_1892 = arith.constant 0 : index
    %get3A_1893 = tpu.vector_load %arg14[%get3A_1892] {strides = array<i32>} : memref<16xi32, #tpu.memory_space<vmem>>, vector<16xi32>,
    %swap3A_1894 = arith.constant 3 : i32
    %swap3A_1895 = arith.index_cast %swap3A_1894 : i32 to index
    %swap3A_1896 = arith.constant 48 : index
    %swap3A_1897 = tpu.vector_load %arg9[%swap3A_1895, %swap3A_1896] {strides = array<i32>} : memref<4x128xi32, #tpu.memory_space<vmem>>, vector<16xi32>,
    tpu.vector_store %arg9[%swap3A_1895, %swap3A_1896], %get3A_1893 {strides = array<i32>} : memref<4x128xi32, #tpu.memory_space<vmem>>, vector<16xi32>,
    %get3A_1898 = arith.constant 448 : index
    %get3A_1899 = tpu.vector_load %arg8[%get3A_1898] {strides = array<i32>} : memref<512xi32, #tpu.memory_space<vmem>>, vector<16xi32>,
    %shift_right_logical3A_1900 = arith.constant 4 : i32
    %shift_right_logical3A_1901 = vector.broadcast %shift_right_logical3A_1900 : i32 to vector<16xi32>
    %shift_right_logical3A_1902 = arith.shrui %get3A_1899, %shift_right_logical3A_1901 : vector<16xi32>
    %and3A_1903 = arith.constant 15 : i32
    %and3A_1904 = vector.broadcast %and3A_1903 : i32 to vector<16xi32>
    %and3A_1905 = arith.andi %get3A_1899, %and3A_1904 : vector<16xi32>
    %swap3A_1906 = arith.constant 0 : index
    %swap3A_1907 = tpu.vector_load %arg13[%swap3A_1906] {strides = array<i32>} : memref<16xi32, #tpu.memory_space<vmem>>, vector<16xi32>,
    tpu.vector_store %arg13[%swap3A_1906], %shift_right_logical3A_1902 {strides = array<i32>} : memref<16xi32, #tpu.memory_space<vmem>>, vector<16xi32>,
    %sub3A_1908 = arith.constant 1 : i32
    %sub3A_1909 = vector.broadcast %sub3A_1908 : i32 to vector<16xi32>
    %sub3A_1910 = arith.subi %iota3A, %sub3A_1909 : vector<16xi32>
    %max3A_1911 = arith.constant 0 : i32
    %max3A_1912 = vector.broadcast %max3A_1911 : i32 to vector<16xi32>
    %max3A_1913 = arith.maxsi %sub3A_1910, %max3A_1912 : vector<16xi32>
    %gather3A_1914 = tpu.vector_load_idx %arg13[%max3A_1913] : memref<16xi32, #tpu.memory_space<vmem>>[vector<16xi32>], vector<16xi32>,
    %add3A_1915 = arith.constant 1 : i32
    %add3A_1916 = vector.broadcast %add3A_1915 : i32 to vector<16xi32>
    %add3A_1917 = arith.addi %iota3A, %add3A_1916 : vector<16xi32>
    %min3A_1918 = arith.constant 15 : i32
    %min3A_1919 = vector.broadcast %min3A_1918 : i32 to vector<16xi32>
    %min3A_1920 = arith.minsi %add3A_1917, %min3A_1919 : vector<16xi32>
    %gather3A_1921 = tpu.vector_load_idx %arg13[%min3A_1920] : memref<16xi32, #tpu.memory_space<vmem>>[vector<16xi32>], vector<16xi32>,
    %eq3A_1922 = arith.constant 0 : i32
    %eq3A_1923 = vector.broadcast %eq3A_1922 : i32 to vector<16xi32>
    %eq3A_1924 = arith.cmpi eq, %iota3A, %eq3A_1923 : vector<16xi32>
    %ne3A_1925 = arith.cmpi ne, %shift_right_logical3A_1902, %gather3A_1914 : vector<16xi32>
    %or3A_1926 = arith.ori %eq3A_1924, %ne3A_1925 : vector<16xi1>
    %eq3A_1927 = arith.constant 15 : i32
    %eq3A_1928 = vector.broadcast %eq3A_1927 : i32 to vector<16xi32>
    %eq3A_1929 = arith.cmpi eq, %iota3A, %eq3A_1928 : vector<16xi32>
    %ne3A_1930 = arith.cmpi ne, %shift_right_logical3A_1902, %gather3A_1921 : vector<16xi32>
    %or3A_1931 = arith.ori %eq3A_1929, %ne3A_1930 : vector<16xi1>
    %jit3A_1932 = arith.constant 0 : i32
    %broadcast_in_dim3A_1933 = vector.broadcast %jit3A_1932 : i32 to vector<16xi32>
    %select_n3A_1934 = arith.select %or3A_1926, %iota3A, %broadcast_in_dim3A_1933 : vector<16xi1>, vector<16xi32>
    %broadcast_in_dim3A_1935 = arith.constant true
    %broadcast_in_dim3A_1936 = vector.broadcast %broadcast_in_dim3A_1935 : i1 to vector<16xi1>
    %masked_cummax3A_1937 = arith.constant -2147483648 : i32
    %masked_cummax3A_1938 = vector.broadcast %masked_cummax3A_1937 : i32 to vector<16xi32>
    %masked_cummax3A_1939 = arith.xori %select_n3A_1934, %masked_cummax3A_1938 : vector<16xi32>
    %masked_cummax3A_1940 = tpu.scan <max>, %masked_cummax3A_1939 masked %broadcast_in_dim3A_1936 : vector<16xi32>, vector<16xi1> -> vector<16xi32>
    %masked_cummax3A_1941 = arith.xori %masked_cummax3A_1940, %masked_cummax3A_1938 : vector<16xi32>
    %sub3A_1942 = arith.subi %iota3A, %masked_cummax3A_1941 : vector<16xi32>
    %gather3A_1943 = tpu.vector_load_idx %arg12[%shift_right_logical3A_1902] : memref<256xi32, #tpu.memory_space<vmem>>[vector<16xi32>], vector<16xi32>,
    %add3A_1944 = arith.addi %gather3A_1943, %sub3A_1942 : vector<16xi32>
    %add3A_1945 = arith.constant 1 : i32
    %add3A_1946 = vector.broadcast %add3A_1945 : i32 to vector<16xi32>
    %add3A_1947 = arith.addi %sub3A_1942, %add3A_1946 : vector<16xi32>
    tpu.vector_store_idx %arg12[%shift_right_logical3A_1902], %add3A_1947 masked %or3A_1931 {add = true} : memref<256xi32, #tpu.memory_space<vmem>>[vector<16xi32>], vector<16xi32>, vector<16xi1>
    tpu.vector_store_idx %arg14[%and3A_1905], %add3A_1944 : memref<16xi32, #tpu.memory_space<vmem>>[vector<16xi32>], vector<16xi32>,
    %get3A_1948 = arith.constant 0 : index
    %get3A_1949 = tpu.vector_load %arg14[%get3A_1948] {strides = array<i32>} : memref<16xi32, #tpu.memory_space<vmem>>, vector<16xi32>,
    %swap3A_1950 = arith.constant 3 : i32
    %swap3A_1951 = arith.index_cast %swap3A_1950 : i32 to index
    %swap3A_1952 = arith.constant 64 : index
    %swap3A_1953 = tpu.vector_load %arg9[%swap3A_1951, %swap3A_1952] {strides = array<i32>} : memref<4x128xi32, #tpu.memory_space<vmem>>, vector<16xi32>,
    tpu.vector_store %arg9[%swap3A_1951, %swap3A_1952], %get3A_1949 {strides = array<i32>} : memref<4x128xi32, #tpu.memory_space<vmem>>, vector<16xi32>,
    %get3A_1954 = arith.constant 464 : index
    %get3A_1955 = tpu.vector_load %arg8[%get3A_1954] {strides = array<i32>} : memref<512xi32, #tpu.memory_space<vmem>>, vector<16xi32>,
    %shift_right_logical3A_1956 = arith.constant 4 : i32
    %shift_right_logical3A_1957 = vector.broadcast %shift_right_logical3A_1956 : i32 to vector<16xi32>
    %shift_right_logical3A_1958 = arith.shrui %get3A_1955, %shift_right_logical3A_1957 : vector<16xi32>
    %and3A_1959 = arith.constant 15 : i32
    %and3A_1960 = vector.broadcast %and3A_1959 : i32 to vector<16xi32>
    %and3A_1961 = arith.andi %get3A_1955, %and3A_1960 : vector<16xi32>
    %swap3A_1962 = arith.constant 0 : index
    %swap3A_1963 = tpu.vector_load %arg15[%swap3A_1962] {strides = array<i32>} : memref<16xi32, #tpu.memory_space<vmem>>, vector<16xi32>,
    tpu.vector_store %arg15[%swap3A_1962], %shift_right_logical3A_1958 {strides = array<i32>} : memref<16xi32, #tpu.memory_space<vmem>>, vector<16xi32>,
    %sub3A_1964 = arith.constant 1 : i32
    %sub3A_1965 = vector.broadcast %sub3A_1964 : i32 to vector<16xi32>
    %sub3A_1966 = arith.subi %iota3A, %sub3A_1965 : vector<16xi32>
    %max3A_1967 = arith.constant 0 : i32
    %max3A_1968 = vector.broadcast %max3A_1967 : i32 to vector<16xi32>
    %max3A_1969 = arith.maxsi %sub3A_1966, %max3A_1968 : vector<16xi32>
    %gather3A_1970 = tpu.vector_load_idx %arg15[%max3A_1969] : memref<16xi32, #tpu.memory_space<vmem>>[vector<16xi32>], vector<16xi32>,
    %add3A_1971 = arith.constant 1 : i32
    %add3A_1972 = vector.broadcast %add3A_1971 : i32 to vector<16xi32>
    %add3A_1973 = arith.addi %iota3A, %add3A_1972 : vector<16xi32>
    %min3A_1974 = arith.constant 15 : i32
    %min3A_1975 = vector.broadcast %min3A_1974 : i32 to vector<16xi32>
    %min3A_1976 = arith.minsi %add3A_1973, %min3A_1975 : vector<16xi32>
    %gather3A_1977 = tpu.vector_load_idx %arg15[%min3A_1976] : memref<16xi32, #tpu.memory_space<vmem>>[vector<16xi32>], vector<16xi32>,
    %eq3A_1978 = arith.constant 0 : i32
    %eq3A_1979 = vector.broadcast %eq3A_1978 : i32 to vector<16xi32>
    %eq3A_1980 = arith.cmpi eq, %iota3A, %eq3A_1979 : vector<16xi32>
    %ne3A_1981 = arith.cmpi ne, %shift_right_logical3A_1958, %gather3A_1970 : vector<16xi32>
    %or3A_1982 = arith.ori %eq3A_1980, %ne3A_1981 : vector<16xi1>
    %eq3A_1983 = arith.constant 15 : i32
    %eq3A_1984 = vector.broadcast %eq3A_1983 : i32 to vector<16xi32>
    %eq3A_1985 = arith.cmpi eq, %iota3A, %eq3A_1984 : vector<16xi32>
    %ne3A_1986 = arith.cmpi ne, %shift_right_logical3A_1958, %gather3A_1977 : vector<16xi32>
    %or3A_1987 = arith.ori %eq3A_1985, %ne3A_1986 : vector<16xi1>
    %jit3A_1988 = arith.constant 0 : i32
    %broadcast_in_dim3A_1989 = vector.broadcast %jit3A_1988 : i32 to vector<16xi32>
    %select_n3A_1990 = arith.select %or3A_1982, %iota3A, %broadcast_in_dim3A_1989 : vector<16xi1>, vector<16xi32>
    %broadcast_in_dim3A_1991 = arith.constant true
    %broadcast_in_dim3A_1992 = vector.broadcast %broadcast_in_dim3A_1991 : i1 to vector<16xi1>
    %masked_cummax3A_1993 = arith.constant -2147483648 : i32
    %masked_cummax3A_1994 = vector.broadcast %masked_cummax3A_1993 : i32 to vector<16xi32>
    %masked_cummax3A_1995 = arith.xori %select_n3A_1990, %masked_cummax3A_1994 : vector<16xi32>
    %masked_cummax3A_1996 = tpu.scan <max>, %masked_cummax3A_1995 masked %broadcast_in_dim3A_1992 : vector<16xi32>, vector<16xi1> -> vector<16xi32>
    %masked_cummax3A_1997 = arith.xori %masked_cummax3A_1996, %masked_cummax3A_1994 : vector<16xi32>
    %sub3A_1998 = arith.subi %iota3A, %masked_cummax3A_1997 : vector<16xi32>
    %gather3A_1999 = tpu.vector_load_idx %arg12[%shift_right_logical3A_1958] : memref<256xi32, #tpu.memory_space<vmem>>[vector<16xi32>], vector<16xi32>,
    %add3A_2000 = arith.addi %gather3A_1999, %sub3A_1998 : vector<16xi32>
    %add3A_2001 = arith.constant 1 : i32
    %add3A_2002 = vector.broadcast %add3A_2001 : i32 to vector<16xi32>
    %add3A_2003 = arith.addi %sub3A_1998, %add3A_2002 : vector<16xi32>
    tpu.vector_store_idx %arg12[%shift_right_logical3A_1958], %add3A_2003 masked %or3A_1987 {add = true} : memref<256xi32, #tpu.memory_space<vmem>>[vector<16xi32>], vector<16xi32>, vector<16xi1>
    tpu.vector_store_idx %arg14[%and3A_1961], %add3A_2000 : memref<16xi32, #tpu.memory_space<vmem>>[vector<16xi32>], vector<16xi32>,
    %get3A_2004 = arith.constant 0 : index
    %get3A_2005 = tpu.vector_load %arg14[%get3A_2004] {strides = array<i32>} : memref<16xi32, #tpu.memory_space<vmem>>, vector<16xi32>,
    %swap3A_2006 = arith.constant 3 : i32
    %swap3A_2007 = arith.index_cast %swap3A_2006 : i32 to index
    %swap3A_2008 = arith.constant 80 : index
    %swap3A_2009 = tpu.vector_load %arg9[%swap3A_2007, %swap3A_2008] {strides = array<i32>} : memref<4x128xi32, #tpu.memory_space<vmem>>, vector<16xi32>,
    tpu.vector_store %arg9[%swap3A_2007, %swap3A_2008], %get3A_2005 {strides = array<i32>} : memref<4x128xi32, #tpu.memory_space<vmem>>, vector<16xi32>,
    %get3A_2010 = arith.constant 480 : index
    %get3A_2011 = tpu.vector_load %arg8[%get3A_2010] {strides = array<i32>} : memref<512xi32, #tpu.memory_space<vmem>>, vector<16xi32>,
    %shift_right_logical3A_2012 = arith.constant 4 : i32
    %shift_right_logical3A_2013 = vector.broadcast %shift_right_logical3A_2012 : i32 to vector<16xi32>
    %shift_right_logical3A_2014 = arith.shrui %get3A_2011, %shift_right_logical3A_2013 : vector<16xi32>
    %and3A_2015 = arith.constant 15 : i32
    %and3A_2016 = vector.broadcast %and3A_2015 : i32 to vector<16xi32>
    %and3A_2017 = arith.andi %get3A_2011, %and3A_2016 : vector<16xi32>
    %swap3A_2018 = arith.constant 0 : index
    %swap3A_2019 = tpu.vector_load %arg13[%swap3A_2018] {strides = array<i32>} : memref<16xi32, #tpu.memory_space<vmem>>, vector<16xi32>,
    tpu.vector_store %arg13[%swap3A_2018], %shift_right_logical3A_2014 {strides = array<i32>} : memref<16xi32, #tpu.memory_space<vmem>>, vector<16xi32>,
    %sub3A_2020 = arith.constant 1 : i32
    %sub3A_2021 = vector.broadcast %sub3A_2020 : i32 to vector<16xi32>
    %sub3A_2022 = arith.subi %iota3A, %sub3A_2021 : vector<16xi32>
    %max3A_2023 = arith.constant 0 : i32
    %max3A_2024 = vector.broadcast %max3A_2023 : i32 to vector<16xi32>
    %max3A_2025 = arith.maxsi %sub3A_2022, %max3A_2024 : vector<16xi32>
    %gather3A_2026 = tpu.vector_load_idx %arg13[%max3A_2025] : memref<16xi32, #tpu.memory_space<vmem>>[vector<16xi32>], vector<16xi32>,
    %add3A_2027 = arith.constant 1 : i32
    %add3A_2028 = vector.broadcast %add3A_2027 : i32 to vector<16xi32>
    %add3A_2029 = arith.addi %iota3A, %add3A_2028 : vector<16xi32>
    %min3A_2030 = arith.constant 15 : i32
    %min3A_2031 = vector.broadcast %min3A_2030 : i32 to vector<16xi32>
    %min3A_2032 = arith.minsi %add3A_2029, %min3A_2031 : vector<16xi32>
    %gather3A_2033 = tpu.vector_load_idx %arg13[%min3A_2032] : memref<16xi32, #tpu.memory_space<vmem>>[vector<16xi32>], vector<16xi32>,
    %eq3A_2034 = arith.constant 0 : i32
    %eq3A_2035 = vector.broadcast %eq3A_2034 : i32 to vector<16xi32>
    %eq3A_2036 = arith.cmpi eq, %iota3A, %eq3A_2035 : vector<16xi32>
    %ne3A_2037 = arith.cmpi ne, %shift_right_logical3A_2014, %gather3A_2026 : vector<16xi32>
    %or3A_2038 = arith.ori %eq3A_2036, %ne3A_2037 : vector<16xi1>
    %eq3A_2039 = arith.constant 15 : i32
    %eq3A_2040 = vector.broadcast %eq3A_2039 : i32 to vector<16xi32>
    %eq3A_2041 = arith.cmpi eq, %iota3A, %eq3A_2040 : vector<16xi32>
    %ne3A_2042 = arith.cmpi ne, %shift_right_logical3A_2014, %gather3A_2033 : vector<16xi32>
    %or3A_2043 = arith.ori %eq3A_2041, %ne3A_2042 : vector<16xi1>
    %jit3A_2044 = arith.constant 0 : i32
    %broadcast_in_dim3A_2045 = vector.broadcast %jit3A_2044 : i32 to vector<16xi32>
    %select_n3A_2046 = arith.select %or3A_2038, %iota3A, %broadcast_in_dim3A_2045 : vector<16xi1>, vector<16xi32>
    %broadcast_in_dim3A_2047 = arith.constant true
    %broadcast_in_dim3A_2048 = vector.broadcast %broadcast_in_dim3A_2047 : i1 to vector<16xi1>
    %masked_cummax3A_2049 = arith.constant -2147483648 : i32
    %masked_cummax3A_2050 = vector.broadcast %masked_cummax3A_2049 : i32 to vector<16xi32>
    %masked_cummax3A_2051 = arith.xori %select_n3A_2046, %masked_cummax3A_2050 : vector<16xi32>
    %masked_cummax3A_2052 = tpu.scan <max>, %masked_cummax3A_2051 masked %broadcast_in_dim3A_2048 : vector<16xi32>, vector<16xi1> -> vector<16xi32>
    %masked_cummax3A_2053 = arith.xori %masked_cummax3A_2052, %masked_cummax3A_2050 : vector<16xi32>
    %sub3A_2054 = arith.subi %iota3A, %masked_cummax3A_2053 : vector<16xi32>
    %gather3A_2055 = tpu.vector_load_idx %arg12[%shift_right_logical3A_2014] : memref<256xi32, #tpu.memory_space<vmem>>[vector<16xi32>], vector<16xi32>,
    %add3A_2056 = arith.addi %gather3A_2055, %sub3A_2054 : vector<16xi32>
    %add3A_2057 = arith.constant 1 : i32
    %add3A_2058 = vector.broadcast %add3A_2057 : i32 to vector<16xi32>
    %add3A_2059 = arith.addi %sub3A_2054, %add3A_2058 : vector<16xi32>
    tpu.vector_store_idx %arg12[%shift_right_logical3A_2014], %add3A_2059 masked %or3A_2043 {add = true} : memref<256xi32, #tpu.memory_space<vmem>>[vector<16xi32>], vector<16xi32>, vector<16xi1>
    tpu.vector_store_idx %arg14[%and3A_2017], %add3A_2056 : memref<16xi32, #tpu.memory_space<vmem>>[vector<16xi32>], vector<16xi32>,
    %get3A_2060 = arith.constant 0 : index
    %get3A_2061 = tpu.vector_load %arg14[%get3A_2060] {strides = array<i32>} : memref<16xi32, #tpu.memory_space<vmem>>, vector<16xi32>,
    %swap3A_2062 = arith.constant 3 : i32
    %swap3A_2063 = arith.index_cast %swap3A_2062 : i32 to index
    %swap3A_2064 = arith.constant 96 : index
    %swap3A_2065 = tpu.vector_load %arg9[%swap3A_2063, %swap3A_2064] {strides = array<i32>} : memref<4x128xi32, #tpu.memory_space<vmem>>, vector<16xi32>,
    tpu.vector_store %arg9[%swap3A_2063, %swap3A_2064], %get3A_2061 {strides = array<i32>} : memref<4x128xi32, #tpu.memory_space<vmem>>, vector<16xi32>,
    %get3A_2066 = arith.constant 496 : index
    %get3A_2067 = tpu.vector_load %arg8[%get3A_2066] {strides = array<i32>} : memref<512xi32, #tpu.memory_space<vmem>>, vector<16xi32>,
    %shift_right_logical3A_2068 = arith.constant 4 : i32
    %shift_right_logical3A_2069 = vector.broadcast %shift_right_logical3A_2068 : i32 to vector<16xi32>
    %shift_right_logical3A_2070 = arith.shrui %get3A_2067, %shift_right_logical3A_2069 : vector<16xi32>
    %and3A_2071 = arith.constant 15 : i32
    %and3A_2072 = vector.broadcast %and3A_2071 : i32 to vector<16xi32>
    %and3A_2073 = arith.andi %get3A_2067, %and3A_2072 : vector<16xi32>
    %swap3A_2074 = arith.constant 0 : index
    %swap3A_2075 = tpu.vector_load %arg15[%swap3A_2074] {strides = array<i32>} : memref<16xi32, #tpu.memory_space<vmem>>, vector<16xi32>,
    tpu.vector_store %arg15[%swap3A_2074], %shift_right_logical3A_2070 {strides = array<i32>} : memref<16xi32, #tpu.memory_space<vmem>>, vector<16xi32>,
    %sub3A_2076 = arith.constant 1 : i32
    %sub3A_2077 = vector.broadcast %sub3A_2076 : i32 to vector<16xi32>
    %sub3A_2078 = arith.subi %iota3A, %sub3A_2077 : vector<16xi32>
    %max3A_2079 = arith.constant 0 : i32
    %max3A_2080 = vector.broadcast %max3A_2079 : i32 to vector<16xi32>
    %max3A_2081 = arith.maxsi %sub3A_2078, %max3A_2080 : vector<16xi32>
    %gather3A_2082 = tpu.vector_load_idx %arg15[%max3A_2081] : memref<16xi32, #tpu.memory_space<vmem>>[vector<16xi32>], vector<16xi32>,
    %add3A_2083 = arith.constant 1 : i32
    %add3A_2084 = vector.broadcast %add3A_2083 : i32 to vector<16xi32>
    %add3A_2085 = arith.addi %iota3A, %add3A_2084 : vector<16xi32>
    %min3A_2086 = arith.constant 15 : i32
    %min3A_2087 = vector.broadcast %min3A_2086 : i32 to vector<16xi32>
    %min3A_2088 = arith.minsi %add3A_2085, %min3A_2087 : vector<16xi32>
    %gather3A_2089 = tpu.vector_load_idx %arg15[%min3A_2088] : memref<16xi32, #tpu.memory_space<vmem>>[vector<16xi32>], vector<16xi32>,
    %eq3A_2090 = arith.constant 0 : i32
    %eq3A_2091 = vector.broadcast %eq3A_2090 : i32 to vector<16xi32>
    %eq3A_2092 = arith.cmpi eq, %iota3A, %eq3A_2091 : vector<16xi32>
    %ne3A_2093 = arith.cmpi ne, %shift_right_logical3A_2070, %gather3A_2082 : vector<16xi32>
    %or3A_2094 = arith.ori %eq3A_2092, %ne3A_2093 : vector<16xi1>
    %eq3A_2095 = arith.constant 15 : i32
    %eq3A_2096 = vector.broadcast %eq3A_2095 : i32 to vector<16xi32>
    %eq3A_2097 = arith.cmpi eq, %iota3A, %eq3A_2096 : vector<16xi32>
    %ne3A_2098 = arith.cmpi ne, %shift_right_logical3A_2070, %gather3A_2089 : vector<16xi32>
    %or3A_2099 = arith.ori %eq3A_2097, %ne3A_2098 : vector<16xi1>
    %jit3A_2100 = arith.constant 0 : i32
    %broadcast_in_dim3A_2101 = vector.broadcast %jit3A_2100 : i32 to vector<16xi32>
    %select_n3A_2102 = arith.select %or3A_2094, %iota3A, %broadcast_in_dim3A_2101 : vector<16xi1>, vector<16xi32>
    %broadcast_in_dim3A_2103 = arith.constant true
    %broadcast_in_dim3A_2104 = vector.broadcast %broadcast_in_dim3A_2103 : i1 to vector<16xi1>
    %masked_cummax3A_2105 = arith.constant -2147483648 : i32
    %masked_cummax3A_2106 = vector.broadcast %masked_cummax3A_2105 : i32 to vector<16xi32>
    %masked_cummax3A_2107 = arith.xori %select_n3A_2102, %masked_cummax3A_2106 : vector<16xi32>
    %masked_cummax3A_2108 = tpu.scan <max>, %masked_cummax3A_2107 masked %broadcast_in_dim3A_2104 : vector<16xi32>, vector<16xi1> -> vector<16xi32>
    %masked_cummax3A_2109 = arith.xori %masked_cummax3A_2108, %masked_cummax3A_2106 : vector<16xi32>
    %sub3A_2110 = arith.subi %iota3A, %masked_cummax3A_2109 : vector<16xi32>
    %gather3A_2111 = tpu.vector_load_idx %arg12[%shift_right_logical3A_2070] : memref<256xi32, #tpu.memory_space<vmem>>[vector<16xi32>], vector<16xi32>,
    %add3A_2112 = arith.addi %gather3A_2111, %sub3A_2110 : vector<16xi32>
    %add3A_2113 = arith.constant 1 : i32
    %add3A_2114 = vector.broadcast %add3A_2113 : i32 to vector<16xi32>
    %add3A_2115 = arith.addi %sub3A_2110, %add3A_2114 : vector<16xi32>
    tpu.vector_store_idx %arg12[%shift_right_logical3A_2070], %add3A_2115 masked %or3A_2099 {add = true} : memref<256xi32, #tpu.memory_space<vmem>>[vector<16xi32>], vector<16xi32>, vector<16xi1>
    tpu.vector_store_idx %arg14[%and3A_2073], %add3A_2112 : memref<16xi32, #tpu.memory_space<vmem>>[vector<16xi32>], vector<16xi32>,
    %get3A_2116 = arith.constant 0 : index
    %get3A_2117 = tpu.vector_load %arg14[%get3A_2116] {strides = array<i32>} : memref<16xi32, #tpu.memory_space<vmem>>, vector<16xi32>,
    %swap3A_2118 = arith.constant 3 : i32
    %swap3A_2119 = arith.index_cast %swap3A_2118 : i32 to index
    %swap3A_2120 = arith.constant 112 : index
    %swap3A_2121 = tpu.vector_load %arg9[%swap3A_2119, %swap3A_2120] {strides = array<i32>} : memref<4x128xi32, #tpu.memory_space<vmem>>, vector<16xi32>,
    tpu.vector_store %arg9[%swap3A_2119, %swap3A_2120], %get3A_2117 {strides = array<i32>} : memref<4x128xi32, #tpu.memory_space<vmem>>, vector<16xi32>,
    %run_scoped3A = arith.constant 0 : i32
    "tpu.region"() ({
      %run_scoped3A_2130 = tpu.sem_alloc : memref<!tpu.dma_semaphore, #tpu.memory_space<semaphore_mem>>
      %dma_start3A = arith.constant 0 : i32
      %dma_start3A_2131 = tpu.memref_slice %arg6[%dma_start3A] : memref<512xi32, #tpu.memory_space<vmem>> -> memref<128xi32, #tpu.memory_space<vmem>>
      %dma_start3A_2132 = arith.constant 0 : i32
      %dma_start3A_2133 = tpu.memref_slice %arg9[%run_scoped3A, %dma_start3A_2132] : memref<4x128xi32, #tpu.memory_space<vmem>> -> memref<1x128xi32, #tpu.memory_space<vmem>>
      %dma_start3A_2134 = tpu.memref_squeeze %dma_start3A_2133 : memref<1x128xi32, #tpu.memory_space<vmem>> -> memref<128xi32, #tpu.memory_space<vmem>>
      %dma_start3A_2135 = arith.constant 0 : i32
      %dma_start3A_2136 = tpu.memref_slice %arg27[%dma_start3A_2135] : memref<8192xi32, #tpu.memory_space<vmem_shared>> -> memref<8192xi32, #tpu.memory_space<vmem_shared>>
      tpu.enqueue_indirect_dma source(%dma_start3A_2131 : memref<128xi32, #tpu.memory_space<vmem>>) target(%dma_start3A_2136 : memref<8192xi32, #tpu.memory_space<vmem_shared>>) offsets(%dma_start3A_2134 : memref<128xi32, #tpu.memory_space<vmem>>) semaphore(%run_scoped3A_2130 : memref<!tpu.dma_semaphore, #tpu.memory_space<semaphore_mem>>)
      %dma_wait3A = arith.constant 0 : i32
      %dma_wait3A_2137 = tpu.memref_slice %arg6[%dma_wait3A] : memref<512xi32, #tpu.memory_space<vmem>> -> memref<128xi32, #tpu.memory_space<vmem>>
      %dma_wait3A_2138 = arith.constant 0 : i32
      %dma_wait3A_2139 = tpu.memref_slice %arg9[%run_scoped3A, %dma_wait3A_2138] : memref<4x128xi32, #tpu.memory_space<vmem>> -> memref<1x128xi32, #tpu.memory_space<vmem>>
      %dma_wait3A_2140 = tpu.memref_squeeze %dma_wait3A_2139 : memref<1x128xi32, #tpu.memory_space<vmem>> -> memref<128xi32, #tpu.memory_space<vmem>>
      %dma_wait3A_2141 = arith.constant 0 : i32
      %dma_wait3A_2142 = tpu.memref_slice %arg27[%dma_wait3A_2141] : memref<8192xi32, #tpu.memory_space<vmem_shared>> -> memref<8192xi32, #tpu.memory_space<vmem_shared>>
      tpu.wait_indirect_dma semaphore(%run_scoped3A_2130 : memref<!tpu.dma_semaphore, #tpu.memory_space<semaphore_mem>>) src(%dma_wait3A_2137 : memref<128xi32, #tpu.memory_space<vmem>>) dst(%dma_wait3A_2142 : memref<8192xi32, #tpu.memory_space<vmem_shared>>)
      tpu.yield
    }) : () -> ()
    %run_scoped3A_2122 = arith.constant 0 : i32
    "tpu.region"() ({
      %run_scoped3A_2130 = tpu.sem_alloc : memref<!tpu.dma_semaphore, #tpu.memory_space<semaphore_mem>>
      %dma_start3A = arith.constant 0 : i32
      %dma_start3A_2131 = tpu.memref_slice %arg7[%dma_start3A] : memref<512xi32, #tpu.memory_space<vmem>> -> memref<128xi32, #tpu.memory_space<vmem>>
      %dma_start3A_2132 = arith.constant 0 : i32
      %dma_start3A_2133 = tpu.memref_slice %arg9[%run_scoped3A_2122, %dma_start3A_2132] : memref<4x128xi32, #tpu.memory_space<vmem>> -> memref<1x128xi32, #tpu.memory_space<vmem>>
      %dma_start3A_2134 = tpu.memref_squeeze %dma_start3A_2133 : memref<1x128xi32, #tpu.memory_space<vmem>> -> memref<128xi32, #tpu.memory_space<vmem>>
      %dma_start3A_2135 = arith.constant 0 : i32
      %dma_start3A_2136 = tpu.memref_slice %arg29[%dma_start3A_2135] : memref<8192xi32, #tpu.memory_space<vmem_shared>> -> memref<8192xi32, #tpu.memory_space<vmem_shared>>
      tpu.enqueue_indirect_dma source(%dma_start3A_2131 : memref<128xi32, #tpu.memory_space<vmem>>) target(%dma_start3A_2136 : memref<8192xi32, #tpu.memory_space<vmem_shared>>) offsets(%dma_start3A_2134 : memref<128xi32, #tpu.memory_space<vmem>>) semaphore(%run_scoped3A_2130 : memref<!tpu.dma_semaphore, #tpu.memory_space<semaphore_mem>>)
      %dma_wait3A = arith.constant 0 : i32
      %dma_wait3A_2137 = tpu.memref_slice %arg7[%dma_wait3A] : memref<512xi32, #tpu.memory_space<vmem>> -> memref<128xi32, #tpu.memory_space<vmem>>
      %dma_wait3A_2138 = arith.constant 0 : i32
      %dma_wait3A_2139 = tpu.memref_slice %arg9[%run_scoped3A_2122, %dma_wait3A_2138] : memref<4x128xi32, #tpu.memory_space<vmem>> -> memref<1x128xi32, #tpu.memory_space<vmem>>
      %dma_wait3A_2140 = tpu.memref_squeeze %dma_wait3A_2139 : memref<1x128xi32, #tpu.memory_space<vmem>> -> memref<128xi32, #tpu.memory_space<vmem>>
      %dma_wait3A_2141 = arith.constant 0 : i32
      %dma_wait3A_2142 = tpu.memref_slice %arg29[%dma_wait3A_2141] : memref<8192xi32, #tpu.memory_space<vmem_shared>> -> memref<8192xi32, #tpu.memory_space<vmem_shared>>
      tpu.wait_indirect_dma semaphore(%run_scoped3A_2130 : memref<!tpu.dma_semaphore, #tpu.memory_space<semaphore_mem>>) src(%dma_wait3A_2137 : memref<128xi32, #tpu.memory_space<vmem>>) dst(%dma_wait3A_2142 : memref<8192xi32, #tpu.memory_space<vmem_shared>>)
      tpu.yield
    }) : () -> ()
    %run_scoped3A_2123 = arith.constant 1 : i32
    "tpu.region"() ({
      %run_scoped3A_2130 = tpu.sem_alloc : memref<!tpu.dma_semaphore, #tpu.memory_space<semaphore_mem>>
      %dma_start3A = arith.constant 128 : i32
      %dma_start3A_2131 = tpu.memref_slice %arg6[%dma_start3A] : memref<512xi32, #tpu.memory_space<vmem>> -> memref<128xi32, #tpu.memory_space<vmem>>
      %dma_start3A_2132 = arith.constant 0 : i32
      %dma_start3A_2133 = tpu.memref_slice %arg9[%run_scoped3A_2123, %dma_start3A_2132] : memref<4x128xi32, #tpu.memory_space<vmem>> -> memref<1x128xi32, #tpu.memory_space<vmem>>
      %dma_start3A_2134 = tpu.memref_squeeze %dma_start3A_2133 : memref<1x128xi32, #tpu.memory_space<vmem>> -> memref<128xi32, #tpu.memory_space<vmem>>
      %dma_start3A_2135 = arith.constant 0 : i32
      %dma_start3A_2136 = tpu.memref_slice %arg27[%dma_start3A_2135] : memref<8192xi32, #tpu.memory_space<vmem_shared>> -> memref<8192xi32, #tpu.memory_space<vmem_shared>>
      tpu.enqueue_indirect_dma source(%dma_start3A_2131 : memref<128xi32, #tpu.memory_space<vmem>>) target(%dma_start3A_2136 : memref<8192xi32, #tpu.memory_space<vmem_shared>>) offsets(%dma_start3A_2134 : memref<128xi32, #tpu.memory_space<vmem>>) semaphore(%run_scoped3A_2130 : memref<!tpu.dma_semaphore, #tpu.memory_space<semaphore_mem>>)
      %dma_wait3A = arith.constant 128 : i32
      %dma_wait3A_2137 = tpu.memref_slice %arg6[%dma_wait3A] : memref<512xi32, #tpu.memory_space<vmem>> -> memref<128xi32, #tpu.memory_space<vmem>>
      %dma_wait3A_2138 = arith.constant 0 : i32
      %dma_wait3A_2139 = tpu.memref_slice %arg9[%run_scoped3A_2123, %dma_wait3A_2138] : memref<4x128xi32, #tpu.memory_space<vmem>> -> memref<1x128xi32, #tpu.memory_space<vmem>>
      %dma_wait3A_2140 = tpu.memref_squeeze %dma_wait3A_2139 : memref<1x128xi32, #tpu.memory_space<vmem>> -> memref<128xi32, #tpu.memory_space<vmem>>
      %dma_wait3A_2141 = arith.constant 0 : i32
      %dma_wait3A_2142 = tpu.memref_slice %arg27[%dma_wait3A_2141] : memref<8192xi32, #tpu.memory_space<vmem_shared>> -> memref<8192xi32, #tpu.memory_space<vmem_shared>>
      tpu.wait_indirect_dma semaphore(%run_scoped3A_2130 : memref<!tpu.dma_semaphore, #tpu.memory_space<semaphore_mem>>) src(%dma_wait3A_2137 : memref<128xi32, #tpu.memory_space<vmem>>) dst(%dma_wait3A_2142 : memref<8192xi32, #tpu.memory_space<vmem_shared>>)
      tpu.yield
    }) : () -> ()
    %run_scoped3A_2124 = arith.constant 1 : i32
    "tpu.region"() ({
      %run_scoped3A_2130 = tpu.sem_alloc : memref<!tpu.dma_semaphore, #tpu.memory_space<semaphore_mem>>
      %dma_start3A = arith.constant 128 : i32
      %dma_start3A_2131 = tpu.memref_slice %arg7[%dma_start3A] : memref<512xi32, #tpu.memory_space<vmem>> -> memref<128xi32, #tpu.memory_space<vmem>>
      %dma_start3A_2132 = arith.constant 0 : i32
      %dma_start3A_2133 = tpu.memref_slice %arg9[%run_scoped3A_2124, %dma_start3A_2132] : memref<4x128xi32, #tpu.memory_space<vmem>> -> memref<1x128xi32, #tpu.memory_space<vmem>>
      %dma_start3A_2134 = tpu.memref_squeeze %dma_start3A_2133 : memref<1x128xi32, #tpu.memory_space<vmem>> -> memref<128xi32, #tpu.memory_space<vmem>>
      %dma_start3A_2135 = arith.constant 0 : i32
      %dma_start3A_2136 = tpu.memref_slice %arg29[%dma_start3A_2135] : memref<8192xi32, #tpu.memory_space<vmem_shared>> -> memref<8192xi32, #tpu.memory_space<vmem_shared>>
      tpu.enqueue_indirect_dma source(%dma_start3A_2131 : memref<128xi32, #tpu.memory_space<vmem>>) target(%dma_start3A_2136 : memref<8192xi32, #tpu.memory_space<vmem_shared>>) offsets(%dma_start3A_2134 : memref<128xi32, #tpu.memory_space<vmem>>) semaphore(%run_scoped3A_2130 : memref<!tpu.dma_semaphore, #tpu.memory_space<semaphore_mem>>)
      %dma_wait3A = arith.constant 128 : i32
      %dma_wait3A_2137 = tpu.memref_slice %arg7[%dma_wait3A] : memref<512xi32, #tpu.memory_space<vmem>> -> memref<128xi32, #tpu.memory_space<vmem>>
      %dma_wait3A_2138 = arith.constant 0 : i32
      %dma_wait3A_2139 = tpu.memref_slice %arg9[%run_scoped3A_2124, %dma_wait3A_2138] : memref<4x128xi32, #tpu.memory_space<vmem>> -> memref<1x128xi32, #tpu.memory_space<vmem>>
      %dma_wait3A_2140 = tpu.memref_squeeze %dma_wait3A_2139 : memref<1x128xi32, #tpu.memory_space<vmem>> -> memref<128xi32, #tpu.memory_space<vmem>>
      %dma_wait3A_2141 = arith.constant 0 : i32
      %dma_wait3A_2142 = tpu.memref_slice %arg29[%dma_wait3A_2141] : memref<8192xi32, #tpu.memory_space<vmem_shared>> -> memref<8192xi32, #tpu.memory_space<vmem_shared>>
      tpu.wait_indirect_dma semaphore(%run_scoped3A_2130 : memref<!tpu.dma_semaphore, #tpu.memory_space<semaphore_mem>>) src(%dma_wait3A_2137 : memref<128xi32, #tpu.memory_space<vmem>>) dst(%dma_wait3A_2142 : memref<8192xi32, #tpu.memory_space<vmem_shared>>)
      tpu.yield
    }) : () -> ()
    %run_scoped3A_2125 = arith.constant 2 : i32
    "tpu.region"() ({
      %run_scoped3A_2130 = tpu.sem_alloc : memref<!tpu.dma_semaphore, #tpu.memory_space<semaphore_mem>>
      %dma_start3A = arith.constant 256 : i32
      %dma_start3A_2131 = tpu.memref_slice %arg6[%dma_start3A] : memref<512xi32, #tpu.memory_space<vmem>> -> memref<128xi32, #tpu.memory_space<vmem>>
      %dma_start3A_2132 = arith.constant 0 : i32
      %dma_start3A_2133 = tpu.memref_slice %arg9[%run_scoped3A_2125, %dma_start3A_2132] : memref<4x128xi32, #tpu.memory_space<vmem>> -> memref<1x128xi32, #tpu.memory_space<vmem>>
      %dma_start3A_2134 = tpu.memref_squeeze %dma_start3A_2133 : memref<1x128xi32, #tpu.memory_space<vmem>> -> memref<128xi32, #tpu.memory_space<vmem>>
      %dma_start3A_2135 = arith.constant 0 : i32
      %dma_start3A_2136 = tpu.memref_slice %arg27[%dma_start3A_2135] : memref<8192xi32, #tpu.memory_space<vmem_shared>> -> memref<8192xi32, #tpu.memory_space<vmem_shared>>
      tpu.enqueue_indirect_dma source(%dma_start3A_2131 : memref<128xi32, #tpu.memory_space<vmem>>) target(%dma_start3A_2136 : memref<8192xi32, #tpu.memory_space<vmem_shared>>) offsets(%dma_start3A_2134 : memref<128xi32, #tpu.memory_space<vmem>>) semaphore(%run_scoped3A_2130 : memref<!tpu.dma_semaphore, #tpu.memory_space<semaphore_mem>>)
      %dma_wait3A = arith.constant 256 : i32
      %dma_wait3A_2137 = tpu.memref_slice %arg6[%dma_wait3A] : memref<512xi32, #tpu.memory_space<vmem>> -> memref<128xi32, #tpu.memory_space<vmem>>
      %dma_wait3A_2138 = arith.constant 0 : i32
      %dma_wait3A_2139 = tpu.memref_slice %arg9[%run_scoped3A_2125, %dma_wait3A_2138] : memref<4x128xi32, #tpu.memory_space<vmem>> -> memref<1x128xi32, #tpu.memory_space<vmem>>
      %dma_wait3A_2140 = tpu.memref_squeeze %dma_wait3A_2139 : memref<1x128xi32, #tpu.memory_space<vmem>> -> memref<128xi32, #tpu.memory_space<vmem>>
      %dma_wait3A_2141 = arith.constant 0 : i32
      %dma_wait3A_2142 = tpu.memref_slice %arg27[%dma_wait3A_2141] : memref<8192xi32, #tpu.memory_space<vmem_shared>> -> memref<8192xi32, #tpu.memory_space<vmem_shared>>
      tpu.wait_indirect_dma semaphore(%run_scoped3A_2130 : memref<!tpu.dma_semaphore, #tpu.memory_space<semaphore_mem>>) src(%dma_wait3A_2137 : memref<128xi32, #tpu.memory_space<vmem>>) dst(%dma_wait3A_2142 : memref<8192xi32, #tpu.memory_space<vmem_shared>>)
      tpu.yield
    }) : () -> ()
    %run_scoped3A_2126 = arith.constant 2 : i32
    "tpu.region"() ({
      %run_scoped3A_2130 = tpu.sem_alloc : memref<!tpu.dma_semaphore, #tpu.memory_space<semaphore_mem>>
      %dma_start3A = arith.constant 256 : i32
      %dma_start3A_2131 = tpu.memref_slice %arg7[%dma_start3A] : memref<512xi32, #tpu.memory_space<vmem>> -> memref<128xi32, #tpu.memory_space<vmem>>
      %dma_start3A_2132 = arith.constant 0 : i32
      %dma_start3A_2133 = tpu.memref_slice %arg9[%run_scoped3A_2126, %dma_start3A_2132] : memref<4x128xi32, #tpu.memory_space<vmem>> -> memref<1x128xi32, #tpu.memory_space<vmem>>
      %dma_start3A_2134 = tpu.memref_squeeze %dma_start3A_2133 : memref<1x128xi32, #tpu.memory_space<vmem>> -> memref<128xi32, #tpu.memory_space<vmem>>
      %dma_start3A_2135 = arith.constant 0 : i32
      %dma_start3A_2136 = tpu.memref_slice %arg29[%dma_start3A_2135] : memref<8192xi32, #tpu.memory_space<vmem_shared>> -> memref<8192xi32, #tpu.memory_space<vmem_shared>>
      tpu.enqueue_indirect_dma source(%dma_start3A_2131 : memref<128xi32, #tpu.memory_space<vmem>>) target(%dma_start3A_2136 : memref<8192xi32, #tpu.memory_space<vmem_shared>>) offsets(%dma_start3A_2134 : memref<128xi32, #tpu.memory_space<vmem>>) semaphore(%run_scoped3A_2130 : memref<!tpu.dma_semaphore, #tpu.memory_space<semaphore_mem>>)
      %dma_wait3A = arith.constant 256 : i32
      %dma_wait3A_2137 = tpu.memref_slice %arg7[%dma_wait3A] : memref<512xi32, #tpu.memory_space<vmem>> -> memref<128xi32, #tpu.memory_space<vmem>>
      %dma_wait3A_2138 = arith.constant 0 : i32
      %dma_wait3A_2139 = tpu.memref_slice %arg9[%run_scoped3A_2126, %dma_wait3A_2138] : memref<4x128xi32, #tpu.memory_space<vmem>> -> memref<1x128xi32, #tpu.memory_space<vmem>>
      %dma_wait3A_2140 = tpu.memref_squeeze %dma_wait3A_2139 : memref<1x128xi32, #tpu.memory_space<vmem>> -> memref<128xi32, #tpu.memory_space<vmem>>
      %dma_wait3A_2141 = arith.constant 0 : i32
      %dma_wait3A_2142 = tpu.memref_slice %arg29[%dma_wait3A_2141] : memref<8192xi32, #tpu.memory_space<vmem_shared>> -> memref<8192xi32, #tpu.memory_space<vmem_shared>>
      tpu.wait_indirect_dma semaphore(%run_scoped3A_2130 : memref<!tpu.dma_semaphore, #tpu.memory_space<semaphore_mem>>) src(%dma_wait3A_2137 : memref<128xi32, #tpu.memory_space<vmem>>) dst(%dma_wait3A_2142 : memref<8192xi32, #tpu.memory_space<vmem_shared>>)
      tpu.yield
    }) : () -> ()
    %run_scoped3A_2127 = arith.constant 3 : i32
    "tpu.region"() ({
      %run_scoped3A_2130 = tpu.sem_alloc : memref<!tpu.dma_semaphore, #tpu.memory_space<semaphore_mem>>
      %dma_start3A = arith.constant 384 : i32
      %dma_start3A_2131 = tpu.memref_slice %arg6[%dma_start3A] : memref<512xi32, #tpu.memory_space<vmem>> -> memref<128xi32, #tpu.memory_space<vmem>>
      %dma_start3A_2132 = arith.constant 0 : i32
      %dma_start3A_2133 = tpu.memref_slice %arg9[%run_scoped3A_2127, %dma_start3A_2132] : memref<4x128xi32, #tpu.memory_space<vmem>> -> memref<1x128xi32, #tpu.memory_space<vmem>>
      %dma_start3A_2134 = tpu.memref_squeeze %dma_start3A_2133 : memref<1x128xi32, #tpu.memory_space<vmem>> -> memref<128xi32, #tpu.memory_space<vmem>>
      %dma_start3A_2135 = arith.constant 0 : i32
      %dma_start3A_2136 = tpu.memref_slice %arg27[%dma_start3A_2135] : memref<8192xi32, #tpu.memory_space<vmem_shared>> -> memref<8192xi32, #tpu.memory_space<vmem_shared>>
      tpu.enqueue_indirect_dma source(%dma_start3A_2131 : memref<128xi32, #tpu.memory_space<vmem>>) target(%dma_start3A_2136 : memref<8192xi32, #tpu.memory_space<vmem_shared>>) offsets(%dma_start3A_2134 : memref<128xi32, #tpu.memory_space<vmem>>) semaphore(%run_scoped3A_2130 : memref<!tpu.dma_semaphore, #tpu.memory_space<semaphore_mem>>)
      %dma_wait3A = arith.constant 384 : i32
      %dma_wait3A_2137 = tpu.memref_slice %arg6[%dma_wait3A] : memref<512xi32, #tpu.memory_space<vmem>> -> memref<128xi32, #tpu.memory_space<vmem>>
      %dma_wait3A_2138 = arith.constant 0 : i32
      %dma_wait3A_2139 = tpu.memref_slice %arg9[%run_scoped3A_2127, %dma_wait3A_2138] : memref<4x128xi32, #tpu.memory_space<vmem>> -> memref<1x128xi32, #tpu.memory_space<vmem>>
      %dma_wait3A_2140 = tpu.memref_squeeze %dma_wait3A_2139 : memref<1x128xi32, #tpu.memory_space<vmem>> -> memref<128xi32, #tpu.memory_space<vmem>>
      %dma_wait3A_2141 = arith.constant 0 : i32
      %dma_wait3A_2142 = tpu.memref_slice %arg27[%dma_wait3A_2141] : memref<8192xi32, #tpu.memory_space<vmem_shared>> -> memref<8192xi32, #tpu.memory_space<vmem_shared>>
      tpu.wait_indirect_dma semaphore(%run_scoped3A_2130 : memref<!tpu.dma_semaphore, #tpu.memory_space<semaphore_mem>>) src(%dma_wait3A_2137 : memref<128xi32, #tpu.memory_space<vmem>>) dst(%dma_wait3A_2142 : memref<8192xi32, #tpu.memory_space<vmem_shared>>)
      tpu.yield
    }) : () -> ()
    %run_scoped3A_2128 = arith.constant 3 : i32
    "tpu.region"() ({
      %run_scoped3A_2130 = tpu.sem_alloc : memref<!tpu.dma_semaphore, #tpu.memory_space<semaphore_mem>>
      %dma_start3A = arith.constant 384 : i32
      %dma_start3A_2131 = tpu.memref_slice %arg7[%dma_start3A] : memref<512xi32, #tpu.memory_space<vmem>> -> memref<128xi32, #tpu.memory_space<vmem>>
      %dma_start3A_2132 = arith.constant 0 : i32
      %dma_start3A_2133 = tpu.memref_slice %arg9[%run_scoped3A_2128, %dma_start3A_2132] : memref<4x128xi32, #tpu.memory_space<vmem>> -> memref<1x128xi32, #tpu.memory_space<vmem>>
      %dma_start3A_2134 = tpu.memref_squeeze %dma_start3A_2133 : memref<1x128xi32, #tpu.memory_space<vmem>> -> memref<128xi32, #tpu.memory_space<vmem>>
      %dma_start3A_2135 = arith.constant 0 : i32
      %dma_start3A_2136 = tpu.memref_slice %arg29[%dma_start3A_2135] : memref<8192xi32, #tpu.memory_space<vmem_shared>> -> memref<8192xi32, #tpu.memory_space<vmem_shared>>
      tpu.enqueue_indirect_dma source(%dma_start3A_2131 : memref<128xi32, #tpu.memory_space<vmem>>) target(%dma_start3A_2136 : memref<8192xi32, #tpu.memory_space<vmem_shared>>) offsets(%dma_start3A_2134 : memref<128xi32, #tpu.memory_space<vmem>>) semaphore(%run_scoped3A_2130 : memref<!tpu.dma_semaphore, #tpu.memory_space<semaphore_mem>>)
      %dma_wait3A = arith.constant 384 : i32
      %dma_wait3A_2137 = tpu.memref_slice %arg7[%dma_wait3A] : memref<512xi32, #tpu.memory_space<vmem>> -> memref<128xi32, #tpu.memory_space<vmem>>
      %dma_wait3A_2138 = arith.constant 0 : i32
      %dma_wait3A_2139 = tpu.memref_slice %arg9[%run_scoped3A_2128, %dma_wait3A_2138] : memref<4x128xi32, #tpu.memory_space<vmem>> -> memref<1x128xi32, #tpu.memory_space<vmem>>
      %dma_wait3A_2140 = tpu.memref_squeeze %dma_wait3A_2139 : memref<1x128xi32, #tpu.memory_space<vmem>> -> memref<128xi32, #tpu.memory_space<vmem>>
      %dma_wait3A_2141 = arith.constant 0 : i32
      %dma_wait3A_2142 = tpu.memref_slice %arg29[%dma_wait3A_2141] : memref<8192xi32, #tpu.memory_space<vmem_shared>> -> memref<8192xi32, #tpu.memory_space<vmem_shared>>
      tpu.wait_indirect_dma semaphore(%run_scoped3A_2130 : memref<!tpu.dma_semaphore, #tpu.memory_space<semaphore_mem>>) src(%dma_wait3A_2137 : memref<128xi32, #tpu.memory_space<vmem>>) dst(%dma_wait3A_2142 : memref<8192xi32, #tpu.memory_space<vmem_shared>>)
      tpu.yield
    }) : () -> ()
    %barrier3A_2129 = arith.constant 0 : index
    tpu.barrier barrier_id(%barrier3A_2129)
    return
  }
}

</mosaic_0001>

<sc_bundles>
// kernel: kernel.3.cloned.1.call-start
scs
__scs_entry_jumppad:
0x0: {  	(pc) =	sbr.rel $0x88, $3  }
0x1: {  	(tag) =	ssettag $0x0;
	lr =	simm.s32 $0x1  }
0x2: {  	[smem:$0x3F9F] =	sst lr;
	_ =	strace $0xD0000000  }
0x3: {  	_ = 	snop  }
0x4: {  	_ = 	snop  }
0x5: {  	_ = 	snop  }
0x6: {  	_ = 	snop  }
0x7: {  	_ = 	snop  }
__scs_overlays_trampoline_lowered:
0x8: {  	[smem:$0x3FAE] =	sst s0  }
0x9: {  	[smem:$0x3FAF] =	sst s1  }
0xa: {  	[smem:$0x3FB0] =	sst s2  }
0xb: {  	[smem:$0x3FB1] =	sst s3  }
0xc: {  	[smem:$0x3FB2] =	sst s4  }
0xd: {  	[smem:$0x3FB3] =	sst s5  }
0xe: {  	[smem:$0x3FB4] =	sst s6  }
0xf: {  	[smem:$0x3FB5] =	sst s7  }
0x10: {  	[smem:$0x3FB6] =	sst s8  }
0x11: {  	[smem:$0x3FB7] =	sst s9;
	s0 =	simm.s32 @!p0 $0x0  }
0x12: {  	s1 =	sld [smem:$0x3F9D];
	s0 =	simm.s32 @p0 $0x1  }
0x13: {  	[smem:$0x3FB8] =	sst s0;
	s0 =	simm.s32 @!p1 $0x0  }
0x14: {  	s2 =	sld [smem:$0x3F9C];
	s0 =	simm.s32 @p1 $0x1  }
0x15: {  	[smem:$0x3FB9] =	sst s0;
	s0 =	simm.s32 @!p2 $0x0  }
0x16: {  	s3 =	sld [smem:$0x3FDB];
	s0 =	simm.s32 @p2 $0x1  }
0x17: {  	s4 =	simm.s32 $0x1BF5;
	[smem:$0x3FBB] =	sst s0  }
0x18: {  	s0 =	sld [smem:$0x3F9E];
	_ =	swait.ge [sflag:s4], $0x0  }
0x19: {  	s7 =	sld [smem:$0x3F9F]  }
0x1a: {  	s8 =	sadd.s32 $0xFFFFE003, lr  }
0x1b: {  	s9 =	sadd.s32 $0xFFFFFEF7, lr;
	s5 =	simm.s32 $0xFFFFFFFF;
	p2 =	slt.u32 s8, $0xFFFFF086  }
0x1c: {  	p1 =	slt.u32 s9, $0xF7A;
	s5 =	simm.s32 @!p2 $0x0  }
0x1d: {  	s5 =	simm.s32 @p1 $0x1;
	p0 =	seq.s32 s7, s2  }
0x1e: {  	s7 =	smul.u32 @!p0 $0xF7A, s2;
	p2 =	seq.s32 @!p0 s5, $0x0  }
0x1f: {  	s9 =	smul.u32 $0xF7A, s1;
	s8 =	simm.s32 @!p0 $0x1BF5;
	p2 =	por !p2, p0  }
0x20: {  	[sflag:s8] =	ssyncset.s32 @!p0 $0xFFFFF086;
	s6 =	sadd.s32 @!p0 s3, s7;
	s7 =	simm.s32 @!p0 $0x108  }
0x21: {  	s3 =	sadd.s32 s3, s9;
	s6 =	sadd.s32 @!p0 $0x88, s6;
	s7 =	simm.s32 @p2 $0x1082  }
0x22: {  	[simem:s7], [sflag:s8] =	dma.local @!p0 [hbm:s6], $0xF7A  }
0x23: {  	s9 =	sor.u32 $0xD0000000, s2;
	s6 =	simm.s32 $0x108;
	_ =	swait.ge @!p0 [sflag:s8], $0x0  }
0x24: {  	s3 =	sadd.s32 $0x88, s3;
	s6 =	simm.s32 @!p1 $0x1082;
	[sflag:s4] =	ssyncset.s32 $0xFFFFF086  }
0x25: {  	[simem:s6], [sflag:s4] =	dma.local [hbm:s3], $0xF7A  }
0x26: {  	[smem:$0x3F9F] =	sst s1;
	(tag) =	ssettag s2;
	_ =	strace s9  }
0x27: {  	s1 =	sld [smem:$0x3FAF]  }
0x28: {  	s2 =	sld [smem:$0x3FB0]  }
0x29: {  	s4 =	sld [smem:$0x3FB2]  }
0x2a: {  	p0 =	seq.s32 s5, $0x0;
	s5 =	sld [smem:$0x3FB3]  }
0x2b: {  	s6 =	sld [smem:$0x3FB4]  }
0x2c: {  	s7 =	sld [smem:$0x3FB5]  }
0x2d: {  	s3 =	simm.s32 $0x108;
	s8 =	sld [smem:$0x3FB6]  }
0x2e: {  	s3 =	simm.s32 @!p0 $0x1082;
	s9 =	sld [smem:$0x3FB7]  }
0x2f: {  	lr =	sadd.s32 s0, s3;
	s0 =	sld [smem:$0x3FAE]  }
0x30: {  	s3 =	sld [smem:$0x3FB1]  }
0x31: {  	[smem:$0x3FBA] =	sst s10  }
0x32: {  	s10 =	sld [smem:$0x3FB8];
	_ =	sdelay $0x3  }
0x33: {  	p0 =	seq.s32 s10, $0x1;
	s10 =	sld [smem:$0x3FBA];
	_ =	sdelay $0x3  }
0x34: {  	[smem:$0x3FBA] =	sst s10  }
0x35: {  	s10 =	sld [smem:$0x3FB9];
	_ =	sdelay $0x3  }
0x36: {  	p1 =	seq.s32 s10, $0x1;
	s10 =	sld [smem:$0x3FBA];
	_ =	sdelay $0x3  }
0x37: {  	[smem:$0x3FBA] =	sst s10  }
0x38: {  	s10 =	sld [smem:$0x3FBB]  }
0x39: {  	_ = 	snop;
	(pc) =	sbr.ind lr, $3  }
0x3a: {  	_ = 	snop  }
0x3b: {  	_ = 	snop  }
0x3c: {  	p2 =	seq.s32 s10, $0x1;
	s10 =	sld [smem:$0x3FBA]  }
0x3d: {  	_ =	shalt  }
0x3e: {  	_ =	shalt  }
0x3f: {  	_ =	shalt  }
0x40: {  	_ =	shalt  }
0x41: {  	_ =	shalt  }
0x42: {  	_ =	shalt  }
0x43: {  	_ =	shalt  }
0x44: {  	_ =	shalt  }
0x45: {  	_ =	shalt  }
0x46: {  	_ =	shalt  }
0x47: {  	_ =	shalt  }
0x48: {  	_ =	shalt  }
0x49: {  	_ =	shalt  }
0x4a: {  	_ =	shalt  }
0x4b: {  	_ =	shalt  }
0x4c: {  	_ =	shalt  }
0x4d: {  	_ =	shalt  }
0x4e: {  	_ =	shalt  }
0x4f: {  	_ =	shalt  }
0x50: {  	_ =	shalt  }
0x51: {  	_ =	shalt  }
0x52: {  	_ =	shalt  }
0x53: {  	_ =	shalt  }
0x54: {  	_ =	shalt  }
0x55: {  	_ =	shalt  }
0x56: {  	_ =	shalt  }
0x57: {  	_ =	shalt  }
0x58: {  	_ =	shalt  }
0x59: {  	_ =	shalt  }
0x5a: {  	_ =	shalt  }
0x5b: {  	_ =	shalt  }
0x5c: {  	_ =	shalt  }
0x5d: {  	_ =	shalt  }
0x5e: {  	_ =	shalt  }
0x5f: {  	_ =	shalt  }
0x60: {  	_ =	shalt  }
0x61: {  	_ =	shalt  }
0x62: {  	_ =	shalt  }
0x63: {  	_ =	shalt  }
0x64: {  	_ =	shalt  }
0x65: {  	_ =	shalt  }
0x66: {  	_ =	shalt  }
0x67: {  	_ =	shalt  }
0x68: {  	_ =	shalt  }
0x69: {  	_ =	shalt  }
0x6a: {  	_ =	shalt  }
0x6b: {  	_ =	shalt  }
0x6c: {  	_ =	shalt  }
0x6d: {  	_ =	shalt  }
0x6e: {  	_ =	shalt  }
0x6f: {  	_ =	shalt  }
0x70: {  	_ =	shalt  }
0x71: {  	_ =	shalt  }
0x72: {  	_ =	shalt  }
0x73: {  	_ =	shalt  }
0x74: {  	_ =	shalt  }
0x75: {  	_ =	shalt  }
0x76: {  	_ =	shalt  }
0x77: {  	_ =	shalt  }
0x78: {  	_ =	shalt  }
0x79: {  	_ =	shalt  }
0x7a: {  	_ =	shalt  }
0x7b: {  	_ =	shalt  }
0x7c: {  	_ =	shalt  }
0x7d: {  	_ =	shalt  }
0x7e: {  	_ =	shalt  }
0x7f: {  	_ =	shalt  }
0x80: {  	_ =	shalt  }
0x81: {  	_ =	shalt  }
0x82: {  	_ =	shalt  }
0x83: {  	_ =	shalt  }
0x84: {  	_ =	shalt  }
0x85: {  	_ =	shalt  }
0x86: {  	_ =	shalt  }
0x87: {  	_ =	shalt  }
.Lfunc_end0:
.L_simem_size_0:
called_computation_lowered:
.L_overlay_start_0:
0x88: {  	s2 =	sld [smem:$0x3FD9]  }
0x89: {  	s3 =	sld [smem:$0x3FFE];
	_ =	sdelay $0x1  }
0x8a: {  	s1 =	srdreg.scid  }
0x8b: {  	s0 =	sand.u32 $0x1, s1  }
0x8c: {  	s18 =	sshll.u32 s0, $0xA;
	s2 =	sadd.s32 s3, s2  }
0x8d: {  	s2 =	sadd.s32 s2, s18  }
0x8e: {  	[smem:$0x3FC6] =	sst s2  }
0x8f: {  	_ = 	snop  }
0x90: {  	s2 =	sld [smem:$0x3FC8];
	(tm) =	ssettm $0x1  }
0x91: {  	s19 =	sld [smem:$0x3FFB];
	_ =	sdelay $0x3  }
0x92: {  	_ =	strace s19  }
0x93: {  	s3 =	sld [smem:$0x3FFC];
	_ =	sdelay $0x3  }
0x94: {  	_ =	strace s3  }
0x95: {  	s3 =	sld [smem:$0x3FFD];
	_ =	sdelay $0x3  }
0x96: {  	_ =	strace s3  }
0x97: {  	_ =	strace $0x8FFFFFFF  }
0x98: {  	s20 =	sld [smem:$0x3FDB];
	_ =	sdelay $0x1  }
0x99: {  	s4 =	simm.s32 $_scs_section_size  }
0x9a: {  	s5 =	simm.s32 $_size__tile_overlayer_lowered;
	s6 =	simm.s32 $_tile_overlayer_lowered  }
0x9b: {  	s23 =	simm.s32 $0x1BFF;
	s22 =	sshll.u32 s6, $0x1;
	s3 =	sadd.s32 s4, s20  }
0x9c: {  	s7 =	simm.s32 $0x0;
	s21 =	sshll.u32 s5, $0x1;
	s5 =	sadd.s32 s22, s3  }
0x9d: {  	[timem:s7], [sflag:s23] =	dma.local [hbm:s5], s21  }
0x9e: {  	_ =	swait.ge [sflag:s23], s21  }
0x9f: {  	s4 =	ssub.s32 $0x0, s21;
	[sflag:s23] =	ssyncset.done $0x0  }
0xa0: {  	[sflag:s23] =	ssyncadd.s32 s4;
	_ =	sdelay $0x1  }
0xa1: {  	s24 =	simm.s32 $0x1B8B  }
0xa2: {  	_ =	swait.ge [sflag:s24], $0x1  }
0xa3: {  	[sflag:s24] =	ssyncset.done $0x0  }
0xa4: {  	s25 =	simm.s32 $0x1B8E;
	[sflag:s24] =	ssyncadd.s32 $0xFFFFFFFF  }
0xa5: {  	s26 =	simm.s32 $execute0_lowered;
	[smem:$0x3FD2] =	sst s25  }
0xa6: {  	s4 =	sshll.u32 s26, $0x1;
	_ =	strace $0x80000046;
	[dreg:$0x1] =	wrdreg $0xFFFFFFFF  }
0xa7: {  	s28 =	simm.s32 $_size_execute0_lowered;
	s3 =	sadd.s32 s3, s4;
	[dreg:$0x0] =	wrdreg $0x0  }
0xa8: {  	s4 =	sshll.u32 s28, $0x1;
	[dreg:$0x2] =	wrdreg s3  }
0xa9: {  	[dreg:$0x3] =	wrdreg s4  }
0xaa: {  	[dreg:$0x4] =	wrdreg $0xC0  }
0xab: {  	_ =	task [dreg:s7], $0x5FFFF  }
0xac: {  	[dreg:$0x1] =	wrdreg $0xFFFFFFFF  }
0xad: {  	[dreg:$0x0] =	wrdreg $0x60  }
0xae: {  	[dreg:$0x2] =	wrdreg s2  }
0xaf: {  	[dreg:$0x3] =	wrdreg $0x21800  }
0xb0: {  	[dreg:$0x4] =	wrdreg $0x1D800  }
0xb1: {  	[dreg:$0x5] =	wrdreg $0x1F800  }
0xb2: {  	[dreg:$0x6] =	wrdreg $0x9  }
0xb3: {  	_ =	task.clear_ibuf [dreg:s7], $0x7FFFF;
	_ =	strace $0x90000046  }
0xb4: {  	s29 =	simm.s32 $0x9;
	_ =	strace $0x80000048  }
0xb5: {  	_ =	swait.ge [sflag:s29], $0x1  }
0xb6: {  	[sflag:s29] =	ssyncadd.s32 $0xFFFFFFFF  }
0xb7: {  	_ =	strace $0x90000048  }
0xb8: {  	_ =	sfence  }
0xb9: {  	s30 =	sld [smem:$0x0];
	_ =	sdelay $0x2  }
0xba: {  	s31 =	sshll.u32 s1, $0xD;
	s1 =	sshrl.u32 s1, $0x2  }
0xbb: {  	s3 =	sand.u32 $0x4000, s31;
	s1 =	sadd.s32 s1, s30  }
0xbc: {  	s0 =	sor.u32 s3, s0;
	s1 =	sshll.u32 s1, $0x11  }
0xbd: {  	s0 =	sor.u32 s1, s0  }
0xbe: {  	s0 =	sadd.s32 $0x8F2B, s0  }
0xbf: {  	[sflag:s0] =	ssyncadd.remote.s32 $0x1  }
0xc0: {  	_ =	sfence.sel $0xFFFF  }
0xc1: {  	[dreg:$0x0] =	wrdreg $0xFFFFFFFF;
	(pc) =	sbr.abs _section_cstart, $3  }
0xc2: {  	[dreg:$0x1] =	wrdreg $0xFFFFFFFF  }
0xc3: {  	_ =	task.clear_ibuf [dreg:s7], $0x2FFFF;
	_ =	strace $0x9FFFFFFF  }
0xc4: {  	(tm) =	ssettm $0x7FFFFFFF  }
0xc5: {  	_ =	shalt  }
tec
execute0_lowered:
.L_overlay_start_1:
0x0: {  	(tag) =	ssettag $0x1  }
0x1: {  	s0 =	rddreg [dreg:$0x0]  }
0x2: {  	s9 =	rddreg [dreg:$0x1]  }
0x3: {  	s2 =	rddreg [dreg:$0x2];
	s1 =	srdreg.scid  }
0x4: {  	s3 =	rddreg [dreg:$0x3];
	s4 =	simm.s32 $0x0;
	s5 =	stileid.u32  }
0x5: {  	s10 =	simm.s32 $0x1;
	s11 =	simm.s32 $0x1C00;
	s12 =	simm.s32 $0x1A00  }
0x6: {  	s13 =	simm.s32 $0x1D00;
	s15 =	simm.s32 $0x1B00;
	s16 =	simm.s32 $0x1C80  }
0x7: {  	v2 =	vimm.s32 $0xFFEDCBA9;
	v3 =	vimm.s32 $0x87654321;
	s17 =	simm.s32 $0x80;
	s18 =	simm.s32 $0x800;
	s19 =	simm.s32 $0x200  }
0x8: {  	v1 =	vimm.s32 $0xEDCBA987;
	s20 =	simm.s32 $0x400;
	s21 =	simm.s32 $0x880;
	s24 =	simm.s32 $0x900;
	v2 =	vunpack.c.l.s4.s8 v2;
	v3 =	vunpack.c.l.s4.s8 v3  }
0x9: {  	v0 =	vimm.s32 $0x65432100;
	s25 =	simm.s32 $0x300;
	s26 =	simm.s32 $0x500;
	s28 =	simm.s32 $0x980;
	v1 =	vunpack.c.l.s4.s8 v1  }
0xa: {  	s29 =	simm.s32 $0x380;
	s30 =	simm.s32 $0x580;
	s1 =	sand.u32 $0x1, s1;
	v0 =	vunpack.c.l.s4.s8 v0;
	v2 =	vunpack.c.0.s8.s32 v2;
	v3 =	vunpack.c.0.s8.s32 v3  }
0xb: {  	vm0 =	vcmask $0x3F3C;
	s31 =	simm.s32 $0x0;
	[smem:$0x7FF] =	sst s4;
	s1 =	ssub.s32 $0x2, s1;
	v1 =	vunpack.c.0.s8.s32 v1  }
0xc: {  	s7 =	sshll.u32 s5, $0x6;
	s8 =	sshll.u32 s5, $0x8;
	s6 =	sshrl.u32 s1, $0x1;
	v4 =	vunpack.c.0.s8.s32 v0;
	v0 =	vlaneseq.u32;
	v6 =	vcombine.low v3, v2  }
0xd: {  	_ =	strace $0x80000047;
	s7 =	sadd.s32 s0, s7;
	s1 =	ssub.s32 s1, s6;
	v5 =	vand.u32 $0xF, v1;
	v1 =	vimm.s32 $0x0;
	v2 =	vor.u32 $0x80000000, v0  }
0xe: {  	s8 =	sadd.s32 s8, s9;
	s6 =	sshll.u32 s5, $0x9;
	s9 =	smax.u32 s1, $0x1;
	v3 =	vcombine.low v4, v5;
	v5 =	vadd.s32 $0x1, v0;
	v4 =	vand.u32 $0xF, v6  }
.LBB2_1:
0xf: {  	[tilespmem:s4], [sflag:$0x1] =	stream.linear.gather [hbm4b:s7+s4], $0x200, $0x38;
	[tilespmem:$0x2280] =	vst v63  }
0x10: {  	_ =	swait.ge [sflag:s10], $0x200  }
0x11: {  	[sflag:s10] =	ssyncset.done $0x0  }
0x12: {  	[sflag:s10] =	ssyncadd.s32 $0xFFFFFE00  }
0x13: {  	v6 =	vld [tilespmem:s4+$0x0];
	_ =	sdelay $0x4  }
0x14: {  	vm1 =	vlt.s32 v6, $0x0;
	v7 =	vandn.u32 $0x7FFFFFFF, v6  }
0x15: {  	s0 =	sor.u32 s6, s4;
	v6 =	vsel vm1, v6, v7  }
0x16: {  	[tilespmem:s19+$0x0] =	vst v6;
	v6 =	vor.u32 s0, v0  }
0x17: {  	s14 =	simm.s32 $0x10;
	[tilespmem:s20+$0x0] =	vst v6  }
0x18: {  	s22 =	simm.s32 $0x20;
	v6 =	vld [tilespmem:s14+$0x0]  }
0x19: {  	s1 =	simm.s32 $0x200;
	s23 =	simm.s32 $0x10;
	s0 =	simm.s32 $0x400  }
.LBB2_2:
0x1a: {  	p0 =	sne.s32 s22, $0x1F0;
	_ =	sdelay $0x2  }
0x1b: {  	vm1 =	vlt.s32 v6, $0x0;
	v7 =	vandn.u32 $0x7FFFFFFF, v6  }
.Ltmp0:
0x1c: {  	s14 =	sor.u32 s6, s14;
	s1 =	sadd.s32 $0x10, s1;
	v6 =	vsel vm1, v6, v7;
	(pc) =	sbr.rel @p0 .LBB2_2-.Ltmp0, $4  }
0x1d: {  	s0 =	sadd.s32 $0x10, s0;
	[tilespmem:s1+$0x0] =	vst v6;
	v6 =	vor.u32 s14, v0;
	s14 =	smov.u32 s22  }
0x1e: {  	s23 =	sadd.s32 $0x10, s23;
	[tilespmem:s0+$0x0] =	vst v6  }
0x1f: {  	v6 =	vld [tilespmem:s23+$0x0]  }
0x20: {  	s22 =	sadd.s32 $0x10, s22  }
0x21: {  	_ =	sdelay $0x2  }
0x22: {  	vm1 =	vlt.s32 v6, $0x0;
	v7 =	vandn.u32 $0x7FFFFFFF, v6  }
0x23: {  	s14 =	sor.u32 s6, s14;
	s1 =	sadd.s32 $0x10, s1;
	v6 =	vsel vm1, v6, v7  }
0x24: {  	s0 =	sadd.s32 $0x10, s0;
	[tilespmem:s1+$0x0] =	vst v6;
	v6 =	vor.u32 s14, v0  }
0x25: {  	[tilespmem:s0+$0x0] =	vst v6  }
0x26: {  	[tilespmem:$0x1A00] =	vst v1  }
0x27: {  	[tilespmem:$0x1A10] =	vst v1  }
0x28: {  	[tilespmem:$0x1A20] =	vst v1  }
0x29: {  	[tilespmem:$0x1A30] =	vst v1  }
0x2a: {  	[tilespmem:$0x1A40] =	vst v1  }
0x2b: {  	[tilespmem:$0x1A50] =	vst v1  }
0x2c: {  	[tilespmem:$0x1A60] =	vst v1  }
0x2d: {  	[tilespmem:$0x1A70] =	vst v1  }
0x2e: {  	[tilespmem:$0x1A80] =	vst v1  }
0x2f: {  	[tilespmem:$0x1A90] =	vst v1  }
0x30: {  	[tilespmem:$0x1AA0] =	vst v1  }
0x31: {  	[tilespmem:$0x1AB0] =	vst v1  }
0x32: {  	[tilespmem:$0x1AC0] =	vst v1  }
0x33: {  	[tilespmem:$0x1AD0] =	vst v1  }
0x34: {  	[tilespmem:$0x1AE0] =	vst v1  }
0x35: {  	s23 =	simm.s32 $0x0;
	[tilespmem:$0x1AF0] =	vst v1  }
0x36: {  	v6 =	vld [tilespmem:s23+$0x200];
	_ =	sdelay $0x4  }
0x37: {  	v6 =	vshll.u32 v6, $0x4  }
0x38: {  	v6 =	vand.u32 $0xFF0, v6  }
0x39: {  	v7 =	vor.u32 v0, v6;
	v6 =	vor.u32 v2, v6  }
0x3a: {  	(xrf1) =	vsort.ascd.msk.u32 $0xffff, v6, v7;
	_ =	sdelay $0xd  }
0x3b: {  	v6, _, _ =	vpop (xrf1)  }
0x3c: {  	v6 =	vxor.u32 $0x80000000, v6  }
0x3d: {  	[tilespmem:s23+$0x600] =	vst v6;
	v6 =	vshrl.u32 v6, $0x4  }
0x3e: {  	[tilespmem:$0x1C00] =	vst v6  }
0x3f: {  	v7 =	vld.idx.msk [tilespmem:v3+s11+$0x0], $0xffff;
	_ =	sdelay $0x3  }
0x40: {  	v8 =	vld.idx.msk [tilespmem:v4+s11+$0x0], $0xffff  }
0x41: {  	vm1 =	veq.s32 v6, v7  }
0x42: {  	v7 =	vsel vm1, $0x80000000, v2  }
0x43: {  	(xrf0) =	vmax.scan.msk.u32 $0xffff, v7;
	_ =	sdelay $0x1  }
0x44: {  	vm1 =	vne.s32 v6, v8  }
0x45: {  	vm1 =	vmor vm1, vm0;
	_ =	sdelay $0x2  }
0x46: {  	v7, _, _ =	vpop (xrf0)  }
0x47: {  	v7 =	vxor.u32 $0x80000000, v7  }
0x48: {  	v7 =	vsub.s32 v5, v7  }
0x49: {  	[tilespmem:v6+s12+$0x0] =	vst.idx.add.s32.msk vm1, v7  }
0x4a: {  	v6 =	vld [tilespmem:s23+$0x210];
	_ =	sdelay $0x4  }
0x4b: {  	v6 =	vshll.u32 v6, $0x4  }
0x4c: {  	v6 =	vand.u32 $0xFF0, v6  }
0x4d: {  	v7 =	vor.u32 v0, v6;
	v6 =	vor.u32 v2, v6  }
0x4e: {  	(xrf1) =	vsort.ascd.msk.u32 $0xffff, v6, v7;
	_ =	sdelay $0xd  }
0x4f: {  	v6, _, _ =	vpop (xrf1)  }
0x50: {  	v6 =	vxor.u32 $0x80000000, v6  }
0x51: {  	[tilespmem:s23+$0x610] =	vst v6;
	v6 =	vshrl.u32 v6, $0x4  }
0x52: {  	[tilespmem:$0x1D00] =	vst v6  }
0x53: {  	v7 =	vld.idx.msk [tilespmem:v3+s13+$0x0], $0xffff;
	_ =	sdelay $0x4  }
0x54: {  	vm1 =	veq.s32 v6, v7  }
0x55: {  	v7 =	vsel vm1, $0x80000000, v2  }
0x56: {  	(xrf0) =	vmax.scan.msk.u32 $0xffff, v7;
	v7 =	vld.idx.msk [tilespmem:v4+s13+$0x0], $0xffff;
	_ =	sdelay $0x4  }
0x57: {  	vm1 =	vne.s32 v6, v7  }
0x58: {  	vm1 =	vmor vm1, vm0;
	_ =	sdelay $0x1  }
0x59: {  	v8, _, _ =	vpop (xrf0)  }
0x5a: {  	v7 =	vxor.u32 $0x80000000, v8  }
0x5b: {  	s14 =	simm.s32 $0x100;
	s0 =	simm.s32 $0x80;
	v7 =	vsub.s32 v5, v7  }
.LBB2_4:
0x5c: {  	p0 =	sne.s32 s14, $0x780  }
0x5d: {  	s1 =	sshra.s32 s0, $0x2;
	[tilespmem:v6+s12+$0x0] =	vst.idx.add.s32.msk vm1, v7;
	s0 =	smov.u32 s14;
	s14 =	sadd.s32 $0x80, s14  }
0x5e: {  	v6 =	vld [tilespmem:s1+$0x200];
	_ =	sdelay $0x4  }
0x5f: {  	v6 =	vshll.u32 v6, $0x4  }
0x60: {  	v6 =	vand.u32 $0xFF0, v6  }
0x61: {  	v7 =	vor.u32 v0, v6;
	v6 =	vor.u32 v2, v6  }
0x62: {  	(xrf1) =	vsort.ascd.msk.u32 $0xffff, v6, v7;
	_ =	sdelay $0xd  }
0x63: {  	v6, _, _ =	vpop (xrf1)  }
0x64: {  	v6 =	vxor.u32 $0x80000000, v6  }
0x65: {  	[tilespmem:s1+$0x600] =	vst v6;
	v6 =	vshrl.u32 v6, $0x4  }
0x66: {  	[tilespmem:$0x1C00] =	vst v6  }
0x67: {  	v7 =	vld.idx.msk [tilespmem:v3+s11+$0x0], $0xffff;
	_ =	sdelay $0x3  }
0x68: {  	v8 =	vld.idx.msk [tilespmem:v4+s11+$0x0], $0xffff;
	_ =	sdelay $0x1  }
0x69: {  	vm1 =	veq.s32 v6, v7  }
0x6a: {  	v7 =	vsel vm1, $0x80000000, v2  }
0x6b: {  	(xrf0) =	vmax.scan.msk.u32 $0xffff, v7;
	_ =	sdelay $0x1  }
0x6c: {  	vm1 =	vne.s32 v6, v8  }
0x6d: {  	vm1 =	vmor vm1, vm0;
	_ =	sdelay $0x2  }
0x6e: {  	v7, _, _ =	vpop (xrf0)  }
0x6f: {  	v7 =	vxor.u32 $0x80000000, v7  }
0x70: {  	v7 =	vsub.s32 v5, v7  }
0x71: {  	[tilespmem:v6+s12+$0x0] =	vst.idx.add.s32.msk vm1, v7  }
0x72: {  	v6 =	vld [tilespmem:s1+$0x210];
	_ =	sdelay $0x4  }
0x73: {  	v6 =	vshll.u32 v6, $0x4  }
0x74: {  	v6 =	vand.u32 $0xFF0, v6  }
0x75: {  	v7 =	vor.u32 v0, v6;
	v6 =	vor.u32 v2, v6  }
0x76: {  	(xrf1) =	vsort.ascd.msk.u32 $0xffff, v6, v7;
	_ =	sdelay $0xd  }
0x77: {  	v6, _, _ =	vpop (xrf1)  }
0x78: {  	v6 =	vxor.u32 $0x80000000, v6  }
0x79: {  	[tilespmem:s1+$0x610] =	vst v6;
	v6 =	vshrl.u32 v6, $0x4  }
0x7a: {  	[tilespmem:$0x1D00] =	vst v6  }
0x7b: {  	v7 =	vld.idx.msk [tilespmem:v3+s13+$0x0], $0xffff  }
0x7c: {  	v8 =	vld.idx.msk [tilespmem:v4+s13+$0x0], $0xffff;
	_ =	sdelay $0x4  }
0x7d: {  	vm1 =	veq.s32 v6, v7  }
0x7e: {  	vm2 =	vne.s32 v6, v8;
	v7 =	vsel vm1, $0x80000000, v2  }
0x7f: {  	(xrf0) =	vmax.scan.msk.u32 $0xffff, v7;
	_ =	sdelay $0x2  }
0x80: {  	vm1 =	vmor vm2, vm0  }
.Ltmp1:
0x81: {  	(pc) =	sbr.rel @p0 .LBB2_4-.Ltmp1, $4  }
0x82: {  	_ = 	snop  }
0x83: {  	v7, _, _ =	vpop (xrf0)  }
0x84: {  	v7 =	vxor.u32 $0x80000000, v7  }
0x85: {  	v7 =	vsub.s32 v5, v7  }
0x86: {  	_ =	sdelay $0x4  }
0x87: {  	s0 =	sshra.s32 s0, $0x2;
	[tilespmem:v6+s12+$0x0] =	vst.idx.add.s32.msk vm1, v7  }
0x88: {  	v6 =	vld [tilespmem:s0+$0x200];
	_ =	sdelay $0x4  }
0x89: {  	v6 =	vshll.u32 v6, $0x4  }
0x8a: {  	v6 =	vand.u32 $0xFF0, v6  }
0x8b: {  	v7 =	vor.u32 v0, v6;
	v6 =	vor.u32 v2, v6  }
0x8c: {  	(xrf1) =	vsort.ascd.msk.u32 $0xffff, v6, v7;
	_ =	sdelay $0xd  }
0x8d: {  	v6, _, _ =	vpop (xrf1)  }
0x8e: {  	v6 =	vxor.u32 $0x80000000, v6  }
0x8f: {  	[tilespmem:s0+$0x600] =	vst v6;
	v6 =	vshrl.u32 v6, $0x4  }
0x90: {  	[tilespmem:$0x1C00] =	vst v6  }
0x91: {  	v7 =	vld.idx.msk [tilespmem:v3+s11+$0x0], $0xffff;
	_ =	sdelay $0x3  }
0x92: {  	v8 =	vld.idx.msk [tilespmem:v4+s11+$0x0], $0xffff  }
0x93: {  	vm1 =	veq.s32 v6, v7  }
0x94: {  	v7 =	vsel vm1, $0x80000000, v2  }
0x95: {  	(xrf0) =	vmax.scan.msk.u32 $0xffff, v7;
	_ =	sdelay $0x1  }
0x96: {  	vm1 =	vne.s32 v6, v8  }
0x97: {  	vm1 =	vmor vm1, vm0;
	_ =	sdelay $0x2  }
0x98: {  	v7, _, _ =	vpop (xrf0)  }
0x99: {  	v7 =	vxor.u32 $0x80000000, v7  }
0x9a: {  	v7 =	vsub.s32 v5, v7  }
0x9b: {  	[tilespmem:v6+s12+$0x0] =	vst.idx.add.s32.msk vm1, v7  }
0x9c: {  	v6 =	vld [tilespmem:s0+$0x210];
	_ =	sdelay $0x4  }
0x9d: {  	v6 =	vshll.u32 v6, $0x4  }
0x9e: {  	v6 =	vand.u32 $0xFF0, v6  }
0x9f: {  	v7 =	vor.u32 v0, v6;
	v6 =	vor.u32 v2, v6  }
0xa0: {  	(xrf1) =	vsort.ascd.msk.u32 $0xffff, v6, v7;
	_ =	sdelay $0xd  }
0xa1: {  	v6, _, _ =	vpop (xrf1)  }
0xa2: {  	v6 =	vxor.u32 $0x80000000, v6  }
0xa3: {  	[tilespmem:s0+$0x610] =	vst v6;
	v6 =	vshrl.u32 v6, $0x4  }
0xa4: {  	[tilespmem:$0x1D00] =	vst v6  }
0xa5: {  	v7 =	vld.idx.msk [tilespmem:v3+s13+$0x0], $0xffff;
	_ =	sdelay $0x3  }
0xa6: {  	v8 =	vld.idx.msk [tilespmem:v4+s13+$0x0], $0xffff  }
0xa7: {  	vm1 =	veq.s32 v6, v7  }
0xa8: {  	v7 =	vsel vm1, $0x80000000, v2  }
0xa9: {  	(xrf0) =	vmax.scan.msk.u32 $0xffff, v7;
	_ =	sdelay $0x1  }
0xaa: {  	vm1 =	vne.s32 v6, v8  }
0xab: {  	vm1 =	vmor vm1, vm0;
	_ =	sdelay $0x2  }
0xac: {  	v7, _, _ =	vpop (xrf0)  }
0xad: {  	v7 =	vxor.u32 $0x80000000, v7  }
0xae: {  	v7 =	vsub.s32 v5, v7  }
0xaf: {  	[tilespmem:v6+s12+$0x0] =	vst.idx.add.s32.msk vm1, v7  }
0xb0: {  	[spmem:s8] =	stream.linear.scatter [tilespmem:s12], [sflag:$0x1], $0x100, $0x38;
	[tilespmem:$0x2280] =	vst v63  }
0xb1: {  	_ =	swait.ge [sflag:s10], $0x100  }
0xb2: {  	[sflag:s10] =	ssyncset.done $0x0  }
0xb3: {  	[sflag:s10] =	ssyncadd.s32 $0xFFFFFF00  }
0xb4: {  	[bflag:$0x0] =	sbarrier.arrive $0xFFFF  }
0xb5: {  	s1 =	simm.s32 $0xA00;
	s22 =	rddreg [dreg:$0x1]  }
0xb6: {  	[tilespmem:s1], [sflag:$0x1] =	stream.linear.gather [spmem:s22], $0x1000, $0x38;
	[tilespmem:$0x2280] =	vst v63  }
0xb7: {  	_ =	swait.ge [sflag:s10], $0x1000  }
0xb8: {  	[sflag:s10] =	ssyncset.done $0x0  }
0xb9: {  	s23 =	simm.s32 $0xA80;
	[sflag:s10] =	ssyncadd.s32 $0xFFFFF000  }
0xba: {  	v6 =	vld [tilespmem:s23+$0x70]  }
0xbb: {  	v8 =	vld [tilespmem:s23+$0xFFFFFF80]  }
0xbc: {  	v9 =	vld [tilespmem:s23+$0xFFFFFF90]  }
0xbd: {  	v10 =	vld [tilespmem:s23+$0xFFFFFFA0]  }
0xbe: {  	v26 =	vimm.s32 $0x0;
	v37 =	vimm.s32 $0x0;
	v11 =	vld [tilespmem:s23+$0xFFFFFFB0]  }
0xbf: {  	p0 =	sgt.u32 s5, $0x0;
	v38 =	vimm.s32 $0x0;
	v35 =	vimm.s32 $0x0;
	v36 =	vimm.s32 $0x0;
	s0 =	simm.s32 $0x1;
	v12 =	vld [tilespmem:s23+$0xFFFFFFC0]  }
0xc0: {  	v34 =	vimm.s32 $0x0;
	v33 =	vimm.s32 $0x0;
	v31 =	vimm.s32 $0x0;
	s0 =	simm.s32 @!p0 $0x0;
	v16 =	vld [tilespmem:s23+$0xFFFFFFD0]  }
0xc1: {  	v32 =	vimm.s32 $0x0;
	v18 =	vld [tilespmem:s23+$0xFFFFFFE0];
	v13 =	vmul.u32 s0, v6;
	v7 =	vadd.s32 v26, v6  }
0xc2: {  	v27 =	vadd.s32 v26, v8;
	v8 =	vmul.u32 s0, v8;
	v28 =	vadd.s32 v26, v9  }
0xc3: {  	v30 =	vld [tilespmem:s23+$0x10];
	v9 =	vmul.u32 s0, v9;
	v29 =	vadd.s32 v26, v10;
	v25 =	vadd.s32 v26, v11  }
0xc4: {  	v24 =	vadd.s32 v26, v12;
	v17 =	vadd.s32 v26, v8;
	v8 =	vmul.u32 s0, v10;
	v10 =	vld [tilespmem:s23+$0xFFFFFFF0]  }
0xc5: {  	v22 =	vadd.s32 v26, v16;
	v15 =	vadd.s32 v26, v9;
	v9 =	vmul.u32 s0, v11;
	v11 =	vld [tilespmem:s23+$0x0]  }
0xc6: {  	v23 =	vadd.s32 v26, v18;
	v14 =	vadd.s32 v26, v8;
	v8 =	vmul.u32 s0, v12  }
0xc7: {  	v6 =	vadd.s32 v26, v13;
	v13 =	vadd.s32 v26, v9;
	v9 =	vmul.u32 s0, v16;
	v16 =	vld [tilespmem:s23+$0x20]  }
0xc8: {  	v42 =	vld [tilespmem:s23+$0x30];
	v19 =	vadd.s32 v26, v30;
	v43 =	vmul.u32 s0, v30;
	v12 =	vadd.s32 v26, v8  }
0xc9: {  	v41 =	vld [tilespmem:s23+$0x40];
	v8 =	vmul.u32 s0, v18;
	v21 =	vadd.s32 v26, v10;
	v10 =	vmul.u32 s0, v10  }
0xca: {  	v40 =	vld [tilespmem:s23+$0x50];
	v30 =	vimm.s32 $0x0;
	v20 =	vadd.s32 v26, v11;
	v11 =	vmul.u32 s0, v11  }
0xcb: {  	s14 =	simm.s32 $0xB80;
	v39 =	vld [tilespmem:s23+$0x60];
	v9 =	vadd.s32 v26, v9;
	v8 =	vadd.s32 v26, v8;
	v10 =	vadd.s32 v26, v10  }
0xcc: {  	s1 =	simm.s32 $0x1;
	s22 =	simm.s32 $0x2;
	v11 =	vadd.s32 v26, v11;
	v18 =	vadd.s32 v26, v16;
	v44 =	vmul.u32 s0, v16;
	v16 =	vld [tilespmem:s14+$0x70]  }
.LBB2_6:
0xcd: {  	v37 =	vadd.s32 v37, v42;
	v42 =	vmul.u32 s0, v42  }
0xce: {  	p0 =	sne.s32 s22, $0xF;
	v45 =	vld [tilespmem:s14+$0xFFFFFF80];
	v26 =	vadd.s32 v26, v43;
	v38 =	vadd.s32 v38, v44;
	v35 =	vadd.s32 v35, v41  }
0xcf: {  	v43 =	vld [tilespmem:s14+$0xFFFFFF90];
	v41 =	vmul.u32 s0, v41;
	v36 =	vadd.s32 v36, v42;
	v34 =	vadd.s32 v34, v40  }
0xd0: {  	p1 =	slt.u32 s1, s5;
	s1 =	smov.u32 s22;
	v44 =	vld [tilespmem:s14+$0xFFFFFFA0];
	v40 =	vmul.u32 s0, v40;
	v31 =	vadd.s32 v31, v39;
	v39 =	vmul.u32 s0, v39;
	s0 =	simm.s32 $0x1  }
0xd1: {  	v42 =	vld [tilespmem:s14+$0xFFFFFFB0];
	v33 =	vadd.s32 v33, v41;
	s0 =	simm.s32 @!p1 $0x0  }
0xd2: {  	v7 =	vadd.s32 v7, v16;
	v32 =	vadd.s32 v32, v40;
	v41 =	vld [tilespmem:s14+$0xFFFFFFC0];
	v16 =	vmul.u32 s0, v16  }
0xd3: {  	v27 =	vadd.s32 v27, v45;
	v40 =	vmul.u32 s0, v45;
	v30 =	vadd.s32 v30, v39;
	v45 =	vld [tilespmem:s14+$0xFFFFFFD0]  }
0xd4: {  	v28 =	vadd.s32 v28, v43;
	v39 =	vmul.u32 s0, v43;
	v43 =	vld [tilespmem:s14+$0xFFFFFFE0];
	v6 =	vadd.s32 v6, v16  }
0xd5: {  	v17 =	vadd.s32 v17, v40;
	v29 =	vadd.s32 v29, v44;
	v16 =	vmul.u32 s0, v44;
	v40 =	vld [tilespmem:s14+$0xFFFFFFF0]  }
0xd6: {  	v15 =	vadd.s32 v15, v39;
	v25 =	vadd.s32 v25, v42;
	v39 =	vmul.u32 s0, v42;
	v44 =	vld [tilespmem:s14+$0x0]  }
0xd7: {  	v14 =	vadd.s32 v14, v16;
	v24 =	vadd.s32 v24, v41;
	v16 =	vmul.u32 s0, v41;
	v46 =	vld [tilespmem:s14+$0x10]  }
0xd8: {  	v13 =	vadd.s32 v13, v39;
	v22 =	vadd.s32 v22, v45;
	v39 =	vmul.u32 s0, v45;
	v45 =	vld [tilespmem:s14+$0x20]  }
.Ltmp2:
0xd9: {  	v12 =	vadd.s32 v12, v16;
	v23 =	vadd.s32 v23, v43;
	v16 =	vmul.u32 s0, v43;
	v42 =	vld [tilespmem:s14+$0x30];
	(pc) =	sbr.rel @p0 .LBB2_6-.Ltmp2, $4  }
0xda: {  	v9 =	vadd.s32 v9, v39;
	v21 =	vadd.s32 v21, v40;
	v39 =	vmul.u32 s0, v40;
	v41 =	vld [tilespmem:s14+$0x40]  }
0xdb: {  	v8 =	vadd.s32 v8, v16;
	v20 =	vadd.s32 v20, v44;
	v44 =	vmul.u32 s0, v44;
	v40 =	vld [tilespmem:s14+$0x50]  }
0xdc: {  	v10 =	vadd.s32 v10, v39;
	v19 =	vadd.s32 v19, v46;
	v43 =	vmul.u32 s0, v46;
	v39 =	vld [tilespmem:s14+$0x60];
	s14 =	sadd.s32 $0x100, s14  }
0xdd: {  	s22 =	sadd.s32 $0x1, s22;
	v16 =	vld [tilespmem:s14+$0x70];
	v11 =	vadd.s32 v11, v44;
	v18 =	vadd.s32 v18, v45;
	v44 =	vmul.u32 s0, v45  }
0xde: {  	v45 =	vld [tilespmem:s14+$0xFFFFFF80]  }
0xdf: {  	v46 =	vld [tilespmem:s14+$0xFFFFFF90]  }
0xe0: {  	v47 =	vld [tilespmem:s14+$0xFFFFFFA0]  }
0xe1: {  	v48 =	vld [tilespmem:s14+$0xFFFFFFB0]  }
0xe2: {  	v49 =	vld [tilespmem:s14+$0xFFFFFFC0];
	v26 =	vadd.s32 v26, v43;
	v61 =	vmul.u32 s0, v42  }
0xe3: {  	v37 =	vadd.s32 v37, v42;
	v42 =	vld [tilespmem:s14+$0xFFFFFFD0];
	v38 =	vadd.s32 v38, v44;
	v27 =	vadd.s32 v27, v45  }
0xe4: {  	v63 =	vld [tilespmem:s14+$0xFFFFFFE0];
	v35 =	vadd.s32 v35, v41;
	v62 =	vmul.u32 s0, v41;
	v28 =	vadd.s32 v28, v46;
	(xrf0) =	vadd.scan.msk.s32 $0xffff, v27  }
0xe5: {  	v57 =	vld [tilespmem:s14+$0xFFFFFFF0];
	v36 =	vadd.s32 v36, v61;
	v34 =	vadd.s32 v34, v40;
	v29 =	vadd.s32 v29, v47;
	(xrf0) =	vadd.scan.msk.s32 $0xffff, v28  }
0xe6: {  	p0 =	slt.u32 s1, s5;
	s1 =	simm.s32 $0x1;
	v50 =	vld [tilespmem:s14+$0x0];
	v56 =	vmul.u32 s0, v40;
	v33 =	vadd.s32 v33, v62;
	v25 =	vadd.s32 v25, v48;
	(xrf0) =	vadd.scan.msk.s32 $0xffff, v29  }
0xe7: {  	v52 =	vld [tilespmem:s14+$0x40];
	s1 =	simm.s32 @!p0 $0x0;
	v58 =	vmul.u32 s0, v39;
	v31 =	vadd.s32 v31, v39;
	v24 =	vadd.s32 v24, v49;
	(xrf0) =	vadd.scan.msk.s32 $0xffff, v25  }
0xe8: {  	v40 =	vld [tilespmem:s14+$0x10];
	v32 =	vadd.s32 v32, v56;
	v7 =	vadd.s32 v7, v16;
	v59 =	vmul.u32 s1, v45;
	(xrf0) =	vadd.scan.msk.s32 $0xffff, v24  }
0xe9: {  	v61 =	vld [tilespmem:s14+$0x20];
	v30 =	vadd.s32 v30, v58;
	v60 =	vmul.u32 s1, v46;
	v22 =	vadd.s32 v22, v42  }
0xea: {  	v62 =	vld [tilespmem:s14+$0x30];
	v23 =	vadd.s32 v23, v63;
	v47 =	vmul.u32 s1, v47;
	v21 =	vadd.s32 v21, v57;
	v46, _, _ =	vpop (xrf0);
	(xrf0) =	vadd.scan.msk.s32 $0xffff, v22  }
0xeb: {  	v20 =	vadd.s32 v20, v50;
	v48 =	vmul.u32 s1, v48;
	(v2sf) =	vpush v46, $0xF;
	v51, _, _ =	vpop (xrf0);
	(xrf0) =	vadd.scan.msk.s32 $0xffff, v23  }
0xec: {  	v41 =	vld [tilespmem:s14+$0x50];
	v49 =	vmul.u32 s1, v49;
	v42 =	vmul.u32 s1, v42;
	v35 =	vadd.s32 v35, v52;
	v53, _, _ =	vpop (xrf0);
	(xrf0) =	vadd.scan.msk.s32 $0xffff, v21  }
0xed: {  	v14 =	vadd.s32 v14, v47;
	v19 =	vadd.s32 v19, v40;
	v47 =	vld [tilespmem:s14+$0x60];
	(v2sf) =	vpush v51, $0xF;
	v54, _, _ =	vpop (xrf0);
	(xrf0) =	vadd.scan.msk.s32 $0xffff, v20  }
0xee: {  	v43 =	vmul.u32 s1, v63;
	v18 =	vadd.s32 v18, v61;
	(v2sf) =	vpush v53, $0xF;
	v55, _, _ =	vpop (xrf0);
	(xrf0) =	vadd.scan.msk.s32 $0xffff, v19  }
0xef: {  	v44 =	vmul.u32 s1, v57;
	v37 =	vadd.s32 v37, v62;
	(v2sf) =	vpush v54, $0xF;
	(xrf0) =	vadd.scan.msk.s32 $0xffff, v18  }
0xf0: {  	v63 =	vmul.u32 s1, v50;
	v13 =	vadd.s32 v13, v48;
	(v2sf) =	vpush v55, $0xF;
	v48, _, _ =	vpop (xrf0);
	(xrf0) =	vadd.scan.msk.s32 $0xffff, v37  }
0xf1: {  	v34 =	vadd.s32 v34, v41;
	v12 =	vadd.s32 v12, v49;
	(v2sf) =	vpush v48, $0xF;
	v49, _, _ =	vpop (xrf0);
	(xrf0) =	vadd.scan.msk.s32 $0xffff, v35  }
0xf2: {  	v17 =	vadd.s32 v17, v59;
	v31 =	vadd.s32 v31, v47;
	(v2sf) =	vpush v49, $0xF;
	v56, _, _ =	vpop (xrf0);
	(xrf0) =	vadd.scan.msk.s32 $0xffff, v34  }
0xf3: {  	v15 =	vadd.s32 v15, v60;
	v9 =	vadd.s32 v9, v42;
	(v2sf) =	vpush v56, $0xF;
	v50, _, _ =	vpop (xrf0);
	(xrf0) =	vadd.scan.msk.s32 $0xffff, v31  }
0xf4: {  	v8 =	vadd.s32 v8, v43;
	v10 =	vadd.s32 v10, v44;
	v57, _, _ =	vpop (xrf0);
	(v2sf) =	vpush v50, $0xF  }
0xf5: {  	v40 =	vmul.u32 s1, v40;
	v11 =	vadd.s32 v11, v63;
	v43, _, _ =	vpop (xrf0);
	(v2sf) =	vpush v57, $0xF  }
0xf6: {  	v59 =	vmul.u32 s1, v61;
	v60 =	vmul.u32 s1, v52;
	v42, _, _ =	vpop (xrf0);
	(v2sf) =	vpush v43, $0xF  }
0xf7: {  	v39 =	vmul.u32 s1, v62;
	v26 =	vadd.s32 v26, v40;
	v45, _, _ =	vpop (xrf0);
	(v2sf) =	vpush v42, $0xF  }
0xf8: {  	v38 =	vadd.s32 v38, v59;
	v33 =	vadd.s32 v33, v60;
	v52, _, _ =	vpop (xrf0);
	(v2sf) =	vpush v45, $0xF  }
0xf9: {  	v36 =	vadd.s32 v36, v39;
	v58 =	vmul.u32 s1, v47;
	(v2sf) =	vpush v52, $0xF;
	v40, _, _ =	vpop (xrf0)  }
0xfa: {  	v61 =	vbroadcast v46, $0xF;
	v27 =	vsub.s32 v46, v27;
	s22 =	spop (v2sf);
	(v2sf) =	vpush v40, $0xF  }
0xfb: {  	v28 =	vsub.s32 v51, v28;
	v17 =	vadd.s32 v17, v27;
	v51 =	vmul.u32 s1, v16  }
0xfc: {  	v62 =	vadd.s32 v61, v28;
	v63 =	vsub.s32 v53, v29;
	v53 =	vmul.u32 s1, v41;
	s23 =	spop (v2sf)  }
0xfd: {  	v15 =	vadd.s32 v15, v62;
	v25 =	vsub.s32 v54, v25;
	v62 =	vadd.s32 v30, v58;
	s0 =	sadd.s32 s22, s23;
	s22 =	spop (v2sf)  }
0xfe: {  	[tilespmem:$0x1B00] =	vst v17;
	v44 =	vsub.s32 v55, v24;
	v60 =	vadd.s32 v32, v53;
	v39 =	vadd.s32 s0, v63;
	s0 =	sadd.s32 s22, s0;
	s23 =	spop (v2sf)  }
0xff: {  	[tilespmem:$0x1B10] =	vst v15;
	v55 =	vsub.s32 v48, v22;
	v14 =	vadd.s32 v14, v39;
	v46 =	vadd.s32 s0, v25;
	s0 =	sadd.s32 s23, s0;
	s22 =	spop (v2sf)  }
0x100: {  	v61 =	vsub.s32 v49, v23;
	[tilespmem:$0x1B20] =	vst v14;
	v13 =	vadd.s32 v13, v46;
	v54 =	vadd.s32 s0, v44;
	s0 =	sadd.s32 s22, s0;
	s23 =	spop (v2sf)  }
0x101: {  	v16 =	vsub.s32 v56, v21;
	[tilespmem:$0x1B30] =	vst v13;
	v12 =	vadd.s32 v12, v54;
	v59 =	vadd.s32 s0, v55;
	s22 =	spop (v2sf);
	s0 =	sadd.s32 s23, s0  }
0x102: {  	v21 =	vsub.s32 v50, v20;
	[tilespmem:$0x1B40] =	vst v12;
	v9 =	vadd.s32 v9, v59;
	s23 =	spop (v2sf);
	v63 =	vadd.s32 s0, v61;
	s0 =	sadd.s32 s22, s0  }
0x103: {  	(xrf0) =	vadd.scan.msk.s32 $0xffff, v7;
	[tilespmem:$0x1B50] =	vst v9;
	s22 =	spop (v2sf);
	v8 =	vadd.s32 v8, v63;
	v17 =	vadd.s32 s0, v16;
	s0 =	sadd.s32 s23, s0  }
0x104: {  	v24 =	vsub.s32 v57, v19;
	s23 =	spop (v2sf);
	[tilespmem:$0x1B60] =	vst v8;
	v22 =	vadd.s32 v10, v17;
	v23 =	vadd.s32 s0, v21;
	s0 =	sadd.s32 s22, s0  }
0x105: {  	v28 =	vsub.s32 v43, v18;
	s22 =	spop (v2sf);
	[tilespmem:$0x1B70] =	vst v22;
	v25 =	vadd.s32 v11, v23;
	v27 =	vadd.s32 s0, v24;
	s0 =	sadd.s32 s23, s0  }
0x106: {  	v32 =	vsub.s32 v42, v37;
	s23 =	spop (v2sf);
	[tilespmem:$0x1B80] =	vst v25;
	v29 =	vadd.s32 v26, v27;
	v30 =	vadd.s32 s0, v28;
	s0 =	sadd.s32 s22, s0  }
0x107: {  	v39 =	vsub.s32 v45, v35;
	s22 =	spop (v2sf);
	[tilespmem:$0x1B90] =	vst v29;
	v37 =	vadd.s32 v38, v30;
	v38 =	vadd.s32 s0, v32;
	s0 =	sadd.s32 s23, s0  }
0x108: {  	v43 =	vsub.s32 v52, v34;
	v44 =	vld [tilespmem:$0x600];
	s23 =	spop (v2sf);
	[tilespmem:$0x1BA0] =	vst v37;
	v41 =	vadd.s32 v36, v38;
	v42 =	vadd.s32 s0, v39;
	s0 =	sadd.s32 s22, s0  }
0x109: {  	v47 =	vsub.s32 v40, v31;
	v48, _, _ =	vpop (xrf0);
	[tilespmem:$0x1BB0] =	vst v41;
	v45 =	vadd.s32 v33, v42;
	v46 =	vadd.s32 s0, v43;
	s0 =	sadd.s32 s23, s0;
	s14 =	spop (v2sf)  }
0x10a: {  	v7 =	vsub.s32 v48, v7;
	[tilespmem:$0x1BC0] =	vst v45;
	v49 =	vadd.s32 v60, v46;
	v50 =	vadd.s32 s0, v47;
	s0 =	sadd.s32 s14, s0  }
0x10b: {  	v6 =	vadd.s32 v6, v51;
	[tilespmem:$0x1BD0] =	vst v49;
	v51 =	vadd.s32 v62, v50;
	v7 =	vadd.s32 s0, v7  }
0x10c: {  	[tilespmem:$0x1BE0] =	vst v51;
	v6 =	vadd.s32 v6, v7  }
0x10d: {  	[tilespmem:$0x1BF0] =	vst v6;
	v6 =	vshrl.u32 v44, $0x4  }
0x10e: {  	[tilespmem:$0x1C00] =	vst v6  }
0x10f: {  	v7 =	vld.idx.msk [tilespmem:v3+s11+$0x0], $0xffff;
	_ =	sdelay $0x3  }
0x110: {  	v8 =	vld.idx.msk [tilespmem:v4+s11+$0x0], $0xffff  }
0x111: {  	vm1 =	veq.s32 v6, v7  }
0x112: {  	v7 =	vsel vm1, $0x80000000, v2  }
0x113: {  	(xrf0) =	vmax.scan.msk.u32 $0xffff, v7;
	_ =	sdelay $0x1  }
0x114: {  	vm1 =	vne.s32 v6, v8  }
0x115: {  	vm1 =	vmor vm1, vm0;
	v7 =	vld.idx.msk [tilespmem:v6+s15+$0x0], $0xffff;
	_ =	sdelay $0x1  }
0x116: {  	v52 =	vand.u32 $0xF, v44  }
0x117: {  	v53, _, _ =	vpop (xrf0)  }
0x118: {  	v9 =	vxor.u32 $0x80000000, v53  }
0x119: {  	v7 =	vsub.s32 v7, v9;
	v9 =	vsub.s32 v5, v9  }
0x11a: {  	v7 =	vadd.s32 v0, v7;
	[tilespmem:v6+s15+$0x0] =	vst.idx.add.s32.msk vm1, v9  }
0x11b: {  	[tilespmem:v52+s16+$0x0] =	vst.idx.msk $0xffff, v7  }
0x11c: {  	v6 =	vld [tilespmem:$0x1C80]  }
0x11d: {  	v7 =	vld [tilespmem:$0x610];
	_ =	sdelay $0x4  }
0x11e: {  	[tilespmem:$0x800] =	vst v6;
	v6 =	vshrl.u32 v7, $0x4  }
0x11f: {  	[tilespmem:$0x1D00] =	vst v6  }
0x120: {  	v8 =	vld.idx.msk [tilespmem:v3+s13+$0x0], $0xffff;
	_ =	sdelay $0x3  }
0x121: {  	v9 =	vld.idx.msk [tilespmem:v4+s13+$0x0], $0xffff  }
0x122: {  	vm1 =	veq.s32 v6, v8  }
0x123: {  	v8 =	vsel vm1, $0x80000000, v2  }
0x124: {  	(xrf0) =	vmax.scan.msk.u32 $0xffff, v8;
	_ =	sdelay $0x1  }
0x125: {  	vm1 =	vne.s32 v6, v9  }
0x126: {  	v54 =	vld.idx.msk [tilespmem:v6+s15+$0x0], $0xffff;
	vm1 =	vmor vm1, vm0;
	_ =	sdelay $0x1  }
0x127: {  	v7 =	vand.u32 $0xF, v7  }
0x128: {  	v55, _, _ =	vpop (xrf0)  }
0x129: {  	v9 =	vxor.u32 $0x80000000, v55  }
0x12a: {  	v8 =	vsub.s32 v54, v9;
	v9 =	vsub.s32 v5, v9  }
0x12b: {  	v8 =	vadd.s32 v0, v8;
	[tilespmem:v6+s15+$0x0] =	vst.idx.add.s32.msk vm1, v9  }
0x12c: {  	[tilespmem:v7+s16+$0x0] =	vst.idx.msk $0xffff, v8  }
0x12d: {  	v6 =	vld [tilespmem:$0x1C80]  }
0x12e: {  	v7 =	vld [tilespmem:$0x620];
	_ =	sdelay $0x4  }
0x12f: {  	[tilespmem:$0x810] =	vst v6;
	v6 =	vshrl.u32 v7, $0x4  }
0x130: {  	[tilespmem:$0x1C00] =	vst v6  }
0x131: {  	v8 =	vld.idx.msk [tilespmem:v3+s11+$0x0], $0xffff;
	_ =	sdelay $0x3  }
0x132: {  	v9 =	vld.idx.msk [tilespmem:v4+s11+$0x0], $0xffff  }
0x133: {  	vm1 =	veq.s32 v6, v8  }
0x134: {  	v8 =	vsel vm1, $0x80000000, v2  }
0x135: {  	(xrf0) =	vmax.scan.msk.u32 $0xffff, v8;
	_ =	sdelay $0x1  }
0x136: {  	vm1 =	vne.s32 v6, v9  }
0x137: {  	v56 =	vld.idx.msk [tilespmem:v6+s15+$0x0], $0xffff;
	vm1 =	vmor vm1, vm0;
	_ =	sdelay $0x1  }
0x138: {  	v7 =	vand.u32 $0xF, v7  }
0x139: {  	v57, _, _ =	vpop (xrf0)  }
0x13a: {  	v9 =	vxor.u32 $0x80000000, v57  }
0x13b: {  	v8 =	vsub.s32 v56, v9;
	v9 =	vsub.s32 v5, v9  }
0x13c: {  	v8 =	vadd.s32 v0, v8;
	[tilespmem:v6+s15+$0x0] =	vst.idx.add.s32.msk vm1, v9  }
0x13d: {  	[tilespmem:v7+s16+$0x0] =	vst.idx.msk $0xffff, v8  }
0x13e: {  	v6 =	vld [tilespmem:$0x1C80]  }
0x13f: {  	v7 =	vld [tilespmem:$0x630];
	_ =	sdelay $0x4  }
0x140: {  	[tilespmem:$0x820] =	vst v6;
	v6 =	vshrl.u32 v7, $0x4  }
0x141: {  	[tilespmem:$0x1D00] =	vst v6  }
0x142: {  	v8 =	vld.idx.msk [tilespmem:v3+s13+$0x0], $0xffff;
	_ =	sdelay $0x3  }
0x143: {  	v9 =	vld.idx.msk [tilespmem:v4+s13+$0x0], $0xffff  }
0x144: {  	vm1 =	veq.s32 v6, v8  }
0x145: {  	v8 =	vsel vm1, $0x80000000, v2  }
0x146: {  	(xrf0) =	vmax.scan.msk.u32 $0xffff, v8;
	_ =	sdelay $0x1  }
0x147: {  	vm1 =	vne.s32 v6, v9  }
0x148: {  	v58 =	vld.idx.msk [tilespmem:v6+s15+$0x0], $0xffff;
	vm1 =	vmor vm1, vm0;
	_ =	sdelay $0x1  }
0x149: {  	v7 =	vand.u32 $0xF, v7  }
0x14a: {  	v59, _, _ =	vpop (xrf0)  }
0x14b: {  	v9 =	vxor.u32 $0x80000000, v59  }
0x14c: {  	v8 =	vsub.s32 v58, v9;
	v9 =	vsub.s32 v5, v9  }
0x14d: {  	v8 =	vadd.s32 v0, v8;
	[tilespmem:v6+s15+$0x0] =	vst.idx.add.s32.msk vm1, v9  }
0x14e: {  	[tilespmem:v7+s16+$0x0] =	vst.idx.msk $0xffff, v8  }
0x14f: {  	v6 =	vld [tilespmem:$0x1C80]  }
0x150: {  	v7 =	vld [tilespmem:$0x640];
	_ =	sdelay $0x4  }
0x151: {  	[tilespmem:$0x830] =	vst v6;
	v6 =	vshrl.u32 v7, $0x4  }
0x152: {  	[tilespmem:$0x1C00] =	vst v6  }
0x153: {  	v8 =	vld.idx.msk [tilespmem:v3+s11+$0x0], $0xffff;
	_ =	sdelay $0x3  }
0x154: {  	v9 =	vld.idx.msk [tilespmem:v4+s11+$0x0], $0xffff  }
0x155: {  	vm1 =	veq.s32 v6, v8  }
0x156: {  	v8 =	vsel vm1, $0x80000000, v2  }
0x157: {  	(xrf0) =	vmax.scan.msk.u32 $0xffff, v8;
	_ =	sdelay $0x1  }
0x158: {  	vm1 =	vne.s32 v6, v9  }
0x159: {  	v60 =	vld.idx.msk [tilespmem:v6+s15+$0x0], $0xffff;
	vm1 =	vmor vm1, vm0;
	_ =	sdelay $0x1  }
0x15a: {  	v7 =	vand.u32 $0xF, v7  }
0x15b: {  	v61, _, _ =	vpop (xrf0)  }
0x15c: {  	v9 =	vxor.u32 $0x80000000, v61  }
0x15d: {  	v8 =	vsub.s32 v60, v9;
	v9 =	vsub.s32 v5, v9  }
0x15e: {  	v8 =	vadd.s32 v0, v8;
	[tilespmem:v6+s15+$0x0] =	vst.idx.add.s32.msk vm1, v9  }
0x15f: {  	[tilespmem:v7+s16+$0x0] =	vst.idx.msk $0xffff, v8  }
0x160: {  	v6 =	vld [tilespmem:$0x1C80]  }
0x161: {  	v7 =	vld [tilespmem:$0x650];
	_ =	sdelay $0x4  }
0x162: {  	[tilespmem:$0x840] =	vst v6;
	v6 =	vshrl.u32 v7, $0x4  }
0x163: {  	[tilespmem:$0x1D00] =	vst v6  }
0x164: {  	v8 =	vld.idx.msk [tilespmem:v3+s13+$0x0], $0xffff;
	_ =	sdelay $0x3  }
0x165: {  	v9 =	vld.idx.msk [tilespmem:v4+s13+$0x0], $0xffff  }
0x166: {  	vm1 =	veq.s32 v6, v8  }
0x167: {  	v8 =	vsel vm1, $0x80000000, v2  }
0x168: {  	(xrf0) =	vmax.scan.msk.u32 $0xffff, v8;
	_ =	sdelay $0x1  }
0x169: {  	vm1 =	vne.s32 v6, v9  }
0x16a: {  	v62 =	vld.idx.msk [tilespmem:v6+s15+$0x0], $0xffff;
	vm1 =	vmor vm1, vm0;
	_ =	sdelay $0x1  }
0x16b: {  	v7 =	vand.u32 $0xF, v7  }
0x16c: {  	v63, _, _ =	vpop (xrf0)  }
0x16d: {  	v9 =	vxor.u32 $0x80000000, v63  }
0x16e: {  	v8 =	vsub.s32 v62, v9;
	v9 =	vsub.s32 v5, v9  }
0x16f: {  	v8 =	vadd.s32 v0, v8;
	[tilespmem:v6+s15+$0x0] =	vst.idx.add.s32.msk vm1, v9  }
0x170: {  	[tilespmem:v7+s16+$0x0] =	vst.idx.msk $0xffff, v8  }
0x171: {  	v6 =	vld [tilespmem:$0x1C80]  }
0x172: {  	v7 =	vld [tilespmem:$0x660];
	_ =	sdelay $0x4  }
0x173: {  	[tilespmem:$0x850] =	vst v6;
	v6 =	vshrl.u32 v7, $0x4  }
0x174: {  	[tilespmem:$0x1C00] =	vst v6  }
0x175: {  	v8 =	vld.idx.msk [tilespmem:v3+s11+$0x0], $0xffff;
	_ =	sdelay $0x3  }
0x176: {  	v9 =	vld.idx.msk [tilespmem:v4+s11+$0x0], $0xffff  }
0x177: {  	vm1 =	veq.s32 v6, v8  }
0x178: {  	v8 =	vsel vm1, $0x80000000, v2  }
0x179: {  	(xrf0) =	vmax.scan.msk.u32 $0xffff, v8;
	_ =	sdelay $0x1  }
0x17a: {  	vm1 =	vne.s32 v6, v9  }
0x17b: {  	v12 =	vld.idx.msk [tilespmem:v6+s15+$0x0], $0xffff;
	vm1 =	vmor vm1, vm0;
	_ =	sdelay $0x1  }
0x17c: {  	v7 =	vand.u32 $0xF, v7  }
0x17d: {  	v13, _, _ =	vpop (xrf0)  }
0x17e: {  	v9 =	vxor.u32 $0x80000000, v13  }
0x17f: {  	v8 =	vsub.s32 v12, v9;
	v9 =	vsub.s32 v5, v9  }
0x180: {  	v8 =	vadd.s32 v0, v8;
	[tilespmem:v6+s15+$0x0] =	vst.idx.add.s32.msk vm1, v9  }
0x181: {  	[tilespmem:v7+s16+$0x0] =	vst.idx.msk $0xffff, v8  }
0x182: {  	v6 =	vld [tilespmem:$0x1C80]  }
0x183: {  	v7 =	vld [tilespmem:$0x670];
	_ =	sdelay $0x4  }
0x184: {  	[tilespmem:$0x860] =	vst v6;
	v6 =	vshrl.u32 v7, $0x4  }
0x185: {  	[tilespmem:$0x1D00] =	vst v6  }
0x186: {  	v8 =	vld.idx.msk [tilespmem:v3+s13+$0x0], $0xffff;
	_ =	sdelay $0x3  }
0x187: {  	v9 =	vld.idx.msk [tilespmem:v4+s13+$0x0], $0xffff  }
0x188: {  	vm1 =	veq.s32 v6, v8  }
0x189: {  	v8 =	vsel vm1, $0x80000000, v2  }
0x18a: {  	(xrf0) =	vmax.scan.msk.u32 $0xffff, v8;
	_ =	sdelay $0x1  }
0x18b: {  	vm1 =	vne.s32 v6, v9  }
0x18c: {  	v14 =	vld.idx.msk [tilespmem:v6+s15+$0x0], $0xffff;
	vm1 =	vmor vm1, vm0;
	_ =	sdelay $0x1  }
0x18d: {  	v7 =	vand.u32 $0xF, v7  }
0x18e: {  	v15, _, _ =	vpop (xrf0)  }
0x18f: {  	v9 =	vxor.u32 $0x80000000, v15  }
0x190: {  	v8 =	vsub.s32 v14, v9;
	v9 =	vsub.s32 v5, v9  }
0x191: {  	v8 =	vadd.s32 v0, v8;
	[tilespmem:v6+s15+$0x0] =	vst.idx.add.s32.msk vm1, v9  }
0x192: {  	[tilespmem:v7+s16+$0x0] =	vst.idx.msk $0xffff, v8  }
0x193: {  	v6 =	vld [tilespmem:$0x1C80]  }
0x194: {  	v7 =	vld [tilespmem:$0x680];
	_ =	sdelay $0x4  }
0x195: {  	[tilespmem:$0x870] =	vst v6;
	v6 =	vshrl.u32 v7, $0x4  }
0x196: {  	[tilespmem:$0x1C00] =	vst v6  }
0x197: {  	v8 =	vld.idx.msk [tilespmem:v3+s11+$0x0], $0xffff;
	_ =	sdelay $0x3  }
0x198: {  	v9 =	vld.idx.msk [tilespmem:v4+s11+$0x0], $0xffff  }
0x199: {  	vm1 =	veq.s32 v6, v8  }
0x19a: {  	v8 =	vsel vm1, $0x80000000, v2  }
0x19b: {  	(xrf0) =	vmax.scan.msk.u32 $0xffff, v8;
	_ =	sdelay $0x1  }
0x19c: {  	vm1 =	vne.s32 v6, v9  }
0x19d: {  	v16 =	vld.idx.msk [tilespmem:v6+s15+$0x0], $0xffff;
	vm1 =	vmor vm1, vm0;
	_ =	sdelay $0x1  }
0x19e: {  	v7 =	vand.u32 $0xF, v7  }
0x19f: {  	v17, _, _ =	vpop (xrf0)  }
0x1a0: {  	v9 =	vxor.u32 $0x80000000, v17  }
0x1a1: {  	v8 =	vsub.s32 v16, v9;
	v9 =	vsub.s32 v5, v9  }
0x1a2: {  	v8 =	vadd.s32 v0, v8;
	[tilespmem:v6+s15+$0x0] =	vst.idx.add.s32.msk vm1, v9  }
0x1a3: {  	[tilespmem:v7+s16+$0x0] =	vst.idx.msk $0xffff, v8  }
0x1a4: {  	v6 =	vld [tilespmem:$0x1C80]  }
0x1a5: {  	v7 =	vld [tilespmem:$0x690];
	_ =	sdelay $0x4  }
0x1a6: {  	[tilespmem:$0x880] =	vst v6;
	v6 =	vshrl.u32 v7, $0x4  }
0x1a7: {  	[tilespmem:$0x1D00] =	vst v6  }
0x1a8: {  	v8 =	vld.idx.msk [tilespmem:v3+s13+$0x0], $0xffff;
	_ =	sdelay $0x3  }
0x1a9: {  	v9 =	vld.idx.msk [tilespmem:v4+s13+$0x0], $0xffff  }
0x1aa: {  	vm1 =	veq.s32 v6, v8  }
0x1ab: {  	v8 =	vsel vm1, $0x80000000, v2  }
0x1ac: {  	(xrf0) =	vmax.scan.msk.u32 $0xffff, v8;
	_ =	sdelay $0x1  }
0x1ad: {  	vm1 =	vne.s32 v6, v9  }
0x1ae: {  	v18 =	vld.idx.msk [tilespmem:v6+s15+$0x0], $0xffff;
	vm1 =	vmor vm1, vm0;
	_ =	sdelay $0x1  }
0x1af: {  	v7 =	vand.u32 $0xF, v7  }
0x1b0: {  	v19, _, _ =	vpop (xrf0)  }
0x1b1: {  	v9 =	vxor.u32 $0x80000000, v19  }
0x1b2: {  	v8 =	vsub.s32 v18, v9;
	v9 =	vsub.s32 v5, v9  }
0x1b3: {  	v8 =	vadd.s32 v0, v8;
	[tilespmem:v6+s15+$0x0] =	vst.idx.add.s32.msk vm1, v9  }
0x1b4: {  	[tilespmem:v7+s16+$0x0] =	vst.idx.msk $0xffff, v8  }
0x1b5: {  	v6 =	vld [tilespmem:$0x1C80]  }
0x1b6: {  	v7 =	vld [tilespmem:$0x6A0];
	_ =	sdelay $0x4  }
0x1b7: {  	[tilespmem:$0x890] =	vst v6;
	v6 =	vshrl.u32 v7, $0x4  }
0x1b8: {  	[tilespmem:$0x1C00] =	vst v6  }
0x1b9: {  	v8 =	vld.idx.msk [tilespmem:v3+s11+$0x0], $0xffff;
	_ =	sdelay $0x3  }
0x1ba: {  	v9 =	vld.idx.msk [tilespmem:v4+s11+$0x0], $0xffff  }
0x1bb: {  	vm1 =	veq.s32 v6, v8  }
0x1bc: {  	v8 =	vsel vm1, $0x80000000, v2  }
0x1bd: {  	(xrf0) =	vmax.scan.msk.u32 $0xffff, v8;
	_ =	sdelay $0x1  }
0x1be: {  	vm1 =	vne.s32 v6, v9  }
0x1bf: {  	v20 =	vld.idx.msk [tilespmem:v6+s15+$0x0], $0xffff;
	vm1 =	vmor vm1, vm0;
	_ =	sdelay $0x1  }
0x1c0: {  	v7 =	vand.u32 $0xF, v7  }
0x1c1: {  	v21, _, _ =	vpop (xrf0)  }
0x1c2: {  	v9 =	vxor.u32 $0x80000000, v21  }
0x1c3: {  	v8 =	vsub.s32 v20, v9;
	v9 =	vsub.s32 v5, v9  }
0x1c4: {  	v8 =	vadd.s32 v0, v8;
	[tilespmem:v6+s15+$0x0] =	vst.idx.add.s32.msk vm1, v9  }
0x1c5: {  	[tilespmem:v7+s16+$0x0] =	vst.idx.msk $0xffff, v8  }
0x1c6: {  	v6 =	vld [tilespmem:$0x1C80]  }
0x1c7: {  	v7 =	vld [tilespmem:$0x6B0];
	_ =	sdelay $0x4  }
0x1c8: {  	[tilespmem:$0x8A0] =	vst v6;
	v6 =	vshrl.u32 v7, $0x4  }
0x1c9: {  	[tilespmem:$0x1D00] =	vst v6  }
0x1ca: {  	v8 =	vld.idx.msk [tilespmem:v3+s13+$0x0], $0xffff;
	_ =	sdelay $0x3  }
0x1cb: {  	v9 =	vld.idx.msk [tilespmem:v4+s13+$0x0], $0xffff  }
0x1cc: {  	vm1 =	veq.s32 v6, v8  }
0x1cd: {  	v8 =	vsel vm1, $0x80000000, v2  }
0x1ce: {  	(xrf0) =	vmax.scan.msk.u32 $0xffff, v8;
	_ =	sdelay $0x1  }
0x1cf: {  	vm1 =	vne.s32 v6, v9  }
0x1d0: {  	v22 =	vld.idx.msk [tilespmem:v6+s15+$0x0], $0xffff;
	vm1 =	vmor vm1, vm0;
	_ =	sdelay $0x1  }
0x1d1: {  	v7 =	vand.u32 $0xF, v7  }
0x1d2: {  	v23, _, _ =	vpop (xrf0)  }
0x1d3: {  	v9 =	vxor.u32 $0x80000000, v23  }
0x1d4: {  	v8 =	vsub.s32 v22, v9;
	v9 =	vsub.s32 v5, v9  }
0x1d5: {  	v8 =	vadd.s32 v0, v8;
	[tilespmem:v6+s15+$0x0] =	vst.idx.add.s32.msk vm1, v9  }
0x1d6: {  	[tilespmem:v7+s16+$0x0] =	vst.idx.msk $0xffff, v8  }
0x1d7: {  	v6 =	vld [tilespmem:$0x1C80]  }
0x1d8: {  	v7 =	vld [tilespmem:$0x6C0];
	_ =	sdelay $0x4  }
0x1d9: {  	[tilespmem:$0x8B0] =	vst v6;
	v6 =	vshrl.u32 v7, $0x4  }
0x1da: {  	[tilespmem:$0x1C00] =	vst v6  }
0x1db: {  	v8 =	vld.idx.msk [tilespmem:v3+s11+$0x0], $0xffff;
	_ =	sdelay $0x3  }
0x1dc: {  	v9 =	vld.idx.msk [tilespmem:v4+s11+$0x0], $0xffff  }
0x1dd: {  	vm1 =	veq.s32 v6, v8  }
0x1de: {  	v8 =	vsel vm1, $0x80000000, v2  }
0x1df: {  	(xrf0) =	vmax.scan.msk.u32 $0xffff, v8;
	_ =	sdelay $0x1  }
0x1e0: {  	vm1 =	vne.s32 v6, v9  }
0x1e1: {  	v24 =	vld.idx.msk [tilespmem:v6+s15+$0x0], $0xffff;
	vm1 =	vmor vm1, vm0;
	_ =	sdelay $0x1  }
0x1e2: {  	v7 =	vand.u32 $0xF, v7  }
0x1e3: {  	v25, _, _ =	vpop (xrf0)  }
0x1e4: {  	v9 =	vxor.u32 $0x80000000, v25  }
0x1e5: {  	v8 =	vsub.s32 v24, v9;
	v9 =	vsub.s32 v5, v9  }
0x1e6: {  	v8 =	vadd.s32 v0, v8;
	[tilespmem:v6+s15+$0x0] =	vst.idx.add.s32.msk vm1, v9  }
0x1e7: {  	[tilespmem:v7+s16+$0x0] =	vst.idx.msk $0xffff, v8  }
0x1e8: {  	v6 =	vld [tilespmem:$0x1C80]  }
0x1e9: {  	v7 =	vld [tilespmem:$0x6D0];
	_ =	sdelay $0x4  }
0x1ea: {  	[tilespmem:$0x8C0] =	vst v6;
	v6 =	vshrl.u32 v7, $0x4  }
0x1eb: {  	[tilespmem:$0x1D00] =	vst v6  }
0x1ec: {  	v8 =	vld.idx.msk [tilespmem:v3+s13+$0x0], $0xffff;
	_ =	sdelay $0x3  }
0x1ed: {  	v9 =	vld.idx.msk [tilespmem:v4+s13+$0x0], $0xffff  }
0x1ee: {  	vm1 =	veq.s32 v6, v8  }
0x1ef: {  	v8 =	vsel vm1, $0x80000000, v2  }
0x1f0: {  	(xrf0) =	vmax.scan.msk.u32 $0xffff, v8;
	_ =	sdelay $0x1  }
0x1f1: {  	vm1 =	vne.s32 v6, v9  }
0x1f2: {  	v26 =	vld.idx.msk [tilespmem:v6+s15+$0x0], $0xffff;
	vm1 =	vmor vm1, vm0;
	_ =	sdelay $0x1  }
0x1f3: {  	v7 =	vand.u32 $0xF, v7  }
0x1f4: {  	v27, _, _ =	vpop (xrf0)  }
0x1f5: {  	v9 =	vxor.u32 $0x80000000, v27  }
0x1f6: {  	v8 =	vsub.s32 v26, v9;
	v9 =	vsub.s32 v5, v9  }
0x1f7: {  	v8 =	vadd.s32 v0, v8;
	[tilespmem:v6+s15+$0x0] =	vst.idx.add.s32.msk vm1, v9  }
0x1f8: {  	[tilespmem:v7+s16+$0x0] =	vst.idx.msk $0xffff, v8  }
0x1f9: {  	v6 =	vld [tilespmem:$0x1C80]  }
0x1fa: {  	v7 =	vld [tilespmem:$0x6E0];
	_ =	sdelay $0x4  }
0x1fb: {  	[tilespmem:$0x8D0] =	vst v6;
	v6 =	vshrl.u32 v7, $0x4  }
0x1fc: {  	[tilespmem:$0x1C00] =	vst v6  }
0x1fd: {  	v8 =	vld.idx.msk [tilespmem:v3+s11+$0x0], $0xffff;
	_ =	sdelay $0x3  }
0x1fe: {  	v9 =	vld.idx.msk [tilespmem:v4+s11+$0x0], $0xffff  }
0x1ff: {  	vm1 =	veq.s32 v6, v8  }
0x200: {  	v8 =	vsel vm1, $0x80000000, v2  }
0x201: {  	(xrf0) =	vmax.scan.msk.u32 $0xffff, v8;
	_ =	sdelay $0x1  }
0x202: {  	vm1 =	vne.s32 v6, v9  }
0x203: {  	v28 =	vld.idx.msk [tilespmem:v6+s15+$0x0], $0xffff;
	vm1 =	vmor vm1, vm0;
	_ =	sdelay $0x1  }
0x204: {  	v7 =	vand.u32 $0xF, v7  }
0x205: {  	v29, _, _ =	vpop (xrf0)  }
0x206: {  	v9 =	vxor.u32 $0x80000000, v29  }
0x207: {  	v8 =	vsub.s32 v28, v9;
	v9 =	vsub.s32 v5, v9  }
0x208: {  	v8 =	vadd.s32 v0, v8;
	[tilespmem:v6+s15+$0x0] =	vst.idx.add.s32.msk vm1, v9  }
0x209: {  	[tilespmem:v7+s16+$0x0] =	vst.idx.msk $0xffff, v8  }
0x20a: {  	v6 =	vld [tilespmem:$0x1C80]  }
0x20b: {  	v7 =	vld [tilespmem:$0x6F0];
	_ =	sdelay $0x4  }
0x20c: {  	[tilespmem:$0x8E0] =	vst v6;
	v6 =	vshrl.u32 v7, $0x4  }
0x20d: {  	[tilespmem:$0x1D00] =	vst v6  }
0x20e: {  	v8 =	vld.idx.msk [tilespmem:v3+s13+$0x0], $0xffff;
	_ =	sdelay $0x3  }
0x20f: {  	v9 =	vld.idx.msk [tilespmem:v4+s13+$0x0], $0xffff  }
0x210: {  	vm1 =	veq.s32 v6, v8  }
0x211: {  	v8 =	vsel vm1, $0x80000000, v2  }
0x212: {  	(xrf0) =	vmax.scan.msk.u32 $0xffff, v8;
	_ =	sdelay $0x1  }
0x213: {  	vm1 =	vne.s32 v6, v9  }
0x214: {  	v30 =	vld.idx.msk [tilespmem:v6+s15+$0x0], $0xffff;
	vm1 =	vmor vm1, vm0;
	_ =	sdelay $0x1  }
0x215: {  	v7 =	vand.u32 $0xF, v7  }
0x216: {  	v31, _, _ =	vpop (xrf0)  }
0x217: {  	v9 =	vxor.u32 $0x80000000, v31  }
0x218: {  	v8 =	vsub.s32 v30, v9;
	v9 =	vsub.s32 v5, v9  }
0x219: {  	v8 =	vadd.s32 v0, v8;
	[tilespmem:v6+s15+$0x0] =	vst.idx.add.s32.msk vm1, v9  }
0x21a: {  	[tilespmem:v7+s16+$0x0] =	vst.idx.msk $0xffff, v8  }
0x21b: {  	v6 =	vld [tilespmem:$0x1C80]  }
0x21c: {  	v7 =	vld [tilespmem:$0x700];
	_ =	sdelay $0x4  }
0x21d: {  	[tilespmem:$0x8F0] =	vst v6;
	v6 =	vshrl.u32 v7, $0x4  }
0x21e: {  	[tilespmem:$0x1C00] =	vst v6  }
0x21f: {  	v8 =	vld.idx.msk [tilespmem:v3+s11+$0x0], $0xffff;
	_ =	sdelay $0x3  }
0x220: {  	v9 =	vld.idx.msk [tilespmem:v4+s11+$0x0], $0xffff  }
0x221: {  	vm1 =	veq.s32 v6, v8  }
0x222: {  	v8 =	vsel vm1, $0x80000000, v2  }
0x223: {  	(xrf0) =	vmax.scan.msk.u32 $0xffff, v8;
	_ =	sdelay $0x1  }
0x224: {  	vm1 =	vne.s32 v6, v9  }
0x225: {  	v32 =	vld.idx.msk [tilespmem:v6+s15+$0x0], $0xffff;
	vm1 =	vmor vm1, vm0;
	_ =	sdelay $0x1  }
0x226: {  	v7 =	vand.u32 $0xF, v7  }
0x227: {  	v33, _, _ =	vpop (xrf0)  }
0x228: {  	v9 =	vxor.u32 $0x80000000, v33  }
0x229: {  	v8 =	vsub.s32 v32, v9;
	v9 =	vsub.s32 v5, v9  }
0x22a: {  	v8 =	vadd.s32 v0, v8;
	[tilespmem:v6+s15+$0x0] =	vst.idx.add.s32.msk vm1, v9  }
0x22b: {  	[tilespmem:v7+s16+$0x0] =	vst.idx.msk $0xffff, v8  }
0x22c: {  	v6 =	vld [tilespmem:$0x1C80]  }
0x22d: {  	v7 =	vld [tilespmem:$0x710];
	_ =	sdelay $0x4  }
0x22e: {  	[tilespmem:$0x900] =	vst v6;
	v6 =	vshrl.u32 v7, $0x4  }
0x22f: {  	[tilespmem:$0x1D00] =	vst v6  }
0x230: {  	v8 =	vld.idx.msk [tilespmem:v3+s13+$0x0], $0xffff;
	_ =	sdelay $0x3  }
0x231: {  	v9 =	vld.idx.msk [tilespmem:v4+s13+$0x0], $0xffff  }
0x232: {  	vm1 =	veq.s32 v6, v8  }
0x233: {  	v8 =	vsel vm1, $0x80000000, v2  }
0x234: {  	(xrf0) =	vmax.scan.msk.u32 $0xffff, v8;
	_ =	sdelay $0x1  }
0x235: {  	vm1 =	vne.s32 v6, v9  }
0x236: {  	v34 =	vld.idx.msk [tilespmem:v6+s15+$0x0], $0xffff;
	vm1 =	vmor vm1, vm0;
	_ =	sdelay $0x1  }
0x237: {  	v7 =	vand.u32 $0xF, v7  }
0x238: {  	v35, _, _ =	vpop (xrf0)  }
0x239: {  	v9 =	vxor.u32 $0x80000000, v35  }
0x23a: {  	v8 =	vsub.s32 v34, v9;
	v9 =	vsub.s32 v5, v9  }
0x23b: {  	v8 =	vadd.s32 v0, v8;
	[tilespmem:v6+s15+$0x0] =	vst.idx.add.s32.msk vm1, v9  }
0x23c: {  	[tilespmem:v7+s16+$0x0] =	vst.idx.msk $0xffff, v8  }
0x23d: {  	v6 =	vld [tilespmem:$0x1C80]  }
0x23e: {  	v7 =	vld [tilespmem:$0x720];
	_ =	sdelay $0x4  }
0x23f: {  	[tilespmem:$0x910] =	vst v6;
	v6 =	vshrl.u32 v7, $0x4  }
0x240: {  	[tilespmem:$0x1C00] =	vst v6  }
0x241: {  	v8 =	vld.idx.msk [tilespmem:v3+s11+$0x0], $0xffff;
	_ =	sdelay $0x3  }
0x242: {  	v9 =	vld.idx.msk [tilespmem:v4+s11+$0x0], $0xffff  }
0x243: {  	vm1 =	veq.s32 v6, v8  }
0x244: {  	v8 =	vsel vm1, $0x80000000, v2  }
0x245: {  	(xrf0) =	vmax.scan.msk.u32 $0xffff, v8;
	_ =	sdelay $0x1  }
0x246: {  	vm1 =	vne.s32 v6, v9  }
0x247: {  	v36 =	vld.idx.msk [tilespmem:v6+s15+$0x0], $0xffff;
	vm1 =	vmor vm1, vm0;
	_ =	sdelay $0x1  }
0x248: {  	v7 =	vand.u32 $0xF, v7  }
0x249: {  	v37, _, _ =	vpop (xrf0)  }
0x24a: {  	v9 =	vxor.u32 $0x80000000, v37  }
0x24b: {  	v8 =	vsub.s32 v36, v9;
	v9 =	vsub.s32 v5, v9  }
0x24c: {  	v8 =	vadd.s32 v0, v8;
	[tilespmem:v6+s15+$0x0] =	vst.idx.add.s32.msk vm1, v9  }
0x24d: {  	[tilespmem:v7+s16+$0x0] =	vst.idx.msk $0xffff, v8  }
0x24e: {  	v6 =	vld [tilespmem:$0x1C80]  }
0x24f: {  	v7 =	vld [tilespmem:$0x730];
	_ =	sdelay $0x4  }
0x250: {  	[tilespmem:$0x920] =	vst v6;
	v6 =	vshrl.u32 v7, $0x4  }
0x251: {  	[tilespmem:$0x1D00] =	vst v6  }
0x252: {  	v8 =	vld.idx.msk [tilespmem:v3+s13+$0x0], $0xffff;
	_ =	sdelay $0x3  }
0x253: {  	v9 =	vld.idx.msk [tilespmem:v4+s13+$0x0], $0xffff  }
0x254: {  	vm1 =	veq.s32 v6, v8  }
0x255: {  	v8 =	vsel vm1, $0x80000000, v2  }
0x256: {  	(xrf0) =	vmax.scan.msk.u32 $0xffff, v8;
	_ =	sdelay $0x1  }
0x257: {  	vm1 =	vne.s32 v6, v9  }
0x258: {  	v38 =	vld.idx.msk [tilespmem:v6+s15+$0x0], $0xffff;
	vm1 =	vmor vm1, vm0;
	_ =	sdelay $0x1  }
0x259: {  	v7 =	vand.u32 $0xF, v7  }
0x25a: {  	v39, _, _ =	vpop (xrf0)  }
0x25b: {  	v9 =	vxor.u32 $0x80000000, v39  }
0x25c: {  	v8 =	vsub.s32 v38, v9;
	v9 =	vsub.s32 v5, v9  }
0x25d: {  	v8 =	vadd.s32 v0, v8;
	[tilespmem:v6+s15+$0x0] =	vst.idx.add.s32.msk vm1, v9  }
0x25e: {  	[tilespmem:v7+s16+$0x0] =	vst.idx.msk $0xffff, v8  }
0x25f: {  	v6 =	vld [tilespmem:$0x1C80]  }
0x260: {  	v7 =	vld [tilespmem:$0x740];
	_ =	sdelay $0x4  }
0x261: {  	[tilespmem:$0x930] =	vst v6;
	v6 =	vshrl.u32 v7, $0x4  }
0x262: {  	[tilespmem:$0x1C00] =	vst v6  }
0x263: {  	v8 =	vld.idx.msk [tilespmem:v3+s11+$0x0], $0xffff;
	_ =	sdelay $0x3  }
0x264: {  	v9 =	vld.idx.msk [tilespmem:v4+s11+$0x0], $0xffff  }
0x265: {  	vm1 =	veq.s32 v6, v8  }
0x266: {  	v8 =	vsel vm1, $0x80000000, v2  }
0x267: {  	(xrf0) =	vmax.scan.msk.u32 $0xffff, v8;
	_ =	sdelay $0x1  }
0x268: {  	vm1 =	vne.s32 v6, v9  }
0x269: {  	v40 =	vld.idx.msk [tilespmem:v6+s15+$0x0], $0xffff;
	vm1 =	vmor vm1, vm0;
	_ =	sdelay $0x1  }
0x26a: {  	v7 =	vand.u32 $0xF, v7  }
0x26b: {  	v41, _, _ =	vpop (xrf0)  }
0x26c: {  	v9 =	vxor.u32 $0x80000000, v41  }
0x26d: {  	v8 =	vsub.s32 v40, v9;
	v9 =	vsub.s32 v5, v9  }
0x26e: {  	v8 =	vadd.s32 v0, v8;
	[tilespmem:v6+s15+$0x0] =	vst.idx.add.s32.msk vm1, v9  }
0x26f: {  	[tilespmem:v7+s16+$0x0] =	vst.idx.msk $0xffff, v8  }
0x270: {  	v6 =	vld [tilespmem:$0x1C80]  }
0x271: {  	v7 =	vld [tilespmem:$0x750];
	_ =	sdelay $0x4  }
0x272: {  	[tilespmem:$0x940] =	vst v6;
	v6 =	vshrl.u32 v7, $0x4  }
0x273: {  	[tilespmem:$0x1D00] =	vst v6  }
0x274: {  	v8 =	vld.idx.msk [tilespmem:v3+s13+$0x0], $0xffff;
	_ =	sdelay $0x3  }
0x275: {  	v9 =	vld.idx.msk [tilespmem:v4+s13+$0x0], $0xffff  }
0x276: {  	vm1 =	veq.s32 v6, v8  }
0x277: {  	v8 =	vsel vm1, $0x80000000, v2  }
0x278: {  	(xrf0) =	vmax.scan.msk.u32 $0xffff, v8;
	_ =	sdelay $0x1  }
0x279: {  	vm1 =	vne.s32 v6, v9  }
0x27a: {  	v42 =	vld.idx.msk [tilespmem:v6+s15+$0x0], $0xffff;
	vm1 =	vmor vm1, vm0;
	_ =	sdelay $0x1  }
0x27b: {  	v7 =	vand.u32 $0xF, v7  }
0x27c: {  	v43, _, _ =	vpop (xrf0)  }
0x27d: {  	v9 =	vxor.u32 $0x80000000, v43  }
0x27e: {  	v8 =	vsub.s32 v42, v9;
	v9 =	vsub.s32 v5, v9  }
0x27f: {  	v8 =	vadd.s32 v0, v8;
	[tilespmem:v6+s15+$0x0] =	vst.idx.add.s32.msk vm1, v9  }
0x280: {  	[tilespmem:v7+s16+$0x0] =	vst.idx.msk $0xffff, v8  }
0x281: {  	v6 =	vld [tilespmem:$0x1C80]  }
0x282: {  	v7 =	vld [tilespmem:$0x760];
	_ =	sdelay $0x4  }
0x283: {  	[tilespmem:$0x950] =	vst v6;
	v6 =	vshrl.u32 v7, $0x4  }
0x284: {  	[tilespmem:$0x1C00] =	vst v6  }
0x285: {  	v8 =	vld.idx.msk [tilespmem:v3+s11+$0x0], $0xffff;
	_ =	sdelay $0x3  }
0x286: {  	v9 =	vld.idx.msk [tilespmem:v4+s11+$0x0], $0xffff  }
0x287: {  	vm1 =	veq.s32 v6, v8  }
0x288: {  	v8 =	vsel vm1, $0x80000000, v2  }
0x289: {  	(xrf0) =	vmax.scan.msk.u32 $0xffff, v8;
	_ =	sdelay $0x1  }
0x28a: {  	vm1 =	vne.s32 v6, v9  }
0x28b: {  	v44 =	vld.idx.msk [tilespmem:v6+s15+$0x0], $0xffff;
	vm1 =	vmor vm1, vm0;
	_ =	sdelay $0x1  }
0x28c: {  	v7 =	vand.u32 $0xF, v7  }
0x28d: {  	v45, _, _ =	vpop (xrf0)  }
0x28e: {  	v9 =	vxor.u32 $0x80000000, v45  }
0x28f: {  	v8 =	vsub.s32 v44, v9;
	v9 =	vsub.s32 v5, v9  }
0x290: {  	v8 =	vadd.s32 v0, v8;
	[tilespmem:v6+s15+$0x0] =	vst.idx.add.s32.msk vm1, v9  }
0x291: {  	[tilespmem:v7+s16+$0x0] =	vst.idx.msk $0xffff, v8  }
0x292: {  	v6 =	vld [tilespmem:$0x1C80]  }
0x293: {  	v7 =	vld [tilespmem:$0x770];
	_ =	sdelay $0x4  }
0x294: {  	[tilespmem:$0x960] =	vst v6;
	v6 =	vshrl.u32 v7, $0x4  }
0x295: {  	[tilespmem:$0x1D00] =	vst v6  }
0x296: {  	v8 =	vld.idx.msk [tilespmem:v3+s13+$0x0], $0xffff;
	_ =	sdelay $0x3  }
0x297: {  	v9 =	vld.idx.msk [tilespmem:v4+s13+$0x0], $0xffff  }
0x298: {  	vm1 =	veq.s32 v6, v8  }
0x299: {  	v8 =	vsel vm1, $0x80000000, v2  }
0x29a: {  	(xrf0) =	vmax.scan.msk.u32 $0xffff, v8;
	_ =	sdelay $0x1  }
0x29b: {  	vm1 =	vne.s32 v6, v9  }
0x29c: {  	v46 =	vld.idx.msk [tilespmem:v6+s15+$0x0], $0xffff;
	vm1 =	vmor vm1, vm0;
	_ =	sdelay $0x1  }
0x29d: {  	v7 =	vand.u32 $0xF, v7  }
0x29e: {  	v47, _, _ =	vpop (xrf0)  }
0x29f: {  	v9 =	vxor.u32 $0x80000000, v47  }
0x2a0: {  	v8 =	vsub.s32 v46, v9;
	v9 =	vsub.s32 v5, v9  }
0x2a1: {  	v8 =	vadd.s32 v0, v8;
	[tilespmem:v6+s15+$0x0] =	vst.idx.add.s32.msk vm1, v9  }
0x2a2: {  	[tilespmem:v7+s16+$0x0] =	vst.idx.msk $0xffff, v8  }
0x2a3: {  	v6 =	vld [tilespmem:$0x1C80]  }
0x2a4: {  	v7 =	vld [tilespmem:$0x780];
	_ =	sdelay $0x4  }
0x2a5: {  	[tilespmem:$0x970] =	vst v6;
	v6 =	vshrl.u32 v7, $0x4  }
0x2a6: {  	[tilespmem:$0x1C00] =	vst v6  }
0x2a7: {  	v8 =	vld.idx.msk [tilespmem:v3+s11+$0x0], $0xffff;
	_ =	sdelay $0x3  }
0x2a8: {  	v9 =	vld.idx.msk [tilespmem:v4+s11+$0x0], $0xffff  }
0x2a9: {  	vm1 =	veq.s32 v6, v8  }
0x2aa: {  	v8 =	vsel vm1, $0x80000000, v2  }
0x2ab: {  	(xrf0) =	vmax.scan.msk.u32 $0xffff, v8;
	_ =	sdelay $0x1  }
0x2ac: {  	vm1 =	vne.s32 v6, v9  }
0x2ad: {  	v48 =	vld.idx.msk [tilespmem:v6+s15+$0x0], $0xffff;
	vm1 =	vmor vm1, vm0;
	_ =	sdelay $0x1  }
0x2ae: {  	v7 =	vand.u32 $0xF, v7  }
0x2af: {  	v49, _, _ =	vpop (xrf0)  }
0x2b0: {  	v9 =	vxor.u32 $0x80000000, v49  }
0x2b1: {  	v8 =	vsub.s32 v48, v9;
	v9 =	vsub.s32 v5, v9  }
0x2b2: {  	v8 =	vadd.s32 v0, v8;
	[tilespmem:v6+s15+$0x0] =	vst.idx.add.s32.msk vm1, v9  }
0x2b3: {  	[tilespmem:v7+s16+$0x0] =	vst.idx.msk $0xffff, v8  }
0x2b4: {  	v6 =	vld [tilespmem:$0x1C80]  }
0x2b5: {  	v7 =	vld [tilespmem:$0x790];
	_ =	sdelay $0x4  }
0x2b6: {  	[tilespmem:$0x980] =	vst v6;
	v6 =	vshrl.u32 v7, $0x4  }
0x2b7: {  	[tilespmem:$0x1D00] =	vst v6  }
0x2b8: {  	v8 =	vld.idx.msk [tilespmem:v3+s13+$0x0], $0xffff;
	_ =	sdelay $0x3  }
0x2b9: {  	v9 =	vld.idx.msk [tilespmem:v4+s13+$0x0], $0xffff  }
0x2ba: {  	vm1 =	veq.s32 v6, v8  }
0x2bb: {  	v8 =	vsel vm1, $0x80000000, v2  }
0x2bc: {  	(xrf0) =	vmax.scan.msk.u32 $0xffff, v8;
	_ =	sdelay $0x1  }
0x2bd: {  	vm1 =	vne.s32 v6, v9  }
0x2be: {  	v50 =	vld.idx.msk [tilespmem:v6+s15+$0x0], $0xffff;
	vm1 =	vmor vm1, vm0;
	_ =	sdelay $0x1  }
0x2bf: {  	v7 =	vand.u32 $0xF, v7  }
0x2c0: {  	v51, _, _ =	vpop (xrf0)  }
0x2c1: {  	v9 =	vxor.u32 $0x80000000, v51  }
0x2c2: {  	v8 =	vsub.s32 v50, v9;
	v9 =	vsub.s32 v5, v9  }
0x2c3: {  	v8 =	vadd.s32 v0, v8;
	[tilespmem:v6+s15+$0x0] =	vst.idx.add.s32.msk vm1, v9  }
0x2c4: {  	[tilespmem:v7+s16+$0x0] =	vst.idx.msk $0xffff, v8  }
0x2c5: {  	v6 =	vld [tilespmem:$0x1C80]  }
0x2c6: {  	v7 =	vld [tilespmem:$0x7A0];
	_ =	sdelay $0x4  }
0x2c7: {  	[tilespmem:$0x990] =	vst v6;
	v6 =	vshrl.u32 v7, $0x4  }
0x2c8: {  	[tilespmem:$0x1C00] =	vst v6  }
0x2c9: {  	v8 =	vld.idx.msk [tilespmem:v3+s11+$0x0], $0xffff;
	_ =	sdelay $0x3  }
0x2ca: {  	v9 =	vld.idx.msk [tilespmem:v4+s11+$0x0], $0xffff  }
0x2cb: {  	vm1 =	veq.s32 v6, v8  }
0x2cc: {  	v8 =	vsel vm1, $0x80000000, v2  }
0x2cd: {  	(xrf0) =	vmax.scan.msk.u32 $0xffff, v8;
	_ =	sdelay $0x1  }
0x2ce: {  	vm1 =	vne.s32 v6, v9  }
0x2cf: {  	v52 =	vld.idx.msk [tilespmem:v6+s15+$0x0], $0xffff;
	vm1 =	vmor vm1, vm0;
	_ =	sdelay $0x1  }
0x2d0: {  	v7 =	vand.u32 $0xF, v7  }
0x2d1: {  	v53, _, _ =	vpop (xrf0)  }
0x2d2: {  	v9 =	vxor.u32 $0x80000000, v53  }
0x2d3: {  	v8 =	vsub.s32 v52, v9;
	v9 =	vsub.s32 v5, v9  }
0x2d4: {  	v8 =	vadd.s32 v0, v8;
	[tilespmem:v6+s15+$0x0] =	vst.idx.add.s32.msk vm1, v9  }
0x2d5: {  	[tilespmem:v7+s16+$0x0] =	vst.idx.msk $0xffff, v8  }
0x2d6: {  	v6 =	vld [tilespmem:$0x1C80]  }
0x2d7: {  	v7 =	vld [tilespmem:$0x7B0];
	_ =	sdelay $0x4  }
0x2d8: {  	[tilespmem:$0x9A0] =	vst v6;
	v6 =	vshrl.u32 v7, $0x4  }
0x2d9: {  	[tilespmem:$0x1D00] =	vst v6  }
0x2da: {  	v8 =	vld.idx.msk [tilespmem:v3+s13+$0x0], $0xffff;
	_ =	sdelay $0x3  }
0x2db: {  	v9 =	vld.idx.msk [tilespmem:v4+s13+$0x0], $0xffff  }
0x2dc: {  	vm1 =	veq.s32 v6, v8  }
0x2dd: {  	v8 =	vsel vm1, $0x80000000, v2  }
0x2de: {  	(xrf0) =	vmax.scan.msk.u32 $0xffff, v8;
	_ =	sdelay $0x1  }
0x2df: {  	vm1 =	vne.s32 v6, v9  }
0x2e0: {  	v54 =	vld.idx.msk [tilespmem:v6+s15+$0x0], $0xffff;
	vm1 =	vmor vm1, vm0;
	_ =	sdelay $0x1  }
0x2e1: {  	v7 =	vand.u32 $0xF, v7  }
0x2e2: {  	v55, _, _ =	vpop (xrf0)  }
0x2e3: {  	v9 =	vxor.u32 $0x80000000, v55  }
0x2e4: {  	v8 =	vsub.s32 v54, v9;
	v9 =	vsub.s32 v5, v9  }
0x2e5: {  	v8 =	vadd.s32 v0, v8;
	[tilespmem:v6+s15+$0x0] =	vst.idx.add.s32.msk vm1, v9  }
0x2e6: {  	[tilespmem:v7+s16+$0x0] =	vst.idx.msk $0xffff, v8  }
0x2e7: {  	v6 =	vld [tilespmem:$0x1C80]  }
0x2e8: {  	v7 =	vld [tilespmem:$0x7C0];
	_ =	sdelay $0x4  }
0x2e9: {  	[tilespmem:$0x9B0] =	vst v6;
	v6 =	vshrl.u32 v7, $0x4  }
0x2ea: {  	[tilespmem:$0x1C00] =	vst v6  }
0x2eb: {  	v8 =	vld.idx.msk [tilespmem:v3+s11+$0x0], $0xffff;
	_ =	sdelay $0x3  }
0x2ec: {  	v9 =	vld.idx.msk [tilespmem:v4+s11+$0x0], $0xffff  }
0x2ed: {  	vm1 =	veq.s32 v6, v8  }
0x2ee: {  	v8 =	vsel vm1, $0x80000000, v2  }
0x2ef: {  	(xrf0) =	vmax.scan.msk.u32 $0xffff, v8;
	_ =	sdelay $0x1  }
0x2f0: {  	vm1 =	vne.s32 v6, v9  }
0x2f1: {  	v56 =	vld.idx.msk [tilespmem:v6+s15+$0x0], $0xffff;
	vm1 =	vmor vm1, vm0;
	_ =	sdelay $0x1  }
0x2f2: {  	v7 =	vand.u32 $0xF, v7  }
0x2f3: {  	v57, _, _ =	vpop (xrf0)  }
0x2f4: {  	v9 =	vxor.u32 $0x80000000, v57  }
0x2f5: {  	v8 =	vsub.s32 v56, v9;
	v9 =	vsub.s32 v5, v9  }
0x2f6: {  	v8 =	vadd.s32 v0, v8;
	[tilespmem:v6+s15+$0x0] =	vst.idx.add.s32.msk vm1, v9  }
0x2f7: {  	[tilespmem:v7+s16+$0x0] =	vst.idx.msk $0xffff, v8  }
0x2f8: {  	v6 =	vld [tilespmem:$0x1C80]  }
0x2f9: {  	v7 =	vld [tilespmem:$0x7D0];
	_ =	sdelay $0x4  }
0x2fa: {  	[tilespmem:$0x9C0] =	vst v6;
	v6 =	vshrl.u32 v7, $0x4  }
0x2fb: {  	[tilespmem:$0x1D00] =	vst v6  }
0x2fc: {  	v8 =	vld.idx.msk [tilespmem:v3+s13+$0x0], $0xffff;
	_ =	sdelay $0x3  }
0x2fd: {  	v9 =	vld.idx.msk [tilespmem:v4+s13+$0x0], $0xffff  }
0x2fe: {  	vm1 =	veq.s32 v6, v8  }
0x2ff: {  	v8 =	vsel vm1, $0x80000000, v2  }
0x300: {  	(xrf0) =	vmax.scan.msk.u32 $0xffff, v8;
	_ =	sdelay $0x1  }
0x301: {  	vm1 =	vne.s32 v6, v9  }
0x302: {  	v58 =	vld.idx.msk [tilespmem:v6+s15+$0x0], $0xffff;
	vm1 =	vmor vm1, vm0;
	_ =	sdelay $0x1  }
0x303: {  	v7 =	vand.u32 $0xF, v7  }
0x304: {  	v59, _, _ =	vpop (xrf0)  }
0x305: {  	v9 =	vxor.u32 $0x80000000, v59  }
0x306: {  	v8 =	vsub.s32 v58, v9;
	v9 =	vsub.s32 v5, v9  }
0x307: {  	v8 =	vadd.s32 v0, v8;
	[tilespmem:v6+s15+$0x0] =	vst.idx.add.s32.msk vm1, v9  }
0x308: {  	[tilespmem:v7+s16+$0x0] =	vst.idx.msk $0xffff, v8  }
0x309: {  	v6 =	vld [tilespmem:$0x1C80]  }
0x30a: {  	v7 =	vld [tilespmem:$0x7E0];
	_ =	sdelay $0x4  }
0x30b: {  	[tilespmem:$0x9D0] =	vst v6;
	v6 =	vshrl.u32 v7, $0x4  }
0x30c: {  	[tilespmem:$0x1C00] =	vst v6  }
0x30d: {  	v8 =	vld.idx.msk [tilespmem:v3+s11+$0x0], $0xffff;
	_ =	sdelay $0x3  }
0x30e: {  	v9 =	vld.idx.msk [tilespmem:v4+s11+$0x0], $0xffff  }
0x30f: {  	vm1 =	veq.s32 v6, v8  }
0x310: {  	v8 =	vsel vm1, $0x80000000, v2  }
0x311: {  	(xrf0) =	vmax.scan.msk.u32 $0xffff, v8;
	_ =	sdelay $0x1  }
0x312: {  	vm1 =	vne.s32 v6, v9  }
0x313: {  	v60 =	vld.idx.msk [tilespmem:v6+s15+$0x0], $0xffff;
	vm1 =	vmor vm1, vm0;
	_ =	sdelay $0x1  }
0x314: {  	v7 =	vand.u32 $0xF, v7  }
0x315: {  	v61, _, _ =	vpop (xrf0)  }
0x316: {  	v9 =	vxor.u32 $0x80000000, v61  }
0x317: {  	v8 =	vsub.s32 v60, v9;
	v9 =	vsub.s32 v5, v9  }
0x318: {  	v8 =	vadd.s32 v0, v8;
	[tilespmem:v6+s15+$0x0] =	vst.idx.add.s32.msk vm1, v9  }
0x319: {  	[tilespmem:v7+s16+$0x0] =	vst.idx.msk $0xffff, v8  }
0x31a: {  	v6 =	vld [tilespmem:$0x1C80]  }
0x31b: {  	v7 =	vld [tilespmem:$0x7F0];
	_ =	sdelay $0x4  }
0x31c: {  	[tilespmem:$0x9E0] =	vst v6;
	v6 =	vshrl.u32 v7, $0x4  }
0x31d: {  	[tilespmem:$0x1D00] =	vst v6  }
0x31e: {  	v8 =	vld.idx.msk [tilespmem:v3+s13+$0x0], $0xffff;
	_ =	sdelay $0x3  }
0x31f: {  	v9 =	vld.idx.msk [tilespmem:v4+s13+$0x0], $0xffff  }
0x320: {  	vm1 =	veq.s32 v6, v8  }
0x321: {  	v8 =	vsel vm1, $0x80000000, v2  }
0x322: {  	(xrf0) =	vmax.scan.msk.u32 $0xffff, v8;
	_ =	sdelay $0x1  }
0x323: {  	vm1 =	vne.s32 v6, v9  }
0x324: {  	v62 =	vld.idx.msk [tilespmem:v6+s15+$0x0], $0xffff;
	vm1 =	vmor vm1, vm0;
	_ =	sdelay $0x1  }
0x325: {  	v7 =	vand.u32 $0xF, v7  }
0x326: {  	v63, _, _ =	vpop (xrf0)  }
0x327: {  	v9 =	vxor.u32 $0x80000000, v63  }
0x328: {  	v8 =	vsub.s32 v62, v9;
	v9 =	vsub.s32 v5, v9  }
0x329: {  	v8 =	vadd.s32 v0, v8;
	[tilespmem:v6+s15+$0x0] =	vst.idx.add.s32.msk vm1, v9  }
0x32a: {  	[tilespmem:v7+s16+$0x0] =	vst.idx.msk $0xffff, v8  }
0x32b: {  	v6 =	vld [tilespmem:$0x1C80];
	_ =	sdelay $0x4  }
0x32c: {  	[tilespmem:$0x9F0] =	vst v6  }
0x32d: {  	[spmem:s2] =	stream.indirect.scatter [tilespmem:s19], [sflag:$0x1], $0x1, s18, s17, $0xb8;
	[tilespmem:$0x2280] =	vst v63  }
0x32e: {  	_ =	swait.ge [sflag:s10], $0x80  }
0x32f: {  	[sflag:s10] =	ssyncset.done $0x0  }
0x330: {  	[sflag:s10] =	ssyncadd.s32 $0xFFFFFF80  }
0x331: {  	[spmem:s3] =	stream.indirect.scatter [tilespmem:s20], [sflag:$0x1], $0x1, s18, s17, $0xb8;
	[tilespmem:$0x2280] =	vst v63  }
0x332: {  	_ =	swait.ge [sflag:s10], $0x80  }
0x333: {  	[sflag:s10] =	ssyncset.done $0x0  }
0x334: {  	s22 =	simm.s32 $0x280;
	[sflag:s10] =	ssyncadd.s32 $0xFFFFFF80  }
0x335: {  	[spmem:s2] =	stream.indirect.scatter [tilespmem:s22], [sflag:$0x1], $0x1, s21, s17, $0xb8;
	[tilespmem:$0x2280] =	vst v63  }
0x336: {  	_ =	swait.ge [sflag:s10], $0x80  }
0x337: {  	[sflag:s10] =	ssyncset.done $0x0  }
0x338: {  	s23 =	simm.s32 $0x480;
	[sflag:s10] =	ssyncadd.s32 $0xFFFFFF80  }
0x339: {  	[spmem:s3] =	stream.indirect.scatter [tilespmem:s23], [sflag:$0x1], $0x1, s21, s17, $0xb8;
	[tilespmem:$0x2280] =	vst v63  }
0x33a: {  	_ =	swait.ge [sflag:s10], $0x80  }
0x33b: {  	[sflag:s10] =	ssyncset.done $0x0  }
0x33c: {  	[sflag:s10] =	ssyncadd.s32 $0xFFFFFF80  }
0x33d: {  	[spmem:s2] =	stream.indirect.scatter [tilespmem:s25], [sflag:$0x1], $0x1, s24, s17, $0xb8;
	[tilespmem:$0x2280] =	vst v63  }
0x33e: {  	_ =	swait.ge [sflag:s10], $0x80  }
0x33f: {  	[sflag:s10] =	ssyncset.done $0x0  }
0x340: {  	[sflag:s10] =	ssyncadd.s32 $0xFFFFFF80  }
0x341: {  	[spmem:s3] =	stream.indirect.scatter [tilespmem:s26], [sflag:$0x1], $0x1, s24, s17, $0xb8;
	[tilespmem:$0x2280] =	vst v63  }
0x342: {  	_ =	swait.ge [sflag:s10], $0x80  }
0x343: {  	[sflag:s10] =	ssyncset.done $0x0  }
0x344: {  	[sflag:s10] =	ssyncadd.s32 $0xFFFFFF80  }
0x345: {  	[spmem:s2] =	stream.indirect.scatter [tilespmem:s29], [sflag:$0x1], $0x1, s28, s17, $0xb8;
	[tilespmem:$0x2280] =	vst v63  }
0x346: {  	_ =	swait.ge [sflag:s10], $0x80  }
0x347: {  	s31 =	sadd.s32 $0x1, s31;
	[sflag:s10] =	ssyncset.done $0x0  }
0x348: {  	p0 =	sne.s32 s31, s9;
	[sflag:s10] =	ssyncadd.s32 $0xFFFFFF80  }
0x349: {  	[spmem:s3] =	stream.indirect.scatter [tilespmem:s30], [sflag:$0x1], $0x1, s28, s17, $0xb8;
	[tilespmem:$0x2280] =	vst v63  }
.Ltmp3:
0x34a: {  	_ =	swait.ge [sflag:s10], $0x80;
	(pc) =	sbr.rel @p0 .LBB2_1-.Ltmp3, $3  }
0x34b: {  	[sflag:s10] =	ssyncset.done $0x0  }
0x34c: {  	[sflag:s10] =	ssyncadd.s32 $0xFFFFFF80  }
0x34d: {  	[bflag:$0x0] =	sbarrier.arrive $0xFFFF;
	_ =	sdelay $0x1  }
0x34e: {  	_ =	sfence.sel $0x180000  }
0x34f: {  	[bflag:$0x0] =	sbarrier.arrive $0xFFFF  }
0x350: {  	_ =	strace $0x90000047  }
0x351: {  	[bflag:$0x2] =	sbarrier.arrive $0xFFFF  }
0x352: {  	p0 =	sne.s32 s5, $0x0;
	s0 =	rddreg [dreg:$0x4]  }
0x353: {  	s0 =	sadd.s32 @!p0 $0x100000, s0  }
0x354: {  	[sflag:s0] =	ssyncadd.tile.s32 @!p0 $0x1;
	_ =	shalt  }
.Lfunc_end2:
_tile_overlayer_lowered:
.L_overlay_start_2:
0x355: {  	(tag) =	ssettag $0x2  }
0x356: {  	s0 =	rddreg [dreg:$0x0];
	s2 =	stileid.u32  }
0x357: {  	s1 =	rddreg [dreg:$0x1];
	p0 =	sne.s32 s2, $0x0  }
0x358: {  	s3 =	rddreg [dreg:$0x2];
	[bflag:$0x3] =	sbarrier.arrive $0xFFFF;
	s2 =	simm.s32 @!p0 $0x1C01  }
0x359: {  	[timem:s3], [sflag:s2] =	dma.local @!p0 [hbm:s0], s1  }
0x35a: {  	s0 =	simm.s32 @!p0 $0x1  }
0x35b: {  	_ =	swait.ge @!p0 [sflag:s0], s1  }
0x35c: {  	s1 =	ssub.s32 @!p0 $0x0, s1;
	[sflag:s0] =	ssyncset.done @!p0 $0x0  }
0x35d: {  	[sflag:s0] =	ssyncadd.s32 @!p0 s1  }
0x35e: {  	[bflag:$0x3] =	sbarrier.arrive $0xFFFF  }
0x35f: {  	_ =	shalt  }

</sc_bundles>
